<compile_context>
chip_gen: v7x
topology: tpu7x:2x2x1
jax: 0.10.2.dev20260603
libtpu: 0.0.44.dev20260713+nightly
codegen_flags: <defaults>
</compile_context>

<pallas_src>
import functools

import jax
import jax.numpy as jnp
import numpy as np
from jax import lax
from jax.experimental import pallas as pl
from jax.experimental.pallas import tpu as pltpu
from jax.experimental.pallas import tpu_sc as plsc

F32 = jnp.float32
I32 = jnp.int32



def _sc_mesh():
    return plsc.VectorSubcoreMesh(core_axis_name="c", subcore_axis_name="s",
                                  num_cores=2, num_subcores=16)


def _per_tile_row_copy(s, n, copy_fn):
    rpt = (n // 16) // 8 * 8
    last = n - 15 * rpt

    @pl.when(s < 15)
    def _():
        copy_fn(pl.multiple_of(s * rpt, 8), rpt)

    @pl.when(s == 15)
    def _():
        copy_fn(15 * rpt, last)


def _deg_hist(dst, zeros_img, ones_img, n, e):
    ch = 128
    e_core = e // 2
    e_sub = e_core // 16
    nch = e_sub // ch
    tail = e_sub - nch * ch

    @functools.partial(
        pl.kernel,
        out_type=(jax.ShapeDtypeStruct((n, 128), F32),
                  jax.ShapeDtypeStruct((n, 128), F32)),
        mesh=_sc_mesh(),
        scratch_types=[
            pltpu.VMEM_SHARED((n, 128), F32),
            pltpu.VMEM((ch,), I32), pltpu.VMEM((ch,), I32),
            pltpu.VMEM((ch,), I32), pltpu.VMEM((ch,), I32),
            pltpu.VMEM((ch, 128), F32),
            pltpu.VMEM((max(tail, 1),), I32),
            pltpu.SemaphoreType.DMA, pltpu.SemaphoreType.DMA,
            pltpu.SemaphoreType.DMA, pltpu.SemaphoreType.DMA,
        ],
    )
    def k(dst_h, zeros_h, ones_h, out0, out1, acc, di0, di1, di2, di3,
          ones_v, idxt_v, semI0, semI1, semI2, semI3):
        c = lax.axis_index("c")
        s = lax.axis_index("s")
        eb = c * e_core + s * e_sub
        islots = ((di0, semI0), (di1, semI1), (di2, semI2), (di3, semI3))

        def idx_load(j, sl):
            b = pl.multiple_of(eb + j * ch, 8)
            pltpu.async_copy(dst_h.at[pl.ds(b, ch)], sl[0], sl[1])

        def idx_wait(sl):
            pltpu.make_async_copy(dst_h.at[pl.ds(0, ch)], sl[0], sl[1]).wait()

        def scat(sl):
            pltpu.sync_copy(ones_v, acc.at[sl[0]], add=True)

        idx_load(0, islots[0])
        idx_load(1, islots[1])
        _per_tile_row_copy(s, n, lambda r0, nr: pltpu.sync_copy(
            zeros_h.at[pl.ds(r0, nr)], acc.at[pl.ds(r0, nr)]))
        pltpu.sync_copy(ones_h, ones_v)
        plsc.subcore_barrier()

        def segment(jb, sA, sB, sC, sD):
            @pl.when(jb + 2 < nch)
            def _():
                idx_load(jb + 2, sC)

            idx_wait(sA)
            scat(sA)

            @pl.when(jb + 3 < nch)
            def _():
                idx_load(jb + 3, sD)

            idx_wait(sB)
            scat(sB)

        def quad(m, carry):
            j0 = 4 * m
            segment(j0, islots[0], islots[1], islots[2], islots[3])
            segment(j0 + 2, islots[2], islots[3], islots[0], islots[1])
            return carry

        lax.fori_loop(0, nch // 4, quad, 0)
        rem = nch % 4
        jr = nch - rem
        if rem >= 2:
            segment(jr, islots[jr % 4], islots[(jr + 1) % 4],
                    islots[(jr + 2) % 4], islots[(jr + 3) % 4])
        if rem % 2:
            sl = islots[(nch - 1) % 4]
            idx_wait(sl)
            scat(sl)
        if tail:
            b = pl.multiple_of(eb + nch * ch, 8)
            pltpu.sync_copy(dst_h.at[pl.ds(b, tail)], idxt_v)
            pltpu.sync_copy(ones_v.at[pl.ds(0, tail)], acc.at[idxt_v], add=True)
        plsc.subcore_barrier()

        @pl.when(c == 0)
        def _():
            _per_tile_row_copy(s, n, lambda r0, nr: pltpu.sync_copy(
                acc.at[pl.ds(r0, nr)], out0.at[pl.ds(r0, nr)]))

        @pl.when(c == 1)
        def _():
            _per_tile_row_copy(s, n, lambda r0, nr: pltpu.sync_copy(
                acc.at[pl.ds(r0, nr)], out1.at[pl.ds(r0, nr)]))

    return k(dst, zeros_img, ones_img)


def _sc_aggregate(ya, yb, src, dst, n, e):
    ch = 128
    e_sub = e // 16
    nch = e_sub // ch
    tail = e_sub - nch * ch
    assert nch % 2 == 0

    @functools.partial(
        pl.kernel,
        out_type=(jax.ShapeDtypeStruct((n, 128), F32),
                  jax.ShapeDtypeStruct((n, 128), F32)),
        mesh=_sc_mesh(),
        scratch_types=[
            pltpu.VMEM_SHARED((n, 128), F32),
            pltpu.VMEM((ch,), I32), pltpu.VMEM((ch,), I32),
            pltpu.VMEM((ch,), I32), pltpu.VMEM((ch,), I32),
            pltpu.VMEM((ch,), I32), pltpu.VMEM((ch,), I32),
            pltpu.VMEM((ch,), I32), pltpu.VMEM((ch,), I32),
            pltpu.VMEM((ch, 128), F32),
            pltpu.VMEM((ch, 128), F32),
            pltpu.VMEM((max(tail, 1),), I32),
            pltpu.VMEM((max(tail, 1),), I32),
            pltpu.VMEM((max(tail, 1), 128), F32),
            pltpu.SemaphoreType.DMA, pltpu.SemaphoreType.DMA,
            pltpu.SemaphoreType.DMA, pltpu.SemaphoreType.DMA,
            pltpu.SemaphoreType.DMA, pltpu.SemaphoreType.DMA,
        ],
    )
    def k(ya_h, yb_h, src_h, dst_h, za_h, zb_h,
          acc, si0, si1, si2, si3, di0, di1, di2, di3, rows0, rows1,
          sit, dit, rowst, semA, semB, semI0, semI1, semI2, semI3):
        c = lax.axis_index("c")
        s = lax.axis_index("s")
        eb = s * e_sub

        def run(y_h, z_h):
            islots = ((si0, di0, semI0), (si1, di1, semI1),
                      (si2, di2, semI2), (si3, di3, semI3))

            def idx_load(j, sl):
                si, di, semI = sl
                b = pl.multiple_of(eb + j * ch, 8)
                pltpu.async_copy(src_h.at[pl.ds(b, ch)], si, semI)
                pltpu.async_copy(dst_h.at[pl.ds(b, ch)], di, semI)

            def idx_wait(sl):
                si, di, semI = sl
                pltpu.make_async_copy(src_h.at[pl.ds(0, ch)], si, semI).wait()
                pltpu.make_async_copy(dst_h.at[pl.ds(0, ch)], di, semI).wait()

            def gather(sl, buf, sem):
                pltpu.async_copy(y_h.at[sl[0]], buf, sem)

            def gather_wait(sl, buf, sem):
                pltpu.make_async_copy(y_h.at[sl[0]], buf, sem).wait()

            def scat(sl, buf):
                pltpu.sync_copy(buf, acc.at[sl[1]], add=True)

            idx_load(0, islots[0])
            idx_load(1, islots[1])
            _per_tile_row_copy(s, n, lambda r0, nr: pltpu.sync_copy(
                y_h.at[pl.ds(r0, nr)], acc.at[pl.ds(r0, nr)]))
            plsc.subcore_barrier()

            idx_wait(islots[0])
            gather(islots[0], rows0, semA)

            def segment(jb, sA, sB, sC, sD):
                idx_wait(sB)
                gather(sB, rows1, semB)
                gather_wait(sA, rows0, semA)

                @pl.when(jb + 2 < nch)
                def _():
                    idx_load(jb + 2, sC)

                scat(sA, rows0)

                @pl.when(jb + 2 < nch)
                def _():
                    idx_wait(sC)
                    gather(sC, rows0, semA)

                gather_wait(sB, rows1, semB)
                scat(sB, rows1)

                @pl.when(jb + 3 < nch)
                def _():
                    idx_load(jb + 3, sD)

            def quad(m, carry):
                j0 = 4 * m
                segment(j0, islots[0], islots[1], islots[2], islots[3])
                segment(j0 + 2, islots[2], islots[3], islots[0], islots[1])
                return carry

            lax.fori_loop(0, nch // 4, quad, 0)
            if nch % 4:
                assert nch % 4 == 2
                segment(nch - 2, islots[0], islots[1], islots[2], islots[3])
            if tail:
                b = pl.multiple_of(eb + nch * ch, 8)
                pltpu.sync_copy(src_h.at[pl.ds(b, tail)], sit)
                pltpu.sync_copy(dst_h.at[pl.ds(b, tail)], dit)
                pltpu.async_copy(y_h.at[sit], rowst, semA).wait()
                pltpu.sync_copy(rowst, acc.at[dit], add=True)
            plsc.subcore_barrier()
            _per_tile_row_copy(s, n, lambda r0, nr: pltpu.sync_copy(
                acc.at[pl.ds(r0, nr)], z_h.at[pl.ds(r0, nr)]))

        @pl.when(c == 0)
        def _():
            run(ya_h, za_h)

        @pl.when(c == 1)
        def _():
            run(yb_h, zb_h)

    return k(ya, yb, src, dst)



def _dinv_block(d0, d1):
    return lax.rsqrt(d0[:, 0:1] + d1[:, 0:1] + 1.0)


def _dot16(a, w):
    return jnp.dot(a.astype(jnp.bfloat16), w.astype(jnp.bfloat16),
                   preferred_element_type=F32)


def _tc_prescale(x, deg0, deg1, n):
    B = 5000

    def body(x_r, d0_r, d1_r, ya_r, yb_r):
        dv = _dinv_block(d0_r, d1_r)
        xv = x_r[...]
        ya_r[...] = xv[:, :128] * dv
        yb_r[...] = xv[:, 128:] * dv

    return pl.pallas_call(
        body,
        grid=(n // B,),
        in_specs=[
            pl.BlockSpec((B, 256), lambda i: (i, 0)),
            pl.BlockSpec((B, 128), lambda i: (i, 0)),
            pl.BlockSpec((B, 128), lambda i: (i, 0)),
        ],
        out_specs=[pl.BlockSpec((B, 128), lambda i: (i, 0))] * 2,
        out_shape=[jax.ShapeDtypeStruct((n, 128), F32)] * 2,
    )(x, deg0, deg1)


def _tc_conv_mid(z1a, z1b, deg0, deg1, W1, b1, W2, n):
    B = 5000

    def body(za_r, zb_r, d0_r, d1_r, W1_r, b1_r, W2_r, ya_r, yb_r):
        dv = _dinv_block(d0_r, d1_r)
        s1 = jnp.concatenate([za_r[...], zb_r[...]], axis=1) * dv
        h1 = jnp.tanh(_dot16(s1, W1_r[...])
                      + b1_r[...])
        t = _dot16(h1, W2_r[...]) * dv
        ya_r[...] = t[:, :128]
        yb_r[...] = t[:, 128:]

    return pl.pallas_call(
        body,
        grid=(n // B,),
        in_specs=[
            pl.BlockSpec((B, 128), lambda i: (i, 0)),
            pl.BlockSpec((B, 128), lambda i: (i, 0)),
            pl.BlockSpec((B, 128), lambda i: (i, 0)),
            pl.BlockSpec((B, 128), lambda i: (i, 0)),
            pl.BlockSpec((256, 512), lambda i: (0, 0)),
            pl.BlockSpec((1, 512), lambda i: (0, 0)),
            pl.BlockSpec((512, 256), lambda i: (0, 0)),
        ],
        out_specs=[pl.BlockSpec((B, 128), lambda i: (i, 0))] * 2,
        out_shape=[jax.ShapeDtypeStruct((n, 128), F32)] * 2,
    )(z1a, z1b, deg0, deg1, W1, b1.reshape(1, 512), W2)


def _tc_heads(z2a, z2b, deg0, deg1, b2, Wc1, bc1, Wc2, bc2, W3p, b3p,
              Wr1, br1, Wr2, br2, Wr3, br3, n):
    B = 2000

    def body(za_r, zb_r, d0_r, d1_r, b2_r, Wc1_r, bc1_r, Wc2_r, bc2_r,
             W3_r, b3_r, Wr1_r, br1_r, Wr2_r, br2_r, Wr3_r, br3_r,
             c_r, r_r, h_r):
        dv = _dinv_block(d0_r, d1_r)
        z = jnp.concatenate([za_r[...], zb_r[...]], axis=1) * dv
        h = jnp.tanh(z + b2_r[...])
        h_r[...] = h
        c1 = jnp.maximum(_dot16(h, Wc1_r[...])
                         + bc1_r[...], 0.0)
        c2 = jnp.maximum(_dot16(c1, Wc2_r[...])
                         + bc2_r[...], 0.0)
        logits = _dot16(c2, W3_r[...]) + b3_r[...]
        m = jnp.max(logits, axis=1, keepdims=True)
        ex = jnp.exp(logits - m)
        p = ex / jnp.sum(ex, axis=1, keepdims=True)
        c_r[...] = p[:, :16]
        r1 = jnp.maximum(_dot16(h, Wr1_r[...])
                         + br1_r[...], 0.0)
        r2 = jnp.maximum(_dot16(r1, Wr2_r[...])
                         + br2_r[...], 0.0)
        r_r[...] = _dot16(r2, Wr3_r[...]) + br3_r[...]

    full = lambda a, b: pl.BlockSpec((a, b), lambda i: (0, 0))
    return pl.pallas_call(
        body,
        grid=(n // B,),
        in_specs=[
            pl.BlockSpec((B, 128), lambda i: (i, 0)),
            pl.BlockSpec((B, 128), lambda i: (i, 0)),
            pl.BlockSpec((B, 128), lambda i: (i, 0)),
            pl.BlockSpec((B, 128), lambda i: (i, 0)),
            full(1, 256), full(256, 256), full(1, 256), full(256, 128),
            full(1, 128), full(128, 128), full(1, 128), full(256, 256),
            full(1, 256), full(256, 512), full(1, 512), full(512, 256),
            full(1, 256),
        ],
        out_specs=[
            pl.BlockSpec((B, 16), lambda i: (i, 0)),
            pl.BlockSpec((B, 256), lambda i: (i, 0)),
            pl.BlockSpec((B, 256), lambda i: (i, 0)),
        ],
        out_shape=[
            jax.ShapeDtypeStruct((n, 16), F32),
            jax.ShapeDtypeStruct((n, 256), F32),
            jax.ShapeDtypeStruct((n, 256), F32),
        ],
    )(z2a, z2b, deg0, deg1, b2, Wc1, bc1, Wc2, bc2, W3p, b3p,
      Wr1, br1, Wr2, br2, Wr3, br3)



def kernel(x, edge_index, W_gc1, b_gc1, W_gc2, b_gc2, W_c1, b_c1, g_c1, be_c1,
           W_c2, b_c2, g_c2, be_c2, W_c3, b_c3, W_r1, b_r1, W_r2, b_r2,
           W_r3, b_r3):
    n, d = x.shape
    e = edge_index.shape[1]
    src = edge_index[0]
    dst = edge_index[1]

    zeros_img = jnp.zeros((n, 128), F32)
    ones_img = jnp.ones((128, 128), F32)

    bn = np.float32(1.0 / np.sqrt(1.0 + 1e-5))
    Wc1 = W_c1 * (g_c1 * bn)[None, :]
    bc1 = b_c1 * (g_c1 * bn) + be_c1
    Wc2 = W_c2 * (g_c2 * bn)[None, :]
    bc2 = b_c2 * (g_c2 * bn) + be_c2
    W3p = jnp.pad(W_c3, ((0, 0), (0, 112)))
    b3p = jnp.pad(b_c3, (0, 112), constant_values=-1e30)

    deg0, deg1 = _deg_hist(dst, zeros_img, ones_img, n, e)
    y1a, y1b = _tc_prescale(x, deg0, deg1, n)
    z1a, z1b = _sc_aggregate(y1a, y1b, src, dst, n, e)
    y2a, y2b = _tc_conv_mid(z1a, z1b, deg0, deg1, W_gc1, b_gc1, W_gc2, n)
    z2a, z2b = _sc_aggregate(y2a, y2b, src, dst, n, e)
    c, r, h = _tc_heads(z2a, z2b, deg0, deg1, b_gc2.reshape(1, 256),
                        Wc1, bc1.reshape(1, 256), Wc2, bc2.reshape(1, 128),
                        W3p, b3p.reshape(1, 128),
                        W_r1, b_r1.reshape(1, 256), W_r2, b_r2.reshape(1, 512),
                        W_r3, b_r3.reshape(1, 256), n)
    return (c, r, h)

# --- scband reference (transcript-rebuilt; emitter-appended) ---
"""Pipeline reference for scband-dgc-9122510536958 (READ-ONLY COPY).

The authoritative reference and input builder live on the scoring server;
editing this copy changes nothing except your own understanding.
"""

import jax, jax.numpy as jnp
import numpy as np

N = 10000
E = 160000
D_FEAT = 256

def _lin(key, fi, fo):
    return jax.random.normal(key, (fi, fo), dtype=jnp.float32) * (1.0 / np.sqrt(fi))

def setup_inputs(seed: int = 0) -> dict:
    key = jax.random.key(seed)
    ks = jax.random.split(key, 24)
    inp = {}
    inp['x'] = jax.random.normal(ks[0], (N, D_FEAT), dtype=jnp.float32)
    inp['edge_index'] = jax.random.randint(ks[1], (2, E), 0, N, dtype=jnp.int32)
    # GCN layers: 256->512, 512->256
    inp['W_gc1'] = _lin(ks[2], 256, 512); inp['b_gc1'] = jnp.zeros((512,), jnp.float32)
    inp['W_gc2'] = _lin(ks[3], 512, 256); inp['b_gc2'] = jnp.zeros((256,), jnp.float32)
    # clustering head: 256->256 (BN) -> 128 (BN) -> 16 softmax
    inp['W_c1'] = _lin(ks[4], 256, 256); inp['b_c1'] = jnp.zeros((256,), jnp.float32)
    inp['g_c1'] = jnp.ones((256,), jnp.float32); inp['be_c1'] = jnp.zeros((256,), jnp.float32)
    inp['W_c2'] = _lin(ks[5], 256, 128); inp['b_c2'] = jnp.zeros((128,), jnp.float32)
    inp['g_c2'] = jnp.ones((128,), jnp.float32); inp['be_c2'] = jnp.zeros((128,), jnp.float32)
    inp['W_c3'] = _lin(ks[6], 128, 16); inp['b_c3'] = jnp.zeros((16,), jnp.float32)
    # reconstruct head: 256->256->512->256
    inp['W_r1'] = _lin(ks[7], 256, 256); inp['b_r1'] = jnp.zeros((256,), jnp.float32)
    inp['W_r2'] = _lin(ks[8], 256, 512); inp['b_r2'] = jnp.zeros((512,), jnp.float32)
    inp['W_r3'] = _lin(ks[9], 512, 256); inp['b_r3'] = jnp.zeros((256,), jnp.float32)
    return inp

def _gcn_conv(x, W, b, src, dst):
    h = x @ W
    n = h.shape[0]
    sl = jnp.arange(n, dtype=src.dtype)
    src2 = jnp.concatenate([src, sl])
    dst2 = jnp.concatenate([dst, sl])
    deg = jnp.zeros((n,), h.dtype).at[dst2].add(1.0)
    dinv = jnp.where(deg > 0, 1.0 / jnp.sqrt(deg), 0.0)
    norm = dinv[src2] * dinv[dst2]
    out = jnp.zeros_like(h).at[dst2].add(h[src2] * norm[:, None])
    return out + b

def _bn_eval(x, g, b):
    # BatchNorm1d in eval mode with running_mean=0, running_var=1
    return (x / jnp.sqrt(1.0 + 1e-5)) * g + b

def reference(x, edge_index, W_gc1, b_gc1, W_gc2, b_gc2, W_c1, b_c1, g_c1, be_c1, W_c2, b_c2, g_c2, be_c2, W_c3, b_c3, W_r1, b_r1, W_r2, b_r2, W_r3, b_r3):
    src = edge_index[0]
    dst = edge_index[1]
    h = jnp.tanh(_gcn_conv(x, W_gc1, b_gc1, src, dst))
    h = jnp.tanh(_gcn_conv(h, W_gc2, b_gc2, src, dst))
    # clustering branch
    c = jnp.maximum(_bn_eval(h @ W_c1 + b_c1, g_c1, be_c1), 0.0)
    c = jnp.maximum(_bn_eval(c @ W_c2 + b_c2, g_c2, be_c2), 0.0)
    c = jax.nn.softmax(c @ W_c3 + b_c3, axis=1)
    # reconstruct branch (dropout is identity in eval)
    r = jnp.maximum(h @ W_r1 + b_r1, 0.0)
    r = jnp.maximum(r @ W_r2 + b_r2, 0.0)
    r = r @ W_r3 + b_r3
    return (c, r, h)

if __name__ == "__main__":
    import jax
    _d = setup_inputs()
    print(jax.jit(kernel)(*tuple(_d.values())))

</pallas_src>

<mosaic_0001>
#map = affine_map<(d0, d1) -> (0)>
#map1 = affine_map<(d0, d1) -> (0, 0)>
module attributes {stable_mosaic.version = 14 : i64} {
  func.func @k(%arg0: i32, %arg1: i32, %arg2: memref<160000xi32, #tpu.memory_space<hbm>>, %arg3: memref<10000x128xf32, #tpu.memory_space<hbm>>, %arg4: memref<128x128xf32, #tpu.memory_space<hbm>>, %arg5: memref<10000x128xf32, #tpu.memory_space<hbm>>, %arg6: memref<10000x128xf32, #tpu.memory_space<hbm>>, %arg7: memref<10000x128xf32, #tpu.memory_space<vmem_shared>>, %arg8: memref<128xi32, #tpu.memory_space<vmem>>, %arg9: memref<128xi32, #tpu.memory_space<vmem>>, %arg10: memref<128xi32, #tpu.memory_space<vmem>>, %arg11: memref<128xi32, #tpu.memory_space<vmem>>, %arg12: memref<128x128xf32, #tpu.memory_space<vmem>>, %arg13: memref<8xi32, #tpu.memory_space<vmem>>, %arg14: memref<!tpu.dma_semaphore, #tpu.memory_space<semaphore_mem>>, %arg15: memref<!tpu.dma_semaphore, #tpu.memory_space<semaphore_mem>>, %arg16: memref<!tpu.dma_semaphore, #tpu.memory_space<semaphore_mem>>, %arg17: memref<!tpu.dma_semaphore, #tpu.memory_space<semaphore_mem>>) attributes {dimension_semantics = [#tpu.dimension_semantics<core_parallel>, #tpu.dimension_semantics<subcore_parallel>], iteration_bounds = array<i64: 2, 16>, scalar_prefetch = 0 : i64, scratch_operands = 11 : i64, tpu.core_type = #tpu.core_type<sc_vector_subcore>, window_params = [{transform_indices = #map}, {transform_indices = #map1}, {transform_indices = #map1}, {transform_indices = #map1}, {transform_indices = #map1}]} {
    %mul3A = arith.constant 80000 : i32
    %mul3A_0 = arith.muli %arg0, %mul3A : i32
    %mul3A_1 = arith.constant 5000 : i32
    %mul3A_2 = arith.muli %arg1, %mul3A_1 : i32
    %add3A = arith.addi %mul3A_0, %mul3A_2 : i32
    %add3A_3 = arith.constant 0 : i32
    %add3A_4 = arith.addi %add3A, %add3A_3 : i32
    %multiple_of3A = tpu.assume_multiple %add3A_4, 8 : i32
    %dma_start3A = tpu.memref_slice %arg2[%multiple_of3A] : memref<160000xi32, #tpu.memory_space<hbm>> -> memref<128xi32, #tpu.memory_space<hbm>>
    %dma_start3A_5 = tpu.memref_slice %arg2[%multiple_of3A] : memref<160000xi32, #tpu.memory_space<hbm>> -> memref<128xi32, #tpu.memory_space<hbm>>
    tpu.enqueue_dma source(%dma_start3A_5 : memref<128xi32, #tpu.memory_space<hbm>>) target(%arg8 : memref<128xi32, #tpu.memory_space<vmem>>) target_semaphore(%arg14 : memref<!tpu.dma_semaphore, #tpu.memory_space<semaphore_mem>>)
    %add3A_6 = arith.constant 128 : i32
    %add3A_7 = arith.addi %add3A, %add3A_6 : i32
    %multiple_of3A_8 = tpu.assume_multiple %add3A_7, 8 : i32
    %dma_start3A_9 = tpu.memref_slice %arg2[%multiple_of3A_8] : memref<160000xi32, #tpu.memory_space<hbm>> -> memref<128xi32, #tpu.memory_space<hbm>>
    %dma_start3A_10 = tpu.memref_slice %arg2[%multiple_of3A_8] : memref<160000xi32, #tpu.memory_space<hbm>> -> memref<128xi32, #tpu.memory_space<hbm>>
    tpu.enqueue_dma source(%dma_start3A_10 : memref<128xi32, #tpu.memory_space<hbm>>) target(%arg9 : memref<128xi32, #tpu.memory_space<vmem>>) target_semaphore(%arg15 : memref<!tpu.dma_semaphore, #tpu.memory_space<semaphore_mem>>)
    %lt3A = arith.constant 15 : i32
    %lt3A_11 = arith.cmpi slt, %arg1, %lt3A : i32
    %convert_element_type3A = arith.extui %lt3A_11 : i1 to i32
    %cond3A = arith.constant 0 : i32
    %cond3A_12 = arith.cmpi ne, %convert_element_type3A, %cond3A : i32
    scf.if %cond3A_12 {
      %mul3A_52 = arith.constant 624 : i32
      %mul3A_53 = arith.muli %arg1, %mul3A_52 : i32
      %multiple_of3A_54 = tpu.assume_multiple %mul3A_53, 8 : i32
      "tpu.region"() ({
        %run_scoped3A = tpu.sem_alloc : memref<!tpu.dma_semaphore, #tpu.memory_space<semaphore_mem>>
        %dma_start3A_55 = arith.constant 0 : i32
        %dma_start3A_56 = tpu.memref_slice %arg7[%multiple_of3A_54, %dma_start3A_55] : memref<10000x128xf32, #tpu.memory_space<vmem_shared>> -> memref<624x128xf32, #tpu.memory_space<vmem_shared>>
        %dma_start3A_57 = arith.constant 0 : i32
        %dma_start3A_58 = tpu.memref_slice %arg3[%multiple_of3A_54, %dma_start3A_57] : memref<10000x128xf32, #tpu.memory_space<hbm>> -> memref<624x128xf32, #tpu.memory_space<hbm>>
        tpu.enqueue_dma source(%dma_start3A_58 : memref<624x128xf32, #tpu.memory_space<hbm>>) target(%dma_start3A_56 : memref<624x128xf32, #tpu.memory_space<vmem_shared>>) target_semaphore(%run_scoped3A : memref<!tpu.dma_semaphore, #tpu.memory_space<semaphore_mem>>)
        %dma_wait3A_59 = arith.constant 0 : i32
        %dma_wait3A_60 = tpu.memref_slice %arg7[%multiple_of3A_54, %dma_wait3A_59] : memref<10000x128xf32, #tpu.memory_space<vmem_shared>> -> memref<624x128xf32, #tpu.memory_space<vmem_shared>>
        %dma_wait3A_61 = arith.constant 0 : i32
        %dma_wait3A_62 = tpu.memref_slice %arg3[%multiple_of3A_54, %dma_wait3A_61] : memref<10000x128xf32, #tpu.memory_space<hbm>> -> memref<624x128xf32, #tpu.memory_space<hbm>>
        tpu.wait_dma2 semaphore(%run_scoped3A : memref<!tpu.dma_semaphore, #tpu.memory_space<semaphore_mem>>) src(%dma_wait3A_62 : memref<624x128xf32, #tpu.memory_space<hbm>>) dst(%dma_wait3A_60 : memref<624x128xf32, #tpu.memory_space<vmem_shared>>)
        tpu.yield
      }) : () -> ()
    } else {
    }
    %eq3A = arith.constant 15 : i32
    %eq3A_13 = arith.cmpi eq, %arg1, %eq3A : i32
    %convert_element_type3A_14 = arith.extui %eq3A_13 : i1 to i32
    %cond3A_15 = arith.constant 0 : i32
    %cond3A_16 = arith.cmpi ne, %convert_element_type3A_14, %cond3A_15 : i32
    scf.if %cond3A_16 {
      "tpu.region"() ({
        %run_scoped3A = tpu.sem_alloc : memref<!tpu.dma_semaphore, #tpu.memory_space<semaphore_mem>>
        %dma_start3A_52 = arith.constant 9360 : i32
        %dma_start3A_53 = arith.constant 0 : i32
        %dma_start3A_54 = tpu.memref_slice %arg7[%dma_start3A_52, %dma_start3A_53] : memref<10000x128xf32, #tpu.memory_space<vmem_shared>> -> memref<640x128xf32, #tpu.memory_space<vmem_shared>>
        %dma_start3A_55 = arith.constant 9360 : i32
        %dma_start3A_56 = arith.constant 0 : i32
        %dma_start3A_57 = tpu.memref_slice %arg3[%dma_start3A_55, %dma_start3A_56] : memref<10000x128xf32, #tpu.memory_space<hbm>> -> memref<640x128xf32, #tpu.memory_space<hbm>>
        tpu.enqueue_dma source(%dma_start3A_57 : memref<640x128xf32, #tpu.memory_space<hbm>>) target(%dma_start3A_54 : memref<640x128xf32, #tpu.memory_space<vmem_shared>>) target_semaphore(%run_scoped3A : memref<!tpu.dma_semaphore, #tpu.memory_space<semaphore_mem>>)
        %dma_wait3A_58 = arith.constant 9360 : i32
        %dma_wait3A_59 = arith.constant 0 : i32
        %dma_wait3A_60 = tpu.memref_slice %arg7[%dma_wait3A_58, %dma_wait3A_59] : memref<10000x128xf32, #tpu.memory_space<vmem_shared>> -> memref<640x128xf32, #tpu.memory_space<vmem_shared>>
        %dma_wait3A_61 = arith.constant 9360 : i32
        %dma_wait3A_62 = arith.constant 0 : i32
        %dma_wait3A_63 = tpu.memref_slice %arg3[%dma_wait3A_61, %dma_wait3A_62] : memref<10000x128xf32, #tpu.memory_space<hbm>> -> memref<640x128xf32, #tpu.memory_space<hbm>>
        tpu.wait_dma2 semaphore(%run_scoped3A : memref<!tpu.dma_semaphore, #tpu.memory_space<semaphore_mem>>) src(%dma_wait3A_63 : memref<640x128xf32, #tpu.memory_space<hbm>>) dst(%dma_wait3A_60 : memref<640x128xf32, #tpu.memory_space<vmem_shared>>)
        tpu.yield
      }) : () -> ()
    } else {
    }
    "tpu.region"() ({
      %run_scoped3A = tpu.sem_alloc : memref<!tpu.dma_semaphore, #tpu.memory_space<semaphore_mem>>
      tpu.enqueue_dma source(%arg4 : memref<128x128xf32, #tpu.memory_space<hbm>>) target(%arg12 : memref<128x128xf32, #tpu.memory_space<vmem>>) target_semaphore(%run_scoped3A : memref<!tpu.dma_semaphore, #tpu.memory_space<semaphore_mem>>)
      tpu.wait_dma2 semaphore(%run_scoped3A : memref<!tpu.dma_semaphore, #tpu.memory_space<semaphore_mem>>) src(%arg4 : memref<128x128xf32, #tpu.memory_space<hbm>>) dst(%arg12 : memref<128x128xf32, #tpu.memory_space<vmem>>)
      tpu.yield
    }) : () -> ()
    %barrier3A = arith.constant 0 : index
    tpu.barrier barrier_id(%barrier3A)
    %scan3A = arith.constant 0 : i32
    %scan3A_17 = arith.constant 0 : i32
    %scan3A_18 = arith.constant 9 : i32
    %scan3A_19 = arith.addi %scan3A_17, %scan3A_18 : i32
    %scan3A_20 = arith.constant 1 : i32
    scf.for %scan3A_52 = %scan3A_17 to %scan3A_19 step %scan3A_20  : i32 {
      %mul3A_53 = arith.constant 4 : i32
      %mul3A_54 = arith.muli %mul3A_53, %scan3A_52 : i32
      %add3A_55 = arith.constant 2 : i32
      %add3A_56 = arith.addi %mul3A_54, %add3A_55 : i32
      %lt3A_57 = arith.constant 39 : i32
      %lt3A_58 = arith.cmpi slt, %add3A_56, %lt3A_57 : i32
      %convert_element_type3A_59 = arith.extui %lt3A_58 : i1 to i32
      %cond3A_60 = arith.constant 0 : i32
      %cond3A_61 = arith.cmpi ne, %convert_element_type3A_59, %cond3A_60 : i32
      scf.if %cond3A_61 {
        %add3A_101 = arith.constant 2 : i32
        %add3A_102 = arith.addi %mul3A_54, %add3A_101 : i32
        %mul3A_103 = arith.constant 128 : i32
        %mul3A_104 = arith.muli %add3A_102, %mul3A_103 : i32
        %add3A_105 = arith.addi %add3A, %mul3A_104 : i32
        %multiple_of3A_106 = tpu.assume_multiple %add3A_105, 8 : i32
        %dma_start3A_107 = tpu.memref_slice %arg2[%multiple_of3A_106] : memref<160000xi32, #tpu.memory_space<hbm>> -> memref<128xi32, #tpu.memory_space<hbm>>
        %dma_start3A_108 = tpu.memref_slice %arg2[%multiple_of3A_106] : memref<160000xi32, #tpu.memory_space<hbm>> -> memref<128xi32, #tpu.memory_space<hbm>>
        tpu.enqueue_dma source(%dma_start3A_108 : memref<128xi32, #tpu.memory_space<hbm>>) target(%arg10 : memref<128xi32, #tpu.memory_space<vmem>>) target_semaphore(%arg16 : memref<!tpu.dma_semaphore, #tpu.memory_space<semaphore_mem>>)
      } else {
      }
      %dma_wait3A_62 = arith.constant 0 : i32
      %dma_wait3A_63 = tpu.memref_slice %arg2[%dma_wait3A_62] : memref<160000xi32, #tpu.memory_space<hbm>> -> memref<128xi32, #tpu.memory_space<hbm>>
      %dma_wait3A_64 = arith.constant 0 : i32
      %dma_wait3A_65 = tpu.memref_slice %arg2[%dma_wait3A_64] : memref<160000xi32, #tpu.memory_space<hbm>> -> memref<128xi32, #tpu.memory_space<hbm>>
      tpu.wait_dma2 semaphore(%arg14 : memref<!tpu.dma_semaphore, #tpu.memory_space<semaphore_mem>>) src(%dma_wait3A_65 : memref<128xi32, #tpu.memory_space<hbm>>) dst(%arg8 : memref<128xi32, #tpu.memory_space<vmem>>)
      "tpu.region"() ({
        %run_scoped3A = tpu.sem_alloc : memref<!tpu.dma_semaphore, #tpu.memory_space<semaphore_mem>>
        %dma_start3A_101 = arith.constant 0 : i32
        %dma_start3A_102 = arith.constant 0 : i32
        %dma_start3A_103 = tpu.memref_slice %arg7[%dma_start3A_101, %dma_start3A_102] : memref<10000x128xf32, #tpu.memory_space<vmem_shared>> -> memref<10000x128xf32, #tpu.memory_space<vmem_shared>>
        tpu.enqueue_indirect_dma source(%arg12 : memref<128x128xf32, #tpu.memory_space<vmem>>) target(%dma_start3A_103 : memref<10000x128xf32, #tpu.memory_space<vmem_shared>>) offsets(%arg8 : memref<128xi32, #tpu.memory_space<vmem>>) semaphore(%run_scoped3A : memref<!tpu.dma_semaphore, #tpu.memory_space<semaphore_mem>>) {add = true}
        %dma_wait3A_104 = arith.constant 0 : i32
        %dma_wait3A_105 = arith.constant 0 : i32
        %dma_wait3A_106 = tpu.memref_slice %arg7[%dma_wait3A_104, %dma_wait3A_105] : memref<10000x128xf32, #tpu.memory_space<vmem_shared>> -> memref<10000x128xf32, #tpu.memory_space<vmem_shared>>
        tpu.wait_indirect_dma semaphore(%run_scoped3A : memref<!tpu.dma_semaphore, #tpu.memory_space<semaphore_mem>>) src(%arg12 : memref<128x128xf32, #tpu.memory_space<vmem>>) dst(%dma_wait3A_106 : memref<10000x128xf32, #tpu.memory_space<vmem_shared>>)
        tpu.yield
      }) : () -> ()
      %add3A_66 = arith.constant 3 : i32
      %add3A_67 = arith.addi %mul3A_54, %add3A_66 : i32
      %lt3A_68 = arith.constant 39 : i32
      %lt3A_69 = arith.cmpi slt, %add3A_67, %lt3A_68 : i32
      %convert_element_type3A_70 = arith.extui %lt3A_69 : i1 to i32
      %cond3A_71 = arith.constant 0 : i32
      %cond3A_72 = arith.cmpi ne, %convert_element_type3A_70, %cond3A_71 : i32
      scf.if %cond3A_72 {
        %add3A_101 = arith.constant 3 : i32
        %add3A_102 = arith.addi %mul3A_54, %add3A_101 : i32
        %mul3A_103 = arith.constant 128 : i32
        %mul3A_104 = arith.muli %add3A_102, %mul3A_103 : i32
        %add3A_105 = arith.addi %add3A, %mul3A_104 : i32
        %multiple_of3A_106 = tpu.assume_multiple %add3A_105, 8 : i32
        %dma_start3A_107 = tpu.memref_slice %arg2[%multiple_of3A_106] : memref<160000xi32, #tpu.memory_space<hbm>> -> memref<128xi32, #tpu.memory_space<hbm>>
        %dma_start3A_108 = tpu.memref_slice %arg2[%multiple_of3A_106] : memref<160000xi32, #tpu.memory_space<hbm>> -> memref<128xi32, #tpu.memory_space<hbm>>
        tpu.enqueue_dma source(%dma_start3A_108 : memref<128xi32, #tpu.memory_space<hbm>>) target(%arg11 : memref<128xi32, #tpu.memory_space<vmem>>) target_semaphore(%arg17 : memref<!tpu.dma_semaphore, #tpu.memory_space<semaphore_mem>>)
      } else {
      }
      %dma_wait3A_73 = arith.constant 0 : i32
      %dma_wait3A_74 = tpu.memref_slice %arg2[%dma_wait3A_73] : memref<160000xi32, #tpu.memory_space<hbm>> -> memref<128xi32, #tpu.memory_space<hbm>>
      %dma_wait3A_75 = arith.constant 0 : i32
      %dma_wait3A_76 = tpu.memref_slice %arg2[%dma_wait3A_75] : memref<160000xi32, #tpu.memory_space<hbm>> -> memref<128xi32, #tpu.memory_space<hbm>>
      tpu.wait_dma2 semaphore(%arg15 : memref<!tpu.dma_semaphore, #tpu.memory_space<semaphore_mem>>) src(%dma_wait3A_76 : memref<128xi32, #tpu.memory_space<hbm>>) dst(%arg9 : memref<128xi32, #tpu.memory_space<vmem>>)
      "tpu.region"() ({
        %run_scoped3A = tpu.sem_alloc : memref<!tpu.dma_semaphore, #tpu.memory_space<semaphore_mem>>
        %dma_start3A_101 = arith.constant 0 : i32
        %dma_start3A_102 = arith.constant 0 : i32
        %dma_start3A_103 = tpu.memref_slice %arg7[%dma_start3A_101, %dma_start3A_102] : memref<10000x128xf32, #tpu.memory_space<vmem_shared>> -> memref<10000x128xf32, #tpu.memory_space<vmem_shared>>
        tpu.enqueue_indirect_dma source(%arg12 : memref<128x128xf32, #tpu.memory_space<vmem>>) target(%dma_start3A_103 : memref<10000x128xf32, #tpu.memory_space<vmem_shared>>) offsets(%arg9 : memref<128xi32, #tpu.memory_space<vmem>>) semaphore(%run_scoped3A : memref<!tpu.dma_semaphore, #tpu.memory_space<semaphore_mem>>) {add = true}
        %dma_wait3A_104 = arith.constant 0 : i32
        %dma_wait3A_105 = arith.constant 0 : i32
        %dma_wait3A_106 = tpu.memref_slice %arg7[%dma_wait3A_104, %dma_wait3A_105] : memref<10000x128xf32, #tpu.memory_space<vmem_shared>> -> memref<10000x128xf32, #tpu.memory_space<vmem_shared>>
        tpu.wait_indirect_dma semaphore(%run_scoped3A : memref<!tpu.dma_semaphore, #tpu.memory_space<semaphore_mem>>) src(%arg12 : memref<128x128xf32, #tpu.memory_space<vmem>>) dst(%dma_wait3A_106 : memref<10000x128xf32, #tpu.memory_space<vmem_shared>>)
        tpu.yield
      }) : () -> ()
      %add3A_77 = arith.constant 2 : i32
      %add3A_78 = arith.addi %mul3A_54, %add3A_77 : i32
      %add3A_79 = arith.constant 2 : i32
      %add3A_80 = arith.addi %add3A_78, %add3A_79 : i32
      %lt3A_81 = arith.constant 39 : i32
      %lt3A_82 = arith.cmpi slt, %add3A_80, %lt3A_81 : i32
      %convert_element_type3A_83 = arith.extui %lt3A_82 : i1 to i32
      %cond3A_84 = arith.constant 0 : i32
      %cond3A_85 = arith.cmpi ne, %convert_element_type3A_83, %cond3A_84 : i32
      scf.if %cond3A_85 {
        %add3A_101 = arith.constant 2 : i32
        %add3A_102 = arith.addi %add3A_78, %add3A_101 : i32
        %mul3A_103 = arith.constant 128 : i32
        %mul3A_104 = arith.muli %add3A_102, %mul3A_103 : i32
        %add3A_105 = arith.addi %add3A, %mul3A_104 : i32
        %multiple_of3A_106 = tpu.assume_multiple %add3A_105, 8 : i32
        %dma_start3A_107 = tpu.memref_slice %arg2[%multiple_of3A_106] : memref<160000xi32, #tpu.memory_space<hbm>> -> memref<128xi32, #tpu.memory_space<hbm>>
        %dma_start3A_108 = tpu.memref_slice %arg2[%multiple_of3A_106] : memref<160000xi32, #tpu.memory_space<hbm>> -> memref<128xi32, #tpu.memory_space<hbm>>
        tpu.enqueue_dma source(%dma_start3A_108 : memref<128xi32, #tpu.memory_space<hbm>>) target(%arg8 : memref<128xi32, #tpu.memory_space<vmem>>) target_semaphore(%arg14 : memref<!tpu.dma_semaphore, #tpu.memory_space<semaphore_mem>>)
      } else {
      }
      %dma_wait3A_86 = arith.constant 0 : i32
      %dma_wait3A_87 = tpu.memref_slice %arg2[%dma_wait3A_86] : memref<160000xi32, #tpu.memory_space<hbm>> -> memref<128xi32, #tpu.memory_space<hbm>>
      %dma_wait3A_88 = arith.constant 0 : i32
      %dma_wait3A_89 = tpu.memref_slice %arg2[%dma_wait3A_88] : memref<160000xi32, #tpu.memory_space<hbm>> -> memref<128xi32, #tpu.memory_space<hbm>>
      tpu.wait_dma2 semaphore(%arg16 : memref<!tpu.dma_semaphore, #tpu.memory_space<semaphore_mem>>) src(%dma_wait3A_89 : memref<128xi32, #tpu.memory_space<hbm>>) dst(%arg10 : memref<128xi32, #tpu.memory_space<vmem>>)
      "tpu.region"() ({
        %run_scoped3A = tpu.sem_alloc : memref<!tpu.dma_semaphore, #tpu.memory_space<semaphore_mem>>
        %dma_start3A_101 = arith.constant 0 : i32
        %dma_start3A_102 = arith.constant 0 : i32
        %dma_start3A_103 = tpu.memref_slice %arg7[%dma_start3A_101, %dma_start3A_102] : memref<10000x128xf32, #tpu.memory_space<vmem_shared>> -> memref<10000x128xf32, #tpu.memory_space<vmem_shared>>
        tpu.enqueue_indirect_dma source(%arg12 : memref<128x128xf32, #tpu.memory_space<vmem>>) target(%dma_start3A_103 : memref<10000x128xf32, #tpu.memory_space<vmem_shared>>) offsets(%arg10 : memref<128xi32, #tpu.memory_space<vmem>>) semaphore(%run_scoped3A : memref<!tpu.dma_semaphore, #tpu.memory_space<semaphore_mem>>) {add = true}
        %dma_wait3A_104 = arith.constant 0 : i32
        %dma_wait3A_105 = arith.constant 0 : i32
        %dma_wait3A_106 = tpu.memref_slice %arg7[%dma_wait3A_104, %dma_wait3A_105] : memref<10000x128xf32, #tpu.memory_space<vmem_shared>> -> memref<10000x128xf32, #tpu.memory_space<vmem_shared>>
        tpu.wait_indirect_dma semaphore(%run_scoped3A : memref<!tpu.dma_semaphore, #tpu.memory_space<semaphore_mem>>) src(%arg12 : memref<128x128xf32, #tpu.memory_space<vmem>>) dst(%dma_wait3A_106 : memref<10000x128xf32, #tpu.memory_space<vmem_shared>>)
        tpu.yield
      }) : () -> ()
      %add3A_90 = arith.constant 3 : i32
      %add3A_91 = arith.addi %add3A_78, %add3A_90 : i32
      %lt3A_92 = arith.constant 39 : i32
      %lt3A_93 = arith.cmpi slt, %add3A_91, %lt3A_92 : i32
      %convert_element_type3A_94 = arith.extui %lt3A_93 : i1 to i32
      %cond3A_95 = arith.constant 0 : i32
      %cond3A_96 = arith.cmpi ne, %convert_element_type3A_94, %cond3A_95 : i32
      scf.if %cond3A_96 {
        %add3A_101 = arith.constant 3 : i32
        %add3A_102 = arith.addi %add3A_78, %add3A_101 : i32
        %mul3A_103 = arith.constant 128 : i32
        %mul3A_104 = arith.muli %add3A_102, %mul3A_103 : i32
        %add3A_105 = arith.addi %add3A, %mul3A_104 : i32
        %multiple_of3A_106 = tpu.assume_multiple %add3A_105, 8 : i32
        %dma_start3A_107 = tpu.memref_slice %arg2[%multiple_of3A_106] : memref<160000xi32, #tpu.memory_space<hbm>> -> memref<128xi32, #tpu.memory_space<hbm>>
        %dma_start3A_108 = tpu.memref_slice %arg2[%multiple_of3A_106] : memref<160000xi32, #tpu.memory_space<hbm>> -> memref<128xi32, #tpu.memory_space<hbm>>
        tpu.enqueue_dma source(%dma_start3A_108 : memref<128xi32, #tpu.memory_space<hbm>>) target(%arg9 : memref<128xi32, #tpu.memory_space<vmem>>) target_semaphore(%arg15 : memref<!tpu.dma_semaphore, #tpu.memory_space<semaphore_mem>>)
      } else {
      }
      %dma_wait3A_97 = arith.constant 0 : i32
      %dma_wait3A_98 = tpu.memref_slice %arg2[%dma_wait3A_97] : memref<160000xi32, #tpu.memory_space<hbm>> -> memref<128xi32, #tpu.memory_space<hbm>>
      %dma_wait3A_99 = arith.constant 0 : i32
      %dma_wait3A_100 = tpu.memref_slice %arg2[%dma_wait3A_99] : memref<160000xi32, #tpu.memory_space<hbm>> -> memref<128xi32, #tpu.memory_space<hbm>>
      tpu.wait_dma2 semaphore(%arg17 : memref<!tpu.dma_semaphore, #tpu.memory_space<semaphore_mem>>) src(%dma_wait3A_100 : memref<128xi32, #tpu.memory_space<hbm>>) dst(%arg11 : memref<128xi32, #tpu.memory_space<vmem>>)
      "tpu.region"() ({
        %run_scoped3A = tpu.sem_alloc : memref<!tpu.dma_semaphore, #tpu.memory_space<semaphore_mem>>
        %dma_start3A_101 = arith.constant 0 : i32
        %dma_start3A_102 = arith.constant 0 : i32
        %dma_start3A_103 = tpu.memref_slice %arg7[%dma_start3A_101, %dma_start3A_102] : memref<10000x128xf32, #tpu.memory_space<vmem_shared>> -> memref<10000x128xf32, #tpu.memory_space<vmem_shared>>
        tpu.enqueue_indirect_dma source(%arg12 : memref<128x128xf32, #tpu.memory_space<vmem>>) target(%dma_start3A_103 : memref<10000x128xf32, #tpu.memory_space<vmem_shared>>) offsets(%arg11 : memref<128xi32, #tpu.memory_space<vmem>>) semaphore(%run_scoped3A : memref<!tpu.dma_semaphore, #tpu.memory_space<semaphore_mem>>) {add = true}
        %dma_wait3A_104 = arith.constant 0 : i32
        %dma_wait3A_105 = arith.constant 0 : i32
        %dma_wait3A_106 = tpu.memref_slice %arg7[%dma_wait3A_104, %dma_wait3A_105] : memref<10000x128xf32, #tpu.memory_space<vmem_shared>> -> memref<10000x128xf32, #tpu.memory_space<vmem_shared>>
        tpu.wait_indirect_dma semaphore(%run_scoped3A : memref<!tpu.dma_semaphore, #tpu.memory_space<semaphore_mem>>) src(%arg12 : memref<128x128xf32, #tpu.memory_space<vmem>>) dst(%dma_wait3A_106 : memref<10000x128xf32, #tpu.memory_space<vmem_shared>>)
        tpu.yield
      }) : () -> ()
    }
    %scan3A_21 = arith.constant 9 : i32
    %add3A_22 = arith.constant 4864 : i32
    %add3A_23 = arith.addi %add3A, %add3A_22 : i32
    %multiple_of3A_24 = tpu.assume_multiple %add3A_23, 8 : i32
    %dma_start3A_25 = tpu.memref_slice %arg2[%multiple_of3A_24] : memref<160000xi32, #tpu.memory_space<hbm>> -> memref<128xi32, #tpu.memory_space<hbm>>
    %dma_start3A_26 = tpu.memref_slice %arg2[%multiple_of3A_24] : memref<160000xi32, #tpu.memory_space<hbm>> -> memref<128xi32, #tpu.memory_space<hbm>>
    tpu.enqueue_dma source(%dma_start3A_26 : memref<128xi32, #tpu.memory_space<hbm>>) target(%arg10 : memref<128xi32, #tpu.memory_space<vmem>>) target_semaphore(%arg16 : memref<!tpu.dma_semaphore, #tpu.memory_space<semaphore_mem>>)
    %dma_wait3A = arith.constant 0 : i32
    %dma_wait3A_27 = tpu.memref_slice %arg2[%dma_wait3A] : memref<160000xi32, #tpu.memory_space<hbm>> -> memref<128xi32, #tpu.memory_space<hbm>>
    %dma_wait3A_28 = arith.constant 0 : i32
    %dma_wait3A_29 = tpu.memref_slice %arg2[%dma_wait3A_28] : memref<160000xi32, #tpu.memory_space<hbm>> -> memref<128xi32, #tpu.memory_space<hbm>>
    tpu.wait_dma2 semaphore(%arg14 : memref<!tpu.dma_semaphore, #tpu.memory_space<semaphore_mem>>) src(%dma_wait3A_29 : memref<128xi32, #tpu.memory_space<hbm>>) dst(%arg8 : memref<128xi32, #tpu.memory_space<vmem>>)
    "tpu.region"() ({
      %run_scoped3A = tpu.sem_alloc : memref<!tpu.dma_semaphore, #tpu.memory_space<semaphore_mem>>
      %dma_start3A_52 = arith.constant 0 : i32
      %dma_start3A_53 = arith.constant 0 : i32
      %dma_start3A_54 = tpu.memref_slice %arg7[%dma_start3A_52, %dma_start3A_53] : memref<10000x128xf32, #tpu.memory_space<vmem_shared>> -> memref<10000x128xf32, #tpu.memory_space<vmem_shared>>
      tpu.enqueue_indirect_dma source(%arg12 : memref<128x128xf32, #tpu.memory_space<vmem>>) target(%dma_start3A_54 : memref<10000x128xf32, #tpu.memory_space<vmem_shared>>) offsets(%arg8 : memref<128xi32, #tpu.memory_space<vmem>>) semaphore(%run_scoped3A : memref<!tpu.dma_semaphore, #tpu.memory_space<semaphore_mem>>) {add = true}
      %dma_wait3A_55 = arith.constant 0 : i32
      %dma_wait3A_56 = arith.constant 0 : i32
      %dma_wait3A_57 = tpu.memref_slice %arg7[%dma_wait3A_55, %dma_wait3A_56] : memref<10000x128xf32, #tpu.memory_space<vmem_shared>> -> memref<10000x128xf32, #tpu.memory_space<vmem_shared>>
      tpu.wait_indirect_dma semaphore(%run_scoped3A : memref<!tpu.dma_semaphore, #tpu.memory_space<semaphore_mem>>) src(%arg12 : memref<128x128xf32, #tpu.memory_space<vmem>>) dst(%dma_wait3A_57 : memref<10000x128xf32, #tpu.memory_space<vmem_shared>>)
      tpu.yield
    }) : () -> ()
    %dma_wait3A_30 = arith.constant 0 : i32
    %dma_wait3A_31 = tpu.memref_slice %arg2[%dma_wait3A_30] : memref<160000xi32, #tpu.memory_space<hbm>> -> memref<128xi32, #tpu.memory_space<hbm>>
    %dma_wait3A_32 = arith.constant 0 : i32
    %dma_wait3A_33 = tpu.memref_slice %arg2[%dma_wait3A_32] : memref<160000xi32, #tpu.memory_space<hbm>> -> memref<128xi32, #tpu.memory_space<hbm>>
    tpu.wait_dma2 semaphore(%arg15 : memref<!tpu.dma_semaphore, #tpu.memory_space<semaphore_mem>>) src(%dma_wait3A_33 : memref<128xi32, #tpu.memory_space<hbm>>) dst(%arg9 : memref<128xi32, #tpu.memory_space<vmem>>)
    "tpu.region"() ({
      %run_scoped3A = tpu.sem_alloc : memref<!tpu.dma_semaphore, #tpu.memory_space<semaphore_mem>>
      %dma_start3A_52 = arith.constant 0 : i32
      %dma_start3A_53 = arith.constant 0 : i32
      %dma_start3A_54 = tpu.memref_slice %arg7[%dma_start3A_52, %dma_start3A_53] : memref<10000x128xf32, #tpu.memory_space<vmem_shared>> -> memref<10000x128xf32, #tpu.memory_space<vmem_shared>>
      tpu.enqueue_indirect_dma source(%arg12 : memref<128x128xf32, #tpu.memory_space<vmem>>) target(%dma_start3A_54 : memref<10000x128xf32, #tpu.memory_space<vmem_shared>>) offsets(%arg9 : memref<128xi32, #tpu.memory_space<vmem>>) semaphore(%run_scoped3A : memref<!tpu.dma_semaphore, #tpu.memory_space<semaphore_mem>>) {add = true}
      %dma_wait3A_55 = arith.constant 0 : i32
      %dma_wait3A_56 = arith.constant 0 : i32
      %dma_wait3A_57 = tpu.memref_slice %arg7[%dma_wait3A_55, %dma_wait3A_56] : memref<10000x128xf32, #tpu.memory_space<vmem_shared>> -> memref<10000x128xf32, #tpu.memory_space<vmem_shared>>
      tpu.wait_indirect_dma semaphore(%run_scoped3A : memref<!tpu.dma_semaphore, #tpu.memory_space<semaphore_mem>>) src(%arg12 : memref<128x128xf32, #tpu.memory_space<vmem>>) dst(%dma_wait3A_57 : memref<10000x128xf32, #tpu.memory_space<vmem_shared>>)
      tpu.yield
    }) : () -> ()
    %dma_wait3A_34 = arith.constant 0 : i32
    %dma_wait3A_35 = tpu.memref_slice %arg2[%dma_wait3A_34] : memref<160000xi32, #tpu.memory_space<hbm>> -> memref<128xi32, #tpu.memory_space<hbm>>
    %dma_wait3A_36 = arith.constant 0 : i32
    %dma_wait3A_37 = tpu.memref_slice %arg2[%dma_wait3A_36] : memref<160000xi32, #tpu.memory_space<hbm>> -> memref<128xi32, #tpu.memory_space<hbm>>
    tpu.wait_dma2 semaphore(%arg16 : memref<!tpu.dma_semaphore, #tpu.memory_space<semaphore_mem>>) src(%dma_wait3A_37 : memref<128xi32, #tpu.memory_space<hbm>>) dst(%arg10 : memref<128xi32, #tpu.memory_space<vmem>>)
    "tpu.region"() ({
      %run_scoped3A = tpu.sem_alloc : memref<!tpu.dma_semaphore, #tpu.memory_space<semaphore_mem>>
      %dma_start3A_52 = arith.constant 0 : i32
      %dma_start3A_53 = arith.constant 0 : i32
      %dma_start3A_54 = tpu.memref_slice %arg7[%dma_start3A_52, %dma_start3A_53] : memref<10000x128xf32, #tpu.memory_space<vmem_shared>> -> memref<10000x128xf32, #tpu.memory_space<vmem_shared>>
      tpu.enqueue_indirect_dma source(%arg12 : memref<128x128xf32, #tpu.memory_space<vmem>>) target(%dma_start3A_54 : memref<10000x128xf32, #tpu.memory_space<vmem_shared>>) offsets(%arg10 : memref<128xi32, #tpu.memory_space<vmem>>) semaphore(%run_scoped3A : memref<!tpu.dma_semaphore, #tpu.memory_space<semaphore_mem>>) {add = true}
      %dma_wait3A_55 = arith.constant 0 : i32
      %dma_wait3A_56 = arith.constant 0 : i32
      %dma_wait3A_57 = tpu.memref_slice %arg7[%dma_wait3A_55, %dma_wait3A_56] : memref<10000x128xf32, #tpu.memory_space<vmem_shared>> -> memref<10000x128xf32, #tpu.memory_space<vmem_shared>>
      tpu.wait_indirect_dma semaphore(%run_scoped3A : memref<!tpu.dma_semaphore, #tpu.memory_space<semaphore_mem>>) src(%arg12 : memref<128x128xf32, #tpu.memory_space<vmem>>) dst(%dma_wait3A_57 : memref<10000x128xf32, #tpu.memory_space<vmem_shared>>)
      tpu.yield
    }) : () -> ()
    %add3A_38 = arith.constant 4992 : i32
    %add3A_39 = arith.addi %add3A, %add3A_38 : i32
    %multiple_of3A_40 = tpu.assume_multiple %add3A_39, 8 : i32
    "tpu.region"() ({
      %run_scoped3A = tpu.sem_alloc : memref<!tpu.dma_semaphore, #tpu.memory_space<semaphore_mem>>
      %dma_start3A_52 = tpu.memref_slice %arg2[%multiple_of3A_40] : memref<160000xi32, #tpu.memory_space<hbm>> -> memref<8xi32, #tpu.memory_space<hbm>>
      %dma_start3A_53 = tpu.memref_slice %arg2[%multiple_of3A_40] : memref<160000xi32, #tpu.memory_space<hbm>> -> memref<8xi32, #tpu.memory_space<hbm>>
      tpu.enqueue_dma source(%dma_start3A_53 : memref<8xi32, #tpu.memory_space<hbm>>) target(%arg13 : memref<8xi32, #tpu.memory_space<vmem>>) target_semaphore(%run_scoped3A : memref<!tpu.dma_semaphore, #tpu.memory_space<semaphore_mem>>)
      %dma_wait3A_54 = tpu.memref_slice %arg2[%multiple_of3A_40] : memref<160000xi32, #tpu.memory_space<hbm>> -> memref<8xi32, #tpu.memory_space<hbm>>
      %dma_wait3A_55 = tpu.memref_slice %arg2[%multiple_of3A_40] : memref<160000xi32, #tpu.memory_space<hbm>> -> memref<8xi32, #tpu.memory_space<hbm>>
      tpu.wait_dma2 semaphore(%run_scoped3A : memref<!tpu.dma_semaphore, #tpu.memory_space<semaphore_mem>>) src(%dma_wait3A_55 : memref<8xi32, #tpu.memory_space<hbm>>) dst(%arg13 : memref<8xi32, #tpu.memory_space<vmem>>)
      tpu.yield
    }) : () -> ()
    "tpu.region"() ({
      %run_scoped3A = tpu.sem_alloc : memref<!tpu.dma_semaphore, #tpu.memory_space<semaphore_mem>>
      %dma_start3A_52 = arith.constant 0 : i32
      %dma_start3A_53 = arith.constant 0 : i32
      %dma_start3A_54 = tpu.memref_slice %arg12[%dma_start3A_52, %dma_start3A_53] : memref<128x128xf32, #tpu.memory_space<vmem>> -> memref<8x128xf32, #tpu.memory_space<vmem>>
      %dma_start3A_55 = arith.constant 0 : i32
      %dma_start3A_56 = arith.constant 0 : i32
      %dma_start3A_57 = tpu.memref_slice %arg7[%dma_start3A_55, %dma_start3A_56] : memref<10000x128xf32, #tpu.memory_space<vmem_shared>> -> memref<10000x128xf32, #tpu.memory_space<vmem_shared>>
      tpu.enqueue_indirect_dma source(%dma_start3A_54 : memref<8x128xf32, #tpu.memory_space<vmem>>) target(%dma_start3A_57 : memref<10000x128xf32, #tpu.memory_space<vmem_shared>>) offsets(%arg13 : memref<8xi32, #tpu.memory_space<vmem>>) semaphore(%run_scoped3A : memref<!tpu.dma_semaphore, #tpu.memory_space<semaphore_mem>>) {add = true}
      %dma_wait3A_58 = arith.constant 0 : i32
      %dma_wait3A_59 = arith.constant 0 : i32
      %dma_wait3A_60 = tpu.memref_slice %arg12[%dma_wait3A_58, %dma_wait3A_59] : memref<128x128xf32, #tpu.memory_space<vmem>> -> memref<8x128xf32, #tpu.memory_space<vmem>>
      %dma_wait3A_61 = arith.constant 0 : i32
      %dma_wait3A_62 = arith.constant 0 : i32
      %dma_wait3A_63 = tpu.memref_slice %arg7[%dma_wait3A_61, %dma_wait3A_62] : memref<10000x128xf32, #tpu.memory_space<vmem_shared>> -> memref<10000x128xf32, #tpu.memory_space<vmem_shared>>
      tpu.wait_indirect_dma semaphore(%run_scoped3A : memref<!tpu.dma_semaphore, #tpu.memory_space<semaphore_mem>>) src(%dma_wait3A_60 : memref<8x128xf32, #tpu.memory_space<vmem>>) dst(%dma_wait3A_63 : memref<10000x128xf32, #tpu.memory_space<vmem_shared>>)
      tpu.yield
    }) : () -> ()
    %barrier3A_41 = arith.constant 0 : index
    tpu.barrier barrier_id(%barrier3A_41)
    %eq3A_42 = arith.constant 0 : i32
    %eq3A_43 = arith.cmpi eq, %arg0, %eq3A_42 : i32
    %convert_element_type3A_44 = arith.extui %eq3A_43 : i1 to i32
    %cond3A_45 = arith.constant 0 : i32
    %cond3A_46 = arith.cmpi ne, %convert_element_type3A_44, %cond3A_45 : i32
    scf.if %cond3A_46 {
      %lt3A_52 = arith.constant 15 : i32
      %lt3A_53 = arith.cmpi slt, %arg1, %lt3A_52 : i32
      %convert_element_type3A_54 = arith.extui %lt3A_53 : i1 to i32
      %cond3A_55 = arith.constant 0 : i32
      %cond3A_56 = arith.cmpi ne, %convert_element_type3A_54, %cond3A_55 : i32
      scf.if %cond3A_56 {
        %mul3A_62 = arith.constant 624 : i32
        %mul3A_63 = arith.muli %arg1, %mul3A_62 : i32
        %multiple_of3A_64 = tpu.assume_multiple %mul3A_63, 8 : i32
        "tpu.region"() ({
          %run_scoped3A = tpu.sem_alloc : memref<!tpu.dma_semaphore, #tpu.memory_space<semaphore_mem>>
          %dma_start3A_65 = arith.constant 0 : i32
          %dma_start3A_66 = tpu.memref_slice %arg5[%multiple_of3A_64, %dma_start3A_65] : memref<10000x128xf32, #tpu.memory_space<hbm>> -> memref<624x128xf32, #tpu.memory_space<hbm>>
          %dma_start3A_67 = arith.constant 0 : i32
          %dma_start3A_68 = tpu.memref_slice %arg7[%multiple_of3A_64, %dma_start3A_67] : memref<10000x128xf32, #tpu.memory_space<vmem_shared>> -> memref<624x128xf32, #tpu.memory_space<vmem_shared>>
          tpu.enqueue_dma source(%dma_start3A_68 : memref<624x128xf32, #tpu.memory_space<vmem_shared>>) target(%dma_start3A_66 : memref<624x128xf32, #tpu.memory_space<hbm>>) target_semaphore(%run_scoped3A : memref<!tpu.dma_semaphore, #tpu.memory_space<semaphore_mem>>)
          %dma_wait3A_69 = arith.constant 0 : i32
          %dma_wait3A_70 = tpu.memref_slice %arg5[%multiple_of3A_64, %dma_wait3A_69] : memref<10000x128xf32, #tpu.memory_space<hbm>> -> memref<624x128xf32, #tpu.memory_space<hbm>>
          %dma_wait3A_71 = arith.constant 0 : i32
          %dma_wait3A_72 = tpu.memref_slice %arg7[%multiple_of3A_64, %dma_wait3A_71] : memref<10000x128xf32, #tpu.memory_space<vmem_shared>> -> memref<624x128xf32, #tpu.memory_space<vmem_shared>>
          tpu.wait_dma2 semaphore(%run_scoped3A : memref<!tpu.dma_semaphore, #tpu.memory_space<semaphore_mem>>) src(%dma_wait3A_72 : memref<624x128xf32, #tpu.memory_space<vmem_shared>>) dst(%dma_wait3A_70 : memref<624x128xf32, #tpu.memory_space<hbm>>)
          tpu.yield
        }) : () -> ()
      } else {
      }
      %eq3A_57 = arith.constant 15 : i32
      %eq3A_58 = arith.cmpi eq, %arg1, %eq3A_57 : i32
      %convert_element_type3A_59 = arith.extui %eq3A_58 : i1 to i32
      %cond3A_60 = arith.constant 0 : i32
      %cond3A_61 = arith.cmpi ne, %convert_element_type3A_59, %cond3A_60 : i32
      scf.if %cond3A_61 {
        "tpu.region"() ({
          %run_scoped3A = tpu.sem_alloc : memref<!tpu.dma_semaphore, #tpu.memory_space<semaphore_mem>>
          %dma_start3A_62 = arith.constant 9360 : i32
          %dma_start3A_63 = arith.constant 0 : i32
          %dma_start3A_64 = tpu.memref_slice %arg5[%dma_start3A_62, %dma_start3A_63] : memref<10000x128xf32, #tpu.memory_space<hbm>> -> memref<640x128xf32, #tpu.memory_space<hbm>>
          %dma_start3A_65 = arith.constant 9360 : i32
          %dma_start3A_66 = arith.constant 0 : i32
          %dma_start3A_67 = tpu.memref_slice %arg7[%dma_start3A_65, %dma_start3A_66] : memref<10000x128xf32, #tpu.memory_space<vmem_shared>> -> memref<640x128xf32, #tpu.memory_space<vmem_shared>>
          tpu.enqueue_dma source(%dma_start3A_67 : memref<640x128xf32, #tpu.memory_space<vmem_shared>>) target(%dma_start3A_64 : memref<640x128xf32, #tpu.memory_space<hbm>>) target_semaphore(%run_scoped3A : memref<!tpu.dma_semaphore, #tpu.memory_space<semaphore_mem>>)
          %dma_wait3A_68 = arith.constant 9360 : i32
          %dma_wait3A_69 = arith.constant 0 : i32
          %dma_wait3A_70 = tpu.memref_slice %arg5[%dma_wait3A_68, %dma_wait3A_69] : memref<10000x128xf32, #tpu.memory_space<hbm>> -> memref<640x128xf32, #tpu.memory_space<hbm>>
          %dma_wait3A_71 = arith.constant 9360 : i32
          %dma_wait3A_72 = arith.constant 0 : i32
          %dma_wait3A_73 = tpu.memref_slice %arg7[%dma_wait3A_71, %dma_wait3A_72] : memref<10000x128xf32, #tpu.memory_space<vmem_shared>> -> memref<640x128xf32, #tpu.memory_space<vmem_shared>>
          tpu.wait_dma2 semaphore(%run_scoped3A : memref<!tpu.dma_semaphore, #tpu.memory_space<semaphore_mem>>) src(%dma_wait3A_73 : memref<640x128xf32, #tpu.memory_space<vmem_shared>>) dst(%dma_wait3A_70 : memref<640x128xf32, #tpu.memory_space<hbm>>)
          tpu.yield
        }) : () -> ()
      } else {
      }
    } else {
    }
    %eq3A_47 = arith.constant 1 : i32
    %eq3A_48 = arith.cmpi eq, %arg0, %eq3A_47 : i32
    %convert_element_type3A_49 = arith.extui %eq3A_48 : i1 to i32
    %cond3A_50 = arith.constant 0 : i32
    %cond3A_51 = arith.cmpi ne, %convert_element_type3A_49, %cond3A_50 : i32
    scf.if %cond3A_51 {
      %lt3A_52 = arith.constant 15 : i32
      %lt3A_53 = arith.cmpi slt, %arg1, %lt3A_52 : i32
      %convert_element_type3A_54 = arith.extui %lt3A_53 : i1 to i32
      %cond3A_55 = arith.constant 0 : i32
      %cond3A_56 = arith.cmpi ne, %convert_element_type3A_54, %cond3A_55 : i32
      scf.if %cond3A_56 {
        %mul3A_62 = arith.constant 624 : i32
        %mul3A_63 = arith.muli %arg1, %mul3A_62 : i32
        %multiple_of3A_64 = tpu.assume_multiple %mul3A_63, 8 : i32
        "tpu.region"() ({
          %run_scoped3A = tpu.sem_alloc : memref<!tpu.dma_semaphore, #tpu.memory_space<semaphore_mem>>
          %dma_start3A_65 = arith.constant 0 : i32
          %dma_start3A_66 = tpu.memref_slice %arg6[%multiple_of3A_64, %dma_start3A_65] : memref<10000x128xf32, #tpu.memory_space<hbm>> -> memref<624x128xf32, #tpu.memory_space<hbm>>
          %dma_start3A_67 = arith.constant 0 : i32
          %dma_start3A_68 = tpu.memref_slice %arg7[%multiple_of3A_64, %dma_start3A_67] : memref<10000x128xf32, #tpu.memory_space<vmem_shared>> -> memref<624x128xf32, #tpu.memory_space<vmem_shared>>
          tpu.enqueue_dma source(%dma_start3A_68 : memref<624x128xf32, #tpu.memory_space<vmem_shared>>) target(%dma_start3A_66 : memref<624x128xf32, #tpu.memory_space<hbm>>) target_semaphore(%run_scoped3A : memref<!tpu.dma_semaphore, #tpu.memory_space<semaphore_mem>>)
          %dma_wait3A_69 = arith.constant 0 : i32
          %dma_wait3A_70 = tpu.memref_slice %arg6[%multiple_of3A_64, %dma_wait3A_69] : memref<10000x128xf32, #tpu.memory_space<hbm>> -> memref<624x128xf32, #tpu.memory_space<hbm>>
          %dma_wait3A_71 = arith.constant 0 : i32
          %dma_wait3A_72 = tpu.memref_slice %arg7[%multiple_of3A_64, %dma_wait3A_71] : memref<10000x128xf32, #tpu.memory_space<vmem_shared>> -> memref<624x128xf32, #tpu.memory_space<vmem_shared>>
          tpu.wait_dma2 semaphore(%run_scoped3A : memref<!tpu.dma_semaphore, #tpu.memory_space<semaphore_mem>>) src(%dma_wait3A_72 : memref<624x128xf32, #tpu.memory_space<vmem_shared>>) dst(%dma_wait3A_70 : memref<624x128xf32, #tpu.memory_space<hbm>>)
          tpu.yield
        }) : () -> ()
      } else {
      }
      %eq3A_57 = arith.constant 15 : i32
      %eq3A_58 = arith.cmpi eq, %arg1, %eq3A_57 : i32
      %convert_element_type3A_59 = arith.extui %eq3A_58 : i1 to i32
      %cond3A_60 = arith.constant 0 : i32
      %cond3A_61 = arith.cmpi ne, %convert_element_type3A_59, %cond3A_60 : i32
      scf.if %cond3A_61 {
        "tpu.region"() ({
          %run_scoped3A = tpu.sem_alloc : memref<!tpu.dma_semaphore, #tpu.memory_space<semaphore_mem>>
          %dma_start3A_62 = arith.constant 9360 : i32
          %dma_start3A_63 = arith.constant 0 : i32
          %dma_start3A_64 = tpu.memref_slice %arg6[%dma_start3A_62, %dma_start3A_63] : memref<10000x128xf32, #tpu.memory_space<hbm>> -> memref<640x128xf32, #tpu.memory_space<hbm>>
          %dma_start3A_65 = arith.constant 9360 : i32
          %dma_start3A_66 = arith.constant 0 : i32
          %dma_start3A_67 = tpu.memref_slice %arg7[%dma_start3A_65, %dma_start3A_66] : memref<10000x128xf32, #tpu.memory_space<vmem_shared>> -> memref<640x128xf32, #tpu.memory_space<vmem_shared>>
          tpu.enqueue_dma source(%dma_start3A_67 : memref<640x128xf32, #tpu.memory_space<vmem_shared>>) target(%dma_start3A_64 : memref<640x128xf32, #tpu.memory_space<hbm>>) target_semaphore(%run_scoped3A : memref<!tpu.dma_semaphore, #tpu.memory_space<semaphore_mem>>)
          %dma_wait3A_68 = arith.constant 9360 : i32
          %dma_wait3A_69 = arith.constant 0 : i32
          %dma_wait3A_70 = tpu.memref_slice %arg6[%dma_wait3A_68, %dma_wait3A_69] : memref<10000x128xf32, #tpu.memory_space<hbm>> -> memref<640x128xf32, #tpu.memory_space<hbm>>
          %dma_wait3A_71 = arith.constant 9360 : i32
          %dma_wait3A_72 = arith.constant 0 : i32
          %dma_wait3A_73 = tpu.memref_slice %arg7[%dma_wait3A_71, %dma_wait3A_72] : memref<10000x128xf32, #tpu.memory_space<vmem_shared>> -> memref<640x128xf32, #tpu.memory_space<vmem_shared>>
          tpu.wait_dma2 semaphore(%run_scoped3A : memref<!tpu.dma_semaphore, #tpu.memory_space<semaphore_mem>>) src(%dma_wait3A_73 : memref<640x128xf32, #tpu.memory_space<vmem_shared>>) dst(%dma_wait3A_70 : memref<640x128xf32, #tpu.memory_space<hbm>>)
          tpu.yield
        }) : () -> ()
      } else {
      }
    } else {
    }
    return
  }
}

#map = affine_map<(d0, d1) -> (0, 0)>
#map1 = affine_map<(d0, d1) -> (0)>
module attributes {stable_mosaic.version = 14 : i64} {
  func.func @k(%arg0: i32, %arg1: i32, %arg2: memref<10000x128xf32, #tpu.memory_space<hbm>>, %arg3: memref<10000x128xf32, #tpu.memory_space<hbm>>, %arg4: memref<160000xi32, #tpu.memory_space<hbm>>, %arg5: memref<160000xi32, #tpu.memory_space<hbm>>, %arg6: memref<10000x128xf32, #tpu.memory_space<hbm>>, %arg7: memref<10000x128xf32, #tpu.memory_space<hbm>>, %arg8: memref<10000x128xf32, #tpu.memory_space<vmem_shared>>, %arg9: memref<128xi32, #tpu.memory_space<vmem>>, %arg10: memref<128xi32, #tpu.memory_space<vmem>>, %arg11: memref<128xi32, #tpu.memory_space<vmem>>, %arg12: memref<128xi32, #tpu.memory_space<vmem>>, %arg13: memref<128xi32, #tpu.memory_space<vmem>>, %arg14: memref<128xi32, #tpu.memory_space<vmem>>, %arg15: memref<128xi32, #tpu.memory_space<vmem>>, %arg16: memref<128xi32, #tpu.memory_space<vmem>>, %arg17: memref<128x128xf32, #tpu.memory_space<vmem>>, %arg18: memref<128x128xf32, #tpu.memory_space<vmem>>, %arg19: memref<16xi32, #tpu.memory_space<vmem>>, %arg20: memref<16xi32, #tpu.memory_space<vmem>>, %arg21: memref<16x128xf32, #tpu.memory_space<vmem>>, %arg22: memref<!tpu.dma_semaphore, #tpu.memory_space<semaphore_mem>>, %arg23: memref<!tpu.dma_semaphore, #tpu.memory_space<semaphore_mem>>, %arg24: memref<!tpu.dma_semaphore, #tpu.memory_space<semaphore_mem>>, %arg25: memref<!tpu.dma_semaphore, #tpu.memory_space<semaphore_mem>>, %arg26: memref<!tpu.dma_semaphore, #tpu.memory_space<semaphore_mem>>, %arg27: memref<!tpu.dma_semaphore, #tpu.memory_space<semaphore_mem>>) attributes {dimension_semantics = [#tpu.dimension_semantics<core_parallel>, #tpu.dimension_semantics<subcore_parallel>], iteration_bounds = array<i64: 2, 16>, scalar_prefetch = 0 : i64, scratch_operands = 20 : i64, tpu.core_type = #tpu.core_type<sc_vector_subcore>, window_params = [{transform_indices = #map}, {transform_indices = #map}, {transform_indices = #map1}, {transform_indices = #map1}, {transform_indices = #map}, {transform_indices = #map}]} {
    %mul3A = arith.constant 10000 : i32
    %mul3A_0 = arith.muli %arg1, %mul3A : i32
    %eq3A = arith.constant 0 : i32
    %eq3A_1 = arith.cmpi eq, %arg0, %eq3A : i32
    %convert_element_type3A = arith.extui %eq3A_1 : i1 to i32
    %cond3A = arith.constant 0 : i32
    %cond3A_2 = arith.cmpi ne, %convert_element_type3A, %cond3A : i32
    scf.if %cond3A_2 {
      %add3A = arith.constant 0 : i32
      %add3A_8 = arith.addi %mul3A_0, %add3A : i32
      %multiple_of3A = tpu.assume_multiple %add3A_8, 8 : i32
      %dma_start3A = tpu.memref_slice %arg4[%multiple_of3A] : memref<160000xi32, #tpu.memory_space<hbm>> -> memref<128xi32, #tpu.memory_space<hbm>>
      %dma_start3A_9 = tpu.memref_slice %arg4[%multiple_of3A] : memref<160000xi32, #tpu.memory_space<hbm>> -> memref<128xi32, #tpu.memory_space<hbm>>
      tpu.enqueue_dma source(%dma_start3A_9 : memref<128xi32, #tpu.memory_space<hbm>>) target(%arg9 : memref<128xi32, #tpu.memory_space<vmem>>) target_semaphore(%arg24 : memref<!tpu.dma_semaphore, #tpu.memory_space<semaphore_mem>>)
      %dma_start3A_10 = tpu.memref_slice %arg5[%multiple_of3A] : memref<160000xi32, #tpu.memory_space<hbm>> -> memref<128xi32, #tpu.memory_space<hbm>>
      %dma_start3A_11 = tpu.memref_slice %arg5[%multiple_of3A] : memref<160000xi32, #tpu.memory_space<hbm>> -> memref<128xi32, #tpu.memory_space<hbm>>
      tpu.enqueue_dma source(%dma_start3A_11 : memref<128xi32, #tpu.memory_space<hbm>>) target(%arg13 : memref<128xi32, #tpu.memory_space<vmem>>) target_semaphore(%arg24 : memref<!tpu.dma_semaphore, #tpu.memory_space<semaphore_mem>>)
      %add3A_12 = arith.constant 128 : i32
      %add3A_13 = arith.addi %mul3A_0, %add3A_12 : i32
      %multiple_of3A_14 = tpu.assume_multiple %add3A_13, 8 : i32
      %dma_start3A_15 = tpu.memref_slice %arg4[%multiple_of3A_14] : memref<160000xi32, #tpu.memory_space<hbm>> -> memref<128xi32, #tpu.memory_space<hbm>>
      %dma_start3A_16 = tpu.memref_slice %arg4[%multiple_of3A_14] : memref<160000xi32, #tpu.memory_space<hbm>> -> memref<128xi32, #tpu.memory_space<hbm>>
      tpu.enqueue_dma source(%dma_start3A_16 : memref<128xi32, #tpu.memory_space<hbm>>) target(%arg10 : memref<128xi32, #tpu.memory_space<vmem>>) target_semaphore(%arg25 : memref<!tpu.dma_semaphore, #tpu.memory_space<semaphore_mem>>)
      %dma_start3A_17 = tpu.memref_slice %arg5[%multiple_of3A_14] : memref<160000xi32, #tpu.memory_space<hbm>> -> memref<128xi32, #tpu.memory_space<hbm>>
      %dma_start3A_18 = tpu.memref_slice %arg5[%multiple_of3A_14] : memref<160000xi32, #tpu.memory_space<hbm>> -> memref<128xi32, #tpu.memory_space<hbm>>
      tpu.enqueue_dma source(%dma_start3A_18 : memref<128xi32, #tpu.memory_space<hbm>>) target(%arg14 : memref<128xi32, #tpu.memory_space<vmem>>) target_semaphore(%arg25 : memref<!tpu.dma_semaphore, #tpu.memory_space<semaphore_mem>>)
      %lt3A = arith.constant 15 : i32
      %lt3A_19 = arith.cmpi slt, %arg1, %lt3A : i32
      %convert_element_type3A_20 = arith.extui %lt3A_19 : i1 to i32
      %cond3A_21 = arith.constant 0 : i32
      %cond3A_22 = arith.cmpi ne, %convert_element_type3A_20, %cond3A_21 : i32
      scf.if %cond3A_22 {
        %mul3A_80 = arith.constant 624 : i32
        %mul3A_81 = arith.muli %arg1, %mul3A_80 : i32
        %multiple_of3A_82 = tpu.assume_multiple %mul3A_81, 8 : i32
        "tpu.region"() ({
          %run_scoped3A = tpu.sem_alloc : memref<!tpu.dma_semaphore, #tpu.memory_space<semaphore_mem>>
          %dma_start3A_83 = arith.constant 0 : i32
          %dma_start3A_84 = tpu.memref_slice %arg8[%multiple_of3A_82, %dma_start3A_83] : memref<10000x128xf32, #tpu.memory_space<vmem_shared>> -> memref<624x128xf32, #tpu.memory_space<vmem_shared>>
          %dma_start3A_85 = arith.constant 0 : i32
          %dma_start3A_86 = tpu.memref_slice %arg2[%multiple_of3A_82, %dma_start3A_85] : memref<10000x128xf32, #tpu.memory_space<hbm>> -> memref<624x128xf32, #tpu.memory_space<hbm>>
          tpu.enqueue_dma source(%dma_start3A_86 : memref<624x128xf32, #tpu.memory_space<hbm>>) target(%dma_start3A_84 : memref<624x128xf32, #tpu.memory_space<vmem_shared>>) target_semaphore(%run_scoped3A : memref<!tpu.dma_semaphore, #tpu.memory_space<semaphore_mem>>)
          %dma_wait3A_87 = arith.constant 0 : i32
          %dma_wait3A_88 = tpu.memref_slice %arg8[%multiple_of3A_82, %dma_wait3A_87] : memref<10000x128xf32, #tpu.memory_space<vmem_shared>> -> memref<624x128xf32, #tpu.memory_space<vmem_shared>>
          %dma_wait3A_89 = arith.constant 0 : i32
          %dma_wait3A_90 = tpu.memref_slice %arg2[%multiple_of3A_82, %dma_wait3A_89] : memref<10000x128xf32, #tpu.memory_space<hbm>> -> memref<624x128xf32, #tpu.memory_space<hbm>>
          tpu.wait_dma2 semaphore(%run_scoped3A : memref<!tpu.dma_semaphore, #tpu.memory_space<semaphore_mem>>) src(%dma_wait3A_90 : memref<624x128xf32, #tpu.memory_space<hbm>>) dst(%dma_wait3A_88 : memref<624x128xf32, #tpu.memory_space<vmem_shared>>)
          tpu.yield
        }) : () -> ()
      } else {
      }
      %eq3A_23 = arith.constant 15 : i32
      %eq3A_24 = arith.cmpi eq, %arg1, %eq3A_23 : i32
      %convert_element_type3A_25 = arith.extui %eq3A_24 : i1 to i32
      %cond3A_26 = arith.constant 0 : i32
      %cond3A_27 = arith.cmpi ne, %convert_element_type3A_25, %cond3A_26 : i32
      scf.if %cond3A_27 {
        "tpu.region"() ({
          %run_scoped3A = tpu.sem_alloc : memref<!tpu.dma_semaphore, #tpu.memory_space<semaphore_mem>>
          %dma_start3A_80 = arith.constant 9360 : i32
          %dma_start3A_81 = arith.constant 0 : i32
          %dma_start3A_82 = tpu.memref_slice %arg8[%dma_start3A_80, %dma_start3A_81] : memref<10000x128xf32, #tpu.memory_space<vmem_shared>> -> memref<640x128xf32, #tpu.memory_space<vmem_shared>>
          %dma_start3A_83 = arith.constant 9360 : i32
          %dma_start3A_84 = arith.constant 0 : i32
          %dma_start3A_85 = tpu.memref_slice %arg2[%dma_start3A_83, %dma_start3A_84] : memref<10000x128xf32, #tpu.memory_space<hbm>> -> memref<640x128xf32, #tpu.memory_space<hbm>>
          tpu.enqueue_dma source(%dma_start3A_85 : memref<640x128xf32, #tpu.memory_space<hbm>>) target(%dma_start3A_82 : memref<640x128xf32, #tpu.memory_space<vmem_shared>>) target_semaphore(%run_scoped3A : memref<!tpu.dma_semaphore, #tpu.memory_space<semaphore_mem>>)
          %dma_wait3A_86 = arith.constant 9360 : i32
          %dma_wait3A_87 = arith.constant 0 : i32
          %dma_wait3A_88 = tpu.memref_slice %arg8[%dma_wait3A_86, %dma_wait3A_87] : memref<10000x128xf32, #tpu.memory_space<vmem_shared>> -> memref<640x128xf32, #tpu.memory_space<vmem_shared>>
          %dma_wait3A_89 = arith.constant 9360 : i32
          %dma_wait3A_90 = arith.constant 0 : i32
          %dma_wait3A_91 = tpu.memref_slice %arg2[%dma_wait3A_89, %dma_wait3A_90] : memref<10000x128xf32, #tpu.memory_space<hbm>> -> memref<640x128xf32, #tpu.memory_space<hbm>>
          tpu.wait_dma2 semaphore(%run_scoped3A : memref<!tpu.dma_semaphore, #tpu.memory_space<semaphore_mem>>) src(%dma_wait3A_91 : memref<640x128xf32, #tpu.memory_space<hbm>>) dst(%dma_wait3A_88 : memref<640x128xf32, #tpu.memory_space<vmem_shared>>)
          tpu.yield
        }) : () -> ()
      } else {
      }
      %barrier3A = arith.constant 0 : index
      tpu.barrier barrier_id(%barrier3A)
      %dma_wait3A = arith.constant 0 : i32
      %dma_wait3A_28 = tpu.memref_slice %arg4[%dma_wait3A] : memref<160000xi32, #tpu.memory_space<hbm>> -> memref<128xi32, #tpu.memory_space<hbm>>
      %dma_wait3A_29 = arith.constant 0 : i32
      %dma_wait3A_30 = tpu.memref_slice %arg4[%dma_wait3A_29] : memref<160000xi32, #tpu.memory_space<hbm>> -> memref<128xi32, #tpu.memory_space<hbm>>
      tpu.wait_dma2 semaphore(%arg24 : memref<!tpu.dma_semaphore, #tpu.memory_space<semaphore_mem>>) src(%dma_wait3A_30 : memref<128xi32, #tpu.memory_space<hbm>>) dst(%arg9 : memref<128xi32, #tpu.memory_space<vmem>>)
      %dma_wait3A_31 = arith.constant 0 : i32
      %dma_wait3A_32 = tpu.memref_slice %arg5[%dma_wait3A_31] : memref<160000xi32, #tpu.memory_space<hbm>> -> memref<128xi32, #tpu.memory_space<hbm>>
      %dma_wait3A_33 = arith.constant 0 : i32
      %dma_wait3A_34 = tpu.memref_slice %arg5[%dma_wait3A_33] : memref<160000xi32, #tpu.memory_space<hbm>> -> memref<128xi32, #tpu.memory_space<hbm>>
      tpu.wait_dma2 semaphore(%arg24 : memref<!tpu.dma_semaphore, #tpu.memory_space<semaphore_mem>>) src(%dma_wait3A_34 : memref<128xi32, #tpu.memory_space<hbm>>) dst(%arg13 : memref<128xi32, #tpu.memory_space<vmem>>)
      %dma_start3A_35 = arith.constant 0 : i32
      %dma_start3A_36 = arith.constant 0 : i32
      %dma_start3A_37 = tpu.memref_slice %arg2[%dma_start3A_35, %dma_start3A_36] : memref<10000x128xf32, #tpu.memory_space<hbm>> -> memref<10000x128xf32, #tpu.memory_space<hbm>>
      tpu.enqueue_indirect_dma source(%dma_start3A_37 : memref<10000x128xf32, #tpu.memory_space<hbm>>) target(%arg17 : memref<128x128xf32, #tpu.memory_space<vmem>>) offsets(%arg9 : memref<128xi32, #tpu.memory_space<vmem>>) semaphore(%arg22 : memref<!tpu.dma_semaphore, #tpu.memory_space<semaphore_mem>>)
      %scan3A = arith.constant 0 : i32
      %scan3A_38 = arith.constant 0 : i32
      %scan3A_39 = arith.constant 19 : i32
      %scan3A_40 = arith.addi %scan3A_38, %scan3A_39 : i32
      %scan3A_41 = arith.constant 1 : i32
      scf.for %scan3A_80 = %scan3A_38 to %scan3A_40 step %scan3A_41  : i32 {
        %mul3A_81 = arith.constant 4 : i32
        %mul3A_82 = arith.muli %mul3A_81, %scan3A_80 : i32
        %dma_wait3A_83 = arith.constant 0 : i32
        %dma_wait3A_84 = tpu.memref_slice %arg4[%dma_wait3A_83] : memref<160000xi32, #tpu.memory_space<hbm>> -> memref<128xi32, #tpu.memory_space<hbm>>
        %dma_wait3A_85 = arith.constant 0 : i32
        %dma_wait3A_86 = tpu.memref_slice %arg4[%dma_wait3A_85] : memref<160000xi32, #tpu.memory_space<hbm>> -> memref<128xi32, #tpu.memory_space<hbm>>
        tpu.wait_dma2 semaphore(%arg25 : memref<!tpu.dma_semaphore, #tpu.memory_space<semaphore_mem>>) src(%dma_wait3A_86 : memref<128xi32, #tpu.memory_space<hbm>>) dst(%arg10 : memref<128xi32, #tpu.memory_space<vmem>>)
        %dma_wait3A_87 = arith.constant 0 : i32
        %dma_wait3A_88 = tpu.memref_slice %arg5[%dma_wait3A_87] : memref<160000xi32, #tpu.memory_space<hbm>> -> memref<128xi32, #tpu.memory_space<hbm>>
        %dma_wait3A_89 = arith.constant 0 : i32
        %dma_wait3A_90 = tpu.memref_slice %arg5[%dma_wait3A_89] : memref<160000xi32, #tpu.memory_space<hbm>> -> memref<128xi32, #tpu.memory_space<hbm>>
        tpu.wait_dma2 semaphore(%arg25 : memref<!tpu.dma_semaphore, #tpu.memory_space<semaphore_mem>>) src(%dma_wait3A_90 : memref<128xi32, #tpu.memory_space<hbm>>) dst(%arg14 : memref<128xi32, #tpu.memory_space<vmem>>)
        %dma_start3A_91 = arith.constant 0 : i32
        %dma_start3A_92 = arith.constant 0 : i32
        %dma_start3A_93 = tpu.memref_slice %arg2[%dma_start3A_91, %dma_start3A_92] : memref<10000x128xf32, #tpu.memory_space<hbm>> -> memref<10000x128xf32, #tpu.memory_space<hbm>>
        tpu.enqueue_indirect_dma source(%dma_start3A_93 : memref<10000x128xf32, #tpu.memory_space<hbm>>) target(%arg18 : memref<128x128xf32, #tpu.memory_space<vmem>>) offsets(%arg10 : memref<128xi32, #tpu.memory_space<vmem>>) semaphore(%arg23 : memref<!tpu.dma_semaphore, #tpu.memory_space<semaphore_mem>>)
        %dma_wait3A_94 = arith.constant 0 : i32
        %dma_wait3A_95 = arith.constant 0 : i32
        %dma_wait3A_96 = tpu.memref_slice %arg2[%dma_wait3A_94, %dma_wait3A_95] : memref<10000x128xf32, #tpu.memory_space<hbm>> -> memref<10000x128xf32, #tpu.memory_space<hbm>>
        tpu.wait_indirect_dma semaphore(%arg22 : memref<!tpu.dma_semaphore, #tpu.memory_space<semaphore_mem>>) src(%dma_wait3A_96 : memref<10000x128xf32, #tpu.memory_space<hbm>>) dst(%arg17 : memref<128x128xf32, #tpu.memory_space<vmem>>)
        %add3A_97 = arith.constant 2 : i32
        %add3A_98 = arith.addi %mul3A_82, %add3A_97 : i32
        %lt3A_99 = arith.constant 78 : i32
        %lt3A_100 = arith.cmpi slt, %add3A_98, %lt3A_99 : i32
        %convert_element_type3A_101 = arith.extui %lt3A_100 : i1 to i32
        %cond3A_102 = arith.constant 0 : i32
        %cond3A_103 = arith.cmpi ne, %convert_element_type3A_101, %cond3A_102 : i32
        scf.if %cond3A_103 {
          %add3A_161 = arith.constant 2 : i32
          %add3A_162 = arith.addi %mul3A_82, %add3A_161 : i32
          %mul3A_163 = arith.constant 128 : i32
          %mul3A_164 = arith.muli %add3A_162, %mul3A_163 : i32
          %add3A_165 = arith.addi %mul3A_0, %mul3A_164 : i32
          %multiple_of3A_166 = tpu.assume_multiple %add3A_165, 8 : i32
          %dma_start3A_167 = tpu.memref_slice %arg4[%multiple_of3A_166] : memref<160000xi32, #tpu.memory_space<hbm>> -> memref<128xi32, #tpu.memory_space<hbm>>
          %dma_start3A_168 = tpu.memref_slice %arg4[%multiple_of3A_166] : memref<160000xi32, #tpu.memory_space<hbm>> -> memref<128xi32, #tpu.memory_space<hbm>>
          tpu.enqueue_dma source(%dma_start3A_168 : memref<128xi32, #tpu.memory_space<hbm>>) target(%arg11 : memref<128xi32, #tpu.memory_space<vmem>>) target_semaphore(%arg26 : memref<!tpu.dma_semaphore, #tpu.memory_space<semaphore_mem>>)
          %dma_start3A_169 = tpu.memref_slice %arg5[%multiple_of3A_166] : memref<160000xi32, #tpu.memory_space<hbm>> -> memref<128xi32, #tpu.memory_space<hbm>>
          %dma_start3A_170 = tpu.memref_slice %arg5[%multiple_of3A_166] : memref<160000xi32, #tpu.memory_space<hbm>> -> memref<128xi32, #tpu.memory_space<hbm>>
          tpu.enqueue_dma source(%dma_start3A_170 : memref<128xi32, #tpu.memory_space<hbm>>) target(%arg15 : memref<128xi32, #tpu.memory_space<vmem>>) target_semaphore(%arg26 : memref<!tpu.dma_semaphore, #tpu.memory_space<semaphore_mem>>)
        } else {
        }
        "tpu.region"() ({
          %run_scoped3A = tpu.sem_alloc : memref<!tpu.dma_semaphore, #tpu.memory_space<semaphore_mem>>
          %dma_start3A_161 = arith.constant 0 : i32
          %dma_start3A_162 = arith.constant 0 : i32
          %dma_start3A_163 = tpu.memref_slice %arg8[%dma_start3A_161, %dma_start3A_162] : memref<10000x128xf32, #tpu.memory_space<vmem_shared>> -> memref<10000x128xf32, #tpu.memory_space<vmem_shared>>
          tpu.enqueue_indirect_dma source(%arg17 : memref<128x128xf32, #tpu.memory_space<vmem>>) target(%dma_start3A_163 : memref<10000x128xf32, #tpu.memory_space<vmem_shared>>) offsets(%arg13 : memref<128xi32, #tpu.memory_space<vmem>>) semaphore(%run_scoped3A : memref<!tpu.dma_semaphore, #tpu.memory_space<semaphore_mem>>) {add = true}
          %dma_wait3A_164 = arith.constant 0 : i32
          %dma_wait3A_165 = arith.constant 0 : i32
          %dma_wait3A_166 = tpu.memref_slice %arg8[%dma_wait3A_164, %dma_wait3A_165] : memref<10000x128xf32, #tpu.memory_space<vmem_shared>> -> memref<10000x128xf32, #tpu.memory_space<vmem_shared>>
          tpu.wait_indirect_dma semaphore(%run_scoped3A : memref<!tpu.dma_semaphore, #tpu.memory_space<semaphore_mem>>) src(%arg17 : memref<128x128xf32, #tpu.memory_space<vmem>>) dst(%dma_wait3A_166 : memref<10000x128xf32, #tpu.memory_space<vmem_shared>>)
          tpu.yield
        }) : () -> ()
        %add3A_104 = arith.constant 2 : i32
        %add3A_105 = arith.addi %mul3A_82, %add3A_104 : i32
        %lt3A_106 = arith.constant 78 : i32
        %lt3A_107 = arith.cmpi slt, %add3A_105, %lt3A_106 : i32
        %convert_element_type3A_108 = arith.extui %lt3A_107 : i1 to i32
        %cond3A_109 = arith.constant 0 : i32
        %cond3A_110 = arith.cmpi ne, %convert_element_type3A_108, %cond3A_109 : i32
        scf.if %cond3A_110 {
          %dma_wait3A_161 = arith.constant 0 : i32
          %dma_wait3A_162 = tpu.memref_slice %arg4[%dma_wait3A_161] : memref<160000xi32, #tpu.memory_space<hbm>> -> memref<128xi32, #tpu.memory_space<hbm>>
          %dma_wait3A_163 = arith.constant 0 : i32
          %dma_wait3A_164 = tpu.memref_slice %arg4[%dma_wait3A_163] : memref<160000xi32, #tpu.memory_space<hbm>> -> memref<128xi32, #tpu.memory_space<hbm>>
          tpu.wait_dma2 semaphore(%arg26 : memref<!tpu.dma_semaphore, #tpu.memory_space<semaphore_mem>>) src(%dma_wait3A_164 : memref<128xi32, #tpu.memory_space<hbm>>) dst(%arg11 : memref<128xi32, #tpu.memory_space<vmem>>)
          %dma_wait3A_165 = arith.constant 0 : i32
          %dma_wait3A_166 = tpu.memref_slice %arg5[%dma_wait3A_165] : memref<160000xi32, #tpu.memory_space<hbm>> -> memref<128xi32, #tpu.memory_space<hbm>>
          %dma_wait3A_167 = arith.constant 0 : i32
          %dma_wait3A_168 = tpu.memref_slice %arg5[%dma_wait3A_167] : memref<160000xi32, #tpu.memory_space<hbm>> -> memref<128xi32, #tpu.memory_space<hbm>>
          tpu.wait_dma2 semaphore(%arg26 : memref<!tpu.dma_semaphore, #tpu.memory_space<semaphore_mem>>) src(%dma_wait3A_168 : memref<128xi32, #tpu.memory_space<hbm>>) dst(%arg15 : memref<128xi32, #tpu.memory_space<vmem>>)
          %dma_start3A_169 = arith.constant 0 : i32
          %dma_start3A_170 = arith.constant 0 : i32
          %dma_start3A_171 = tpu.memref_slice %arg2[%dma_start3A_169, %dma_start3A_170] : memref<10000x128xf32, #tpu.memory_space<hbm>> -> memref<10000x128xf32, #tpu.memory_space<hbm>>
          tpu.enqueue_indirect_dma source(%dma_start3A_171 : memref<10000x128xf32, #tpu.memory_space<hbm>>) target(%arg17 : memref<128x128xf32, #tpu.memory_space<vmem>>) offsets(%arg11 : memref<128xi32, #tpu.memory_space<vmem>>) semaphore(%arg22 : memref<!tpu.dma_semaphore, #tpu.memory_space<semaphore_mem>>)
        } else {
        }
        %dma_wait3A_111 = arith.constant 0 : i32
        %dma_wait3A_112 = arith.constant 0 : i32
        %dma_wait3A_113 = tpu.memref_slice %arg2[%dma_wait3A_111, %dma_wait3A_112] : memref<10000x128xf32, #tpu.memory_space<hbm>> -> memref<10000x128xf32, #tpu.memory_space<hbm>>
        tpu.wait_indirect_dma semaphore(%arg23 : memref<!tpu.dma_semaphore, #tpu.memory_space<semaphore_mem>>) src(%dma_wait3A_113 : memref<10000x128xf32, #tpu.memory_space<hbm>>) dst(%arg18 : memref<128x128xf32, #tpu.memory_space<vmem>>)
        "tpu.region"() ({
          %run_scoped3A = tpu.sem_alloc : memref<!tpu.dma_semaphore, #tpu.memory_space<semaphore_mem>>
          %dma_start3A_161 = arith.constant 0 : i32
          %dma_start3A_162 = arith.constant 0 : i32
          %dma_start3A_163 = tpu.memref_slice %arg8[%dma_start3A_161, %dma_start3A_162] : memref<10000x128xf32, #tpu.memory_space<vmem_shared>> -> memref<10000x128xf32, #tpu.memory_space<vmem_shared>>
          tpu.enqueue_indirect_dma source(%arg18 : memref<128x128xf32, #tpu.memory_space<vmem>>) target(%dma_start3A_163 : memref<10000x128xf32, #tpu.memory_space<vmem_shared>>) offsets(%arg14 : memref<128xi32, #tpu.memory_space<vmem>>) semaphore(%run_scoped3A : memref<!tpu.dma_semaphore, #tpu.memory_space<semaphore_mem>>) {add = true}
          %dma_wait3A_164 = arith.constant 0 : i32
          %dma_wait3A_165 = arith.constant 0 : i32
          %dma_wait3A_166 = tpu.memref_slice %arg8[%dma_wait3A_164, %dma_wait3A_165] : memref<10000x128xf32, #tpu.memory_space<vmem_shared>> -> memref<10000x128xf32, #tpu.memory_space<vmem_shared>>
          tpu.wait_indirect_dma semaphore(%run_scoped3A : memref<!tpu.dma_semaphore, #tpu.memory_space<semaphore_mem>>) src(%arg18 : memref<128x128xf32, #tpu.memory_space<vmem>>) dst(%dma_wait3A_166 : memref<10000x128xf32, #tpu.memory_space<vmem_shared>>)
          tpu.yield
        }) : () -> ()
        %add3A_114 = arith.constant 3 : i32
        %add3A_115 = arith.addi %mul3A_82, %add3A_114 : i32
        %lt3A_116 = arith.constant 78 : i32
        %lt3A_117 = arith.cmpi slt, %add3A_115, %lt3A_116 : i32
        %convert_element_type3A_118 = arith.extui %lt3A_117 : i1 to i32
        %cond3A_119 = arith.constant 0 : i32
        %cond3A_120 = arith.cmpi ne, %convert_element_type3A_118, %cond3A_119 : i32
        scf.if %cond3A_120 {
          %add3A_161 = arith.constant 3 : i32
          %add3A_162 = arith.addi %mul3A_82, %add3A_161 : i32
          %mul3A_163 = arith.constant 128 : i32
          %mul3A_164 = arith.muli %add3A_162, %mul3A_163 : i32
          %add3A_165 = arith.addi %mul3A_0, %mul3A_164 : i32
          %multiple_of3A_166 = tpu.assume_multiple %add3A_165, 8 : i32
          %dma_start3A_167 = tpu.memref_slice %arg4[%multiple_of3A_166] : memref<160000xi32, #tpu.memory_space<hbm>> -> memref<128xi32, #tpu.memory_space<hbm>>
          %dma_start3A_168 = tpu.memref_slice %arg4[%multiple_of3A_166] : memref<160000xi32, #tpu.memory_space<hbm>> -> memref<128xi32, #tpu.memory_space<hbm>>
          tpu.enqueue_dma source(%dma_start3A_168 : memref<128xi32, #tpu.memory_space<hbm>>) target(%arg12 : memref<128xi32, #tpu.memory_space<vmem>>) target_semaphore(%arg27 : memref<!tpu.dma_semaphore, #tpu.memory_space<semaphore_mem>>)
          %dma_start3A_169 = tpu.memref_slice %arg5[%multiple_of3A_166] : memref<160000xi32, #tpu.memory_space<hbm>> -> memref<128xi32, #tpu.memory_space<hbm>>
          %dma_start3A_170 = tpu.memref_slice %arg5[%multiple_of3A_166] : memref<160000xi32, #tpu.memory_space<hbm>> -> memref<128xi32, #tpu.memory_space<hbm>>
          tpu.enqueue_dma source(%dma_start3A_170 : memref<128xi32, #tpu.memory_space<hbm>>) target(%arg16 : memref<128xi32, #tpu.memory_space<vmem>>) target_semaphore(%arg27 : memref<!tpu.dma_semaphore, #tpu.memory_space<semaphore_mem>>)
        } else {
        }
        %add3A_121 = arith.constant 2 : i32
        %add3A_122 = arith.addi %mul3A_82, %add3A_121 : i32
        %dma_wait3A_123 = arith.constant 0 : i32
        %dma_wait3A_124 = tpu.memref_slice %arg4[%dma_wait3A_123] : memref<160000xi32, #tpu.memory_space<hbm>> -> memref<128xi32, #tpu.memory_space<hbm>>
        %dma_wait3A_125 = arith.constant 0 : i32
        %dma_wait3A_126 = tpu.memref_slice %arg4[%dma_wait3A_125] : memref<160000xi32, #tpu.memory_space<hbm>> -> memref<128xi32, #tpu.memory_space<hbm>>
        tpu.wait_dma2 semaphore(%arg27 : memref<!tpu.dma_semaphore, #tpu.memory_space<semaphore_mem>>) src(%dma_wait3A_126 : memref<128xi32, #tpu.memory_space<hbm>>) dst(%arg12 : memref<128xi32, #tpu.memory_space<vmem>>)
        %dma_wait3A_127 = arith.constant 0 : i32
        %dma_wait3A_128 = tpu.memref_slice %arg5[%dma_wait3A_127] : memref<160000xi32, #tpu.memory_space<hbm>> -> memref<128xi32, #tpu.memory_space<hbm>>
        %dma_wait3A_129 = arith.constant 0 : i32
        %dma_wait3A_130 = tpu.memref_slice %arg5[%dma_wait3A_129] : memref<160000xi32, #tpu.memory_space<hbm>> -> memref<128xi32, #tpu.memory_space<hbm>>
        tpu.wait_dma2 semaphore(%arg27 : memref<!tpu.dma_semaphore, #tpu.memory_space<semaphore_mem>>) src(%dma_wait3A_130 : memref<128xi32, #tpu.memory_space<hbm>>) dst(%arg16 : memref<128xi32, #tpu.memory_space<vmem>>)
        %dma_start3A_131 = arith.constant 0 : i32
        %dma_start3A_132 = arith.constant 0 : i32
        %dma_start3A_133 = tpu.memref_slice %arg2[%dma_start3A_131, %dma_start3A_132] : memref<10000x128xf32, #tpu.memory_space<hbm>> -> memref<10000x128xf32, #tpu.memory_space<hbm>>
        tpu.enqueue_indirect_dma source(%dma_start3A_133 : memref<10000x128xf32, #tpu.memory_space<hbm>>) target(%arg18 : memref<128x128xf32, #tpu.memory_space<vmem>>) offsets(%arg12 : memref<128xi32, #tpu.memory_space<vmem>>) semaphore(%arg23 : memref<!tpu.dma_semaphore, #tpu.memory_space<semaphore_mem>>)
        %dma_wait3A_134 = arith.constant 0 : i32
        %dma_wait3A_135 = arith.constant 0 : i32
        %dma_wait3A_136 = tpu.memref_slice %arg2[%dma_wait3A_134, %dma_wait3A_135] : memref<10000x128xf32, #tpu.memory_space<hbm>> -> memref<10000x128xf32, #tpu.memory_space<hbm>>
        tpu.wait_indirect_dma semaphore(%arg22 : memref<!tpu.dma_semaphore, #tpu.memory_space<semaphore_mem>>) src(%dma_wait3A_136 : memref<10000x128xf32, #tpu.memory_space<hbm>>) dst(%arg17 : memref<128x128xf32, #tpu.memory_space<vmem>>)
        %add3A_137 = arith.constant 2 : i32
        %add3A_138 = arith.addi %add3A_122, %add3A_137 : i32
        %lt3A_139 = arith.constant 78 : i32
        %lt3A_140 = arith.cmpi slt, %add3A_138, %lt3A_139 : i32
        %convert_element_type3A_141 = arith.extui %lt3A_140 : i1 to i32
        %cond3A_142 = arith.constant 0 : i32
        %cond3A_143 = arith.cmpi ne, %convert_element_type3A_141, %cond3A_142 : i32
        scf.if %cond3A_143 {
          %add3A_161 = arith.constant 2 : i32
          %add3A_162 = arith.addi %add3A_122, %add3A_161 : i32
          %mul3A_163 = arith.constant 128 : i32
          %mul3A_164 = arith.muli %add3A_162, %mul3A_163 : i32
          %add3A_165 = arith.addi %mul3A_0, %mul3A_164 : i32
          %multiple_of3A_166 = tpu.assume_multiple %add3A_165, 8 : i32
          %dma_start3A_167 = tpu.memref_slice %arg4[%multiple_of3A_166] : memref<160000xi32, #tpu.memory_space<hbm>> -> memref<128xi32, #tpu.memory_space<hbm>>
          %dma_start3A_168 = tpu.memref_slice %arg4[%multiple_of3A_166] : memref<160000xi32, #tpu.memory_space<hbm>> -> memref<128xi32, #tpu.memory_space<hbm>>
          tpu.enqueue_dma source(%dma_start3A_168 : memref<128xi32, #tpu.memory_space<hbm>>) target(%arg9 : memref<128xi32, #tpu.memory_space<vmem>>) target_semaphore(%arg24 : memref<!tpu.dma_semaphore, #tpu.memory_space<semaphore_mem>>)
          %dma_start3A_169 = tpu.memref_slice %arg5[%multiple_of3A_166] : memref<160000xi32, #tpu.memory_space<hbm>> -> memref<128xi32, #tpu.memory_space<hbm>>
          %dma_start3A_170 = tpu.memref_slice %arg5[%multiple_of3A_166] : memref<160000xi32, #tpu.memory_space<hbm>> -> memref<128xi32, #tpu.memory_space<hbm>>
          tpu.enqueue_dma source(%dma_start3A_170 : memref<128xi32, #tpu.memory_space<hbm>>) target(%arg13 : memref<128xi32, #tpu.memory_space<vmem>>) target_semaphore(%arg24 : memref<!tpu.dma_semaphore, #tpu.memory_space<semaphore_mem>>)
        } else {
        }
        "tpu.region"() ({
          %run_scoped3A = tpu.sem_alloc : memref<!tpu.dma_semaphore, #tpu.memory_space<semaphore_mem>>
          %dma_start3A_161 = arith.constant 0 : i32
          %dma_start3A_162 = arith.constant 0 : i32
          %dma_start3A_163 = tpu.memref_slice %arg8[%dma_start3A_161, %dma_start3A_162] : memref<10000x128xf32, #tpu.memory_space<vmem_shared>> -> memref<10000x128xf32, #tpu.memory_space<vmem_shared>>
          tpu.enqueue_indirect_dma source(%arg17 : memref<128x128xf32, #tpu.memory_space<vmem>>) target(%dma_start3A_163 : memref<10000x128xf32, #tpu.memory_space<vmem_shared>>) offsets(%arg15 : memref<128xi32, #tpu.memory_space<vmem>>) semaphore(%run_scoped3A : memref<!tpu.dma_semaphore, #tpu.memory_space<semaphore_mem>>) {add = true}
          %dma_wait3A_164 = arith.constant 0 : i32
          %dma_wait3A_165 = arith.constant 0 : i32
          %dma_wait3A_166 = tpu.memref_slice %arg8[%dma_wait3A_164, %dma_wait3A_165] : memref<10000x128xf32, #tpu.memory_space<vmem_shared>> -> memref<10000x128xf32, #tpu.memory_space<vmem_shared>>
          tpu.wait_indirect_dma semaphore(%run_scoped3A : memref<!tpu.dma_semaphore, #tpu.memory_space<semaphore_mem>>) src(%arg17 : memref<128x128xf32, #tpu.memory_space<vmem>>) dst(%dma_wait3A_166 : memref<10000x128xf32, #tpu.memory_space<vmem_shared>>)
          tpu.yield
        }) : () -> ()
        %add3A_144 = arith.constant 2 : i32
        %add3A_145 = arith.addi %add3A_122, %add3A_144 : i32
        %lt3A_146 = arith.constant 78 : i32
        %lt3A_147 = arith.cmpi slt, %add3A_145, %lt3A_146 : i32
        %convert_element_type3A_148 = arith.extui %lt3A_147 : i1 to i32
        %cond3A_149 = arith.constant 0 : i32
        %cond3A_150 = arith.cmpi ne, %convert_element_type3A_148, %cond3A_149 : i32
        scf.if %cond3A_150 {
          %dma_wait3A_161 = arith.constant 0 : i32
          %dma_wait3A_162 = tpu.memref_slice %arg4[%dma_wait3A_161] : memref<160000xi32, #tpu.memory_space<hbm>> -> memref<128xi32, #tpu.memory_space<hbm>>
          %dma_wait3A_163 = arith.constant 0 : i32
          %dma_wait3A_164 = tpu.memref_slice %arg4[%dma_wait3A_163] : memref<160000xi32, #tpu.memory_space<hbm>> -> memref<128xi32, #tpu.memory_space<hbm>>
          tpu.wait_dma2 semaphore(%arg24 : memref<!tpu.dma_semaphore, #tpu.memory_space<semaphore_mem>>) src(%dma_wait3A_164 : memref<128xi32, #tpu.memory_space<hbm>>) dst(%arg9 : memref<128xi32, #tpu.memory_space<vmem>>)
          %dma_wait3A_165 = arith.constant 0 : i32
          %dma_wait3A_166 = tpu.memref_slice %arg5[%dma_wait3A_165] : memref<160000xi32, #tpu.memory_space<hbm>> -> memref<128xi32, #tpu.memory_space<hbm>>
          %dma_wait3A_167 = arith.constant 0 : i32
          %dma_wait3A_168 = tpu.memref_slice %arg5[%dma_wait3A_167] : memref<160000xi32, #tpu.memory_space<hbm>> -> memref<128xi32, #tpu.memory_space<hbm>>
          tpu.wait_dma2 semaphore(%arg24 : memref<!tpu.dma_semaphore, #tpu.memory_space<semaphore_mem>>) src(%dma_wait3A_168 : memref<128xi32, #tpu.memory_space<hbm>>) dst(%arg13 : memref<128xi32, #tpu.memory_space<vmem>>)
          %dma_start3A_169 = arith.constant 0 : i32
          %dma_start3A_170 = arith.constant 0 : i32
          %dma_start3A_171 = tpu.memref_slice %arg2[%dma_start3A_169, %dma_start3A_170] : memref<10000x128xf32, #tpu.memory_space<hbm>> -> memref<10000x128xf32, #tpu.memory_space<hbm>>
          tpu.enqueue_indirect_dma source(%dma_start3A_171 : memref<10000x128xf32, #tpu.memory_space<hbm>>) target(%arg17 : memref<128x128xf32, #tpu.memory_space<vmem>>) offsets(%arg9 : memref<128xi32, #tpu.memory_space<vmem>>) semaphore(%arg22 : memref<!tpu.dma_semaphore, #tpu.memory_space<semaphore_mem>>)
        } else {
        }
        %dma_wait3A_151 = arith.constant 0 : i32
        %dma_wait3A_152 = arith.constant 0 : i32
        %dma_wait3A_153 = tpu.memref_slice %arg2[%dma_wait3A_151, %dma_wait3A_152] : memref<10000x128xf32, #tpu.memory_space<hbm>> -> memref<10000x128xf32, #tpu.memory_space<hbm>>
        tpu.wait_indirect_dma semaphore(%arg23 : memref<!tpu.dma_semaphore, #tpu.memory_space<semaphore_mem>>) src(%dma_wait3A_153 : memref<10000x128xf32, #tpu.memory_space<hbm>>) dst(%arg18 : memref<128x128xf32, #tpu.memory_space<vmem>>)
        "tpu.region"() ({
          %run_scoped3A = tpu.sem_alloc : memref<!tpu.dma_semaphore, #tpu.memory_space<semaphore_mem>>
          %dma_start3A_161 = arith.constant 0 : i32
          %dma_start3A_162 = arith.constant 0 : i32
          %dma_start3A_163 = tpu.memref_slice %arg8[%dma_start3A_161, %dma_start3A_162] : memref<10000x128xf32, #tpu.memory_space<vmem_shared>> -> memref<10000x128xf32, #tpu.memory_space<vmem_shared>>
          tpu.enqueue_indirect_dma source(%arg18 : memref<128x128xf32, #tpu.memory_space<vmem>>) target(%dma_start3A_163 : memref<10000x128xf32, #tpu.memory_space<vmem_shared>>) offsets(%arg16 : memref<128xi32, #tpu.memory_space<vmem>>) semaphore(%run_scoped3A : memref<!tpu.dma_semaphore, #tpu.memory_space<semaphore_mem>>) {add = true}
          %dma_wait3A_164 = arith.constant 0 : i32
          %dma_wait3A_165 = arith.constant 0 : i32
          %dma_wait3A_166 = tpu.memref_slice %arg8[%dma_wait3A_164, %dma_wait3A_165] : memref<10000x128xf32, #tpu.memory_space<vmem_shared>> -> memref<10000x128xf32, #tpu.memory_space<vmem_shared>>
          tpu.wait_indirect_dma semaphore(%run_scoped3A : memref<!tpu.dma_semaphore, #tpu.memory_space<semaphore_mem>>) src(%arg18 : memref<128x128xf32, #tpu.memory_space<vmem>>) dst(%dma_wait3A_166 : memref<10000x128xf32, #tpu.memory_space<vmem_shared>>)
          tpu.yield
        }) : () -> ()
        %add3A_154 = arith.constant 3 : i32
        %add3A_155 = arith.addi %add3A_122, %add3A_154 : i32
        %lt3A_156 = arith.constant 78 : i32
        %lt3A_157 = arith.cmpi slt, %add3A_155, %lt3A_156 : i32
        %convert_element_type3A_158 = arith.extui %lt3A_157 : i1 to i32
        %cond3A_159 = arith.constant 0 : i32
        %cond3A_160 = arith.cmpi ne, %convert_element_type3A_158, %cond3A_159 : i32
        scf.if %cond3A_160 {
          %add3A_161 = arith.constant 3 : i32
          %add3A_162 = arith.addi %add3A_122, %add3A_161 : i32
          %mul3A_163 = arith.constant 128 : i32
          %mul3A_164 = arith.muli %add3A_162, %mul3A_163 : i32
          %add3A_165 = arith.addi %mul3A_0, %mul3A_164 : i32
          %multiple_of3A_166 = tpu.assume_multiple %add3A_165, 8 : i32
          %dma_start3A_167 = tpu.memref_slice %arg4[%multiple_of3A_166] : memref<160000xi32, #tpu.memory_space<hbm>> -> memref<128xi32, #tpu.memory_space<hbm>>
          %dma_start3A_168 = tpu.memref_slice %arg4[%multiple_of3A_166] : memref<160000xi32, #tpu.memory_space<hbm>> -> memref<128xi32, #tpu.memory_space<hbm>>
          tpu.enqueue_dma source(%dma_start3A_168 : memref<128xi32, #tpu.memory_space<hbm>>) target(%arg10 : memref<128xi32, #tpu.memory_space<vmem>>) target_semaphore(%arg25 : memref<!tpu.dma_semaphore, #tpu.memory_space<semaphore_mem>>)
          %dma_start3A_169 = tpu.memref_slice %arg5[%multiple_of3A_166] : memref<160000xi32, #tpu.memory_space<hbm>> -> memref<128xi32, #tpu.memory_space<hbm>>
          %dma_start3A_170 = tpu.memref_slice %arg5[%multiple_of3A_166] : memref<160000xi32, #tpu.memory_space<hbm>> -> memref<128xi32, #tpu.memory_space<hbm>>
          tpu.enqueue_dma source(%dma_start3A_170 : memref<128xi32, #tpu.memory_space<hbm>>) target(%arg14 : memref<128xi32, #tpu.memory_space<vmem>>) target_semaphore(%arg25 : memref<!tpu.dma_semaphore, #tpu.memory_space<semaphore_mem>>)
        } else {
        }
      }
      %scan3A_42 = arith.constant 19 : i32
      %dma_wait3A_43 = arith.constant 0 : i32
      %dma_wait3A_44 = tpu.memref_slice %arg4[%dma_wait3A_43] : memref<160000xi32, #tpu.memory_space<hbm>> -> memref<128xi32, #tpu.memory_space<hbm>>
      %dma_wait3A_45 = arith.constant 0 : i32
      %dma_wait3A_46 = tpu.memref_slice %arg4[%dma_wait3A_45] : memref<160000xi32, #tpu.memory_space<hbm>> -> memref<128xi32, #tpu.memory_space<hbm>>
      tpu.wait_dma2 semaphore(%arg25 : memref<!tpu.dma_semaphore, #tpu.memory_space<semaphore_mem>>) src(%dma_wait3A_46 : memref<128xi32, #tpu.memory_space<hbm>>) dst(%arg10 : memref<128xi32, #tpu.memory_space<vmem>>)
      %dma_wait3A_47 = arith.constant 0 : i32
      %dma_wait3A_48 = tpu.memref_slice %arg5[%dma_wait3A_47] : memref<160000xi32, #tpu.memory_space<hbm>> -> memref<128xi32, #tpu.memory_space<hbm>>
      %dma_wait3A_49 = arith.constant 0 : i32
      %dma_wait3A_50 = tpu.memref_slice %arg5[%dma_wait3A_49] : memref<160000xi32, #tpu.memory_space<hbm>> -> memref<128xi32, #tpu.memory_space<hbm>>
      tpu.wait_dma2 semaphore(%arg25 : memref<!tpu.dma_semaphore, #tpu.memory_space<semaphore_mem>>) src(%dma_wait3A_50 : memref<128xi32, #tpu.memory_space<hbm>>) dst(%arg14 : memref<128xi32, #tpu.memory_space<vmem>>)
      %dma_start3A_51 = arith.constant 0 : i32
      %dma_start3A_52 = arith.constant 0 : i32
      %dma_start3A_53 = tpu.memref_slice %arg2[%dma_start3A_51, %dma_start3A_52] : memref<10000x128xf32, #tpu.memory_space<hbm>> -> memref<10000x128xf32, #tpu.memory_space<hbm>>
      tpu.enqueue_indirect_dma source(%dma_start3A_53 : memref<10000x128xf32, #tpu.memory_space<hbm>>) target(%arg18 : memref<128x128xf32, #tpu.memory_space<vmem>>) offsets(%arg10 : memref<128xi32, #tpu.memory_space<vmem>>) semaphore(%arg23 : memref<!tpu.dma_semaphore, #tpu.memory_space<semaphore_mem>>)
      %dma_wait3A_54 = arith.constant 0 : i32
      %dma_wait3A_55 = arith.constant 0 : i32
      %dma_wait3A_56 = tpu.memref_slice %arg2[%dma_wait3A_54, %dma_wait3A_55] : memref<10000x128xf32, #tpu.memory_space<hbm>> -> memref<10000x128xf32, #tpu.memory_space<hbm>>
      tpu.wait_indirect_dma semaphore(%arg22 : memref<!tpu.dma_semaphore, #tpu.memory_space<semaphore_mem>>) src(%dma_wait3A_56 : memref<10000x128xf32, #tpu.memory_space<hbm>>) dst(%arg17 : memref<128x128xf32, #tpu.memory_space<vmem>>)
      "tpu.region"() ({
        %run_scoped3A = tpu.sem_alloc : memref<!tpu.dma_semaphore, #tpu.memory_space<semaphore_mem>>
        %dma_start3A_80 = arith.constant 0 : i32
        %dma_start3A_81 = arith.constant 0 : i32
        %dma_start3A_82 = tpu.memref_slice %arg8[%dma_start3A_80, %dma_start3A_81] : memref<10000x128xf32, #tpu.memory_space<vmem_shared>> -> memref<10000x128xf32, #tpu.memory_space<vmem_shared>>
        tpu.enqueue_indirect_dma source(%arg17 : memref<128x128xf32, #tpu.memory_space<vmem>>) target(%dma_start3A_82 : memref<10000x128xf32, #tpu.memory_space<vmem_shared>>) offsets(%arg13 : memref<128xi32, #tpu.memory_space<vmem>>) semaphore(%run_scoped3A : memref<!tpu.dma_semaphore, #tpu.memory_space<semaphore_mem>>) {add = true}
        %dma_wait3A_83 = arith.constant 0 : i32
        %dma_wait3A_84 = arith.constant 0 : i32
        %dma_wait3A_85 = tpu.memref_slice %arg8[%dma_wait3A_83, %dma_wait3A_84] : memref<10000x128xf32, #tpu.memory_space<vmem_shared>> -> memref<10000x128xf32, #tpu.memory_space<vmem_shared>>
        tpu.wait_indirect_dma semaphore(%run_scoped3A : memref<!tpu.dma_semaphore, #tpu.memory_space<semaphore_mem>>) src(%arg17 : memref<128x128xf32, #tpu.memory_space<vmem>>) dst(%dma_wait3A_85 : memref<10000x128xf32, #tpu.memory_space<vmem_shared>>)
        tpu.yield
      }) : () -> ()
      %dma_wait3A_57 = arith.constant 0 : i32
      %dma_wait3A_58 = arith.constant 0 : i32
      %dma_wait3A_59 = tpu.memref_slice %arg2[%dma_wait3A_57, %dma_wait3A_58] : memref<10000x128xf32, #tpu.memory_space<hbm>> -> memref<10000x128xf32, #tpu.memory_space<hbm>>
      tpu.wait_indirect_dma semaphore(%arg23 : memref<!tpu.dma_semaphore, #tpu.memory_space<semaphore_mem>>) src(%dma_wait3A_59 : memref<10000x128xf32, #tpu.memory_space<hbm>>) dst(%arg18 : memref<128x128xf32, #tpu.memory_space<vmem>>)
      "tpu.region"() ({
        %run_scoped3A = tpu.sem_alloc : memref<!tpu.dma_semaphore, #tpu.memory_space<semaphore_mem>>
        %dma_start3A_80 = arith.constant 0 : i32
        %dma_start3A_81 = arith.constant 0 : i32
        %dma_start3A_82 = tpu.memref_slice %arg8[%dma_start3A_80, %dma_start3A_81] : memref<10000x128xf32, #tpu.memory_space<vmem_shared>> -> memref<10000x128xf32, #tpu.memory_space<vmem_shared>>
        tpu.enqueue_indirect_dma source(%arg18 : memref<128x128xf32, #tpu.memory_space<vmem>>) target(%dma_start3A_82 : memref<10000x128xf32, #tpu.memory_space<vmem_shared>>) offsets(%arg14 : memref<128xi32, #tpu.memory_space<vmem>>) semaphore(%run_scoped3A : memref<!tpu.dma_semaphore, #tpu.memory_space<semaphore_mem>>) {add = true}
        %dma_wait3A_83 = arith.constant 0 : i32
        %dma_wait3A_84 = arith.constant 0 : i32
        %dma_wait3A_85 = tpu.memref_slice %arg8[%dma_wait3A_83, %dma_wait3A_84] : memref<10000x128xf32, #tpu.memory_space<vmem_shared>> -> memref<10000x128xf32, #tpu.memory_space<vmem_shared>>
        tpu.wait_indirect_dma semaphore(%run_scoped3A : memref<!tpu.dma_semaphore, #tpu.memory_space<semaphore_mem>>) src(%arg18 : memref<128x128xf32, #tpu.memory_space<vmem>>) dst(%dma_wait3A_85 : memref<10000x128xf32, #tpu.memory_space<vmem_shared>>)
        tpu.yield
      }) : () -> ()
      %add3A_60 = arith.constant 9984 : i32
      %add3A_61 = arith.addi %mul3A_0, %add3A_60 : i32
      %multiple_of3A_62 = tpu.assume_multiple %add3A_61, 8 : i32
      "tpu.region"() ({
        %run_scoped3A = tpu.sem_alloc : memref<!tpu.dma_semaphore, #tpu.memory_space<semaphore_mem>>
        %dma_start3A_80 = tpu.memref_slice %arg4[%multiple_of3A_62] : memref<160000xi32, #tpu.memory_space<hbm>> -> memref<16xi32, #tpu.memory_space<hbm>>
        %dma_start3A_81 = tpu.memref_slice %arg4[%multiple_of3A_62] : memref<160000xi32, #tpu.memory_space<hbm>> -> memref<16xi32, #tpu.memory_space<hbm>>
        tpu.enqueue_dma source(%dma_start3A_81 : memref<16xi32, #tpu.memory_space<hbm>>) target(%arg19 : memref<16xi32, #tpu.memory_space<vmem>>) target_semaphore(%run_scoped3A : memref<!tpu.dma_semaphore, #tpu.memory_space<semaphore_mem>>)
        %dma_wait3A_82 = tpu.memref_slice %arg4[%multiple_of3A_62] : memref<160000xi32, #tpu.memory_space<hbm>> -> memref<16xi32, #tpu.memory_space<hbm>>
        %dma_wait3A_83 = tpu.memref_slice %arg4[%multiple_of3A_62] : memref<160000xi32, #tpu.memory_space<hbm>> -> memref<16xi32, #tpu.memory_space<hbm>>
        tpu.wait_dma2 semaphore(%run_scoped3A : memref<!tpu.dma_semaphore, #tpu.memory_space<semaphore_mem>>) src(%dma_wait3A_83 : memref<16xi32, #tpu.memory_space<hbm>>) dst(%arg19 : memref<16xi32, #tpu.memory_space<vmem>>)
        tpu.yield
      }) : () -> ()
      "tpu.region"() ({
        %run_scoped3A = tpu.sem_alloc : memref<!tpu.dma_semaphore, #tpu.memory_space<semaphore_mem>>
        %dma_start3A_80 = tpu.memref_slice %arg5[%multiple_of3A_62] : memref<160000xi32, #tpu.memory_space<hbm>> -> memref<16xi32, #tpu.memory_space<hbm>>
        %dma_start3A_81 = tpu.memref_slice %arg5[%multiple_of3A_62] : memref<160000xi32, #tpu.memory_space<hbm>> -> memref<16xi32, #tpu.memory_space<hbm>>
        tpu.enqueue_dma source(%dma_start3A_81 : memref<16xi32, #tpu.memory_space<hbm>>) target(%arg20 : memref<16xi32, #tpu.memory_space<vmem>>) target_semaphore(%run_scoped3A : memref<!tpu.dma_semaphore, #tpu.memory_space<semaphore_mem>>)
        %dma_wait3A_82 = tpu.memref_slice %arg5[%multiple_of3A_62] : memref<160000xi32, #tpu.memory_space<hbm>> -> memref<16xi32, #tpu.memory_space<hbm>>
        %dma_wait3A_83 = tpu.memref_slice %arg5[%multiple_of3A_62] : memref<160000xi32, #tpu.memory_space<hbm>> -> memref<16xi32, #tpu.memory_space<hbm>>
        tpu.wait_dma2 semaphore(%run_scoped3A : memref<!tpu.dma_semaphore, #tpu.memory_space<semaphore_mem>>) src(%dma_wait3A_83 : memref<16xi32, #tpu.memory_space<hbm>>) dst(%arg20 : memref<16xi32, #tpu.memory_space<vmem>>)
        tpu.yield
      }) : () -> ()
      %dma_start3A_63 = arith.constant 0 : i32
      %dma_start3A_64 = arith.constant 0 : i32
      %dma_start3A_65 = tpu.memref_slice %arg2[%dma_start3A_63, %dma_start3A_64] : memref<10000x128xf32, #tpu.memory_space<hbm>> -> memref<10000x128xf32, #tpu.memory_space<hbm>>
      tpu.enqueue_indirect_dma source(%dma_start3A_65 : memref<10000x128xf32, #tpu.memory_space<hbm>>) target(%arg21 : memref<16x128xf32, #tpu.memory_space<vmem>>) offsets(%arg19 : memref<16xi32, #tpu.memory_space<vmem>>) semaphore(%arg22 : memref<!tpu.dma_semaphore, #tpu.memory_space<semaphore_mem>>)
      %dma_wait3A_66 = arith.constant 0 : i32
      %dma_wait3A_67 = arith.constant 0 : i32
      %dma_wait3A_68 = tpu.memref_slice %arg2[%dma_wait3A_66, %dma_wait3A_67] : memref<10000x128xf32, #tpu.memory_space<hbm>> -> memref<10000x128xf32, #tpu.memory_space<hbm>>
      tpu.wait_indirect_dma semaphore(%arg22 : memref<!tpu.dma_semaphore, #tpu.memory_space<semaphore_mem>>) src(%dma_wait3A_68 : memref<10000x128xf32, #tpu.memory_space<hbm>>) dst(%arg21 : memref<16x128xf32, #tpu.memory_space<vmem>>)
      "tpu.region"() ({
        %run_scoped3A = tpu.sem_alloc : memref<!tpu.dma_semaphore, #tpu.memory_space<semaphore_mem>>
        %dma_start3A_80 = arith.constant 0 : i32
        %dma_start3A_81 = arith.constant 0 : i32
        %dma_start3A_82 = tpu.memref_slice %arg8[%dma_start3A_80, %dma_start3A_81] : memref<10000x128xf32, #tpu.memory_space<vmem_shared>> -> memref<10000x128xf32, #tpu.memory_space<vmem_shared>>
        tpu.enqueue_indirect_dma source(%arg21 : memref<16x128xf32, #tpu.memory_space<vmem>>) target(%dma_start3A_82 : memref<10000x128xf32, #tpu.memory_space<vmem_shared>>) offsets(%arg20 : memref<16xi32, #tpu.memory_space<vmem>>) semaphore(%run_scoped3A : memref<!tpu.dma_semaphore, #tpu.memory_space<semaphore_mem>>) {add = true}
        %dma_wait3A_83 = arith.constant 0 : i32
        %dma_wait3A_84 = arith.constant 0 : i32
        %dma_wait3A_85 = tpu.memref_slice %arg8[%dma_wait3A_83, %dma_wait3A_84] : memref<10000x128xf32, #tpu.memory_space<vmem_shared>> -> memref<10000x128xf32, #tpu.memory_space<vmem_shared>>
        tpu.wait_indirect_dma semaphore(%run_scoped3A : memref<!tpu.dma_semaphore, #tpu.memory_space<semaphore_mem>>) src(%arg21 : memref<16x128xf32, #tpu.memory_space<vmem>>) dst(%dma_wait3A_85 : memref<10000x128xf32, #tpu.memory_space<vmem_shared>>)
        tpu.yield
      }) : () -> ()
      %barrier3A_69 = arith.constant 0 : index
      tpu.barrier barrier_id(%barrier3A_69)
      %lt3A_70 = arith.constant 15 : i32
      %lt3A_71 = arith.cmpi slt, %arg1, %lt3A_70 : i32
      %convert_element_type3A_72 = arith.extui %lt3A_71 : i1 to i32
      %cond3A_73 = arith.constant 0 : i32
      %cond3A_74 = arith.cmpi ne, %convert_element_type3A_72, %cond3A_73 : i32
      scf.if %cond3A_74 {
        %mul3A_80 = arith.constant 624 : i32
        %mul3A_81 = arith.muli %arg1, %mul3A_80 : i32
        %multiple_of3A_82 = tpu.assume_multiple %mul3A_81, 8 : i32
        "tpu.region"() ({
          %run_scoped3A = tpu.sem_alloc : memref<!tpu.dma_semaphore, #tpu.memory_space<semaphore_mem>>
          %dma_start3A_83 = arith.constant 0 : i32
          %dma_start3A_84 = tpu.memref_slice %arg6[%multiple_of3A_82, %dma_start3A_83] : memref<10000x128xf32, #tpu.memory_space<hbm>> -> memref<624x128xf32, #tpu.memory_space<hbm>>
          %dma_start3A_85 = arith.constant 0 : i32
          %dma_start3A_86 = tpu.memref_slice %arg8[%multiple_of3A_82, %dma_start3A_85] : memref<10000x128xf32, #tpu.memory_space<vmem_shared>> -> memref<624x128xf32, #tpu.memory_space<vmem_shared>>
          tpu.enqueue_dma source(%dma_start3A_86 : memref<624x128xf32, #tpu.memory_space<vmem_shared>>) target(%dma_start3A_84 : memref<624x128xf32, #tpu.memory_space<hbm>>) target_semaphore(%run_scoped3A : memref<!tpu.dma_semaphore, #tpu.memory_space<semaphore_mem>>)
          %dma_wait3A_87 = arith.constant 0 : i32
          %dma_wait3A_88 = tpu.memref_slice %arg6[%multiple_of3A_82, %dma_wait3A_87] : memref<10000x128xf32, #tpu.memory_space<hbm>> -> memref<624x128xf32, #tpu.memory_space<hbm>>
          %dma_wait3A_89 = arith.constant 0 : i32
          %dma_wait3A_90 = tpu.memref_slice %arg8[%multiple_of3A_82, %dma_wait3A_89] : memref<10000x128xf32, #tpu.memory_space<vmem_shared>> -> memref<624x128xf32, #tpu.memory_space<vmem_shared>>
          tpu.wait_dma2 semaphore(%run_scoped3A : memref<!tpu.dma_semaphore, #tpu.memory_space<semaphore_mem>>) src(%dma_wait3A_90 : memref<624x128xf32, #tpu.memory_space<vmem_shared>>) dst(%dma_wait3A_88 : memref<624x128xf32, #tpu.memory_space<hbm>>)
          tpu.yield
        }) : () -> ()
      } else {
      }
      %eq3A_75 = arith.constant 15 : i32
      %eq3A_76 = arith.cmpi eq, %arg1, %eq3A_75 : i32
      %convert_element_type3A_77 = arith.extui %eq3A_76 : i1 to i32
      %cond3A_78 = arith.constant 0 : i32
      %cond3A_79 = arith.cmpi ne, %convert_element_type3A_77, %cond3A_78 : i32
      scf.if %cond3A_79 {
        "tpu.region"() ({
          %run_scoped3A = tpu.sem_alloc : memref<!tpu.dma_semaphore, #tpu.memory_space<semaphore_mem>>
          %dma_start3A_80 = arith.constant 9360 : i32
          %dma_start3A_81 = arith.constant 0 : i32
          %dma_start3A_82 = tpu.memref_slice %arg6[%dma_start3A_80, %dma_start3A_81] : memref<10000x128xf32, #tpu.memory_space<hbm>> -> memref<640x128xf32, #tpu.memory_space<hbm>>
          %dma_start3A_83 = arith.constant 9360 : i32
          %dma_start3A_84 = arith.constant 0 : i32
          %dma_start3A_85 = tpu.memref_slice %arg8[%dma_start3A_83, %dma_start3A_84] : memref<10000x128xf32, #tpu.memory_space<vmem_shared>> -> memref<640x128xf32, #tpu.memory_space<vmem_shared>>
          tpu.enqueue_dma source(%dma_start3A_85 : memref<640x128xf32, #tpu.memory_space<vmem_shared>>) target(%dma_start3A_82 : memref<640x128xf32, #tpu.memory_space<hbm>>) target_semaphore(%run_scoped3A : memref<!tpu.dma_semaphore, #tpu.memory_space<semaphore_mem>>)
          %dma_wait3A_86 = arith.constant 9360 : i32
          %dma_wait3A_87 = arith.constant 0 : i32
          %dma_wait3A_88 = tpu.memref_slice %arg6[%dma_wait3A_86, %dma_wait3A_87] : memref<10000x128xf32, #tpu.memory_space<hbm>> -> memref<640x128xf32, #tpu.memory_space<hbm>>
          %dma_wait3A_89 = arith.constant 9360 : i32
          %dma_wait3A_90 = arith.constant 0 : i32
          %dma_wait3A_91 = tpu.memref_slice %arg8[%dma_wait3A_89, %dma_wait3A_90] : memref<10000x128xf32, #tpu.memory_space<vmem_shared>> -> memref<640x128xf32, #tpu.memory_space<vmem_shared>>
          tpu.wait_dma2 semaphore(%run_scoped3A : memref<!tpu.dma_semaphore, #tpu.memory_space<semaphore_mem>>) src(%dma_wait3A_91 : memref<640x128xf32, #tpu.memory_space<vmem_shared>>) dst(%dma_wait3A_88 : memref<640x128xf32, #tpu.memory_space<hbm>>)
          tpu.yield
        }) : () -> ()
      } else {
      }
    } else {
    }
    %eq3A_3 = arith.constant 1 : i32
    %eq3A_4 = arith.cmpi eq, %arg0, %eq3A_3 : i32
    %convert_element_type3A_5 = arith.extui %eq3A_4 : i1 to i32
    %cond3A_6 = arith.constant 0 : i32
    %cond3A_7 = arith.cmpi ne, %convert_element_type3A_5, %cond3A_6 : i32
    scf.if %cond3A_7 {
      %add3A = arith.constant 0 : i32
      %add3A_8 = arith.addi %mul3A_0, %add3A : i32
      %multiple_of3A = tpu.assume_multiple %add3A_8, 8 : i32
      %dma_start3A = tpu.memref_slice %arg4[%multiple_of3A] : memref<160000xi32, #tpu.memory_space<hbm>> -> memref<128xi32, #tpu.memory_space<hbm>>
      %dma_start3A_9 = tpu.memref_slice %arg4[%multiple_of3A] : memref<160000xi32, #tpu.memory_space<hbm>> -> memref<128xi32, #tpu.memory_space<hbm>>
      tpu.enqueue_dma source(%dma_start3A_9 : memref<128xi32, #tpu.memory_space<hbm>>) target(%arg9 : memref<128xi32, #tpu.memory_space<vmem>>) target_semaphore(%arg24 : memref<!tpu.dma_semaphore, #tpu.memory_space<semaphore_mem>>)
      %dma_start3A_10 = tpu.memref_slice %arg5[%multiple_of3A] : memref<160000xi32, #tpu.memory_space<hbm>> -> memref<128xi32, #tpu.memory_space<hbm>>
      %dma_start3A_11 = tpu.memref_slice %arg5[%multiple_of3A] : memref<160000xi32, #tpu.memory_space<hbm>> -> memref<128xi32, #tpu.memory_space<hbm>>
      tpu.enqueue_dma source(%dma_start3A_11 : memref<128xi32, #tpu.memory_space<hbm>>) target(%arg13 : memref<128xi32, #tpu.memory_space<vmem>>) target_semaphore(%arg24 : memref<!tpu.dma_semaphore, #tpu.memory_space<semaphore_mem>>)
      %add3A_12 = arith.constant 128 : i32
      %add3A_13 = arith.addi %mul3A_0, %add3A_12 : i32
      %multiple_of3A_14 = tpu.assume_multiple %add3A_13, 8 : i32
      %dma_start3A_15 = tpu.memref_slice %arg4[%multiple_of3A_14] : memref<160000xi32, #tpu.memory_space<hbm>> -> memref<128xi32, #tpu.memory_space<hbm>>
      %dma_start3A_16 = tpu.memref_slice %arg4[%multiple_of3A_14] : memref<160000xi32, #tpu.memory_space<hbm>> -> memref<128xi32, #tpu.memory_space<hbm>>
      tpu.enqueue_dma source(%dma_start3A_16 : memref<128xi32, #tpu.memory_space<hbm>>) target(%arg10 : memref<128xi32, #tpu.memory_space<vmem>>) target_semaphore(%arg25 : memref<!tpu.dma_semaphore, #tpu.memory_space<semaphore_mem>>)
      %dma_start3A_17 = tpu.memref_slice %arg5[%multiple_of3A_14] : memref<160000xi32, #tpu.memory_space<hbm>> -> memref<128xi32, #tpu.memory_space<hbm>>
      %dma_start3A_18 = tpu.memref_slice %arg5[%multiple_of3A_14] : memref<160000xi32, #tpu.memory_space<hbm>> -> memref<128xi32, #tpu.memory_space<hbm>>
      tpu.enqueue_dma source(%dma_start3A_18 : memref<128xi32, #tpu.memory_space<hbm>>) target(%arg14 : memref<128xi32, #tpu.memory_space<vmem>>) target_semaphore(%arg25 : memref<!tpu.dma_semaphore, #tpu.memory_space<semaphore_mem>>)
      %lt3A = arith.constant 15 : i32
      %lt3A_19 = arith.cmpi slt, %arg1, %lt3A : i32
      %convert_element_type3A_20 = arith.extui %lt3A_19 : i1 to i32
      %cond3A_21 = arith.constant 0 : i32
      %cond3A_22 = arith.cmpi ne, %convert_element_type3A_20, %cond3A_21 : i32
      scf.if %cond3A_22 {
        %mul3A_80 = arith.constant 624 : i32
        %mul3A_81 = arith.muli %arg1, %mul3A_80 : i32
        %multiple_of3A_82 = tpu.assume_multiple %mul3A_81, 8 : i32
        "tpu.region"() ({
          %run_scoped3A = tpu.sem_alloc : memref<!tpu.dma_semaphore, #tpu.memory_space<semaphore_mem>>
          %dma_start3A_83 = arith.constant 0 : i32
          %dma_start3A_84 = tpu.memref_slice %arg8[%multiple_of3A_82, %dma_start3A_83] : memref<10000x128xf32, #tpu.memory_space<vmem_shared>> -> memref<624x128xf32, #tpu.memory_space<vmem_shared>>
          %dma_start3A_85 = arith.constant 0 : i32
          %dma_start3A_86 = tpu.memref_slice %arg3[%multiple_of3A_82, %dma_start3A_85] : memref<10000x128xf32, #tpu.memory_space<hbm>> -> memref<624x128xf32, #tpu.memory_space<hbm>>
          tpu.enqueue_dma source(%dma_start3A_86 : memref<624x128xf32, #tpu.memory_space<hbm>>) target(%dma_start3A_84 : memref<624x128xf32, #tpu.memory_space<vmem_shared>>) target_semaphore(%run_scoped3A : memref<!tpu.dma_semaphore, #tpu.memory_space<semaphore_mem>>)
          %dma_wait3A_87 = arith.constant 0 : i32
          %dma_wait3A_88 = tpu.memref_slice %arg8[%multiple_of3A_82, %dma_wait3A_87] : memref<10000x128xf32, #tpu.memory_space<vmem_shared>> -> memref<624x128xf32, #tpu.memory_space<vmem_shared>>
          %dma_wait3A_89 = arith.constant 0 : i32
          %dma_wait3A_90 = tpu.memref_slice %arg3[%multiple_of3A_82, %dma_wait3A_89] : memref<10000x128xf32, #tpu.memory_space<hbm>> -> memref<624x128xf32, #tpu.memory_space<hbm>>
          tpu.wait_dma2 semaphore(%run_scoped3A : memref<!tpu.dma_semaphore, #tpu.memory_space<semaphore_mem>>) src(%dma_wait3A_90 : memref<624x128xf32, #tpu.memory_space<hbm>>) dst(%dma_wait3A_88 : memref<624x128xf32, #tpu.memory_space<vmem_shared>>)
          tpu.yield
        }) : () -> ()
      } else {
      }
      %eq3A_23 = arith.constant 15 : i32
      %eq3A_24 = arith.cmpi eq, %arg1, %eq3A_23 : i32
      %convert_element_type3A_25 = arith.extui %eq3A_24 : i1 to i32
      %cond3A_26 = arith.constant 0 : i32
      %cond3A_27 = arith.cmpi ne, %convert_element_type3A_25, %cond3A_26 : i32
      scf.if %cond3A_27 {
        "tpu.region"() ({
          %run_scoped3A = tpu.sem_alloc : memref<!tpu.dma_semaphore, #tpu.memory_space<semaphore_mem>>
          %dma_start3A_80 = arith.constant 9360 : i32
          %dma_start3A_81 = arith.constant 0 : i32
          %dma_start3A_82 = tpu.memref_slice %arg8[%dma_start3A_80, %dma_start3A_81] : memref<10000x128xf32, #tpu.memory_space<vmem_shared>> -> memref<640x128xf32, #tpu.memory_space<vmem_shared>>
          %dma_start3A_83 = arith.constant 9360 : i32
          %dma_start3A_84 = arith.constant 0 : i32
          %dma_start3A_85 = tpu.memref_slice %arg3[%dma_start3A_83, %dma_start3A_84] : memref<10000x128xf32, #tpu.memory_space<hbm>> -> memref<640x128xf32, #tpu.memory_space<hbm>>
          tpu.enqueue_dma source(%dma_start3A_85 : memref<640x128xf32, #tpu.memory_space<hbm>>) target(%dma_start3A_82 : memref<640x128xf32, #tpu.memory_space<vmem_shared>>) target_semaphore(%run_scoped3A : memref<!tpu.dma_semaphore, #tpu.memory_space<semaphore_mem>>)
          %dma_wait3A_86 = arith.constant 9360 : i32
          %dma_wait3A_87 = arith.constant 0 : i32
          %dma_wait3A_88 = tpu.memref_slice %arg8[%dma_wait3A_86, %dma_wait3A_87] : memref<10000x128xf32, #tpu.memory_space<vmem_shared>> -> memref<640x128xf32, #tpu.memory_space<vmem_shared>>
          %dma_wait3A_89 = arith.constant 9360 : i32
          %dma_wait3A_90 = arith.constant 0 : i32
          %dma_wait3A_91 = tpu.memref_slice %arg3[%dma_wait3A_89, %dma_wait3A_90] : memref<10000x128xf32, #tpu.memory_space<hbm>> -> memref<640x128xf32, #tpu.memory_space<hbm>>
          tpu.wait_dma2 semaphore(%run_scoped3A : memref<!tpu.dma_semaphore, #tpu.memory_space<semaphore_mem>>) src(%dma_wait3A_91 : memref<640x128xf32, #tpu.memory_space<hbm>>) dst(%dma_wait3A_88 : memref<640x128xf32, #tpu.memory_space<vmem_shared>>)
          tpu.yield
        }) : () -> ()
      } else {
      }
      %barrier3A = arith.constant 0 : index
      tpu.barrier barrier_id(%barrier3A)
      %dma_wait3A = arith.constant 0 : i32
      %dma_wait3A_28 = tpu.memref_slice %arg4[%dma_wait3A] : memref<160000xi32, #tpu.memory_space<hbm>> -> memref<128xi32, #tpu.memory_space<hbm>>
      %dma_wait3A_29 = arith.constant 0 : i32
      %dma_wait3A_30 = tpu.memref_slice %arg4[%dma_wait3A_29] : memref<160000xi32, #tpu.memory_space<hbm>> -> memref<128xi32, #tpu.memory_space<hbm>>
      tpu.wait_dma2 semaphore(%arg24 : memref<!tpu.dma_semaphore, #tpu.memory_space<semaphore_mem>>) src(%dma_wait3A_30 : memref<128xi32, #tpu.memory_space<hbm>>) dst(%arg9 : memref<128xi32, #tpu.memory_space<vmem>>)
      %dma_wait3A_31 = arith.constant 0 : i32
      %dma_wait3A_32 = tpu.memref_slice %arg5[%dma_wait3A_31] : memref<160000xi32, #tpu.memory_space<hbm>> -> memref<128xi32, #tpu.memory_space<hbm>>
      %dma_wait3A_33 = arith.constant 0 : i32
      %dma_wait3A_34 = tpu.memref_slice %arg5[%dma_wait3A_33] : memref<160000xi32, #tpu.memory_space<hbm>> -> memref<128xi32, #tpu.memory_space<hbm>>
      tpu.wait_dma2 semaphore(%arg24 : memref<!tpu.dma_semaphore, #tpu.memory_space<semaphore_mem>>) src(%dma_wait3A_34 : memref<128xi32, #tpu.memory_space<hbm>>) dst(%arg13 : memref<128xi32, #tpu.memory_space<vmem>>)
      %dma_start3A_35 = arith.constant 0 : i32
      %dma_start3A_36 = arith.constant 0 : i32
      %dma_start3A_37 = tpu.memref_slice %arg3[%dma_start3A_35, %dma_start3A_36] : memref<10000x128xf32, #tpu.memory_space<hbm>> -> memref<10000x128xf32, #tpu.memory_space<hbm>>
      tpu.enqueue_indirect_dma source(%dma_start3A_37 : memref<10000x128xf32, #tpu.memory_space<hbm>>) target(%arg17 : memref<128x128xf32, #tpu.memory_space<vmem>>) offsets(%arg9 : memref<128xi32, #tpu.memory_space<vmem>>) semaphore(%arg22 : memref<!tpu.dma_semaphore, #tpu.memory_space<semaphore_mem>>)
      %scan3A = arith.constant 0 : i32
      %scan3A_38 = arith.constant 0 : i32
      %scan3A_39 = arith.constant 19 : i32
      %scan3A_40 = arith.addi %scan3A_38, %scan3A_39 : i32
      %scan3A_41 = arith.constant 1 : i32
      scf.for %scan3A_80 = %scan3A_38 to %scan3A_40 step %scan3A_41  : i32 {
        %mul3A_81 = arith.constant 4 : i32
        %mul3A_82 = arith.muli %mul3A_81, %scan3A_80 : i32
        %dma_wait3A_83 = arith.constant 0 : i32
        %dma_wait3A_84 = tpu.memref_slice %arg4[%dma_wait3A_83] : memref<160000xi32, #tpu.memory_space<hbm>> -> memref<128xi32, #tpu.memory_space<hbm>>
        %dma_wait3A_85 = arith.constant 0 : i32
        %dma_wait3A_86 = tpu.memref_slice %arg4[%dma_wait3A_85] : memref<160000xi32, #tpu.memory_space<hbm>> -> memref<128xi32, #tpu.memory_space<hbm>>
        tpu.wait_dma2 semaphore(%arg25 : memref<!tpu.dma_semaphore, #tpu.memory_space<semaphore_mem>>) src(%dma_wait3A_86 : memref<128xi32, #tpu.memory_space<hbm>>) dst(%arg10 : memref<128xi32, #tpu.memory_space<vmem>>)
        %dma_wait3A_87 = arith.constant 0 : i32
        %dma_wait3A_88 = tpu.memref_slice %arg5[%dma_wait3A_87] : memref<160000xi32, #tpu.memory_space<hbm>> -> memref<128xi32, #tpu.memory_space<hbm>>
        %dma_wait3A_89 = arith.constant 0 : i32
        %dma_wait3A_90 = tpu.memref_slice %arg5[%dma_wait3A_89] : memref<160000xi32, #tpu.memory_space<hbm>> -> memref<128xi32, #tpu.memory_space<hbm>>
        tpu.wait_dma2 semaphore(%arg25 : memref<!tpu.dma_semaphore, #tpu.memory_space<semaphore_mem>>) src(%dma_wait3A_90 : memref<128xi32, #tpu.memory_space<hbm>>) dst(%arg14 : memref<128xi32, #tpu.memory_space<vmem>>)
        %dma_start3A_91 = arith.constant 0 : i32
        %dma_start3A_92 = arith.constant 0 : i32
        %dma_start3A_93 = tpu.memref_slice %arg3[%dma_start3A_91, %dma_start3A_92] : memref<10000x128xf32, #tpu.memory_space<hbm>> -> memref<10000x128xf32, #tpu.memory_space<hbm>>
        tpu.enqueue_indirect_dma source(%dma_start3A_93 : memref<10000x128xf32, #tpu.memory_space<hbm>>) target(%arg18 : memref<128x128xf32, #tpu.memory_space<vmem>>) offsets(%arg10 : memref<128xi32, #tpu.memory_space<vmem>>) semaphore(%arg23 : memref<!tpu.dma_semaphore, #tpu.memory_space<semaphore_mem>>)
        %dma_wait3A_94 = arith.constant 0 : i32
        %dma_wait3A_95 = arith.constant 0 : i32
        %dma_wait3A_96 = tpu.memref_slice %arg3[%dma_wait3A_94, %dma_wait3A_95] : memref<10000x128xf32, #tpu.memory_space<hbm>> -> memref<10000x128xf32, #tpu.memory_space<hbm>>
        tpu.wait_indirect_dma semaphore(%arg22 : memref<!tpu.dma_semaphore, #tpu.memory_space<semaphore_mem>>) src(%dma_wait3A_96 : memref<10000x128xf32, #tpu.memory_space<hbm>>) dst(%arg17 : memref<128x128xf32, #tpu.memory_space<vmem>>)
        %add3A_97 = arith.constant 2 : i32
        %add3A_98 = arith.addi %mul3A_82, %add3A_97 : i32
        %lt3A_99 = arith.constant 78 : i32
        %lt3A_100 = arith.cmpi slt, %add3A_98, %lt3A_99 : i32
        %convert_element_type3A_101 = arith.extui %lt3A_100 : i1 to i32
        %cond3A_102 = arith.constant 0 : i32
        %cond3A_103 = arith.cmpi ne, %convert_element_type3A_101, %cond3A_102 : i32
        scf.if %cond3A_103 {
          %add3A_161 = arith.constant 2 : i32
          %add3A_162 = arith.addi %mul3A_82, %add3A_161 : i32
          %mul3A_163 = arith.constant 128 : i32
          %mul3A_164 = arith.muli %add3A_162, %mul3A_163 : i32
          %add3A_165 = arith.addi %mul3A_0, %mul3A_164 : i32
          %multiple_of3A_166 = tpu.assume_multiple %add3A_165, 8 : i32
          %dma_start3A_167 = tpu.memref_slice %arg4[%multiple_of3A_166] : memref<160000xi32, #tpu.memory_space<hbm>> -> memref<128xi32, #tpu.memory_space<hbm>>
          %dma_start3A_168 = tpu.memref_slice %arg4[%multiple_of3A_166] : memref<160000xi32, #tpu.memory_space<hbm>> -> memref<128xi32, #tpu.memory_space<hbm>>
          tpu.enqueue_dma source(%dma_start3A_168 : memref<128xi32, #tpu.memory_space<hbm>>) target(%arg11 : memref<128xi32, #tpu.memory_space<vmem>>) target_semaphore(%arg26 : memref<!tpu.dma_semaphore, #tpu.memory_space<semaphore_mem>>)
          %dma_start3A_169 = tpu.memref_slice %arg5[%multiple_of3A_166] : memref<160000xi32, #tpu.memory_space<hbm>> -> memref<128xi32, #tpu.memory_space<hbm>>
          %dma_start3A_170 = tpu.memref_slice %arg5[%multiple_of3A_166] : memref<160000xi32, #tpu.memory_space<hbm>> -> memref<128xi32, #tpu.memory_space<hbm>>
          tpu.enqueue_dma source(%dma_start3A_170 : memref<128xi32, #tpu.memory_space<hbm>>) target(%arg15 : memref<128xi32, #tpu.memory_space<vmem>>) target_semaphore(%arg26 : memref<!tpu.dma_semaphore, #tpu.memory_space<semaphore_mem>>)
        } else {
        }
        "tpu.region"() ({
          %run_scoped3A = tpu.sem_alloc : memref<!tpu.dma_semaphore, #tpu.memory_space<semaphore_mem>>
          %dma_start3A_161 = arith.constant 0 : i32
          %dma_start3A_162 = arith.constant 0 : i32
          %dma_start3A_163 = tpu.memref_slice %arg8[%dma_start3A_161, %dma_start3A_162] : memref<10000x128xf32, #tpu.memory_space<vmem_shared>> -> memref<10000x128xf32, #tpu.memory_space<vmem_shared>>
          tpu.enqueue_indirect_dma source(%arg17 : memref<128x128xf32, #tpu.memory_space<vmem>>) target(%dma_start3A_163 : memref<10000x128xf32, #tpu.memory_space<vmem_shared>>) offsets(%arg13 : memref<128xi32, #tpu.memory_space<vmem>>) semaphore(%run_scoped3A : memref<!tpu.dma_semaphore, #tpu.memory_space<semaphore_mem>>) {add = true}
          %dma_wait3A_164 = arith.constant 0 : i32
          %dma_wait3A_165 = arith.constant 0 : i32
          %dma_wait3A_166 = tpu.memref_slice %arg8[%dma_wait3A_164, %dma_wait3A_165] : memref<10000x128xf32, #tpu.memory_space<vmem_shared>> -> memref<10000x128xf32, #tpu.memory_space<vmem_shared>>
          tpu.wait_indirect_dma semaphore(%run_scoped3A : memref<!tpu.dma_semaphore, #tpu.memory_space<semaphore_mem>>) src(%arg17 : memref<128x128xf32, #tpu.memory_space<vmem>>) dst(%dma_wait3A_166 : memref<10000x128xf32, #tpu.memory_space<vmem_shared>>)
          tpu.yield
        }) : () -> ()
        %add3A_104 = arith.constant 2 : i32
        %add3A_105 = arith.addi %mul3A_82, %add3A_104 : i32
        %lt3A_106 = arith.constant 78 : i32
        %lt3A_107 = arith.cmpi slt, %add3A_105, %lt3A_106 : i32
        %convert_element_type3A_108 = arith.extui %lt3A_107 : i1 to i32
        %cond3A_109 = arith.constant 0 : i32
        %cond3A_110 = arith.cmpi ne, %convert_element_type3A_108, %cond3A_109 : i32
        scf.if %cond3A_110 {
          %dma_wait3A_161 = arith.constant 0 : i32
          %dma_wait3A_162 = tpu.memref_slice %arg4[%dma_wait3A_161] : memref<160000xi32, #tpu.memory_space<hbm>> -> memref<128xi32, #tpu.memory_space<hbm>>
          %dma_wait3A_163 = arith.constant 0 : i32
          %dma_wait3A_164 = tpu.memref_slice %arg4[%dma_wait3A_163] : memref<160000xi32, #tpu.memory_space<hbm>> -> memref<128xi32, #tpu.memory_space<hbm>>
          tpu.wait_dma2 semaphore(%arg26 : memref<!tpu.dma_semaphore, #tpu.memory_space<semaphore_mem>>) src(%dma_wait3A_164 : memref<128xi32, #tpu.memory_space<hbm>>) dst(%arg11 : memref<128xi32, #tpu.memory_space<vmem>>)
          %dma_wait3A_165 = arith.constant 0 : i32
          %dma_wait3A_166 = tpu.memref_slice %arg5[%dma_wait3A_165] : memref<160000xi32, #tpu.memory_space<hbm>> -> memref<128xi32, #tpu.memory_space<hbm>>
          %dma_wait3A_167 = arith.constant 0 : i32
          %dma_wait3A_168 = tpu.memref_slice %arg5[%dma_wait3A_167] : memref<160000xi32, #tpu.memory_space<hbm>> -> memref<128xi32, #tpu.memory_space<hbm>>
          tpu.wait_dma2 semaphore(%arg26 : memref<!tpu.dma_semaphore, #tpu.memory_space<semaphore_mem>>) src(%dma_wait3A_168 : memref<128xi32, #tpu.memory_space<hbm>>) dst(%arg15 : memref<128xi32, #tpu.memory_space<vmem>>)
          %dma_start3A_169 = arith.constant 0 : i32
          %dma_start3A_170 = arith.constant 0 : i32
          %dma_start3A_171 = tpu.memref_slice %arg3[%dma_start3A_169, %dma_start3A_170] : memref<10000x128xf32, #tpu.memory_space<hbm>> -> memref<10000x128xf32, #tpu.memory_space<hbm>>
          tpu.enqueue_indirect_dma source(%dma_start3A_171 : memref<10000x128xf32, #tpu.memory_space<hbm>>) target(%arg17 : memref<128x128xf32, #tpu.memory_space<vmem>>) offsets(%arg11 : memref<128xi32, #tpu.memory_space<vmem>>) semaphore(%arg22 : memref<!tpu.dma_semaphore, #tpu.memory_space<semaphore_mem>>)
        } else {
        }
        %dma_wait3A_111 = arith.constant 0 : i32
        %dma_wait3A_112 = arith.constant 0 : i32
        %dma_wait3A_113 = tpu.memref_slice %arg3[%dma_wait3A_111, %dma_wait3A_112] : memref<10000x128xf32, #tpu.memory_space<hbm>> -> memref<10000x128xf32, #tpu.memory_space<hbm>>
        tpu.wait_indirect_dma semaphore(%arg23 : memref<!tpu.dma_semaphore, #tpu.memory_space<semaphore_mem>>) src(%dma_wait3A_113 : memref<10000x128xf32, #tpu.memory_space<hbm>>) dst(%arg18 : memref<128x128xf32, #tpu.memory_space<vmem>>)
        "tpu.region"() ({
          %run_scoped3A = tpu.sem_alloc : memref<!tpu.dma_semaphore, #tpu.memory_space<semaphore_mem>>
          %dma_start3A_161 = arith.constant 0 : i32
          %dma_start3A_162 = arith.constant 0 : i32
          %dma_start3A_163 = tpu.memref_slice %arg8[%dma_start3A_161, %dma_start3A_162] : memref<10000x128xf32, #tpu.memory_space<vmem_shared>> -> memref<10000x128xf32, #tpu.memory_space<vmem_shared>>
          tpu.enqueue_indirect_dma source(%arg18 : memref<128x128xf32, #tpu.memory_space<vmem>>) target(%dma_start3A_163 : memref<10000x128xf32, #tpu.memory_space<vmem_shared>>) offsets(%arg14 : memref<128xi32, #tpu.memory_space<vmem>>) semaphore(%run_scoped3A : memref<!tpu.dma_semaphore, #tpu.memory_space<semaphore_mem>>) {add = true}
          %dma_wait3A_164 = arith.constant 0 : i32
          %dma_wait3A_165 = arith.constant 0 : i32
          %dma_wait3A_166 = tpu.memref_slice %arg8[%dma_wait3A_164, %dma_wait3A_165] : memref<10000x128xf32, #tpu.memory_space<vmem_shared>> -> memref<10000x128xf32, #tpu.memory_space<vmem_shared>>
          tpu.wait_indirect_dma semaphore(%run_scoped3A : memref<!tpu.dma_semaphore, #tpu.memory_space<semaphore_mem>>) src(%arg18 : memref<128x128xf32, #tpu.memory_space<vmem>>) dst(%dma_wait3A_166 : memref<10000x128xf32, #tpu.memory_space<vmem_shared>>)
          tpu.yield
        }) : () -> ()
        %add3A_114 = arith.constant 3 : i32
        %add3A_115 = arith.addi %mul3A_82, %add3A_114 : i32
        %lt3A_116 = arith.constant 78 : i32
        %lt3A_117 = arith.cmpi slt, %add3A_115, %lt3A_116 : i32
        %convert_element_type3A_118 = arith.extui %lt3A_117 : i1 to i32
        %cond3A_119 = arith.constant 0 : i32
        %cond3A_120 = arith.cmpi ne, %convert_element_type3A_118, %cond3A_119 : i32
        scf.if %cond3A_120 {
          %add3A_161 = arith.constant 3 : i32
          %add3A_162 = arith.addi %mul3A_82, %add3A_161 : i32
          %mul3A_163 = arith.constant 128 : i32
          %mul3A_164 = arith.muli %add3A_162, %mul3A_163 : i32
          %add3A_165 = arith.addi %mul3A_0, %mul3A_164 : i32
          %multiple_of3A_166 = tpu.assume_multiple %add3A_165, 8 : i32
          %dma_start3A_167 = tpu.memref_slice %arg4[%multiple_of3A_166] : memref<160000xi32, #tpu.memory_space<hbm>> -> memref<128xi32, #tpu.memory_space<hbm>>
          %dma_start3A_168 = tpu.memref_slice %arg4[%multiple_of3A_166] : memref<160000xi32, #tpu.memory_space<hbm>> -> memref<128xi32, #tpu.memory_space<hbm>>
          tpu.enqueue_dma source(%dma_start3A_168 : memref<128xi32, #tpu.memory_space<hbm>>) target(%arg12 : memref<128xi32, #tpu.memory_space<vmem>>) target_semaphore(%arg27 : memref<!tpu.dma_semaphore, #tpu.memory_space<semaphore_mem>>)
          %dma_start3A_169 = tpu.memref_slice %arg5[%multiple_of3A_166] : memref<160000xi32, #tpu.memory_space<hbm>> -> memref<128xi32, #tpu.memory_space<hbm>>
          %dma_start3A_170 = tpu.memref_slice %arg5[%multiple_of3A_166] : memref<160000xi32, #tpu.memory_space<hbm>> -> memref<128xi32, #tpu.memory_space<hbm>>
          tpu.enqueue_dma source(%dma_start3A_170 : memref<128xi32, #tpu.memory_space<hbm>>) target(%arg16 : memref<128xi32, #tpu.memory_space<vmem>>) target_semaphore(%arg27 : memref<!tpu.dma_semaphore, #tpu.memory_space<semaphore_mem>>)
        } else {
        }
        %add3A_121 = arith.constant 2 : i32
        %add3A_122 = arith.addi %mul3A_82, %add3A_121 : i32
        %dma_wait3A_123 = arith.constant 0 : i32
        %dma_wait3A_124 = tpu.memref_slice %arg4[%dma_wait3A_123] : memref<160000xi32, #tpu.memory_space<hbm>> -> memref<128xi32, #tpu.memory_space<hbm>>
        %dma_wait3A_125 = arith.constant 0 : i32
        %dma_wait3A_126 = tpu.memref_slice %arg4[%dma_wait3A_125] : memref<160000xi32, #tpu.memory_space<hbm>> -> memref<128xi32, #tpu.memory_space<hbm>>
        tpu.wait_dma2 semaphore(%arg27 : memref<!tpu.dma_semaphore, #tpu.memory_space<semaphore_mem>>) src(%dma_wait3A_126 : memref<128xi32, #tpu.memory_space<hbm>>) dst(%arg12 : memref<128xi32, #tpu.memory_space<vmem>>)
        %dma_wait3A_127 = arith.constant 0 : i32
        %dma_wait3A_128 = tpu.memref_slice %arg5[%dma_wait3A_127] : memref<160000xi32, #tpu.memory_space<hbm>> -> memref<128xi32, #tpu.memory_space<hbm>>
        %dma_wait3A_129 = arith.constant 0 : i32
        %dma_wait3A_130 = tpu.memref_slice %arg5[%dma_wait3A_129] : memref<160000xi32, #tpu.memory_space<hbm>> -> memref<128xi32, #tpu.memory_space<hbm>>
        tpu.wait_dma2 semaphore(%arg27 : memref<!tpu.dma_semaphore, #tpu.memory_space<semaphore_mem>>) src(%dma_wait3A_130 : memref<128xi32, #tpu.memory_space<hbm>>) dst(%arg16 : memref<128xi32, #tpu.memory_space<vmem>>)
        %dma_start3A_131 = arith.constant 0 : i32
        %dma_start3A_132 = arith.constant 0 : i32
        %dma_start3A_133 = tpu.memref_slice %arg3[%dma_start3A_131, %dma_start3A_132] : memref<10000x128xf32, #tpu.memory_space<hbm>> -> memref<10000x128xf32, #tpu.memory_space<hbm>>
        tpu.enqueue_indirect_dma source(%dma_start3A_133 : memref<10000x128xf32, #tpu.memory_space<hbm>>) target(%arg18 : memref<128x128xf32, #tpu.memory_space<vmem>>) offsets(%arg12 : memref<128xi32, #tpu.memory_space<vmem>>) semaphore(%arg23 : memref<!tpu.dma_semaphore, #tpu.memory_space<semaphore_mem>>)
        %dma_wait3A_134 = arith.constant 0 : i32
        %dma_wait3A_135 = arith.constant 0 : i32
        %dma_wait3A_136 = tpu.memref_slice %arg3[%dma_wait3A_134, %dma_wait3A_135] : memref<10000x128xf32, #tpu.memory_space<hbm>> -> memref<10000x128xf32, #tpu.memory_space<hbm>>
        tpu.wait_indirect_dma semaphore(%arg22 : memref<!tpu.dma_semaphore, #tpu.memory_space<semaphore_mem>>) src(%dma_wait3A_136 : memref<10000x128xf32, #tpu.memory_space<hbm>>) dst(%arg17 : memref<128x128xf32, #tpu.memory_space<vmem>>)
        %add3A_137 = arith.constant 2 : i32
        %add3A_138 = arith.addi %add3A_122, %add3A_137 : i32
        %lt3A_139 = arith.constant 78 : i32
        %lt3A_140 = arith.cmpi slt, %add3A_138, %lt3A_139 : i32
        %convert_element_type3A_141 = arith.extui %lt3A_140 : i1 to i32
        %cond3A_142 = arith.constant 0 : i32
        %cond3A_143 = arith.cmpi ne, %convert_element_type3A_141, %cond3A_142 : i32
        scf.if %cond3A_143 {
          %add3A_161 = arith.constant 2 : i32
          %add3A_162 = arith.addi %add3A_122, %add3A_161 : i32
          %mul3A_163 = arith.constant 128 : i32
          %mul3A_164 = arith.muli %add3A_162, %mul3A_163 : i32
          %add3A_165 = arith.addi %mul3A_0, %mul3A_164 : i32
          %multiple_of3A_166 = tpu.assume_multiple %add3A_165, 8 : i32
          %dma_start3A_167 = tpu.memref_slice %arg4[%multiple_of3A_166] : memref<160000xi32, #tpu.memory_space<hbm>> -> memref<128xi32, #tpu.memory_space<hbm>>
          %dma_start3A_168 = tpu.memref_slice %arg4[%multiple_of3A_166] : memref<160000xi32, #tpu.memory_space<hbm>> -> memref<128xi32, #tpu.memory_space<hbm>>
          tpu.enqueue_dma source(%dma_start3A_168 : memref<128xi32, #tpu.memory_space<hbm>>) target(%arg9 : memref<128xi32, #tpu.memory_space<vmem>>) target_semaphore(%arg24 : memref<!tpu.dma_semaphore, #tpu.memory_space<semaphore_mem>>)
          %dma_start3A_169 = tpu.memref_slice %arg5[%multiple_of3A_166] : memref<160000xi32, #tpu.memory_space<hbm>> -> memref<128xi32, #tpu.memory_space<hbm>>
          %dma_start3A_170 = tpu.memref_slice %arg5[%multiple_of3A_166] : memref<160000xi32, #tpu.memory_space<hbm>> -> memref<128xi32, #tpu.memory_space<hbm>>
          tpu.enqueue_dma source(%dma_start3A_170 : memref<128xi32, #tpu.memory_space<hbm>>) target(%arg13 : memref<128xi32, #tpu.memory_space<vmem>>) target_semaphore(%arg24 : memref<!tpu.dma_semaphore, #tpu.memory_space<semaphore_mem>>)
        } else {
        }
        "tpu.region"() ({
          %run_scoped3A = tpu.sem_alloc : memref<!tpu.dma_semaphore, #tpu.memory_space<semaphore_mem>>
          %dma_start3A_161 = arith.constant 0 : i32
          %dma_start3A_162 = arith.constant 0 : i32
          %dma_start3A_163 = tpu.memref_slice %arg8[%dma_start3A_161, %dma_start3A_162] : memref<10000x128xf32, #tpu.memory_space<vmem_shared>> -> memref<10000x128xf32, #tpu.memory_space<vmem_shared>>
          tpu.enqueue_indirect_dma source(%arg17 : memref<128x128xf32, #tpu.memory_space<vmem>>) target(%dma_start3A_163 : memref<10000x128xf32, #tpu.memory_space<vmem_shared>>) offsets(%arg15 : memref<128xi32, #tpu.memory_space<vmem>>) semaphore(%run_scoped3A : memref<!tpu.dma_semaphore, #tpu.memory_space<semaphore_mem>>) {add = true}
          %dma_wait3A_164 = arith.constant 0 : i32
          %dma_wait3A_165 = arith.constant 0 : i32
          %dma_wait3A_166 = tpu.memref_slice %arg8[%dma_wait3A_164, %dma_wait3A_165] : memref<10000x128xf32, #tpu.memory_space<vmem_shared>> -> memref<10000x128xf32, #tpu.memory_space<vmem_shared>>
          tpu.wait_indirect_dma semaphore(%run_scoped3A : memref<!tpu.dma_semaphore, #tpu.memory_space<semaphore_mem>>) src(%arg17 : memref<128x128xf32, #tpu.memory_space<vmem>>) dst(%dma_wait3A_166 : memref<10000x128xf32, #tpu.memory_space<vmem_shared>>)
          tpu.yield
        }) : () -> ()
        %add3A_144 = arith.constant 2 : i32
        %add3A_145 = arith.addi %add3A_122, %add3A_144 : i32
        %lt3A_146 = arith.constant 78 : i32
        %lt3A_147 = arith.cmpi slt, %add3A_145, %lt3A_146 : i32
        %convert_element_type3A_148 = arith.extui %lt3A_147 : i1 to i32
        %cond3A_149 = arith.constant 0 : i32
        %cond3A_150 = arith.cmpi ne, %convert_element_type3A_148, %cond3A_149 : i32
        scf.if %cond3A_150 {
          %dma_wait3A_161 = arith.constant 0 : i32
          %dma_wait3A_162 = tpu.memref_slice %arg4[%dma_wait3A_161] : memref<160000xi32, #tpu.memory_space<hbm>> -> memref<128xi32, #tpu.memory_space<hbm>>
          %dma_wait3A_163 = arith.constant 0 : i32
          %dma_wait3A_164 = tpu.memref_slice %arg4[%dma_wait3A_163] : memref<160000xi32, #tpu.memory_space<hbm>> -> memref<128xi32, #tpu.memory_space<hbm>>
          tpu.wait_dma2 semaphore(%arg24 : memref<!tpu.dma_semaphore, #tpu.memory_space<semaphore_mem>>) src(%dma_wait3A_164 : memref<128xi32, #tpu.memory_space<hbm>>) dst(%arg9 : memref<128xi32, #tpu.memory_space<vmem>>)
          %dma_wait3A_165 = arith.constant 0 : i32
          %dma_wait3A_166 = tpu.memref_slice %arg5[%dma_wait3A_165] : memref<160000xi32, #tpu.memory_space<hbm>> -> memref<128xi32, #tpu.memory_space<hbm>>
          %dma_wait3A_167 = arith.constant 0 : i32
          %dma_wait3A_168 = tpu.memref_slice %arg5[%dma_wait3A_167] : memref<160000xi32, #tpu.memory_space<hbm>> -> memref<128xi32, #tpu.memory_space<hbm>>
          tpu.wait_dma2 semaphore(%arg24 : memref<!tpu.dma_semaphore, #tpu.memory_space<semaphore_mem>>) src(%dma_wait3A_168 : memref<128xi32, #tpu.memory_space<hbm>>) dst(%arg13 : memref<128xi32, #tpu.memory_space<vmem>>)
          %dma_start3A_169 = arith.constant 0 : i32
          %dma_start3A_170 = arith.constant 0 : i32
          %dma_start3A_171 = tpu.memref_slice %arg3[%dma_start3A_169, %dma_start3A_170] : memref<10000x128xf32, #tpu.memory_space<hbm>> -> memref<10000x128xf32, #tpu.memory_space<hbm>>
          tpu.enqueue_indirect_dma source(%dma_start3A_171 : memref<10000x128xf32, #tpu.memory_space<hbm>>) target(%arg17 : memref<128x128xf32, #tpu.memory_space<vmem>>) offsets(%arg9 : memref<128xi32, #tpu.memory_space<vmem>>) semaphore(%arg22 : memref<!tpu.dma_semaphore, #tpu.memory_space<semaphore_mem>>)
        } else {
        }
        %dma_wait3A_151 = arith.constant 0 : i32
        %dma_wait3A_152 = arith.constant 0 : i32
        %dma_wait3A_153 = tpu.memref_slice %arg3[%dma_wait3A_151, %dma_wait3A_152] : memref<10000x128xf32, #tpu.memory_space<hbm>> -> memref<10000x128xf32, #tpu.memory_space<hbm>>
        tpu.wait_indirect_dma semaphore(%arg23 : memref<!tpu.dma_semaphore, #tpu.memory_space<semaphore_mem>>) src(%dma_wait3A_153 : memref<10000x128xf32, #tpu.memory_space<hbm>>) dst(%arg18 : memref<128x128xf32, #tpu.memory_space<vmem>>)
        "tpu.region"() ({
          %run_scoped3A = tpu.sem_alloc : memref<!tpu.dma_semaphore, #tpu.memory_space<semaphore_mem>>
          %dma_start3A_161 = arith.constant 0 : i32
          %dma_start3A_162 = arith.constant 0 : i32
          %dma_start3A_163 = tpu.memref_slice %arg8[%dma_start3A_161, %dma_start3A_162] : memref<10000x128xf32, #tpu.memory_space<vmem_shared>> -> memref<10000x128xf32, #tpu.memory_space<vmem_shared>>
          tpu.enqueue_indirect_dma source(%arg18 : memref<128x128xf32, #tpu.memory_space<vmem>>) target(%dma_start3A_163 : memref<10000x128xf32, #tpu.memory_space<vmem_shared>>) offsets(%arg16 : memref<128xi32, #tpu.memory_space<vmem>>) semaphore(%run_scoped3A : memref<!tpu.dma_semaphore, #tpu.memory_space<semaphore_mem>>) {add = true}
          %dma_wait3A_164 = arith.constant 0 : i32
          %dma_wait3A_165 = arith.constant 0 : i32
          %dma_wait3A_166 = tpu.memref_slice %arg8[%dma_wait3A_164, %dma_wait3A_165] : memref<10000x128xf32, #tpu.memory_space<vmem_shared>> -> memref<10000x128xf32, #tpu.memory_space<vmem_shared>>
          tpu.wait_indirect_dma semaphore(%run_scoped3A : memref<!tpu.dma_semaphore, #tpu.memory_space<semaphore_mem>>) src(%arg18 : memref<128x128xf32, #tpu.memory_space<vmem>>) dst(%dma_wait3A_166 : memref<10000x128xf32, #tpu.memory_space<vmem_shared>>)
          tpu.yield
        }) : () -> ()
        %add3A_154 = arith.constant 3 : i32
        %add3A_155 = arith.addi %add3A_122, %add3A_154 : i32
        %lt3A_156 = arith.constant 78 : i32
        %lt3A_157 = arith.cmpi slt, %add3A_155, %lt3A_156 : i32
        %convert_element_type3A_158 = arith.extui %lt3A_157 : i1 to i32
        %cond3A_159 = arith.constant 0 : i32
        %cond3A_160 = arith.cmpi ne, %convert_element_type3A_158, %cond3A_159 : i32
        scf.if %cond3A_160 {
          %add3A_161 = arith.constant 3 : i32
          %add3A_162 = arith.addi %add3A_122, %add3A_161 : i32
          %mul3A_163 = arith.constant 128 : i32
          %mul3A_164 = arith.muli %add3A_162, %mul3A_163 : i32
          %add3A_165 = arith.addi %mul3A_0, %mul3A_164 : i32
          %multiple_of3A_166 = tpu.assume_multiple %add3A_165, 8 : i32
          %dma_start3A_167 = tpu.memref_slice %arg4[%multiple_of3A_166] : memref<160000xi32, #tpu.memory_space<hbm>> -> memref<128xi32, #tpu.memory_space<hbm>>
          %dma_start3A_168 = tpu.memref_slice %arg4[%multiple_of3A_166] : memref<160000xi32, #tpu.memory_space<hbm>> -> memref<128xi32, #tpu.memory_space<hbm>>
          tpu.enqueue_dma source(%dma_start3A_168 : memref<128xi32, #tpu.memory_space<hbm>>) target(%arg10 : memref<128xi32, #tpu.memory_space<vmem>>) target_semaphore(%arg25 : memref<!tpu.dma_semaphore, #tpu.memory_space<semaphore_mem>>)
          %dma_start3A_169 = tpu.memref_slice %arg5[%multiple_of3A_166] : memref<160000xi32, #tpu.memory_space<hbm>> -> memref<128xi32, #tpu.memory_space<hbm>>
          %dma_start3A_170 = tpu.memref_slice %arg5[%multiple_of3A_166] : memref<160000xi32, #tpu.memory_space<hbm>> -> memref<128xi32, #tpu.memory_space<hbm>>
          tpu.enqueue_dma source(%dma_start3A_170 : memref<128xi32, #tpu.memory_space<hbm>>) target(%arg14 : memref<128xi32, #tpu.memory_space<vmem>>) target_semaphore(%arg25 : memref<!tpu.dma_semaphore, #tpu.memory_space<semaphore_mem>>)
        } else {
        }
      }
      %scan3A_42 = arith.constant 19 : i32
      %dma_wait3A_43 = arith.constant 0 : i32
      %dma_wait3A_44 = tpu.memref_slice %arg4[%dma_wait3A_43] : memref<160000xi32, #tpu.memory_space<hbm>> -> memref<128xi32, #tpu.memory_space<hbm>>
      %dma_wait3A_45 = arith.constant 0 : i32
      %dma_wait3A_46 = tpu.memref_slice %arg4[%dma_wait3A_45] : memref<160000xi32, #tpu.memory_space<hbm>> -> memref<128xi32, #tpu.memory_space<hbm>>
      tpu.wait_dma2 semaphore(%arg25 : memref<!tpu.dma_semaphore, #tpu.memory_space<semaphore_mem>>) src(%dma_wait3A_46 : memref<128xi32, #tpu.memory_space<hbm>>) dst(%arg10 : memref<128xi32, #tpu.memory_space<vmem>>)
      %dma_wait3A_47 = arith.constant 0 : i32
      %dma_wait3A_48 = tpu.memref_slice %arg5[%dma_wait3A_47] : memref<160000xi32, #tpu.memory_space<hbm>> -> memref<128xi32, #tpu.memory_space<hbm>>
      %dma_wait3A_49 = arith.constant 0 : i32
      %dma_wait3A_50 = tpu.memref_slice %arg5[%dma_wait3A_49] : memref<160000xi32, #tpu.memory_space<hbm>> -> memref<128xi32, #tpu.memory_space<hbm>>
      tpu.wait_dma2 semaphore(%arg25 : memref<!tpu.dma_semaphore, #tpu.memory_space<semaphore_mem>>) src(%dma_wait3A_50 : memref<128xi32, #tpu.memory_space<hbm>>) dst(%arg14 : memref<128xi32, #tpu.memory_space<vmem>>)
      %dma_start3A_51 = arith.constant 0 : i32
      %dma_start3A_52 = arith.constant 0 : i32
      %dma_start3A_53 = tpu.memref_slice %arg3[%dma_start3A_51, %dma_start3A_52] : memref<10000x128xf32, #tpu.memory_space<hbm>> -> memref<10000x128xf32, #tpu.memory_space<hbm>>
      tpu.enqueue_indirect_dma source(%dma_start3A_53 : memref<10000x128xf32, #tpu.memory_space<hbm>>) target(%arg18 : memref<128x128xf32, #tpu.memory_space<vmem>>) offsets(%arg10 : memref<128xi32, #tpu.memory_space<vmem>>) semaphore(%arg23 : memref<!tpu.dma_semaphore, #tpu.memory_space<semaphore_mem>>)
      %dma_wait3A_54 = arith.constant 0 : i32
      %dma_wait3A_55 = arith.constant 0 : i32
      %dma_wait3A_56 = tpu.memref_slice %arg3[%dma_wait3A_54, %dma_wait3A_55] : memref<10000x128xf32, #tpu.memory_space<hbm>> -> memref<10000x128xf32, #tpu.memory_space<hbm>>
      tpu.wait_indirect_dma semaphore(%arg22 : memref<!tpu.dma_semaphore, #tpu.memory_space<semaphore_mem>>) src(%dma_wait3A_56 : memref<10000x128xf32, #tpu.memory_space<hbm>>) dst(%arg17 : memref<128x128xf32, #tpu.memory_space<vmem>>)
      "tpu.region"() ({
        %run_scoped3A = tpu.sem_alloc : memref<!tpu.dma_semaphore, #tpu.memory_space<semaphore_mem>>
        %dma_start3A_80 = arith.constant 0 : i32
        %dma_start3A_81 = arith.constant 0 : i32
        %dma_start3A_82 = tpu.memref_slice %arg8[%dma_start3A_80, %dma_start3A_81] : memref<10000x128xf32, #tpu.memory_space<vmem_shared>> -> memref<10000x128xf32, #tpu.memory_space<vmem_shared>>
        tpu.enqueue_indirect_dma source(%arg17 : memref<128x128xf32, #tpu.memory_space<vmem>>) target(%dma_start3A_82 : memref<10000x128xf32, #tpu.memory_space<vmem_shared>>) offsets(%arg13 : memref<128xi32, #tpu.memory_space<vmem>>) semaphore(%run_scoped3A : memref<!tpu.dma_semaphore, #tpu.memory_space<semaphore_mem>>) {add = true}
        %dma_wait3A_83 = arith.constant 0 : i32
        %dma_wait3A_84 = arith.constant 0 : i32
        %dma_wait3A_85 = tpu.memref_slice %arg8[%dma_wait3A_83, %dma_wait3A_84] : memref<10000x128xf32, #tpu.memory_space<vmem_shared>> -> memref<10000x128xf32, #tpu.memory_space<vmem_shared>>
        tpu.wait_indirect_dma semaphore(%run_scoped3A : memref<!tpu.dma_semaphore, #tpu.memory_space<semaphore_mem>>) src(%arg17 : memref<128x128xf32, #tpu.memory_space<vmem>>) dst(%dma_wait3A_85 : memref<10000x128xf32, #tpu.memory_space<vmem_shared>>)
        tpu.yield
      }) : () -> ()
      %dma_wait3A_57 = arith.constant 0 : i32
      %dma_wait3A_58 = arith.constant 0 : i32
      %dma_wait3A_59 = tpu.memref_slice %arg3[%dma_wait3A_57, %dma_wait3A_58] : memref<10000x128xf32, #tpu.memory_space<hbm>> -> memref<10000x128xf32, #tpu.memory_space<hbm>>
      tpu.wait_indirect_dma semaphore(%arg23 : memref<!tpu.dma_semaphore, #tpu.memory_space<semaphore_mem>>) src(%dma_wait3A_59 : memref<10000x128xf32, #tpu.memory_space<hbm>>) dst(%arg18 : memref<128x128xf32, #tpu.memory_space<vmem>>)
      "tpu.region"() ({
        %run_scoped3A = tpu.sem_alloc : memref<!tpu.dma_semaphore, #tpu.memory_space<semaphore_mem>>
        %dma_start3A_80 = arith.constant 0 : i32
        %dma_start3A_81 = arith.constant 0 : i32
        %dma_start3A_82 = tpu.memref_slice %arg8[%dma_start3A_80, %dma_start3A_81] : memref<10000x128xf32, #tpu.memory_space<vmem_shared>> -> memref<10000x128xf32, #tpu.memory_space<vmem_shared>>
        tpu.enqueue_indirect_dma source(%arg18 : memref<128x128xf32, #tpu.memory_space<vmem>>) target(%dma_start3A_82 : memref<10000x128xf32, #tpu.memory_space<vmem_shared>>) offsets(%arg14 : memref<128xi32, #tpu.memory_space<vmem>>) semaphore(%run_scoped3A : memref<!tpu.dma_semaphore, #tpu.memory_space<semaphore_mem>>) {add = true}
        %dma_wait3A_83 = arith.constant 0 : i32
        %dma_wait3A_84 = arith.constant 0 : i32
        %dma_wait3A_85 = tpu.memref_slice %arg8[%dma_wait3A_83, %dma_wait3A_84] : memref<10000x128xf32, #tpu.memory_space<vmem_shared>> -> memref<10000x128xf32, #tpu.memory_space<vmem_shared>>
        tpu.wait_indirect_dma semaphore(%run_scoped3A : memref<!tpu.dma_semaphore, #tpu.memory_space<semaphore_mem>>) src(%arg18 : memref<128x128xf32, #tpu.memory_space<vmem>>) dst(%dma_wait3A_85 : memref<10000x128xf32, #tpu.memory_space<vmem_shared>>)
        tpu.yield
      }) : () -> ()
      %add3A_60 = arith.constant 9984 : i32
      %add3A_61 = arith.addi %mul3A_0, %add3A_60 : i32
      %multiple_of3A_62 = tpu.assume_multiple %add3A_61, 8 : i32
      "tpu.region"() ({
        %run_scoped3A = tpu.sem_alloc : memref<!tpu.dma_semaphore, #tpu.memory_space<semaphore_mem>>
        %dma_start3A_80 = tpu.memref_slice %arg4[%multiple_of3A_62] : memref<160000xi32, #tpu.memory_space<hbm>> -> memref<16xi32, #tpu.memory_space<hbm>>
        %dma_start3A_81 = tpu.memref_slice %arg4[%multiple_of3A_62] : memref<160000xi32, #tpu.memory_space<hbm>> -> memref<16xi32, #tpu.memory_space<hbm>>
        tpu.enqueue_dma source(%dma_start3A_81 : memref<16xi32, #tpu.memory_space<hbm>>) target(%arg19 : memref<16xi32, #tpu.memory_space<vmem>>) target_semaphore(%run_scoped3A : memref<!tpu.dma_semaphore, #tpu.memory_space<semaphore_mem>>)
        %dma_wait3A_82 = tpu.memref_slice %arg4[%multiple_of3A_62] : memref<160000xi32, #tpu.memory_space<hbm>> -> memref<16xi32, #tpu.memory_space<hbm>>
        %dma_wait3A_83 = tpu.memref_slice %arg4[%multiple_of3A_62] : memref<160000xi32, #tpu.memory_space<hbm>> -> memref<16xi32, #tpu.memory_space<hbm>>
        tpu.wait_dma2 semaphore(%run_scoped3A : memref<!tpu.dma_semaphore, #tpu.memory_space<semaphore_mem>>) src(%dma_wait3A_83 : memref<16xi32, #tpu.memory_space<hbm>>) dst(%arg19 : memref<16xi32, #tpu.memory_space<vmem>>)
        tpu.yield
      }) : () -> ()
      "tpu.region"() ({
        %run_scoped3A = tpu.sem_alloc : memref<!tpu.dma_semaphore, #tpu.memory_space<semaphore_mem>>
        %dma_start3A_80 = tpu.memref_slice %arg5[%multiple_of3A_62] : memref<160000xi32, #tpu.memory_space<hbm>> -> memref<16xi32, #tpu.memory_space<hbm>>
        %dma_start3A_81 = tpu.memref_slice %arg5[%multiple_of3A_62] : memref<160000xi32, #tpu.memory_space<hbm>> -> memref<16xi32, #tpu.memory_space<hbm>>
        tpu.enqueue_dma source(%dma_start3A_81 : memref<16xi32, #tpu.memory_space<hbm>>) target(%arg20 : memref<16xi32, #tpu.memory_space<vmem>>) target_semaphore(%run_scoped3A : memref<!tpu.dma_semaphore, #tpu.memory_space<semaphore_mem>>)
        %dma_wait3A_82 = tpu.memref_slice %arg5[%multiple_of3A_62] : memref<160000xi32, #tpu.memory_space<hbm>> -> memref<16xi32, #tpu.memory_space<hbm>>
        %dma_wait3A_83 = tpu.memref_slice %arg5[%multiple_of3A_62] : memref<160000xi32, #tpu.memory_space<hbm>> -> memref<16xi32, #tpu.memory_space<hbm>>
        tpu.wait_dma2 semaphore(%run_scoped3A : memref<!tpu.dma_semaphore, #tpu.memory_space<semaphore_mem>>) src(%dma_wait3A_83 : memref<16xi32, #tpu.memory_space<hbm>>) dst(%arg20 : memref<16xi32, #tpu.memory_space<vmem>>)
        tpu.yield
      }) : () -> ()
      %dma_start3A_63 = arith.constant 0 : i32
      %dma_start3A_64 = arith.constant 0 : i32
      %dma_start3A_65 = tpu.memref_slice %arg3[%dma_start3A_63, %dma_start3A_64] : memref<10000x128xf32, #tpu.memory_space<hbm>> -> memref<10000x128xf32, #tpu.memory_space<hbm>>
      tpu.enqueue_indirect_dma source(%dma_start3A_65 : memref<10000x128xf32, #tpu.memory_space<hbm>>) target(%arg21 : memref<16x128xf32, #tpu.memory_space<vmem>>) offsets(%arg19 : memref<16xi32, #tpu.memory_space<vmem>>) semaphore(%arg22 : memref<!tpu.dma_semaphore, #tpu.memory_space<semaphore_mem>>)
      %dma_wait3A_66 = arith.constant 0 : i32
      %dma_wait3A_67 = arith.constant 0 : i32
      %dma_wait3A_68 = tpu.memref_slice %arg3[%dma_wait3A_66, %dma_wait3A_67] : memref<10000x128xf32, #tpu.memory_space<hbm>> -> memref<10000x128xf32, #tpu.memory_space<hbm>>
      tpu.wait_indirect_dma semaphore(%arg22 : memref<!tpu.dma_semaphore, #tpu.memory_space<semaphore_mem>>) src(%dma_wait3A_68 : memref<10000x128xf32, #tpu.memory_space<hbm>>) dst(%arg21 : memref<16x128xf32, #tpu.memory_space<vmem>>)
      "tpu.region"() ({
        %run_scoped3A = tpu.sem_alloc : memref<!tpu.dma_semaphore, #tpu.memory_space<semaphore_mem>>
        %dma_start3A_80 = arith.constant 0 : i32
        %dma_start3A_81 = arith.constant 0 : i32
        %dma_start3A_82 = tpu.memref_slice %arg8[%dma_start3A_80, %dma_start3A_81] : memref<10000x128xf32, #tpu.memory_space<vmem_shared>> -> memref<10000x128xf32, #tpu.memory_space<vmem_shared>>
        tpu.enqueue_indirect_dma source(%arg21 : memref<16x128xf32, #tpu.memory_space<vmem>>) target(%dma_start3A_82 : memref<10000x128xf32, #tpu.memory_space<vmem_shared>>) offsets(%arg20 : memref<16xi32, #tpu.memory_space<vmem>>) semaphore(%run_scoped3A : memref<!tpu.dma_semaphore, #tpu.memory_space<semaphore_mem>>) {add = true}
        %dma_wait3A_83 = arith.constant 0 : i32
        %dma_wait3A_84 = arith.constant 0 : i32
        %dma_wait3A_85 = tpu.memref_slice %arg8[%dma_wait3A_83, %dma_wait3A_84] : memref<10000x128xf32, #tpu.memory_space<vmem_shared>> -> memref<10000x128xf32, #tpu.memory_space<vmem_shared>>
        tpu.wait_indirect_dma semaphore(%run_scoped3A : memref<!tpu.dma_semaphore, #tpu.memory_space<semaphore_mem>>) src(%arg21 : memref<16x128xf32, #tpu.memory_space<vmem>>) dst(%dma_wait3A_85 : memref<10000x128xf32, #tpu.memory_space<vmem_shared>>)
        tpu.yield
      }) : () -> ()
      %barrier3A_69 = arith.constant 0 : index
      tpu.barrier barrier_id(%barrier3A_69)
      %lt3A_70 = arith.constant 15 : i32
      %lt3A_71 = arith.cmpi slt, %arg1, %lt3A_70 : i32
      %convert_element_type3A_72 = arith.extui %lt3A_71 : i1 to i32
      %cond3A_73 = arith.constant 0 : i32
      %cond3A_74 = arith.cmpi ne, %convert_element_type3A_72, %cond3A_73 : i32
      scf.if %cond3A_74 {
        %mul3A_80 = arith.constant 624 : i32
        %mul3A_81 = arith.muli %arg1, %mul3A_80 : i32
        %multiple_of3A_82 = tpu.assume_multiple %mul3A_81, 8 : i32
        "tpu.region"() ({
          %run_scoped3A = tpu.sem_alloc : memref<!tpu.dma_semaphore, #tpu.memory_space<semaphore_mem>>
          %dma_start3A_83 = arith.constant 0 : i32
          %dma_start3A_84 = tpu.memref_slice %arg7[%multiple_of3A_82, %dma_start3A_83] : memref<10000x128xf32, #tpu.memory_space<hbm>> -> memref<624x128xf32, #tpu.memory_space<hbm>>
          %dma_start3A_85 = arith.constant 0 : i32
          %dma_start3A_86 = tpu.memref_slice %arg8[%multiple_of3A_82, %dma_start3A_85] : memref<10000x128xf32, #tpu.memory_space<vmem_shared>> -> memref<624x128xf32, #tpu.memory_space<vmem_shared>>
          tpu.enqueue_dma source(%dma_start3A_86 : memref<624x128xf32, #tpu.memory_space<vmem_shared>>) target(%dma_start3A_84 : memref<624x128xf32, #tpu.memory_space<hbm>>) target_semaphore(%run_scoped3A : memref<!tpu.dma_semaphore, #tpu.memory_space<semaphore_mem>>)
          %dma_wait3A_87 = arith.constant 0 : i32
          %dma_wait3A_88 = tpu.memref_slice %arg7[%multiple_of3A_82, %dma_wait3A_87] : memref<10000x128xf32, #tpu.memory_space<hbm>> -> memref<624x128xf32, #tpu.memory_space<hbm>>
          %dma_wait3A_89 = arith.constant 0 : i32
          %dma_wait3A_90 = tpu.memref_slice %arg8[%multiple_of3A_82, %dma_wait3A_89] : memref<10000x128xf32, #tpu.memory_space<vmem_shared>> -> memref<624x128xf32, #tpu.memory_space<vmem_shared>>
          tpu.wait_dma2 semaphore(%run_scoped3A : memref<!tpu.dma_semaphore, #tpu.memory_space<semaphore_mem>>) src(%dma_wait3A_90 : memref<624x128xf32, #tpu.memory_space<vmem_shared>>) dst(%dma_wait3A_88 : memref<624x128xf32, #tpu.memory_space<hbm>>)
          tpu.yield
        }) : () -> ()
      } else {
      }
      %eq3A_75 = arith.constant 15 : i32
      %eq3A_76 = arith.cmpi eq, %arg1, %eq3A_75 : i32
      %convert_element_type3A_77 = arith.extui %eq3A_76 : i1 to i32
      %cond3A_78 = arith.constant 0 : i32
      %cond3A_79 = arith.cmpi ne, %convert_element_type3A_77, %cond3A_78 : i32
      scf.if %cond3A_79 {
        "tpu.region"() ({
          %run_scoped3A = tpu.sem_alloc : memref<!tpu.dma_semaphore, #tpu.memory_space<semaphore_mem>>
          %dma_start3A_80 = arith.constant 9360 : i32
          %dma_start3A_81 = arith.constant 0 : i32
          %dma_start3A_82 = tpu.memref_slice %arg7[%dma_start3A_80, %dma_start3A_81] : memref<10000x128xf32, #tpu.memory_space<hbm>> -> memref<640x128xf32, #tpu.memory_space<hbm>>
          %dma_start3A_83 = arith.constant 9360 : i32
          %dma_start3A_84 = arith.constant 0 : i32
          %dma_start3A_85 = tpu.memref_slice %arg8[%dma_start3A_83, %dma_start3A_84] : memref<10000x128xf32, #tpu.memory_space<vmem_shared>> -> memref<640x128xf32, #tpu.memory_space<vmem_shared>>
          tpu.enqueue_dma source(%dma_start3A_85 : memref<640x128xf32, #tpu.memory_space<vmem_shared>>) target(%dma_start3A_82 : memref<640x128xf32, #tpu.memory_space<hbm>>) target_semaphore(%run_scoped3A : memref<!tpu.dma_semaphore, #tpu.memory_space<semaphore_mem>>)
          %dma_wait3A_86 = arith.constant 9360 : i32
          %dma_wait3A_87 = arith.constant 0 : i32
          %dma_wait3A_88 = tpu.memref_slice %arg7[%dma_wait3A_86, %dma_wait3A_87] : memref<10000x128xf32, #tpu.memory_space<hbm>> -> memref<640x128xf32, #tpu.memory_space<hbm>>
          %dma_wait3A_89 = arith.constant 9360 : i32
          %dma_wait3A_90 = arith.constant 0 : i32
          %dma_wait3A_91 = tpu.memref_slice %arg8[%dma_wait3A_89, %dma_wait3A_90] : memref<10000x128xf32, #tpu.memory_space<vmem_shared>> -> memref<640x128xf32, #tpu.memory_space<vmem_shared>>
          tpu.wait_dma2 semaphore(%run_scoped3A : memref<!tpu.dma_semaphore, #tpu.memory_space<semaphore_mem>>) src(%dma_wait3A_91 : memref<640x128xf32, #tpu.memory_space<vmem_shared>>) dst(%dma_wait3A_88 : memref<640x128xf32, #tpu.memory_space<hbm>>)
          tpu.yield
        }) : () -> ()
      } else {
      }
    } else {
    }
    return
  }
}

#map = affine_map<(d0, d1) -> (0, 0)>
#map1 = affine_map<(d0, d1) -> (0)>
module attributes {stable_mosaic.version = 14 : i64} {
  func.func @k(%arg0: i32, %arg1: i32, %arg2: memref<10000x128xf32, #tpu.memory_space<hbm>>, %arg3: memref<10000x128xf32, #tpu.memory_space<hbm>>, %arg4: memref<160000xi32, #tpu.memory_space<hbm>>, %arg5: memref<160000xi32, #tpu.memory_space<hbm>>, %arg6: memref<10000x128xf32, #tpu.memory_space<hbm>>, %arg7: memref<10000x128xf32, #tpu.memory_space<hbm>>, %arg8: memref<10000x128xf32, #tpu.memory_space<vmem_shared>>, %arg9: memref<128xi32, #tpu.memory_space<vmem>>, %arg10: memref<128xi32, #tpu.memory_space<vmem>>, %arg11: memref<128xi32, #tpu.memory_space<vmem>>, %arg12: memref<128xi32, #tpu.memory_space<vmem>>, %arg13: memref<128xi32, #tpu.memory_space<vmem>>, %arg14: memref<128xi32, #tpu.memory_space<vmem>>, %arg15: memref<128xi32, #tpu.memory_space<vmem>>, %arg16: memref<128xi32, #tpu.memory_space<vmem>>, %arg17: memref<128x128xf32, #tpu.memory_space<vmem>>, %arg18: memref<128x128xf32, #tpu.memory_space<vmem>>, %arg19: memref<16xi32, #tpu.memory_space<vmem>>, %arg20: memref<16xi32, #tpu.memory_space<vmem>>, %arg21: memref<16x128xf32, #tpu.memory_space<vmem>>, %arg22: memref<!tpu.dma_semaphore, #tpu.memory_space<semaphore_mem>>, %arg23: memref<!tpu.dma_semaphore, #tpu.memory_space<semaphore_mem>>, %arg24: memref<!tpu.dma_semaphore, #tpu.memory_space<semaphore_mem>>, %arg25: memref<!tpu.dma_semaphore, #tpu.memory_space<semaphore_mem>>, %arg26: memref<!tpu.dma_semaphore, #tpu.memory_space<semaphore_mem>>, %arg27: memref<!tpu.dma_semaphore, #tpu.memory_space<semaphore_mem>>) attributes {dimension_semantics = [#tpu.dimension_semantics<core_parallel>, #tpu.dimension_semantics<subcore_parallel>], iteration_bounds = array<i64: 2, 16>, scalar_prefetch = 0 : i64, scratch_operands = 20 : i64, tpu.core_type = #tpu.core_type<sc_vector_subcore>, window_params = [{transform_indices = #map}, {transform_indices = #map}, {transform_indices = #map1}, {transform_indices = #map1}, {transform_indices = #map}, {transform_indices = #map}]} {
    %mul3A = arith.constant 10000 : i32
    %mul3A_0 = arith.muli %arg1, %mul3A : i32
    %eq3A = arith.constant 0 : i32
    %eq3A_1 = arith.cmpi eq, %arg0, %eq3A : i32
    %convert_element_type3A = arith.extui %eq3A_1 : i1 to i32
    %cond3A = arith.constant 0 : i32
    %cond3A_2 = arith.cmpi ne, %convert_element_type3A, %cond3A : i32
    scf.if %cond3A_2 {
      %add3A = arith.constant 0 : i32
      %add3A_8 = arith.addi %mul3A_0, %add3A : i32
      %multiple_of3A = tpu.assume_multiple %add3A_8, 8 : i32
      %dma_start3A = tpu.memref_slice %arg4[%multiple_of3A] : memref<160000xi32, #tpu.memory_space<hbm>> -> memref<128xi32, #tpu.memory_space<hbm>>
      %dma_start3A_9 = tpu.memref_slice %arg4[%multiple_of3A] : memref<160000xi32, #tpu.memory_space<hbm>> -> memref<128xi32, #tpu.memory_space<hbm>>
      tpu.enqueue_dma source(%dma_start3A_9 : memref<128xi32, #tpu.memory_space<hbm>>) target(%arg9 : memref<128xi32, #tpu.memory_space<vmem>>) target_semaphore(%arg24 : memref<!tpu.dma_semaphore, #tpu.memory_space<semaphore_mem>>)
      %dma_start3A_10 = tpu.memref_slice %arg5[%multiple_of3A] : memref<160000xi32, #tpu.memory_space<hbm>> -> memref<128xi32, #tpu.memory_space<hbm>>
      %dma_start3A_11 = tpu.memref_slice %arg5[%multiple_of3A] : memref<160000xi32, #tpu.memory_space<hbm>> -> memref<128xi32, #tpu.memory_space<hbm>>
      tpu.enqueue_dma source(%dma_start3A_11 : memref<128xi32, #tpu.memory_space<hbm>>) target(%arg13 : memref<128xi32, #tpu.memory_space<vmem>>) target_semaphore(%arg24 : memref<!tpu.dma_semaphore, #tpu.memory_space<semaphore_mem>>)
      %add3A_12 = arith.constant 128 : i32
      %add3A_13 = arith.addi %mul3A_0, %add3A_12 : i32
      %multiple_of3A_14 = tpu.assume_multiple %add3A_13, 8 : i32
      %dma_start3A_15 = tpu.memref_slice %arg4[%multiple_of3A_14] : memref<160000xi32, #tpu.memory_space<hbm>> -> memref<128xi32, #tpu.memory_space<hbm>>
      %dma_start3A_16 = tpu.memref_slice %arg4[%multiple_of3A_14] : memref<160000xi32, #tpu.memory_space<hbm>> -> memref<128xi32, #tpu.memory_space<hbm>>
      tpu.enqueue_dma source(%dma_start3A_16 : memref<128xi32, #tpu.memory_space<hbm>>) target(%arg10 : memref<128xi32, #tpu.memory_space<vmem>>) target_semaphore(%arg25 : memref<!tpu.dma_semaphore, #tpu.memory_space<semaphore_mem>>)
      %dma_start3A_17 = tpu.memref_slice %arg5[%multiple_of3A_14] : memref<160000xi32, #tpu.memory_space<hbm>> -> memref<128xi32, #tpu.memory_space<hbm>>
      %dma_start3A_18 = tpu.memref_slice %arg5[%multiple_of3A_14] : memref<160000xi32, #tpu.memory_space<hbm>> -> memref<128xi32, #tpu.memory_space<hbm>>
      tpu.enqueue_dma source(%dma_start3A_18 : memref<128xi32, #tpu.memory_space<hbm>>) target(%arg14 : memref<128xi32, #tpu.memory_space<vmem>>) target_semaphore(%arg25 : memref<!tpu.dma_semaphore, #tpu.memory_space<semaphore_mem>>)
      %lt3A = arith.constant 15 : i32
      %lt3A_19 = arith.cmpi slt, %arg1, %lt3A : i32
      %convert_element_type3A_20 = arith.extui %lt3A_19 : i1 to i32
      %cond3A_21 = arith.constant 0 : i32
      %cond3A_22 = arith.cmpi ne, %convert_element_type3A_20, %cond3A_21 : i32
      scf.if %cond3A_22 {
        %mul3A_80 = arith.constant 624 : i32
        %mul3A_81 = arith.muli %arg1, %mul3A_80 : i32
        %multiple_of3A_82 = tpu.assume_multiple %mul3A_81, 8 : i32
        "tpu.region"() ({
          %run_scoped3A = tpu.sem_alloc : memref<!tpu.dma_semaphore, #tpu.memory_space<semaphore_mem>>
          %dma_start3A_83 = arith.constant 0 : i32
          %dma_start3A_84 = tpu.memref_slice %arg8[%multiple_of3A_82, %dma_start3A_83] : memref<10000x128xf32, #tpu.memory_space<vmem_shared>> -> memref<624x128xf32, #tpu.memory_space<vmem_shared>>
          %dma_start3A_85 = arith.constant 0 : i32
          %dma_start3A_86 = tpu.memref_slice %arg2[%multiple_of3A_82, %dma_start3A_85] : memref<10000x128xf32, #tpu.memory_space<hbm>> -> memref<624x128xf32, #tpu.memory_space<hbm>>
          tpu.enqueue_dma source(%dma_start3A_86 : memref<624x128xf32, #tpu.memory_space<hbm>>) target(%dma_start3A_84 : memref<624x128xf32, #tpu.memory_space<vmem_shared>>) target_semaphore(%run_scoped3A : memref<!tpu.dma_semaphore, #tpu.memory_space<semaphore_mem>>)
          %dma_wait3A_87 = arith.constant 0 : i32
          %dma_wait3A_88 = tpu.memref_slice %arg8[%multiple_of3A_82, %dma_wait3A_87] : memref<10000x128xf32, #tpu.memory_space<vmem_shared>> -> memref<624x128xf32, #tpu.memory_space<vmem_shared>>
          %dma_wait3A_89 = arith.constant 0 : i32
          %dma_wait3A_90 = tpu.memref_slice %arg2[%multiple_of3A_82, %dma_wait3A_89] : memref<10000x128xf32, #tpu.memory_space<hbm>> -> memref<624x128xf32, #tpu.memory_space<hbm>>
          tpu.wait_dma2 semaphore(%run_scoped3A : memref<!tpu.dma_semaphore, #tpu.memory_space<semaphore_mem>>) src(%dma_wait3A_90 : memref<624x128xf32, #tpu.memory_space<hbm>>) dst(%dma_wait3A_88 : memref<624x128xf32, #tpu.memory_space<vmem_shared>>)
          tpu.yield
        }) : () -> ()
      } else {
      }
      %eq3A_23 = arith.constant 15 : i32
      %eq3A_24 = arith.cmpi eq, %arg1, %eq3A_23 : i32
      %convert_element_type3A_25 = arith.extui %eq3A_24 : i1 to i32
      %cond3A_26 = arith.constant 0 : i32
      %cond3A_27 = arith.cmpi ne, %convert_element_type3A_25, %cond3A_26 : i32
      scf.if %cond3A_27 {
        "tpu.region"() ({
          %run_scoped3A = tpu.sem_alloc : memref<!tpu.dma_semaphore, #tpu.memory_space<semaphore_mem>>
          %dma_start3A_80 = arith.constant 9360 : i32
          %dma_start3A_81 = arith.constant 0 : i32
          %dma_start3A_82 = tpu.memref_slice %arg8[%dma_start3A_80, %dma_start3A_81] : memref<10000x128xf32, #tpu.memory_space<vmem_shared>> -> memref<640x128xf32, #tpu.memory_space<vmem_shared>>
          %dma_start3A_83 = arith.constant 9360 : i32
          %dma_start3A_84 = arith.constant 0 : i32
          %dma_start3A_85 = tpu.memref_slice %arg2[%dma_start3A_83, %dma_start3A_84] : memref<10000x128xf32, #tpu.memory_space<hbm>> -> memref<640x128xf32, #tpu.memory_space<hbm>>
          tpu.enqueue_dma source(%dma_start3A_85 : memref<640x128xf32, #tpu.memory_space<hbm>>) target(%dma_start3A_82 : memref<640x128xf32, #tpu.memory_space<vmem_shared>>) target_semaphore(%run_scoped3A : memref<!tpu.dma_semaphore, #tpu.memory_space<semaphore_mem>>)
          %dma_wait3A_86 = arith.constant 9360 : i32
          %dma_wait3A_87 = arith.constant 0 : i32
          %dma_wait3A_88 = tpu.memref_slice %arg8[%dma_wait3A_86, %dma_wait3A_87] : memref<10000x128xf32, #tpu.memory_space<vmem_shared>> -> memref<640x128xf32, #tpu.memory_space<vmem_shared>>
          %dma_wait3A_89 = arith.constant 9360 : i32
          %dma_wait3A_90 = arith.constant 0 : i32
          %dma_wait3A_91 = tpu.memref_slice %arg2[%dma_wait3A_89, %dma_wait3A_90] : memref<10000x128xf32, #tpu.memory_space<hbm>> -> memref<640x128xf32, #tpu.memory_space<hbm>>
          tpu.wait_dma2 semaphore(%run_scoped3A : memref<!tpu.dma_semaphore, #tpu.memory_space<semaphore_mem>>) src(%dma_wait3A_91 : memref<640x128xf32, #tpu.memory_space<hbm>>) dst(%dma_wait3A_88 : memref<640x128xf32, #tpu.memory_space<vmem_shared>>)
          tpu.yield
        }) : () -> ()
      } else {
      }
      %barrier3A = arith.constant 0 : index
      tpu.barrier barrier_id(%barrier3A)
      %dma_wait3A = arith.constant 0 : i32
      %dma_wait3A_28 = tpu.memref_slice %arg4[%dma_wait3A] : memref<160000xi32, #tpu.memory_space<hbm>> -> memref<128xi32, #tpu.memory_space<hbm>>
      %dma_wait3A_29 = arith.constant 0 : i32
      %dma_wait3A_30 = tpu.memref_slice %arg4[%dma_wait3A_29] : memref<160000xi32, #tpu.memory_space<hbm>> -> memref<128xi32, #tpu.memory_space<hbm>>
      tpu.wait_dma2 semaphore(%arg24 : memref<!tpu.dma_semaphore, #tpu.memory_space<semaphore_mem>>) src(%dma_wait3A_30 : memref<128xi32, #tpu.memory_space<hbm>>) dst(%arg9 : memref<128xi32, #tpu.memory_space<vmem>>)
      %dma_wait3A_31 = arith.constant 0 : i32
      %dma_wait3A_32 = tpu.memref_slice %arg5[%dma_wait3A_31] : memref<160000xi32, #tpu.memory_space<hbm>> -> memref<128xi32, #tpu.memory_space<hbm>>
      %dma_wait3A_33 = arith.constant 0 : i32
      %dma_wait3A_34 = tpu.memref_slice %arg5[%dma_wait3A_33] : memref<160000xi32, #tpu.memory_space<hbm>> -> memref<128xi32, #tpu.memory_space<hbm>>
      tpu.wait_dma2 semaphore(%arg24 : memref<!tpu.dma_semaphore, #tpu.memory_space<semaphore_mem>>) src(%dma_wait3A_34 : memref<128xi32, #tpu.memory_space<hbm>>) dst(%arg13 : memref<128xi32, #tpu.memory_space<vmem>>)
      %dma_start3A_35 = arith.constant 0 : i32
      %dma_start3A_36 = arith.constant 0 : i32
      %dma_start3A_37 = tpu.memref_slice %arg2[%dma_start3A_35, %dma_start3A_36] : memref<10000x128xf32, #tpu.memory_space<hbm>> -> memref<10000x128xf32, #tpu.memory_space<hbm>>
      tpu.enqueue_indirect_dma source(%dma_start3A_37 : memref<10000x128xf32, #tpu.memory_space<hbm>>) target(%arg17 : memref<128x128xf32, #tpu.memory_space<vmem>>) offsets(%arg9 : memref<128xi32, #tpu.memory_space<vmem>>) semaphore(%arg22 : memref<!tpu.dma_semaphore, #tpu.memory_space<semaphore_mem>>)
      %scan3A = arith.constant 0 : i32
      %scan3A_38 = arith.constant 0 : i32
      %scan3A_39 = arith.constant 19 : i32
      %scan3A_40 = arith.addi %scan3A_38, %scan3A_39 : i32
      %scan3A_41 = arith.constant 1 : i32
      scf.for %scan3A_80 = %scan3A_38 to %scan3A_40 step %scan3A_41  : i32 {
        %mul3A_81 = arith.constant 4 : i32
        %mul3A_82 = arith.muli %mul3A_81, %scan3A_80 : i32
        %dma_wait3A_83 = arith.constant 0 : i32
        %dma_wait3A_84 = tpu.memref_slice %arg4[%dma_wait3A_83] : memref<160000xi32, #tpu.memory_space<hbm>> -> memref<128xi32, #tpu.memory_space<hbm>>
        %dma_wait3A_85 = arith.constant 0 : i32
        %dma_wait3A_86 = tpu.memref_slice %arg4[%dma_wait3A_85] : memref<160000xi32, #tpu.memory_space<hbm>> -> memref<128xi32, #tpu.memory_space<hbm>>
        tpu.wait_dma2 semaphore(%arg25 : memref<!tpu.dma_semaphore, #tpu.memory_space<semaphore_mem>>) src(%dma_wait3A_86 : memref<128xi32, #tpu.memory_space<hbm>>) dst(%arg10 : memref<128xi32, #tpu.memory_space<vmem>>)
        %dma_wait3A_87 = arith.constant 0 : i32
        %dma_wait3A_88 = tpu.memref_slice %arg5[%dma_wait3A_87] : memref<160000xi32, #tpu.memory_space<hbm>> -> memref<128xi32, #tpu.memory_space<hbm>>
        %dma_wait3A_89 = arith.constant 0 : i32
        %dma_wait3A_90 = tpu.memref_slice %arg5[%dma_wait3A_89] : memref<160000xi32, #tpu.memory_space<hbm>> -> memref<128xi32, #tpu.memory_space<hbm>>
        tpu.wait_dma2 semaphore(%arg25 : memref<!tpu.dma_semaphore, #tpu.memory_space<semaphore_mem>>) src(%dma_wait3A_90 : memref<128xi32, #tpu.memory_space<hbm>>) dst(%arg14 : memref<128xi32, #tpu.memory_space<vmem>>)
        %dma_start3A_91 = arith.constant 0 : i32
        %dma_start3A_92 = arith.constant 0 : i32
        %dma_start3A_93 = tpu.memref_slice %arg2[%dma_start3A_91, %dma_start3A_92] : memref<10000x128xf32, #tpu.memory_space<hbm>> -> memref<10000x128xf32, #tpu.memory_space<hbm>>
        tpu.enqueue_indirect_dma source(%dma_start3A_93 : memref<10000x128xf32, #tpu.memory_space<hbm>>) target(%arg18 : memref<128x128xf32, #tpu.memory_space<vmem>>) offsets(%arg10 : memref<128xi32, #tpu.memory_space<vmem>>) semaphore(%arg23 : memref<!tpu.dma_semaphore, #tpu.memory_space<semaphore_mem>>)
        %dma_wait3A_94 = arith.constant 0 : i32
        %dma_wait3A_95 = arith.constant 0 : i32
        %dma_wait3A_96 = tpu.memref_slice %arg2[%dma_wait3A_94, %dma_wait3A_95] : memref<10000x128xf32, #tpu.memory_space<hbm>> -> memref<10000x128xf32, #tpu.memory_space<hbm>>
        tpu.wait_indirect_dma semaphore(%arg22 : memref<!tpu.dma_semaphore, #tpu.memory_space<semaphore_mem>>) src(%dma_wait3A_96 : memref<10000x128xf32, #tpu.memory_space<hbm>>) dst(%arg17 : memref<128x128xf32, #tpu.memory_space<vmem>>)
        %add3A_97 = arith.constant 2 : i32
        %add3A_98 = arith.addi %mul3A_82, %add3A_97 : i32
        %lt3A_99 = arith.constant 78 : i32
        %lt3A_100 = arith.cmpi slt, %add3A_98, %lt3A_99 : i32
        %convert_element_type3A_101 = arith.extui %lt3A_100 : i1 to i32
        %cond3A_102 = arith.constant 0 : i32
        %cond3A_103 = arith.cmpi ne, %convert_element_type3A_101, %cond3A_102 : i32
        scf.if %cond3A_103 {
          %add3A_161 = arith.constant 2 : i32
          %add3A_162 = arith.addi %mul3A_82, %add3A_161 : i32
          %mul3A_163 = arith.constant 128 : i32
          %mul3A_164 = arith.muli %add3A_162, %mul3A_163 : i32
          %add3A_165 = arith.addi %mul3A_0, %mul3A_164 : i32
          %multiple_of3A_166 = tpu.assume_multiple %add3A_165, 8 : i32
          %dma_start3A_167 = tpu.memref_slice %arg4[%multiple_of3A_166] : memref<160000xi32, #tpu.memory_space<hbm>> -> memref<128xi32, #tpu.memory_space<hbm>>
          %dma_start3A_168 = tpu.memref_slice %arg4[%multiple_of3A_166] : memref<160000xi32, #tpu.memory_space<hbm>> -> memref<128xi32, #tpu.memory_space<hbm>>
          tpu.enqueue_dma source(%dma_start3A_168 : memref<128xi32, #tpu.memory_space<hbm>>) target(%arg11 : memref<128xi32, #tpu.memory_space<vmem>>) target_semaphore(%arg26 : memref<!tpu.dma_semaphore, #tpu.memory_space<semaphore_mem>>)
          %dma_start3A_169 = tpu.memref_slice %arg5[%multiple_of3A_166] : memref<160000xi32, #tpu.memory_space<hbm>> -> memref<128xi32, #tpu.memory_space<hbm>>
          %dma_start3A_170 = tpu.memref_slice %arg5[%multiple_of3A_166] : memref<160000xi32, #tpu.memory_space<hbm>> -> memref<128xi32, #tpu.memory_space<hbm>>
          tpu.enqueue_dma source(%dma_start3A_170 : memref<128xi32, #tpu.memory_space<hbm>>) target(%arg15 : memref<128xi32, #tpu.memory_space<vmem>>) target_semaphore(%arg26 : memref<!tpu.dma_semaphore, #tpu.memory_space<semaphore_mem>>)
        } else {
        }
        "tpu.region"() ({
          %run_scoped3A = tpu.sem_alloc : memref<!tpu.dma_semaphore, #tpu.memory_space<semaphore_mem>>
          %dma_start3A_161 = arith.constant 0 : i32
          %dma_start3A_162 = arith.constant 0 : i32
          %dma_start3A_163 = tpu.memref_slice %arg8[%dma_start3A_161, %dma_start3A_162] : memref<10000x128xf32, #tpu.memory_space<vmem_shared>> -> memref<10000x128xf32, #tpu.memory_space<vmem_shared>>
          tpu.enqueue_indirect_dma source(%arg17 : memref<128x128xf32, #tpu.memory_space<vmem>>) target(%dma_start3A_163 : memref<10000x128xf32, #tpu.memory_space<vmem_shared>>) offsets(%arg13 : memref<128xi32, #tpu.memory_space<vmem>>) semaphore(%run_scoped3A : memref<!tpu.dma_semaphore, #tpu.memory_space<semaphore_mem>>) {add = true}
          %dma_wait3A_164 = arith.constant 0 : i32
          %dma_wait3A_165 = arith.constant 0 : i32
          %dma_wait3A_166 = tpu.memref_slice %arg8[%dma_wait3A_164, %dma_wait3A_165] : memref<10000x128xf32, #tpu.memory_space<vmem_shared>> -> memref<10000x128xf32, #tpu.memory_space<vmem_shared>>
          tpu.wait_indirect_dma semaphore(%run_scoped3A : memref<!tpu.dma_semaphore, #tpu.memory_space<semaphore_mem>>) src(%arg17 : memref<128x128xf32, #tpu.memory_space<vmem>>) dst(%dma_wait3A_166 : memref<10000x128xf32, #tpu.memory_space<vmem_shared>>)
          tpu.yield
        }) : () -> ()
        %add3A_104 = arith.constant 2 : i32
        %add3A_105 = arith.addi %mul3A_82, %add3A_104 : i32
        %lt3A_106 = arith.constant 78 : i32
        %lt3A_107 = arith.cmpi slt, %add3A_105, %lt3A_106 : i32
        %convert_element_type3A_108 = arith.extui %lt3A_107 : i1 to i32
        %cond3A_109 = arith.constant 0 : i32
        %cond3A_110 = arith.cmpi ne, %convert_element_type3A_108, %cond3A_109 : i32
        scf.if %cond3A_110 {
          %dma_wait3A_161 = arith.constant 0 : i32
          %dma_wait3A_162 = tpu.memref_slice %arg4[%dma_wait3A_161] : memref<160000xi32, #tpu.memory_space<hbm>> -> memref<128xi32, #tpu.memory_space<hbm>>
          %dma_wait3A_163 = arith.constant 0 : i32
          %dma_wait3A_164 = tpu.memref_slice %arg4[%dma_wait3A_163] : memref<160000xi32, #tpu.memory_space<hbm>> -> memref<128xi32, #tpu.memory_space<hbm>>
          tpu.wait_dma2 semaphore(%arg26 : memref<!tpu.dma_semaphore, #tpu.memory_space<semaphore_mem>>) src(%dma_wait3A_164 : memref<128xi32, #tpu.memory_space<hbm>>) dst(%arg11 : memref<128xi32, #tpu.memory_space<vmem>>)
          %dma_wait3A_165 = arith.constant 0 : i32
          %dma_wait3A_166 = tpu.memref_slice %arg5[%dma_wait3A_165] : memref<160000xi32, #tpu.memory_space<hbm>> -> memref<128xi32, #tpu.memory_space<hbm>>
          %dma_wait3A_167 = arith.constant 0 : i32
          %dma_wait3A_168 = tpu.memref_slice %arg5[%dma_wait3A_167] : memref<160000xi32, #tpu.memory_space<hbm>> -> memref<128xi32, #tpu.memory_space<hbm>>
          tpu.wait_dma2 semaphore(%arg26 : memref<!tpu.dma_semaphore, #tpu.memory_space<semaphore_mem>>) src(%dma_wait3A_168 : memref<128xi32, #tpu.memory_space<hbm>>) dst(%arg15 : memref<128xi32, #tpu.memory_space<vmem>>)
          %dma_start3A_169 = arith.constant 0 : i32
          %dma_start3A_170 = arith.constant 0 : i32
          %dma_start3A_171 = tpu.memref_slice %arg2[%dma_start3A_169, %dma_start3A_170] : memref<10000x128xf32, #tpu.memory_space<hbm>> -> memref<10000x128xf32, #tpu.memory_space<hbm>>
          tpu.enqueue_indirect_dma source(%dma_start3A_171 : memref<10000x128xf32, #tpu.memory_space<hbm>>) target(%arg17 : memref<128x128xf32, #tpu.memory_space<vmem>>) offsets(%arg11 : memref<128xi32, #tpu.memory_space<vmem>>) semaphore(%arg22 : memref<!tpu.dma_semaphore, #tpu.memory_space<semaphore_mem>>)
        } else {
        }
        %dma_wait3A_111 = arith.constant 0 : i32
        %dma_wait3A_112 = arith.constant 0 : i32
        %dma_wait3A_113 = tpu.memref_slice %arg2[%dma_wait3A_111, %dma_wait3A_112] : memref<10000x128xf32, #tpu.memory_space<hbm>> -> memref<10000x128xf32, #tpu.memory_space<hbm>>
        tpu.wait_indirect_dma semaphore(%arg23 : memref<!tpu.dma_semaphore, #tpu.memory_space<semaphore_mem>>) src(%dma_wait3A_113 : memref<10000x128xf32, #tpu.memory_space<hbm>>) dst(%arg18 : memref<128x128xf32, #tpu.memory_space<vmem>>)
        "tpu.region"() ({
          %run_scoped3A = tpu.sem_alloc : memref<!tpu.dma_semaphore, #tpu.memory_space<semaphore_mem>>
          %dma_start3A_161 = arith.constant 0 : i32
          %dma_start3A_162 = arith.constant 0 : i32
          %dma_start3A_163 = tpu.memref_slice %arg8[%dma_start3A_161, %dma_start3A_162] : memref<10000x128xf32, #tpu.memory_space<vmem_shared>> -> memref<10000x128xf32, #tpu.memory_space<vmem_shared>>
          tpu.enqueue_indirect_dma source(%arg18 : memref<128x128xf32, #tpu.memory_space<vmem>>) target(%dma_start3A_163 : memref<10000x128xf32, #tpu.memory_space<vmem_shared>>) offsets(%arg14 : memref<128xi32, #tpu.memory_space<vmem>>) semaphore(%run_scoped3A : memref<!tpu.dma_semaphore, #tpu.memory_space<semaphore_mem>>) {add = true}
          %dma_wait3A_164 = arith.constant 0 : i32
          %dma_wait3A_165 = arith.constant 0 : i32
          %dma_wait3A_166 = tpu.memref_slice %arg8[%dma_wait3A_164, %dma_wait3A_165] : memref<10000x128xf32, #tpu.memory_space<vmem_shared>> -> memref<10000x128xf32, #tpu.memory_space<vmem_shared>>
          tpu.wait_indirect_dma semaphore(%run_scoped3A : memref<!tpu.dma_semaphore, #tpu.memory_space<semaphore_mem>>) src(%arg18 : memref<128x128xf32, #tpu.memory_space<vmem>>) dst(%dma_wait3A_166 : memref<10000x128xf32, #tpu.memory_space<vmem_shared>>)
          tpu.yield
        }) : () -> ()
        %add3A_114 = arith.constant 3 : i32
        %add3A_115 = arith.addi %mul3A_82, %add3A_114 : i32
        %lt3A_116 = arith.constant 78 : i32
        %lt3A_117 = arith.cmpi slt, %add3A_115, %lt3A_116 : i32
        %convert_element_type3A_118 = arith.extui %lt3A_117 : i1 to i32
        %cond3A_119 = arith.constant 0 : i32
        %cond3A_120 = arith.cmpi ne, %convert_element_type3A_118, %cond3A_119 : i32
        scf.if %cond3A_120 {
          %add3A_161 = arith.constant 3 : i32
          %add3A_162 = arith.addi %mul3A_82, %add3A_161 : i32
          %mul3A_163 = arith.constant 128 : i32
          %mul3A_164 = arith.muli %add3A_162, %mul3A_163 : i32
          %add3A_165 = arith.addi %mul3A_0, %mul3A_164 : i32
          %multiple_of3A_166 = tpu.assume_multiple %add3A_165, 8 : i32
          %dma_start3A_167 = tpu.memref_slice %arg4[%multiple_of3A_166] : memref<160000xi32, #tpu.memory_space<hbm>> -> memref<128xi32, #tpu.memory_space<hbm>>
          %dma_start3A_168 = tpu.memref_slice %arg4[%multiple_of3A_166] : memref<160000xi32, #tpu.memory_space<hbm>> -> memref<128xi32, #tpu.memory_space<hbm>>
          tpu.enqueue_dma source(%dma_start3A_168 : memref<128xi32, #tpu.memory_space<hbm>>) target(%arg12 : memref<128xi32, #tpu.memory_space<vmem>>) target_semaphore(%arg27 : memref<!tpu.dma_semaphore, #tpu.memory_space<semaphore_mem>>)
          %dma_start3A_169 = tpu.memref_slice %arg5[%multiple_of3A_166] : memref<160000xi32, #tpu.memory_space<hbm>> -> memref<128xi32, #tpu.memory_space<hbm>>
          %dma_start3A_170 = tpu.memref_slice %arg5[%multiple_of3A_166] : memref<160000xi32, #tpu.memory_space<hbm>> -> memref<128xi32, #tpu.memory_space<hbm>>
          tpu.enqueue_dma source(%dma_start3A_170 : memref<128xi32, #tpu.memory_space<hbm>>) target(%arg16 : memref<128xi32, #tpu.memory_space<vmem>>) target_semaphore(%arg27 : memref<!tpu.dma_semaphore, #tpu.memory_space<semaphore_mem>>)
        } else {
        }
        %add3A_121 = arith.constant 2 : i32
        %add3A_122 = arith.addi %mul3A_82, %add3A_121 : i32
        %dma_wait3A_123 = arith.constant 0 : i32
        %dma_wait3A_124 = tpu.memref_slice %arg4[%dma_wait3A_123] : memref<160000xi32, #tpu.memory_space<hbm>> -> memref<128xi32, #tpu.memory_space<hbm>>
        %dma_wait3A_125 = arith.constant 0 : i32
        %dma_wait3A_126 = tpu.memref_slice %arg4[%dma_wait3A_125] : memref<160000xi32, #tpu.memory_space<hbm>> -> memref<128xi32, #tpu.memory_space<hbm>>
        tpu.wait_dma2 semaphore(%arg27 : memref<!tpu.dma_semaphore, #tpu.memory_space<semaphore_mem>>) src(%dma_wait3A_126 : memref<128xi32, #tpu.memory_space<hbm>>) dst(%arg12 : memref<128xi32, #tpu.memory_space<vmem>>)
        %dma_wait3A_127 = arith.constant 0 : i32
        %dma_wait3A_128 = tpu.memref_slice %arg5[%dma_wait3A_127] : memref<160000xi32, #tpu.memory_space<hbm>> -> memref<128xi32, #tpu.memory_space<hbm>>
        %dma_wait3A_129 = arith.constant 0 : i32
        %dma_wait3A_130 = tpu.memref_slice %arg5[%dma_wait3A_129] : memref<160000xi32, #tpu.memory_space<hbm>> -> memref<128xi32, #tpu.memory_space<hbm>>
        tpu.wait_dma2 semaphore(%arg27 : memref<!tpu.dma_semaphore, #tpu.memory_space<semaphore_mem>>) src(%dma_wait3A_130 : memref<128xi32, #tpu.memory_space<hbm>>) dst(%arg16 : memref<128xi32, #tpu.memory_space<vmem>>)
        %dma_start3A_131 = arith.constant 0 : i32
        %dma_start3A_132 = arith.constant 0 : i32
        %dma_start3A_133 = tpu.memref_slice %arg2[%dma_start3A_131, %dma_start3A_132] : memref<10000x128xf32, #tpu.memory_space<hbm>> -> memref<10000x128xf32, #tpu.memory_space<hbm>>
        tpu.enqueue_indirect_dma source(%dma_start3A_133 : memref<10000x128xf32, #tpu.memory_space<hbm>>) target(%arg18 : memref<128x128xf32, #tpu.memory_space<vmem>>) offsets(%arg12 : memref<128xi32, #tpu.memory_space<vmem>>) semaphore(%arg23 : memref<!tpu.dma_semaphore, #tpu.memory_space<semaphore_mem>>)
        %dma_wait3A_134 = arith.constant 0 : i32
        %dma_wait3A_135 = arith.constant 0 : i32
        %dma_wait3A_136 = tpu.memref_slice %arg2[%dma_wait3A_134, %dma_wait3A_135] : memref<10000x128xf32, #tpu.memory_space<hbm>> -> memref<10000x128xf32, #tpu.memory_space<hbm>>
        tpu.wait_indirect_dma semaphore(%arg22 : memref<!tpu.dma_semaphore, #tpu.memory_space<semaphore_mem>>) src(%dma_wait3A_136 : memref<10000x128xf32, #tpu.memory_space<hbm>>) dst(%arg17 : memref<128x128xf32, #tpu.memory_space<vmem>>)
        %add3A_137 = arith.constant 2 : i32
        %add3A_138 = arith.addi %add3A_122, %add3A_137 : i32
        %lt3A_139 = arith.constant 78 : i32
        %lt3A_140 = arith.cmpi slt, %add3A_138, %lt3A_139 : i32
        %convert_element_type3A_141 = arith.extui %lt3A_140 : i1 to i32
        %cond3A_142 = arith.constant 0 : i32
        %cond3A_143 = arith.cmpi ne, %convert_element_type3A_141, %cond3A_142 : i32
        scf.if %cond3A_143 {
          %add3A_161 = arith.constant 2 : i32
          %add3A_162 = arith.addi %add3A_122, %add3A_161 : i32
          %mul3A_163 = arith.constant 128 : i32
          %mul3A_164 = arith.muli %add3A_162, %mul3A_163 : i32
          %add3A_165 = arith.addi %mul3A_0, %mul3A_164 : i32
          %multiple_of3A_166 = tpu.assume_multiple %add3A_165, 8 : i32
          %dma_start3A_167 = tpu.memref_slice %arg4[%multiple_of3A_166] : memref<160000xi32, #tpu.memory_space<hbm>> -> memref<128xi32, #tpu.memory_space<hbm>>
          %dma_start3A_168 = tpu.memref_slice %arg4[%multiple_of3A_166] : memref<160000xi32, #tpu.memory_space<hbm>> -> memref<128xi32, #tpu.memory_space<hbm>>
          tpu.enqueue_dma source(%dma_start3A_168 : memref<128xi32, #tpu.memory_space<hbm>>) target(%arg9 : memref<128xi32, #tpu.memory_space<vmem>>) target_semaphore(%arg24 : memref<!tpu.dma_semaphore, #tpu.memory_space<semaphore_mem>>)
          %dma_start3A_169 = tpu.memref_slice %arg5[%multiple_of3A_166] : memref<160000xi32, #tpu.memory_space<hbm>> -> memref<128xi32, #tpu.memory_space<hbm>>
          %dma_start3A_170 = tpu.memref_slice %arg5[%multiple_of3A_166] : memref<160000xi32, #tpu.memory_space<hbm>> -> memref<128xi32, #tpu.memory_space<hbm>>
          tpu.enqueue_dma source(%dma_start3A_170 : memref<128xi32, #tpu.memory_space<hbm>>) target(%arg13 : memref<128xi32, #tpu.memory_space<vmem>>) target_semaphore(%arg24 : memref<!tpu.dma_semaphore, #tpu.memory_space<semaphore_mem>>)
        } else {
        }
        "tpu.region"() ({
          %run_scoped3A = tpu.sem_alloc : memref<!tpu.dma_semaphore, #tpu.memory_space<semaphore_mem>>
          %dma_start3A_161 = arith.constant 0 : i32
          %dma_start3A_162 = arith.constant 0 : i32
          %dma_start3A_163 = tpu.memref_slice %arg8[%dma_start3A_161, %dma_start3A_162] : memref<10000x128xf32, #tpu.memory_space<vmem_shared>> -> memref<10000x128xf32, #tpu.memory_space<vmem_shared>>
          tpu.enqueue_indirect_dma source(%arg17 : memref<128x128xf32, #tpu.memory_space<vmem>>) target(%dma_start3A_163 : memref<10000x128xf32, #tpu.memory_space<vmem_shared>>) offsets(%arg15 : memref<128xi32, #tpu.memory_space<vmem>>) semaphore(%run_scoped3A : memref<!tpu.dma_semaphore, #tpu.memory_space<semaphore_mem>>) {add = true}
          %dma_wait3A_164 = arith.constant 0 : i32
          %dma_wait3A_165 = arith.constant 0 : i32
          %dma_wait3A_166 = tpu.memref_slice %arg8[%dma_wait3A_164, %dma_wait3A_165] : memref<10000x128xf32, #tpu.memory_space<vmem_shared>> -> memref<10000x128xf32, #tpu.memory_space<vmem_shared>>
          tpu.wait_indirect_dma semaphore(%run_scoped3A : memref<!tpu.dma_semaphore, #tpu.memory_space<semaphore_mem>>) src(%arg17 : memref<128x128xf32, #tpu.memory_space<vmem>>) dst(%dma_wait3A_166 : memref<10000x128xf32, #tpu.memory_space<vmem_shared>>)
          tpu.yield
        }) : () -> ()
        %add3A_144 = arith.constant 2 : i32
        %add3A_145 = arith.addi %add3A_122, %add3A_144 : i32
        %lt3A_146 = arith.constant 78 : i32
        %lt3A_147 = arith.cmpi slt, %add3A_145, %lt3A_146 : i32
        %convert_element_type3A_148 = arith.extui %lt3A_147 : i1 to i32
        %cond3A_149 = arith.constant 0 : i32
        %cond3A_150 = arith.cmpi ne, %convert_element_type3A_148, %cond3A_149 : i32
        scf.if %cond3A_150 {
          %dma_wait3A_161 = arith.constant 0 : i32
          %dma_wait3A_162 = tpu.memref_slice %arg4[%dma_wait3A_161] : memref<160000xi32, #tpu.memory_space<hbm>> -> memref<128xi32, #tpu.memory_space<hbm>>
          %dma_wait3A_163 = arith.constant 0 : i32
          %dma_wait3A_164 = tpu.memref_slice %arg4[%dma_wait3A_163] : memref<160000xi32, #tpu.memory_space<hbm>> -> memref<128xi32, #tpu.memory_space<hbm>>
          tpu.wait_dma2 semaphore(%arg24 : memref<!tpu.dma_semaphore, #tpu.memory_space<semaphore_mem>>) src(%dma_wait3A_164 : memref<128xi32, #tpu.memory_space<hbm>>) dst(%arg9 : memref<128xi32, #tpu.memory_space<vmem>>)
          %dma_wait3A_165 = arith.constant 0 : i32
          %dma_wait3A_166 = tpu.memref_slice %arg5[%dma_wait3A_165] : memref<160000xi32, #tpu.memory_space<hbm>> -> memref<128xi32, #tpu.memory_space<hbm>>
          %dma_wait3A_167 = arith.constant 0 : i32
          %dma_wait3A_168 = tpu.memref_slice %arg5[%dma_wait3A_167] : memref<160000xi32, #tpu.memory_space<hbm>> -> memref<128xi32, #tpu.memory_space<hbm>>
          tpu.wait_dma2 semaphore(%arg24 : memref<!tpu.dma_semaphore, #tpu.memory_space<semaphore_mem>>) src(%dma_wait3A_168 : memref<128xi32, #tpu.memory_space<hbm>>) dst(%arg13 : memref<128xi32, #tpu.memory_space<vmem>>)
          %dma_start3A_169 = arith.constant 0 : i32
          %dma_start3A_170 = arith.constant 0 : i32
          %dma_start3A_171 = tpu.memref_slice %arg2[%dma_start3A_169, %dma_start3A_170] : memref<10000x128xf32, #tpu.memory_space<hbm>> -> memref<10000x128xf32, #tpu.memory_space<hbm>>
          tpu.enqueue_indirect_dma source(%dma_start3A_171 : memref<10000x128xf32, #tpu.memory_space<hbm>>) target(%arg17 : memref<128x128xf32, #tpu.memory_space<vmem>>) offsets(%arg9 : memref<128xi32, #tpu.memory_space<vmem>>) semaphore(%arg22 : memref<!tpu.dma_semaphore, #tpu.memory_space<semaphore_mem>>)
        } else {
        }
        %dma_wait3A_151 = arith.constant 0 : i32
        %dma_wait3A_152 = arith.constant 0 : i32
        %dma_wait3A_153 = tpu.memref_slice %arg2[%dma_wait3A_151, %dma_wait3A_152] : memref<10000x128xf32, #tpu.memory_space<hbm>> -> memref<10000x128xf32, #tpu.memory_space<hbm>>
        tpu.wait_indirect_dma semaphore(%arg23 : memref<!tpu.dma_semaphore, #tpu.memory_space<semaphore_mem>>) src(%dma_wait3A_153 : memref<10000x128xf32, #tpu.memory_space<hbm>>) dst(%arg18 : memref<128x128xf32, #tpu.memory_space<vmem>>)
        "tpu.region"() ({
          %run_scoped3A = tpu.sem_alloc : memref<!tpu.dma_semaphore, #tpu.memory_space<semaphore_mem>>
          %dma_start3A_161 = arith.constant 0 : i32
          %dma_start3A_162 = arith.constant 0 : i32
          %dma_start3A_163 = tpu.memref_slice %arg8[%dma_start3A_161, %dma_start3A_162] : memref<10000x128xf32, #tpu.memory_space<vmem_shared>> -> memref<10000x128xf32, #tpu.memory_space<vmem_shared>>
          tpu.enqueue_indirect_dma source(%arg18 : memref<128x128xf32, #tpu.memory_space<vmem>>) target(%dma_start3A_163 : memref<10000x128xf32, #tpu.memory_space<vmem_shared>>) offsets(%arg16 : memref<128xi32, #tpu.memory_space<vmem>>) semaphore(%run_scoped3A : memref<!tpu.dma_semaphore, #tpu.memory_space<semaphore_mem>>) {add = true}
          %dma_wait3A_164 = arith.constant 0 : i32
          %dma_wait3A_165 = arith.constant 0 : i32
          %dma_wait3A_166 = tpu.memref_slice %arg8[%dma_wait3A_164, %dma_wait3A_165] : memref<10000x128xf32, #tpu.memory_space<vmem_shared>> -> memref<10000x128xf32, #tpu.memory_space<vmem_shared>>
          tpu.wait_indirect_dma semaphore(%run_scoped3A : memref<!tpu.dma_semaphore, #tpu.memory_space<semaphore_mem>>) src(%arg18 : memref<128x128xf32, #tpu.memory_space<vmem>>) dst(%dma_wait3A_166 : memref<10000x128xf32, #tpu.memory_space<vmem_shared>>)
          tpu.yield
        }) : () -> ()
        %add3A_154 = arith.constant 3 : i32
        %add3A_155 = arith.addi %add3A_122, %add3A_154 : i32
        %lt3A_156 = arith.constant 78 : i32
        %lt3A_157 = arith.cmpi slt, %add3A_155, %lt3A_156 : i32
        %convert_element_type3A_158 = arith.extui %lt3A_157 : i1 to i32
        %cond3A_159 = arith.constant 0 : i32
        %cond3A_160 = arith.cmpi ne, %convert_element_type3A_158, %cond3A_159 : i32
        scf.if %cond3A_160 {
          %add3A_161 = arith.constant 3 : i32
          %add3A_162 = arith.addi %add3A_122, %add3A_161 : i32
          %mul3A_163 = arith.constant 128 : i32
          %mul3A_164 = arith.muli %add3A_162, %mul3A_163 : i32
          %add3A_165 = arith.addi %mul3A_0, %mul3A_164 : i32
          %multiple_of3A_166 = tpu.assume_multiple %add3A_165, 8 : i32
          %dma_start3A_167 = tpu.memref_slice %arg4[%multiple_of3A_166] : memref<160000xi32, #tpu.memory_space<hbm>> -> memref<128xi32, #tpu.memory_space<hbm>>
          %dma_start3A_168 = tpu.memref_slice %arg4[%multiple_of3A_166] : memref<160000xi32, #tpu.memory_space<hbm>> -> memref<128xi32, #tpu.memory_space<hbm>>
          tpu.enqueue_dma source(%dma_start3A_168 : memref<128xi32, #tpu.memory_space<hbm>>) target(%arg10 : memref<128xi32, #tpu.memory_space<vmem>>) target_semaphore(%arg25 : memref<!tpu.dma_semaphore, #tpu.memory_space<semaphore_mem>>)
          %dma_start3A_169 = tpu.memref_slice %arg5[%multiple_of3A_166] : memref<160000xi32, #tpu.memory_space<hbm>> -> memref<128xi32, #tpu.memory_space<hbm>>
          %dma_start3A_170 = tpu.memref_slice %arg5[%multiple_of3A_166] : memref<160000xi32, #tpu.memory_space<hbm>> -> memref<128xi32, #tpu.memory_space<hbm>>
          tpu.enqueue_dma source(%dma_start3A_170 : memref<128xi32, #tpu.memory_space<hbm>>) target(%arg14 : memref<128xi32, #tpu.memory_space<vmem>>) target_semaphore(%arg25 : memref<!tpu.dma_semaphore, #tpu.memory_space<semaphore_mem>>)
        } else {
        }
      }
      %scan3A_42 = arith.constant 19 : i32
      %dma_wait3A_43 = arith.constant 0 : i32
      %dma_wait3A_44 = tpu.memref_slice %arg4[%dma_wait3A_43] : memref<160000xi32, #tpu.memory_space<hbm>> -> memref<128xi32, #tpu.memory_space<hbm>>
      %dma_wait3A_45 = arith.constant 0 : i32
      %dma_wait3A_46 = tpu.memref_slice %arg4[%dma_wait3A_45] : memref<160000xi32, #tpu.memory_space<hbm>> -> memref<128xi32, #tpu.memory_space<hbm>>
      tpu.wait_dma2 semaphore(%arg25 : memref<!tpu.dma_semaphore, #tpu.memory_space<semaphore_mem>>) src(%dma_wait3A_46 : memref<128xi32, #tpu.memory_space<hbm>>) dst(%arg10 : memref<128xi32, #tpu.memory_space<vmem>>)
      %dma_wait3A_47 = arith.constant 0 : i32
      %dma_wait3A_48 = tpu.memref_slice %arg5[%dma_wait3A_47] : memref<160000xi32, #tpu.memory_space<hbm>> -> memref<128xi32, #tpu.memory_space<hbm>>
      %dma_wait3A_49 = arith.constant 0 : i32
      %dma_wait3A_50 = tpu.memref_slice %arg5[%dma_wait3A_49] : memref<160000xi32, #tpu.memory_space<hbm>> -> memref<128xi32, #tpu.memory_space<hbm>>
      tpu.wait_dma2 semaphore(%arg25 : memref<!tpu.dma_semaphore, #tpu.memory_space<semaphore_mem>>) src(%dma_wait3A_50 : memref<128xi32, #tpu.memory_space<hbm>>) dst(%arg14 : memref<128xi32, #tpu.memory_space<vmem>>)
      %dma_start3A_51 = arith.constant 0 : i32
      %dma_start3A_52 = arith.constant 0 : i32
      %dma_start3A_53 = tpu.memref_slice %arg2[%dma_start3A_51, %dma_start3A_52] : memref<10000x128xf32, #tpu.memory_space<hbm>> -> memref<10000x128xf32, #tpu.memory_space<hbm>>
      tpu.enqueue_indirect_dma source(%dma_start3A_53 : memref<10000x128xf32, #tpu.memory_space<hbm>>) target(%arg18 : memref<128x128xf32, #tpu.memory_space<vmem>>) offsets(%arg10 : memref<128xi32, #tpu.memory_space<vmem>>) semaphore(%arg23 : memref<!tpu.dma_semaphore, #tpu.memory_space<semaphore_mem>>)
      %dma_wait3A_54 = arith.constant 0 : i32
      %dma_wait3A_55 = arith.constant 0 : i32
      %dma_wait3A_56 = tpu.memref_slice %arg2[%dma_wait3A_54, %dma_wait3A_55] : memref<10000x128xf32, #tpu.memory_space<hbm>> -> memref<10000x128xf32, #tpu.memory_space<hbm>>
      tpu.wait_indirect_dma semaphore(%arg22 : memref<!tpu.dma_semaphore, #tpu.memory_space<semaphore_mem>>) src(%dma_wait3A_56 : memref<10000x128xf32, #tpu.memory_space<hbm>>) dst(%arg17 : memref<128x128xf32, #tpu.memory_space<vmem>>)
      "tpu.region"() ({
        %run_scoped3A = tpu.sem_alloc : memref<!tpu.dma_semaphore, #tpu.memory_space<semaphore_mem>>
        %dma_start3A_80 = arith.constant 0 : i32
        %dma_start3A_81 = arith.constant 0 : i32
        %dma_start3A_82 = tpu.memref_slice %arg8[%dma_start3A_80, %dma_start3A_81] : memref<10000x128xf32, #tpu.memory_space<vmem_shared>> -> memref<10000x128xf32, #tpu.memory_space<vmem_shared>>
        tpu.enqueue_indirect_dma source(%arg17 : memref<128x128xf32, #tpu.memory_space<vmem>>) target(%dma_start3A_82 : memref<10000x128xf32, #tpu.memory_space<vmem_shared>>) offsets(%arg13 : memref<128xi32, #tpu.memory_space<vmem>>) semaphore(%run_scoped3A : memref<!tpu.dma_semaphore, #tpu.memory_space<semaphore_mem>>) {add = true}
        %dma_wait3A_83 = arith.constant 0 : i32
        %dma_wait3A_84 = arith.constant 0 : i32
        %dma_wait3A_85 = tpu.memref_slice %arg8[%dma_wait3A_83, %dma_wait3A_84] : memref<10000x128xf32, #tpu.memory_space<vmem_shared>> -> memref<10000x128xf32, #tpu.memory_space<vmem_shared>>
        tpu.wait_indirect_dma semaphore(%run_scoped3A : memref<!tpu.dma_semaphore, #tpu.memory_space<semaphore_mem>>) src(%arg17 : memref<128x128xf32, #tpu.memory_space<vmem>>) dst(%dma_wait3A_85 : memref<10000x128xf32, #tpu.memory_space<vmem_shared>>)
        tpu.yield
      }) : () -> ()
      %dma_wait3A_57 = arith.constant 0 : i32
      %dma_wait3A_58 = arith.constant 0 : i32
      %dma_wait3A_59 = tpu.memref_slice %arg2[%dma_wait3A_57, %dma_wait3A_58] : memref<10000x128xf32, #tpu.memory_space<hbm>> -> memref<10000x128xf32, #tpu.memory_space<hbm>>
      tpu.wait_indirect_dma semaphore(%arg23 : memref<!tpu.dma_semaphore, #tpu.memory_space<semaphore_mem>>) src(%dma_wait3A_59 : memref<10000x128xf32, #tpu.memory_space<hbm>>) dst(%arg18 : memref<128x128xf32, #tpu.memory_space<vmem>>)
      "tpu.region"() ({
        %run_scoped3A = tpu.sem_alloc : memref<!tpu.dma_semaphore, #tpu.memory_space<semaphore_mem>>
        %dma_start3A_80 = arith.constant 0 : i32
        %dma_start3A_81 = arith.constant 0 : i32
        %dma_start3A_82 = tpu.memref_slice %arg8[%dma_start3A_80, %dma_start3A_81] : memref<10000x128xf32, #tpu.memory_space<vmem_shared>> -> memref<10000x128xf32, #tpu.memory_space<vmem_shared>>
        tpu.enqueue_indirect_dma source(%arg18 : memref<128x128xf32, #tpu.memory_space<vmem>>) target(%dma_start3A_82 : memref<10000x128xf32, #tpu.memory_space<vmem_shared>>) offsets(%arg14 : memref<128xi32, #tpu.memory_space<vmem>>) semaphore(%run_scoped3A : memref<!tpu.dma_semaphore, #tpu.memory_space<semaphore_mem>>) {add = true}
        %dma_wait3A_83 = arith.constant 0 : i32
        %dma_wait3A_84 = arith.constant 0 : i32
        %dma_wait3A_85 = tpu.memref_slice %arg8[%dma_wait3A_83, %dma_wait3A_84] : memref<10000x128xf32, #tpu.memory_space<vmem_shared>> -> memref<10000x128xf32, #tpu.memory_space<vmem_shared>>
        tpu.wait_indirect_dma semaphore(%run_scoped3A : memref<!tpu.dma_semaphore, #tpu.memory_space<semaphore_mem>>) src(%arg18 : memref<128x128xf32, #tpu.memory_space<vmem>>) dst(%dma_wait3A_85 : memref<10000x128xf32, #tpu.memory_space<vmem_shared>>)
        tpu.yield
      }) : () -> ()
      %add3A_60 = arith.constant 9984 : i32
      %add3A_61 = arith.addi %mul3A_0, %add3A_60 : i32
      %multiple_of3A_62 = tpu.assume_multiple %add3A_61, 8 : i32
      "tpu.region"() ({
        %run_scoped3A = tpu.sem_alloc : memref<!tpu.dma_semaphore, #tpu.memory_space<semaphore_mem>>
        %dma_start3A_80 = tpu.memref_slice %arg4[%multiple_of3A_62] : memref<160000xi32, #tpu.memory_space<hbm>> -> memref<16xi32, #tpu.memory_space<hbm>>
        %dma_start3A_81 = tpu.memref_slice %arg4[%multiple_of3A_62] : memref<160000xi32, #tpu.memory_space<hbm>> -> memref<16xi32, #tpu.memory_space<hbm>>
        tpu.enqueue_dma source(%dma_start3A_81 : memref<16xi32, #tpu.memory_space<hbm>>) target(%arg19 : memref<16xi32, #tpu.memory_space<vmem>>) target_semaphore(%run_scoped3A : memref<!tpu.dma_semaphore, #tpu.memory_space<semaphore_mem>>)
        %dma_wait3A_82 = tpu.memref_slice %arg4[%multiple_of3A_62] : memref<160000xi32, #tpu.memory_space<hbm>> -> memref<16xi32, #tpu.memory_space<hbm>>
        %dma_wait3A_83 = tpu.memref_slice %arg4[%multiple_of3A_62] : memref<160000xi32, #tpu.memory_space<hbm>> -> memref<16xi32, #tpu.memory_space<hbm>>
        tpu.wait_dma2 semaphore(%run_scoped3A : memref<!tpu.dma_semaphore, #tpu.memory_space<semaphore_mem>>) src(%dma_wait3A_83 : memref<16xi32, #tpu.memory_space<hbm>>) dst(%arg19 : memref<16xi32, #tpu.memory_space<vmem>>)
        tpu.yield
      }) : () -> ()
      "tpu.region"() ({
        %run_scoped3A = tpu.sem_alloc : memref<!tpu.dma_semaphore, #tpu.memory_space<semaphore_mem>>
        %dma_start3A_80 = tpu.memref_slice %arg5[%multiple_of3A_62] : memref<160000xi32, #tpu.memory_space<hbm>> -> memref<16xi32, #tpu.memory_space<hbm>>
        %dma_start3A_81 = tpu.memref_slice %arg5[%multiple_of3A_62] : memref<160000xi32, #tpu.memory_space<hbm>> -> memref<16xi32, #tpu.memory_space<hbm>>
        tpu.enqueue_dma source(%dma_start3A_81 : memref<16xi32, #tpu.memory_space<hbm>>) target(%arg20 : memref<16xi32, #tpu.memory_space<vmem>>) target_semaphore(%run_scoped3A : memref<!tpu.dma_semaphore, #tpu.memory_space<semaphore_mem>>)
        %dma_wait3A_82 = tpu.memref_slice %arg5[%multiple_of3A_62] : memref<160000xi32, #tpu.memory_space<hbm>> -> memref<16xi32, #tpu.memory_space<hbm>>
        %dma_wait3A_83 = tpu.memref_slice %arg5[%multiple_of3A_62] : memref<160000xi32, #tpu.memory_space<hbm>> -> memref<16xi32, #tpu.memory_space<hbm>>
        tpu.wait_dma2 semaphore(%run_scoped3A : memref<!tpu.dma_semaphore, #tpu.memory_space<semaphore_mem>>) src(%dma_wait3A_83 : memref<16xi32, #tpu.memory_space<hbm>>) dst(%arg20 : memref<16xi32, #tpu.memory_space<vmem>>)
        tpu.yield
      }) : () -> ()
      %dma_start3A_63 = arith.constant 0 : i32
      %dma_start3A_64 = arith.constant 0 : i32
      %dma_start3A_65 = tpu.memref_slice %arg2[%dma_start3A_63, %dma_start3A_64] : memref<10000x128xf32, #tpu.memory_space<hbm>> -> memref<10000x128xf32, #tpu.memory_space<hbm>>
      tpu.enqueue_indirect_dma source(%dma_start3A_65 : memref<10000x128xf32, #tpu.memory_space<hbm>>) target(%arg21 : memref<16x128xf32, #tpu.memory_space<vmem>>) offsets(%arg19 : memref<16xi32, #tpu.memory_space<vmem>>) semaphore(%arg22 : memref<!tpu.dma_semaphore, #tpu.memory_space<semaphore_mem>>)
      %dma_wait3A_66 = arith.constant 0 : i32
      %dma_wait3A_67 = arith.constant 0 : i32
      %dma_wait3A_68 = tpu.memref_slice %arg2[%dma_wait3A_66, %dma_wait3A_67] : memref<10000x128xf32, #tpu.memory_space<hbm>> -> memref<10000x128xf32, #tpu.memory_space<hbm>>
      tpu.wait_indirect_dma semaphore(%arg22 : memref<!tpu.dma_semaphore, #tpu.memory_space<semaphore_mem>>) src(%dma_wait3A_68 : memref<10000x128xf32, #tpu.memory_space<hbm>>) dst(%arg21 : memref<16x128xf32, #tpu.memory_space<vmem>>)
      "tpu.region"() ({
        %run_scoped3A = tpu.sem_alloc : memref<!tpu.dma_semaphore, #tpu.memory_space<semaphore_mem>>
        %dma_start3A_80 = arith.constant 0 : i32
        %dma_start3A_81 = arith.constant 0 : i32
        %dma_start3A_82 = tpu.memref_slice %arg8[%dma_start3A_80, %dma_start3A_81] : memref<10000x128xf32, #tpu.memory_space<vmem_shared>> -> memref<10000x128xf32, #tpu.memory_space<vmem_shared>>
        tpu.enqueue_indirect_dma source(%arg21 : memref<16x128xf32, #tpu.memory_space<vmem>>) target(%dma_start3A_82 : memref<10000x128xf32, #tpu.memory_space<vmem_shared>>) offsets(%arg20 : memref<16xi32, #tpu.memory_space<vmem>>) semaphore(%run_scoped3A : memref<!tpu.dma_semaphore, #tpu.memory_space<semaphore_mem>>) {add = true}
        %dma_wait3A_83 = arith.constant 0 : i32
        %dma_wait3A_84 = arith.constant 0 : i32
        %dma_wait3A_85 = tpu.memref_slice %arg8[%dma_wait3A_83, %dma_wait3A_84] : memref<10000x128xf32, #tpu.memory_space<vmem_shared>> -> memref<10000x128xf32, #tpu.memory_space<vmem_shared>>
        tpu.wait_indirect_dma semaphore(%run_scoped3A : memref<!tpu.dma_semaphore, #tpu.memory_space<semaphore_mem>>) src(%arg21 : memref<16x128xf32, #tpu.memory_space<vmem>>) dst(%dma_wait3A_85 : memref<10000x128xf32, #tpu.memory_space<vmem_shared>>)
        tpu.yield
      }) : () -> ()
      %barrier3A_69 = arith.constant 0 : index
      tpu.barrier barrier_id(%barrier3A_69)
      %lt3A_70 = arith.constant 15 : i32
      %lt3A_71 = arith.cmpi slt, %arg1, %lt3A_70 : i32
      %convert_element_type3A_72 = arith.extui %lt3A_71 : i1 to i32
      %cond3A_73 = arith.constant 0 : i32
      %cond3A_74 = arith.cmpi ne, %convert_element_type3A_72, %cond3A_73 : i32
      scf.if %cond3A_74 {
        %mul3A_80 = arith.constant 624 : i32
        %mul3A_81 = arith.muli %arg1, %mul3A_80 : i32
        %multiple_of3A_82 = tpu.assume_multiple %mul3A_81, 8 : i32
        "tpu.region"() ({
          %run_scoped3A = tpu.sem_alloc : memref<!tpu.dma_semaphore, #tpu.memory_space<semaphore_mem>>
          %dma_start3A_83 = arith.constant 0 : i32
          %dma_start3A_84 = tpu.memref_slice %arg6[%multiple_of3A_82, %dma_start3A_83] : memref<10000x128xf32, #tpu.memory_space<hbm>> -> memref<624x128xf32, #tpu.memory_space<hbm>>
          %dma_start3A_85 = arith.constant 0 : i32
          %dma_start3A_86 = tpu.memref_slice %arg8[%multiple_of3A_82, %dma_start3A_85] : memref<10000x128xf32, #tpu.memory_space<vmem_shared>> -> memref<624x128xf32, #tpu.memory_space<vmem_shared>>
          tpu.enqueue_dma source(%dma_start3A_86 : memref<624x128xf32, #tpu.memory_space<vmem_shared>>) target(%dma_start3A_84 : memref<624x128xf32, #tpu.memory_space<hbm>>) target_semaphore(%run_scoped3A : memref<!tpu.dma_semaphore, #tpu.memory_space<semaphore_mem>>)
          %dma_wait3A_87 = arith.constant 0 : i32
          %dma_wait3A_88 = tpu.memref_slice %arg6[%multiple_of3A_82, %dma_wait3A_87] : memref<10000x128xf32, #tpu.memory_space<hbm>> -> memref<624x128xf32, #tpu.memory_space<hbm>>
          %dma_wait3A_89 = arith.constant 0 : i32
          %dma_wait3A_90 = tpu.memref_slice %arg8[%multiple_of3A_82, %dma_wait3A_89] : memref<10000x128xf32, #tpu.memory_space<vmem_shared>> -> memref<624x128xf32, #tpu.memory_space<vmem_shared>>
          tpu.wait_dma2 semaphore(%run_scoped3A : memref<!tpu.dma_semaphore, #tpu.memory_space<semaphore_mem>>) src(%dma_wait3A_90 : memref<624x128xf32, #tpu.memory_space<vmem_shared>>) dst(%dma_wait3A_88 : memref<624x128xf32, #tpu.memory_space<hbm>>)
          tpu.yield
        }) : () -> ()
      } else {
      }
      %eq3A_75 = arith.constant 15 : i32
      %eq3A_76 = arith.cmpi eq, %arg1, %eq3A_75 : i32
      %convert_element_type3A_77 = arith.extui %eq3A_76 : i1 to i32
      %cond3A_78 = arith.constant 0 : i32
      %cond3A_79 = arith.cmpi ne, %convert_element_type3A_77, %cond3A_78 : i32
      scf.if %cond3A_79 {
        "tpu.region"() ({
          %run_scoped3A = tpu.sem_alloc : memref<!tpu.dma_semaphore, #tpu.memory_space<semaphore_mem>>
          %dma_start3A_80 = arith.constant 9360 : i32
          %dma_start3A_81 = arith.constant 0 : i32
          %dma_start3A_82 = tpu.memref_slice %arg6[%dma_start3A_80, %dma_start3A_81] : memref<10000x128xf32, #tpu.memory_space<hbm>> -> memref<640x128xf32, #tpu.memory_space<hbm>>
          %dma_start3A_83 = arith.constant 9360 : i32
          %dma_start3A_84 = arith.constant 0 : i32
          %dma_start3A_85 = tpu.memref_slice %arg8[%dma_start3A_83, %dma_start3A_84] : memref<10000x128xf32, #tpu.memory_space<vmem_shared>> -> memref<640x128xf32, #tpu.memory_space<vmem_shared>>
          tpu.enqueue_dma source(%dma_start3A_85 : memref<640x128xf32, #tpu.memory_space<vmem_shared>>) target(%dma_start3A_82 : memref<640x128xf32, #tpu.memory_space<hbm>>) target_semaphore(%run_scoped3A : memref<!tpu.dma_semaphore, #tpu.memory_space<semaphore_mem>>)
          %dma_wait3A_86 = arith.constant 9360 : i32
          %dma_wait3A_87 = arith.constant 0 : i32
          %dma_wait3A_88 = tpu.memref_slice %arg6[%dma_wait3A_86, %dma_wait3A_87] : memref<10000x128xf32, #tpu.memory_space<hbm>> -> memref<640x128xf32, #tpu.memory_space<hbm>>
          %dma_wait3A_89 = arith.constant 9360 : i32
          %dma_wait3A_90 = arith.constant 0 : i32
          %dma_wait3A_91 = tpu.memref_slice %arg8[%dma_wait3A_89, %dma_wait3A_90] : memref<10000x128xf32, #tpu.memory_space<vmem_shared>> -> memref<640x128xf32, #tpu.memory_space<vmem_shared>>
          tpu.wait_dma2 semaphore(%run_scoped3A : memref<!tpu.dma_semaphore, #tpu.memory_space<semaphore_mem>>) src(%dma_wait3A_91 : memref<640x128xf32, #tpu.memory_space<vmem_shared>>) dst(%dma_wait3A_88 : memref<640x128xf32, #tpu.memory_space<hbm>>)
          tpu.yield
        }) : () -> ()
      } else {
      }
    } else {
    }
    %eq3A_3 = arith.constant 1 : i32
    %eq3A_4 = arith.cmpi eq, %arg0, %eq3A_3 : i32
    %convert_element_type3A_5 = arith.extui %eq3A_4 : i1 to i32
    %cond3A_6 = arith.constant 0 : i32
    %cond3A_7 = arith.cmpi ne, %convert_element_type3A_5, %cond3A_6 : i32
    scf.if %cond3A_7 {
      %add3A = arith.constant 0 : i32
      %add3A_8 = arith.addi %mul3A_0, %add3A : i32
      %multiple_of3A = tpu.assume_multiple %add3A_8, 8 : i32
      %dma_start3A = tpu.memref_slice %arg4[%multiple_of3A] : memref<160000xi32, #tpu.memory_space<hbm>> -> memref<128xi32, #tpu.memory_space<hbm>>
      %dma_start3A_9 = tpu.memref_slice %arg4[%multiple_of3A] : memref<160000xi32, #tpu.memory_space<hbm>> -> memref<128xi32, #tpu.memory_space<hbm>>
      tpu.enqueue_dma source(%dma_start3A_9 : memref<128xi32, #tpu.memory_space<hbm>>) target(%arg9 : memref<128xi32, #tpu.memory_space<vmem>>) target_semaphore(%arg24 : memref<!tpu.dma_semaphore, #tpu.memory_space<semaphore_mem>>)
      %dma_start3A_10 = tpu.memref_slice %arg5[%multiple_of3A] : memref<160000xi32, #tpu.memory_space<hbm>> -> memref<128xi32, #tpu.memory_space<hbm>>
      %dma_start3A_11 = tpu.memref_slice %arg5[%multiple_of3A] : memref<160000xi32, #tpu.memory_space<hbm>> -> memref<128xi32, #tpu.memory_space<hbm>>
      tpu.enqueue_dma source(%dma_start3A_11 : memref<128xi32, #tpu.memory_space<hbm>>) target(%arg13 : memref<128xi32, #tpu.memory_space<vmem>>) target_semaphore(%arg24 : memref<!tpu.dma_semaphore, #tpu.memory_space<semaphore_mem>>)
      %add3A_12 = arith.constant 128 : i32
      %add3A_13 = arith.addi %mul3A_0, %add3A_12 : i32
      %multiple_of3A_14 = tpu.assume_multiple %add3A_13, 8 : i32
      %dma_start3A_15 = tpu.memref_slice %arg4[%multiple_of3A_14] : memref<160000xi32, #tpu.memory_space<hbm>> -> memref<128xi32, #tpu.memory_space<hbm>>
      %dma_start3A_16 = tpu.memref_slice %arg4[%multiple_of3A_14] : memref<160000xi32, #tpu.memory_space<hbm>> -> memref<128xi32, #tpu.memory_space<hbm>>
      tpu.enqueue_dma source(%dma_start3A_16 : memref<128xi32, #tpu.memory_space<hbm>>) target(%arg10 : memref<128xi32, #tpu.memory_space<vmem>>) target_semaphore(%arg25 : memref<!tpu.dma_semaphore, #tpu.memory_space<semaphore_mem>>)
      %dma_start3A_17 = tpu.memref_slice %arg5[%multiple_of3A_14] : memref<160000xi32, #tpu.memory_space<hbm>> -> memref<128xi32, #tpu.memory_space<hbm>>
      %dma_start3A_18 = tpu.memref_slice %arg5[%multiple_of3A_14] : memref<160000xi32, #tpu.memory_space<hbm>> -> memref<128xi32, #tpu.memory_space<hbm>>
      tpu.enqueue_dma source(%dma_start3A_18 : memref<128xi32, #tpu.memory_space<hbm>>) target(%arg14 : memref<128xi32, #tpu.memory_space<vmem>>) target_semaphore(%arg25 : memref<!tpu.dma_semaphore, #tpu.memory_space<semaphore_mem>>)
      %lt3A = arith.constant 15 : i32
      %lt3A_19 = arith.cmpi slt, %arg1, %lt3A : i32
      %convert_element_type3A_20 = arith.extui %lt3A_19 : i1 to i32
      %cond3A_21 = arith.constant 0 : i32
      %cond3A_22 = arith.cmpi ne, %convert_element_type3A_20, %cond3A_21 : i32
      scf.if %cond3A_22 {
        %mul3A_80 = arith.constant 624 : i32
        %mul3A_81 = arith.muli %arg1, %mul3A_80 : i32
        %multiple_of3A_82 = tpu.assume_multiple %mul3A_81, 8 : i32
        "tpu.region"() ({
          %run_scoped3A = tpu.sem_alloc : memref<!tpu.dma_semaphore, #tpu.memory_space<semaphore_mem>>
          %dma_start3A_83 = arith.constant 0 : i32
          %dma_start3A_84 = tpu.memref_slice %arg8[%multiple_of3A_82, %dma_start3A_83] : memref<10000x128xf32, #tpu.memory_space<vmem_shared>> -> memref<624x128xf32, #tpu.memory_space<vmem_shared>>
          %dma_start3A_85 = arith.constant 0 : i32
          %dma_start3A_86 = tpu.memref_slice %arg3[%multiple_of3A_82, %dma_start3A_85] : memref<10000x128xf32, #tpu.memory_space<hbm>> -> memref<624x128xf32, #tpu.memory_space<hbm>>
          tpu.enqueue_dma source(%dma_start3A_86 : memref<624x128xf32, #tpu.memory_space<hbm>>) target(%dma_start3A_84 : memref<624x128xf32, #tpu.memory_space<vmem_shared>>) target_semaphore(%run_scoped3A : memref<!tpu.dma_semaphore, #tpu.memory_space<semaphore_mem>>)
          %dma_wait3A_87 = arith.constant 0 : i32
          %dma_wait3A_88 = tpu.memref_slice %arg8[%multiple_of3A_82, %dma_wait3A_87] : memref<10000x128xf32, #tpu.memory_space<vmem_shared>> -> memref<624x128xf32, #tpu.memory_space<vmem_shared>>
          %dma_wait3A_89 = arith.constant 0 : i32
          %dma_wait3A_90 = tpu.memref_slice %arg3[%multiple_of3A_82, %dma_wait3A_89] : memref<10000x128xf32, #tpu.memory_space<hbm>> -> memref<624x128xf32, #tpu.memory_space<hbm>>
          tpu.wait_dma2 semaphore(%run_scoped3A : memref<!tpu.dma_semaphore, #tpu.memory_space<semaphore_mem>>) src(%dma_wait3A_90 : memref<624x128xf32, #tpu.memory_space<hbm>>) dst(%dma_wait3A_88 : memref<624x128xf32, #tpu.memory_space<vmem_shared>>)
          tpu.yield
        }) : () -> ()
      } else {
      }
      %eq3A_23 = arith.constant 15 : i32
      %eq3A_24 = arith.cmpi eq, %arg1, %eq3A_23 : i32
      %convert_element_type3A_25 = arith.extui %eq3A_24 : i1 to i32
      %cond3A_26 = arith.constant 0 : i32
      %cond3A_27 = arith.cmpi ne, %convert_element_type3A_25, %cond3A_26 : i32
      scf.if %cond3A_27 {
        "tpu.region"() ({
          %run_scoped3A = tpu.sem_alloc : memref<!tpu.dma_semaphore, #tpu.memory_space<semaphore_mem>>
          %dma_start3A_80 = arith.constant 9360 : i32
          %dma_start3A_81 = arith.constant 0 : i32
          %dma_start3A_82 = tpu.memref_slice %arg8[%dma_start3A_80, %dma_start3A_81] : memref<10000x128xf32, #tpu.memory_space<vmem_shared>> -> memref<640x128xf32, #tpu.memory_space<vmem_shared>>
          %dma_start3A_83 = arith.constant 9360 : i32
          %dma_start3A_84 = arith.constant 0 : i32
          %dma_start3A_85 = tpu.memref_slice %arg3[%dma_start3A_83, %dma_start3A_84] : memref<10000x128xf32, #tpu.memory_space<hbm>> -> memref<640x128xf32, #tpu.memory_space<hbm>>
          tpu.enqueue_dma source(%dma_start3A_85 : memref<640x128xf32, #tpu.memory_space<hbm>>) target(%dma_start3A_82 : memref<640x128xf32, #tpu.memory_space<vmem_shared>>) target_semaphore(%run_scoped3A : memref<!tpu.dma_semaphore, #tpu.memory_space<semaphore_mem>>)
          %dma_wait3A_86 = arith.constant 9360 : i32
          %dma_wait3A_87 = arith.constant 0 : i32
          %dma_wait3A_88 = tpu.memref_slice %arg8[%dma_wait3A_86, %dma_wait3A_87] : memref<10000x128xf32, #tpu.memory_space<vmem_shared>> -> memref<640x128xf32, #tpu.memory_space<vmem_shared>>
          %dma_wait3A_89 = arith.constant 9360 : i32
          %dma_wait3A_90 = arith.constant 0 : i32
          %dma_wait3A_91 = tpu.memref_slice %arg3[%dma_wait3A_89, %dma_wait3A_90] : memref<10000x128xf32, #tpu.memory_space<hbm>> -> memref<640x128xf32, #tpu.memory_space<hbm>>
          tpu.wait_dma2 semaphore(%run_scoped3A : memref<!tpu.dma_semaphore, #tpu.memory_space<semaphore_mem>>) src(%dma_wait3A_91 : memref<640x128xf32, #tpu.memory_space<hbm>>) dst(%dma_wait3A_88 : memref<640x128xf32, #tpu.memory_space<vmem_shared>>)
          tpu.yield
        }) : () -> ()
      } else {
      }
      %barrier3A = arith.constant 0 : index
      tpu.barrier barrier_id(%barrier3A)
      %dma_wait3A = arith.constant 0 : i32
      %dma_wait3A_28 = tpu.memref_slice %arg4[%dma_wait3A] : memref<160000xi32, #tpu.memory_space<hbm>> -> memref<128xi32, #tpu.memory_space<hbm>>
      %dma_wait3A_29 = arith.constant 0 : i32
      %dma_wait3A_30 = tpu.memref_slice %arg4[%dma_wait3A_29] : memref<160000xi32, #tpu.memory_space<hbm>> -> memref<128xi32, #tpu.memory_space<hbm>>
      tpu.wait_dma2 semaphore(%arg24 : memref<!tpu.dma_semaphore, #tpu.memory_space<semaphore_mem>>) src(%dma_wait3A_30 : memref<128xi32, #tpu.memory_space<hbm>>) dst(%arg9 : memref<128xi32, #tpu.memory_space<vmem>>)
      %dma_wait3A_31 = arith.constant 0 : i32
      %dma_wait3A_32 = tpu.memref_slice %arg5[%dma_wait3A_31] : memref<160000xi32, #tpu.memory_space<hbm>> -> memref<128xi32, #tpu.memory_space<hbm>>
      %dma_wait3A_33 = arith.constant 0 : i32
      %dma_wait3A_34 = tpu.memref_slice %arg5[%dma_wait3A_33] : memref<160000xi32, #tpu.memory_space<hbm>> -> memref<128xi32, #tpu.memory_space<hbm>>
      tpu.wait_dma2 semaphore(%arg24 : memref<!tpu.dma_semaphore, #tpu.memory_space<semaphore_mem>>) src(%dma_wait3A_34 : memref<128xi32, #tpu.memory_space<hbm>>) dst(%arg13 : memref<128xi32, #tpu.memory_space<vmem>>)
      %dma_start3A_35 = arith.constant 0 : i32
      %dma_start3A_36 = arith.constant 0 : i32
      %dma_start3A_37 = tpu.memref_slice %arg3[%dma_start3A_35, %dma_start3A_36] : memref<10000x128xf32, #tpu.memory_space<hbm>> -> memref<10000x128xf32, #tpu.memory_space<hbm>>
      tpu.enqueue_indirect_dma source(%dma_start3A_37 : memref<10000x128xf32, #tpu.memory_space<hbm>>) target(%arg17 : memref<128x128xf32, #tpu.memory_space<vmem>>) offsets(%arg9 : memref<128xi32, #tpu.memory_space<vmem>>) semaphore(%arg22 : memref<!tpu.dma_semaphore, #tpu.memory_space<semaphore_mem>>)
      %scan3A = arith.constant 0 : i32
      %scan3A_38 = arith.constant 0 : i32
      %scan3A_39 = arith.constant 19 : i32
      %scan3A_40 = arith.addi %scan3A_38, %scan3A_39 : i32
      %scan3A_41 = arith.constant 1 : i32
      scf.for %scan3A_80 = %scan3A_38 to %scan3A_40 step %scan3A_41  : i32 {
        %mul3A_81 = arith.constant 4 : i32
        %mul3A_82 = arith.muli %mul3A_81, %scan3A_80 : i32
        %dma_wait3A_83 = arith.constant 0 : i32
        %dma_wait3A_84 = tpu.memref_slice %arg4[%dma_wait3A_83] : memref<160000xi32, #tpu.memory_space<hbm>> -> memref<128xi32, #tpu.memory_space<hbm>>
        %dma_wait3A_85 = arith.constant 0 : i32
        %dma_wait3A_86 = tpu.memref_slice %arg4[%dma_wait3A_85] : memref<160000xi32, #tpu.memory_space<hbm>> -> memref<128xi32, #tpu.memory_space<hbm>>
        tpu.wait_dma2 semaphore(%arg25 : memref<!tpu.dma_semaphore, #tpu.memory_space<semaphore_mem>>) src(%dma_wait3A_86 : memref<128xi32, #tpu.memory_space<hbm>>) dst(%arg10 : memref<128xi32, #tpu.memory_space<vmem>>)
        %dma_wait3A_87 = arith.constant 0 : i32
        %dma_wait3A_88 = tpu.memref_slice %arg5[%dma_wait3A_87] : memref<160000xi32, #tpu.memory_space<hbm>> -> memref<128xi32, #tpu.memory_space<hbm>>
        %dma_wait3A_89 = arith.constant 0 : i32
        %dma_wait3A_90 = tpu.memref_slice %arg5[%dma_wait3A_89] : memref<160000xi32, #tpu.memory_space<hbm>> -> memref<128xi32, #tpu.memory_space<hbm>>
        tpu.wait_dma2 semaphore(%arg25 : memref<!tpu.dma_semaphore, #tpu.memory_space<semaphore_mem>>) src(%dma_wait3A_90 : memref<128xi32, #tpu.memory_space<hbm>>) dst(%arg14 : memref<128xi32, #tpu.memory_space<vmem>>)
        %dma_start3A_91 = arith.constant 0 : i32
        %dma_start3A_92 = arith.constant 0 : i32
        %dma_start3A_93 = tpu.memref_slice %arg3[%dma_start3A_91, %dma_start3A_92] : memref<10000x128xf32, #tpu.memory_space<hbm>> -> memref<10000x128xf32, #tpu.memory_space<hbm>>
        tpu.enqueue_indirect_dma source(%dma_start3A_93 : memref<10000x128xf32, #tpu.memory_space<hbm>>) target(%arg18 : memref<128x128xf32, #tpu.memory_space<vmem>>) offsets(%arg10 : memref<128xi32, #tpu.memory_space<vmem>>) semaphore(%arg23 : memref<!tpu.dma_semaphore, #tpu.memory_space<semaphore_mem>>)
        %dma_wait3A_94 = arith.constant 0 : i32
        %dma_wait3A_95 = arith.constant 0 : i32
        %dma_wait3A_96 = tpu.memref_slice %arg3[%dma_wait3A_94, %dma_wait3A_95] : memref<10000x128xf32, #tpu.memory_space<hbm>> -> memref<10000x128xf32, #tpu.memory_space<hbm>>
        tpu.wait_indirect_dma semaphore(%arg22 : memref<!tpu.dma_semaphore, #tpu.memory_space<semaphore_mem>>) src(%dma_wait3A_96 : memref<10000x128xf32, #tpu.memory_space<hbm>>) dst(%arg17 : memref<128x128xf32, #tpu.memory_space<vmem>>)
        %add3A_97 = arith.constant 2 : i32
        %add3A_98 = arith.addi %mul3A_82, %add3A_97 : i32
        %lt3A_99 = arith.constant 78 : i32
        %lt3A_100 = arith.cmpi slt, %add3A_98, %lt3A_99 : i32
        %convert_element_type3A_101 = arith.extui %lt3A_100 : i1 to i32
        %cond3A_102 = arith.constant 0 : i32
        %cond3A_103 = arith.cmpi ne, %convert_element_type3A_101, %cond3A_102 : i32
        scf.if %cond3A_103 {
          %add3A_161 = arith.constant 2 : i32
          %add3A_162 = arith.addi %mul3A_82, %add3A_161 : i32
          %mul3A_163 = arith.constant 128 : i32
          %mul3A_164 = arith.muli %add3A_162, %mul3A_163 : i32
          %add3A_165 = arith.addi %mul3A_0, %mul3A_164 : i32
          %multiple_of3A_166 = tpu.assume_multiple %add3A_165, 8 : i32
          %dma_start3A_167 = tpu.memref_slice %arg4[%multiple_of3A_166] : memref<160000xi32, #tpu.memory_space<hbm>> -> memref<128xi32, #tpu.memory_space<hbm>>
          %dma_start3A_168 = tpu.memref_slice %arg4[%multiple_of3A_166] : memref<160000xi32, #tpu.memory_space<hbm>> -> memref<128xi32, #tpu.memory_space<hbm>>
          tpu.enqueue_dma source(%dma_start3A_168 : memref<128xi32, #tpu.memory_space<hbm>>) target(%arg11 : memref<128xi32, #tpu.memory_space<vmem>>) target_semaphore(%arg26 : memref<!tpu.dma_semaphore, #tpu.memory_space<semaphore_mem>>)
          %dma_start3A_169 = tpu.memref_slice %arg5[%multiple_of3A_166] : memref<160000xi32, #tpu.memory_space<hbm>> -> memref<128xi32, #tpu.memory_space<hbm>>
          %dma_start3A_170 = tpu.memref_slice %arg5[%multiple_of3A_166] : memref<160000xi32, #tpu.memory_space<hbm>> -> memref<128xi32, #tpu.memory_space<hbm>>
          tpu.enqueue_dma source(%dma_start3A_170 : memref<128xi32, #tpu.memory_space<hbm>>) target(%arg15 : memref<128xi32, #tpu.memory_space<vmem>>) target_semaphore(%arg26 : memref<!tpu.dma_semaphore, #tpu.memory_space<semaphore_mem>>)
        } else {
        }
        "tpu.region"() ({
          %run_scoped3A = tpu.sem_alloc : memref<!tpu.dma_semaphore, #tpu.memory_space<semaphore_mem>>
          %dma_start3A_161 = arith.constant 0 : i32
          %dma_start3A_162 = arith.constant 0 : i32
          %dma_start3A_163 = tpu.memref_slice %arg8[%dma_start3A_161, %dma_start3A_162] : memref<10000x128xf32, #tpu.memory_space<vmem_shared>> -> memref<10000x128xf32, #tpu.memory_space<vmem_shared>>
          tpu.enqueue_indirect_dma source(%arg17 : memref<128x128xf32, #tpu.memory_space<vmem>>) target(%dma_start3A_163 : memref<10000x128xf32, #tpu.memory_space<vmem_shared>>) offsets(%arg13 : memref<128xi32, #tpu.memory_space<vmem>>) semaphore(%run_scoped3A : memref<!tpu.dma_semaphore, #tpu.memory_space<semaphore_mem>>) {add = true}
          %dma_wait3A_164 = arith.constant 0 : i32
          %dma_wait3A_165 = arith.constant 0 : i32
          %dma_wait3A_166 = tpu.memref_slice %arg8[%dma_wait3A_164, %dma_wait3A_165] : memref<10000x128xf32, #tpu.memory_space<vmem_shared>> -> memref<10000x128xf32, #tpu.memory_space<vmem_shared>>
          tpu.wait_indirect_dma semaphore(%run_scoped3A : memref<!tpu.dma_semaphore, #tpu.memory_space<semaphore_mem>>) src(%arg17 : memref<128x128xf32, #tpu.memory_space<vmem>>) dst(%dma_wait3A_166 : memref<10000x128xf32, #tpu.memory_space<vmem_shared>>)
          tpu.yield
        }) : () -> ()
        %add3A_104 = arith.constant 2 : i32
        %add3A_105 = arith.addi %mul3A_82, %add3A_104 : i32
        %lt3A_106 = arith.constant 78 : i32
        %lt3A_107 = arith.cmpi slt, %add3A_105, %lt3A_106 : i32
        %convert_element_type3A_108 = arith.extui %lt3A_107 : i1 to i32
        %cond3A_109 = arith.constant 0 : i32
        %cond3A_110 = arith.cmpi ne, %convert_element_type3A_108, %cond3A_109 : i32
        scf.if %cond3A_110 {
          %dma_wait3A_161 = arith.constant 0 : i32
          %dma_wait3A_162 = tpu.memref_slice %arg4[%dma_wait3A_161] : memref<160000xi32, #tpu.memory_space<hbm>> -> memref<128xi32, #tpu.memory_space<hbm>>
          %dma_wait3A_163 = arith.constant 0 : i32
          %dma_wait3A_164 = tpu.memref_slice %arg4[%dma_wait3A_163] : memref<160000xi32, #tpu.memory_space<hbm>> -> memref<128xi32, #tpu.memory_space<hbm>>
          tpu.wait_dma2 semaphore(%arg26 : memref<!tpu.dma_semaphore, #tpu.memory_space<semaphore_mem>>) src(%dma_wait3A_164 : memref<128xi32, #tpu.memory_space<hbm>>) dst(%arg11 : memref<128xi32, #tpu.memory_space<vmem>>)
          %dma_wait3A_165 = arith.constant 0 : i32
          %dma_wait3A_166 = tpu.memref_slice %arg5[%dma_wait3A_165] : memref<160000xi32, #tpu.memory_space<hbm>> -> memref<128xi32, #tpu.memory_space<hbm>>
          %dma_wait3A_167 = arith.constant 0 : i32
          %dma_wait3A_168 = tpu.memref_slice %arg5[%dma_wait3A_167] : memref<160000xi32, #tpu.memory_space<hbm>> -> memref<128xi32, #tpu.memory_space<hbm>>
          tpu.wait_dma2 semaphore(%arg26 : memref<!tpu.dma_semaphore, #tpu.memory_space<semaphore_mem>>) src(%dma_wait3A_168 : memref<128xi32, #tpu.memory_space<hbm>>) dst(%arg15 : memref<128xi32, #tpu.memory_space<vmem>>)
          %dma_start3A_169 = arith.constant 0 : i32
          %dma_start3A_170 = arith.constant 0 : i32
          %dma_start3A_171 = tpu.memref_slice %arg3[%dma_start3A_169, %dma_start3A_170] : memref<10000x128xf32, #tpu.memory_space<hbm>> -> memref<10000x128xf32, #tpu.memory_space<hbm>>
          tpu.enqueue_indirect_dma source(%dma_start3A_171 : memref<10000x128xf32, #tpu.memory_space<hbm>>) target(%arg17 : memref<128x128xf32, #tpu.memory_space<vmem>>) offsets(%arg11 : memref<128xi32, #tpu.memory_space<vmem>>) semaphore(%arg22 : memref<!tpu.dma_semaphore, #tpu.memory_space<semaphore_mem>>)
        } else {
        }
        %dma_wait3A_111 = arith.constant 0 : i32
        %dma_wait3A_112 = arith.constant 0 : i32
        %dma_wait3A_113 = tpu.memref_slice %arg3[%dma_wait3A_111, %dma_wait3A_112] : memref<10000x128xf32, #tpu.memory_space<hbm>> -> memref<10000x128xf32, #tpu.memory_space<hbm>>
        tpu.wait_indirect_dma semaphore(%arg23 : memref<!tpu.dma_semaphore, #tpu.memory_space<semaphore_mem>>) src(%dma_wait3A_113 : memref<10000x128xf32, #tpu.memory_space<hbm>>) dst(%arg18 : memref<128x128xf32, #tpu.memory_space<vmem>>)
        "tpu.region"() ({
          %run_scoped3A = tpu.sem_alloc : memref<!tpu.dma_semaphore, #tpu.memory_space<semaphore_mem>>
          %dma_start3A_161 = arith.constant 0 : i32
          %dma_start3A_162 = arith.constant 0 : i32
          %dma_start3A_163 = tpu.memref_slice %arg8[%dma_start3A_161, %dma_start3A_162] : memref<10000x128xf32, #tpu.memory_space<vmem_shared>> -> memref<10000x128xf32, #tpu.memory_space<vmem_shared>>
          tpu.enqueue_indirect_dma source(%arg18 : memref<128x128xf32, #tpu.memory_space<vmem>>) target(%dma_start3A_163 : memref<10000x128xf32, #tpu.memory_space<vmem_shared>>) offsets(%arg14 : memref<128xi32, #tpu.memory_space<vmem>>) semaphore(%run_scoped3A : memref<!tpu.dma_semaphore, #tpu.memory_space<semaphore_mem>>) {add = true}
          %dma_wait3A_164 = arith.constant 0 : i32
          %dma_wait3A_165 = arith.constant 0 : i32
          %dma_wait3A_166 = tpu.memref_slice %arg8[%dma_wait3A_164, %dma_wait3A_165] : memref<10000x128xf32, #tpu.memory_space<vmem_shared>> -> memref<10000x128xf32, #tpu.memory_space<vmem_shared>>
          tpu.wait_indirect_dma semaphore(%run_scoped3A : memref<!tpu.dma_semaphore, #tpu.memory_space<semaphore_mem>>) src(%arg18 : memref<128x128xf32, #tpu.memory_space<vmem>>) dst(%dma_wait3A_166 : memref<10000x128xf32, #tpu.memory_space<vmem_shared>>)
          tpu.yield
        }) : () -> ()
        %add3A_114 = arith.constant 3 : i32
        %add3A_115 = arith.addi %mul3A_82, %add3A_114 : i32
        %lt3A_116 = arith.constant 78 : i32
        %lt3A_117 = arith.cmpi slt, %add3A_115, %lt3A_116 : i32
        %convert_element_type3A_118 = arith.extui %lt3A_117 : i1 to i32
        %cond3A_119 = arith.constant 0 : i32
        %cond3A_120 = arith.cmpi ne, %convert_element_type3A_118, %cond3A_119 : i32
        scf.if %cond3A_120 {
          %add3A_161 = arith.constant 3 : i32
          %add3A_162 = arith.addi %mul3A_82, %add3A_161 : i32
          %mul3A_163 = arith.constant 128 : i32
          %mul3A_164 = arith.muli %add3A_162, %mul3A_163 : i32
          %add3A_165 = arith.addi %mul3A_0, %mul3A_164 : i32
          %multiple_of3A_166 = tpu.assume_multiple %add3A_165, 8 : i32
          %dma_start3A_167 = tpu.memref_slice %arg4[%multiple_of3A_166] : memref<160000xi32, #tpu.memory_space<hbm>> -> memref<128xi32, #tpu.memory_space<hbm>>
          %dma_start3A_168 = tpu.memref_slice %arg4[%multiple_of3A_166] : memref<160000xi32, #tpu.memory_space<hbm>> -> memref<128xi32, #tpu.memory_space<hbm>>
          tpu.enqueue_dma source(%dma_start3A_168 : memref<128xi32, #tpu.memory_space<hbm>>) target(%arg12 : memref<128xi32, #tpu.memory_space<vmem>>) target_semaphore(%arg27 : memref<!tpu.dma_semaphore, #tpu.memory_space<semaphore_mem>>)
          %dma_start3A_169 = tpu.memref_slice %arg5[%multiple_of3A_166] : memref<160000xi32, #tpu.memory_space<hbm>> -> memref<128xi32, #tpu.memory_space<hbm>>
          %dma_start3A_170 = tpu.memref_slice %arg5[%multiple_of3A_166] : memref<160000xi32, #tpu.memory_space<hbm>> -> memref<128xi32, #tpu.memory_space<hbm>>
          tpu.enqueue_dma source(%dma_start3A_170 : memref<128xi32, #tpu.memory_space<hbm>>) target(%arg16 : memref<128xi32, #tpu.memory_space<vmem>>) target_semaphore(%arg27 : memref<!tpu.dma_semaphore, #tpu.memory_space<semaphore_mem>>)
        } else {
        }
        %add3A_121 = arith.constant 2 : i32
        %add3A_122 = arith.addi %mul3A_82, %add3A_121 : i32
        %dma_wait3A_123 = arith.constant 0 : i32
        %dma_wait3A_124 = tpu.memref_slice %arg4[%dma_wait3A_123] : memref<160000xi32, #tpu.memory_space<hbm>> -> memref<128xi32, #tpu.memory_space<hbm>>
        %dma_wait3A_125 = arith.constant 0 : i32
        %dma_wait3A_126 = tpu.memref_slice %arg4[%dma_wait3A_125] : memref<160000xi32, #tpu.memory_space<hbm>> -> memref<128xi32, #tpu.memory_space<hbm>>
        tpu.wait_dma2 semaphore(%arg27 : memref<!tpu.dma_semaphore, #tpu.memory_space<semaphore_mem>>) src(%dma_wait3A_126 : memref<128xi32, #tpu.memory_space<hbm>>) dst(%arg12 : memref<128xi32, #tpu.memory_space<vmem>>)
        %dma_wait3A_127 = arith.constant 0 : i32
        %dma_wait3A_128 = tpu.memref_slice %arg5[%dma_wait3A_127] : memref<160000xi32, #tpu.memory_space<hbm>> -> memref<128xi32, #tpu.memory_space<hbm>>
        %dma_wait3A_129 = arith.constant 0 : i32
        %dma_wait3A_130 = tpu.memref_slice %arg5[%dma_wait3A_129] : memref<160000xi32, #tpu.memory_space<hbm>> -> memref<128xi32, #tpu.memory_space<hbm>>
        tpu.wait_dma2 semaphore(%arg27 : memref<!tpu.dma_semaphore, #tpu.memory_space<semaphore_mem>>) src(%dma_wait3A_130 : memref<128xi32, #tpu.memory_space<hbm>>) dst(%arg16 : memref<128xi32, #tpu.memory_space<vmem>>)
        %dma_start3A_131 = arith.constant 0 : i32
        %dma_start3A_132 = arith.constant 0 : i32
        %dma_start3A_133 = tpu.memref_slice %arg3[%dma_start3A_131, %dma_start3A_132] : memref<10000x128xf32, #tpu.memory_space<hbm>> -> memref<10000x128xf32, #tpu.memory_space<hbm>>
        tpu.enqueue_indirect_dma source(%dma_start3A_133 : memref<10000x128xf32, #tpu.memory_space<hbm>>) target(%arg18 : memref<128x128xf32, #tpu.memory_space<vmem>>) offsets(%arg12 : memref<128xi32, #tpu.memory_space<vmem>>) semaphore(%arg23 : memref<!tpu.dma_semaphore, #tpu.memory_space<semaphore_mem>>)
        %dma_wait3A_134 = arith.constant 0 : i32
        %dma_wait3A_135 = arith.constant 0 : i32
        %dma_wait3A_136 = tpu.memref_slice %arg3[%dma_wait3A_134, %dma_wait3A_135] : memref<10000x128xf32, #tpu.memory_space<hbm>> -> memref<10000x128xf32, #tpu.memory_space<hbm>>
        tpu.wait_indirect_dma semaphore(%arg22 : memref<!tpu.dma_semaphore, #tpu.memory_space<semaphore_mem>>) src(%dma_wait3A_136 : memref<10000x128xf32, #tpu.memory_space<hbm>>) dst(%arg17 : memref<128x128xf32, #tpu.memory_space<vmem>>)
        %add3A_137 = arith.constant 2 : i32
        %add3A_138 = arith.addi %add3A_122, %add3A_137 : i32
        %lt3A_139 = arith.constant 78 : i32
        %lt3A_140 = arith.cmpi slt, %add3A_138, %lt3A_139 : i32
        %convert_element_type3A_141 = arith.extui %lt3A_140 : i1 to i32
        %cond3A_142 = arith.constant 0 : i32
        %cond3A_143 = arith.cmpi ne, %convert_element_type3A_141, %cond3A_142 : i32
        scf.if %cond3A_143 {
          %add3A_161 = arith.constant 2 : i32
          %add3A_162 = arith.addi %add3A_122, %add3A_161 : i32
          %mul3A_163 = arith.constant 128 : i32
          %mul3A_164 = arith.muli %add3A_162, %mul3A_163 : i32
          %add3A_165 = arith.addi %mul3A_0, %mul3A_164 : i32
          %multiple_of3A_166 = tpu.assume_multiple %add3A_165, 8 : i32
          %dma_start3A_167 = tpu.memref_slice %arg4[%multiple_of3A_166] : memref<160000xi32, #tpu.memory_space<hbm>> -> memref<128xi32, #tpu.memory_space<hbm>>
          %dma_start3A_168 = tpu.memref_slice %arg4[%multiple_of3A_166] : memref<160000xi32, #tpu.memory_space<hbm>> -> memref<128xi32, #tpu.memory_space<hbm>>
          tpu.enqueue_dma source(%dma_start3A_168 : memref<128xi32, #tpu.memory_space<hbm>>) target(%arg9 : memref<128xi32, #tpu.memory_space<vmem>>) target_semaphore(%arg24 : memref<!tpu.dma_semaphore, #tpu.memory_space<semaphore_mem>>)
          %dma_start3A_169 = tpu.memref_slice %arg5[%multiple_of3A_166] : memref<160000xi32, #tpu.memory_space<hbm>> -> memref<128xi32, #tpu.memory_space<hbm>>
          %dma_start3A_170 = tpu.memref_slice %arg5[%multiple_of3A_166] : memref<160000xi32, #tpu.memory_space<hbm>> -> memref<128xi32, #tpu.memory_space<hbm>>
          tpu.enqueue_dma source(%dma_start3A_170 : memref<128xi32, #tpu.memory_space<hbm>>) target(%arg13 : memref<128xi32, #tpu.memory_space<vmem>>) target_semaphore(%arg24 : memref<!tpu.dma_semaphore, #tpu.memory_space<semaphore_mem>>)
        } else {
        }
        "tpu.region"() ({
          %run_scoped3A = tpu.sem_alloc : memref<!tpu.dma_semaphore, #tpu.memory_space<semaphore_mem>>
          %dma_start3A_161 = arith.constant 0 : i32
          %dma_start3A_162 = arith.constant 0 : i32
          %dma_start3A_163 = tpu.memref_slice %arg8[%dma_start3A_161, %dma_start3A_162] : memref<10000x128xf32, #tpu.memory_space<vmem_shared>> -> memref<10000x128xf32, #tpu.memory_space<vmem_shared>>
          tpu.enqueue_indirect_dma source(%arg17 : memref<128x128xf32, #tpu.memory_space<vmem>>) target(%dma_start3A_163 : memref<10000x128xf32, #tpu.memory_space<vmem_shared>>) offsets(%arg15 : memref<128xi32, #tpu.memory_space<vmem>>) semaphore(%run_scoped3A : memref<!tpu.dma_semaphore, #tpu.memory_space<semaphore_mem>>) {add = true}
          %dma_wait3A_164 = arith.constant 0 : i32
          %dma_wait3A_165 = arith.constant 0 : i32
          %dma_wait3A_166 = tpu.memref_slice %arg8[%dma_wait3A_164, %dma_wait3A_165] : memref<10000x128xf32, #tpu.memory_space<vmem_shared>> -> memref<10000x128xf32, #tpu.memory_space<vmem_shared>>
          tpu.wait_indirect_dma semaphore(%run_scoped3A : memref<!tpu.dma_semaphore, #tpu.memory_space<semaphore_mem>>) src(%arg17 : memref<128x128xf32, #tpu.memory_space<vmem>>) dst(%dma_wait3A_166 : memref<10000x128xf32, #tpu.memory_space<vmem_shared>>)
          tpu.yield
        }) : () -> ()
        %add3A_144 = arith.constant 2 : i32
        %add3A_145 = arith.addi %add3A_122, %add3A_144 : i32
        %lt3A_146 = arith.constant 78 : i32
        %lt3A_147 = arith.cmpi slt, %add3A_145, %lt3A_146 : i32
        %convert_element_type3A_148 = arith.extui %lt3A_147 : i1 to i32
        %cond3A_149 = arith.constant 0 : i32
        %cond3A_150 = arith.cmpi ne, %convert_element_type3A_148, %cond3A_149 : i32
        scf.if %cond3A_150 {
          %dma_wait3A_161 = arith.constant 0 : i32
          %dma_wait3A_162 = tpu.memref_slice %arg4[%dma_wait3A_161] : memref<160000xi32, #tpu.memory_space<hbm>> -> memref<128xi32, #tpu.memory_space<hbm>>
          %dma_wait3A_163 = arith.constant 0 : i32
          %dma_wait3A_164 = tpu.memref_slice %arg4[%dma_wait3A_163] : memref<160000xi32, #tpu.memory_space<hbm>> -> memref<128xi32, #tpu.memory_space<hbm>>
          tpu.wait_dma2 semaphore(%arg24 : memref<!tpu.dma_semaphore, #tpu.memory_space<semaphore_mem>>) src(%dma_wait3A_164 : memref<128xi32, #tpu.memory_space<hbm>>) dst(%arg9 : memref<128xi32, #tpu.memory_space<vmem>>)
          %dma_wait3A_165 = arith.constant 0 : i32
          %dma_wait3A_166 = tpu.memref_slice %arg5[%dma_wait3A_165] : memref<160000xi32, #tpu.memory_space<hbm>> -> memref<128xi32, #tpu.memory_space<hbm>>
          %dma_wait3A_167 = arith.constant 0 : i32
          %dma_wait3A_168 = tpu.memref_slice %arg5[%dma_wait3A_167] : memref<160000xi32, #tpu.memory_space<hbm>> -> memref<128xi32, #tpu.memory_space<hbm>>
          tpu.wait_dma2 semaphore(%arg24 : memref<!tpu.dma_semaphore, #tpu.memory_space<semaphore_mem>>) src(%dma_wait3A_168 : memref<128xi32, #tpu.memory_space<hbm>>) dst(%arg13 : memref<128xi32, #tpu.memory_space<vmem>>)
          %dma_start3A_169 = arith.constant 0 : i32
          %dma_start3A_170 = arith.constant 0 : i32
          %dma_start3A_171 = tpu.memref_slice %arg3[%dma_start3A_169, %dma_start3A_170] : memref<10000x128xf32, #tpu.memory_space<hbm>> -> memref<10000x128xf32, #tpu.memory_space<hbm>>
          tpu.enqueue_indirect_dma source(%dma_start3A_171 : memref<10000x128xf32, #tpu.memory_space<hbm>>) target(%arg17 : memref<128x128xf32, #tpu.memory_space<vmem>>) offsets(%arg9 : memref<128xi32, #tpu.memory_space<vmem>>) semaphore(%arg22 : memref<!tpu.dma_semaphore, #tpu.memory_space<semaphore_mem>>)
        } else {
        }
        %dma_wait3A_151 = arith.constant 0 : i32
        %dma_wait3A_152 = arith.constant 0 : i32
        %dma_wait3A_153 = tpu.memref_slice %arg3[%dma_wait3A_151, %dma_wait3A_152] : memref<10000x128xf32, #tpu.memory_space<hbm>> -> memref<10000x128xf32, #tpu.memory_space<hbm>>
        tpu.wait_indirect_dma semaphore(%arg23 : memref<!tpu.dma_semaphore, #tpu.memory_space<semaphore_mem>>) src(%dma_wait3A_153 : memref<10000x128xf32, #tpu.memory_space<hbm>>) dst(%arg18 : memref<128x128xf32, #tpu.memory_space<vmem>>)
        "tpu.region"() ({
          %run_scoped3A = tpu.sem_alloc : memref<!tpu.dma_semaphore, #tpu.memory_space<semaphore_mem>>
          %dma_start3A_161 = arith.constant 0 : i32
          %dma_start3A_162 = arith.constant 0 : i32
          %dma_start3A_163 = tpu.memref_slice %arg8[%dma_start3A_161, %dma_start3A_162] : memref<10000x128xf32, #tpu.memory_space<vmem_shared>> -> memref<10000x128xf32, #tpu.memory_space<vmem_shared>>
          tpu.enqueue_indirect_dma source(%arg18 : memref<128x128xf32, #tpu.memory_space<vmem>>) target(%dma_start3A_163 : memref<10000x128xf32, #tpu.memory_space<vmem_shared>>) offsets(%arg16 : memref<128xi32, #tpu.memory_space<vmem>>) semaphore(%run_scoped3A : memref<!tpu.dma_semaphore, #tpu.memory_space<semaphore_mem>>) {add = true}
          %dma_wait3A_164 = arith.constant 0 : i32
          %dma_wait3A_165 = arith.constant 0 : i32
          %dma_wait3A_166 = tpu.memref_slice %arg8[%dma_wait3A_164, %dma_wait3A_165] : memref<10000x128xf32, #tpu.memory_space<vmem_shared>> -> memref<10000x128xf32, #tpu.memory_space<vmem_shared>>
          tpu.wait_indirect_dma semaphore(%run_scoped3A : memref<!tpu.dma_semaphore, #tpu.memory_space<semaphore_mem>>) src(%arg18 : memref<128x128xf32, #tpu.memory_space<vmem>>) dst(%dma_wait3A_166 : memref<10000x128xf32, #tpu.memory_space<vmem_shared>>)
          tpu.yield
        }) : () -> ()
        %add3A_154 = arith.constant 3 : i32
        %add3A_155 = arith.addi %add3A_122, %add3A_154 : i32
        %lt3A_156 = arith.constant 78 : i32
        %lt3A_157 = arith.cmpi slt, %add3A_155, %lt3A_156 : i32
        %convert_element_type3A_158 = arith.extui %lt3A_157 : i1 to i32
        %cond3A_159 = arith.constant 0 : i32
        %cond3A_160 = arith.cmpi ne, %convert_element_type3A_158, %cond3A_159 : i32
        scf.if %cond3A_160 {
          %add3A_161 = arith.constant 3 : i32
          %add3A_162 = arith.addi %add3A_122, %add3A_161 : i32
          %mul3A_163 = arith.constant 128 : i32
          %mul3A_164 = arith.muli %add3A_162, %mul3A_163 : i32
          %add3A_165 = arith.addi %mul3A_0, %mul3A_164 : i32
          %multiple_of3A_166 = tpu.assume_multiple %add3A_165, 8 : i32
          %dma_start3A_167 = tpu.memref_slice %arg4[%multiple_of3A_166] : memref<160000xi32, #tpu.memory_space<hbm>> -> memref<128xi32, #tpu.memory_space<hbm>>
          %dma_start3A_168 = tpu.memref_slice %arg4[%multiple_of3A_166] : memref<160000xi32, #tpu.memory_space<hbm>> -> memref<128xi32, #tpu.memory_space<hbm>>
          tpu.enqueue_dma source(%dma_start3A_168 : memref<128xi32, #tpu.memory_space<hbm>>) target(%arg10 : memref<128xi32, #tpu.memory_space<vmem>>) target_semaphore(%arg25 : memref<!tpu.dma_semaphore, #tpu.memory_space<semaphore_mem>>)
          %dma_start3A_169 = tpu.memref_slice %arg5[%multiple_of3A_166] : memref<160000xi32, #tpu.memory_space<hbm>> -> memref<128xi32, #tpu.memory_space<hbm>>
          %dma_start3A_170 = tpu.memref_slice %arg5[%multiple_of3A_166] : memref<160000xi32, #tpu.memory_space<hbm>> -> memref<128xi32, #tpu.memory_space<hbm>>
          tpu.enqueue_dma source(%dma_start3A_170 : memref<128xi32, #tpu.memory_space<hbm>>) target(%arg14 : memref<128xi32, #tpu.memory_space<vmem>>) target_semaphore(%arg25 : memref<!tpu.dma_semaphore, #tpu.memory_space<semaphore_mem>>)
        } else {
        }
      }
      %scan3A_42 = arith.constant 19 : i32
      %dma_wait3A_43 = arith.constant 0 : i32
      %dma_wait3A_44 = tpu.memref_slice %arg4[%dma_wait3A_43] : memref<160000xi32, #tpu.memory_space<hbm>> -> memref<128xi32, #tpu.memory_space<hbm>>
      %dma_wait3A_45 = arith.constant 0 : i32
      %dma_wait3A_46 = tpu.memref_slice %arg4[%dma_wait3A_45] : memref<160000xi32, #tpu.memory_space<hbm>> -> memref<128xi32, #tpu.memory_space<hbm>>
      tpu.wait_dma2 semaphore(%arg25 : memref<!tpu.dma_semaphore, #tpu.memory_space<semaphore_mem>>) src(%dma_wait3A_46 : memref<128xi32, #tpu.memory_space<hbm>>) dst(%arg10 : memref<128xi32, #tpu.memory_space<vmem>>)
      %dma_wait3A_47 = arith.constant 0 : i32
      %dma_wait3A_48 = tpu.memref_slice %arg5[%dma_wait3A_47] : memref<160000xi32, #tpu.memory_space<hbm>> -> memref<128xi32, #tpu.memory_space<hbm>>
      %dma_wait3A_49 = arith.constant 0 : i32
      %dma_wait3A_50 = tpu.memref_slice %arg5[%dma_wait3A_49] : memref<160000xi32, #tpu.memory_space<hbm>> -> memref<128xi32, #tpu.memory_space<hbm>>
      tpu.wait_dma2 semaphore(%arg25 : memref<!tpu.dma_semaphore, #tpu.memory_space<semaphore_mem>>) src(%dma_wait3A_50 : memref<128xi32, #tpu.memory_space<hbm>>) dst(%arg14 : memref<128xi32, #tpu.memory_space<vmem>>)
      %dma_start3A_51 = arith.constant 0 : i32
      %dma_start3A_52 = arith.constant 0 : i32
      %dma_start3A_53 = tpu.memref_slice %arg3[%dma_start3A_51, %dma_start3A_52] : memref<10000x128xf32, #tpu.memory_space<hbm>> -> memref<10000x128xf32, #tpu.memory_space<hbm>>
      tpu.enqueue_indirect_dma source(%dma_start3A_53 : memref<10000x128xf32, #tpu.memory_space<hbm>>) target(%arg18 : memref<128x128xf32, #tpu.memory_space<vmem>>) offsets(%arg10 : memref<128xi32, #tpu.memory_space<vmem>>) semaphore(%arg23 : memref<!tpu.dma_semaphore, #tpu.memory_space<semaphore_mem>>)
      %dma_wait3A_54 = arith.constant 0 : i32
      %dma_wait3A_55 = arith.constant 0 : i32
      %dma_wait3A_56 = tpu.memref_slice %arg3[%dma_wait3A_54, %dma_wait3A_55] : memref<10000x128xf32, #tpu.memory_space<hbm>> -> memref<10000x128xf32, #tpu.memory_space<hbm>>
      tpu.wait_indirect_dma semaphore(%arg22 : memref<!tpu.dma_semaphore, #tpu.memory_space<semaphore_mem>>) src(%dma_wait3A_56 : memref<10000x128xf32, #tpu.memory_space<hbm>>) dst(%arg17 : memref<128x128xf32, #tpu.memory_space<vmem>>)
      "tpu.region"() ({
        %run_scoped3A = tpu.sem_alloc : memref<!tpu.dma_semaphore, #tpu.memory_space<semaphore_mem>>
        %dma_start3A_80 = arith.constant 0 : i32
        %dma_start3A_81 = arith.constant 0 : i32
        %dma_start3A_82 = tpu.memref_slice %arg8[%dma_start3A_80, %dma_start3A_81] : memref<10000x128xf32, #tpu.memory_space<vmem_shared>> -> memref<10000x128xf32, #tpu.memory_space<vmem_shared>>
        tpu.enqueue_indirect_dma source(%arg17 : memref<128x128xf32, #tpu.memory_space<vmem>>) target(%dma_start3A_82 : memref<10000x128xf32, #tpu.memory_space<vmem_shared>>) offsets(%arg13 : memref<128xi32, #tpu.memory_space<vmem>>) semaphore(%run_scoped3A : memref<!tpu.dma_semaphore, #tpu.memory_space<semaphore_mem>>) {add = true}
        %dma_wait3A_83 = arith.constant 0 : i32
        %dma_wait3A_84 = arith.constant 0 : i32
        %dma_wait3A_85 = tpu.memref_slice %arg8[%dma_wait3A_83, %dma_wait3A_84] : memref<10000x128xf32, #tpu.memory_space<vmem_shared>> -> memref<10000x128xf32, #tpu.memory_space<vmem_shared>>
        tpu.wait_indirect_dma semaphore(%run_scoped3A : memref<!tpu.dma_semaphore, #tpu.memory_space<semaphore_mem>>) src(%arg17 : memref<128x128xf32, #tpu.memory_space<vmem>>) dst(%dma_wait3A_85 : memref<10000x128xf32, #tpu.memory_space<vmem_shared>>)
        tpu.yield
      }) : () -> ()
      %dma_wait3A_57 = arith.constant 0 : i32
      %dma_wait3A_58 = arith.constant 0 : i32
      %dma_wait3A_59 = tpu.memref_slice %arg3[%dma_wait3A_57, %dma_wait3A_58] : memref<10000x128xf32, #tpu.memory_space<hbm>> -> memref<10000x128xf32, #tpu.memory_space<hbm>>
      tpu.wait_indirect_dma semaphore(%arg23 : memref<!tpu.dma_semaphore, #tpu.memory_space<semaphore_mem>>) src(%dma_wait3A_59 : memref<10000x128xf32, #tpu.memory_space<hbm>>) dst(%arg18 : memref<128x128xf32, #tpu.memory_space<vmem>>)
      "tpu.region"() ({
        %run_scoped3A = tpu.sem_alloc : memref<!tpu.dma_semaphore, #tpu.memory_space<semaphore_mem>>
        %dma_start3A_80 = arith.constant 0 : i32
        %dma_start3A_81 = arith.constant 0 : i32
        %dma_start3A_82 = tpu.memref_slice %arg8[%dma_start3A_80, %dma_start3A_81] : memref<10000x128xf32, #tpu.memory_space<vmem_shared>> -> memref<10000x128xf32, #tpu.memory_space<vmem_shared>>
        tpu.enqueue_indirect_dma source(%arg18 : memref<128x128xf32, #tpu.memory_space<vmem>>) target(%dma_start3A_82 : memref<10000x128xf32, #tpu.memory_space<vmem_shared>>) offsets(%arg14 : memref<128xi32, #tpu.memory_space<vmem>>) semaphore(%run_scoped3A : memref<!tpu.dma_semaphore, #tpu.memory_space<semaphore_mem>>) {add = true}
        %dma_wait3A_83 = arith.constant 0 : i32
        %dma_wait3A_84 = arith.constant 0 : i32
        %dma_wait3A_85 = tpu.memref_slice %arg8[%dma_wait3A_83, %dma_wait3A_84] : memref<10000x128xf32, #tpu.memory_space<vmem_shared>> -> memref<10000x128xf32, #tpu.memory_space<vmem_shared>>
        tpu.wait_indirect_dma semaphore(%run_scoped3A : memref<!tpu.dma_semaphore, #tpu.memory_space<semaphore_mem>>) src(%arg18 : memref<128x128xf32, #tpu.memory_space<vmem>>) dst(%dma_wait3A_85 : memref<10000x128xf32, #tpu.memory_space<vmem_shared>>)
        tpu.yield
      }) : () -> ()
      %add3A_60 = arith.constant 9984 : i32
      %add3A_61 = arith.addi %mul3A_0, %add3A_60 : i32
      %multiple_of3A_62 = tpu.assume_multiple %add3A_61, 8 : i32
      "tpu.region"() ({
        %run_scoped3A = tpu.sem_alloc : memref<!tpu.dma_semaphore, #tpu.memory_space<semaphore_mem>>
        %dma_start3A_80 = tpu.memref_slice %arg4[%multiple_of3A_62] : memref<160000xi32, #tpu.memory_space<hbm>> -> memref<16xi32, #tpu.memory_space<hbm>>
        %dma_start3A_81 = tpu.memref_slice %arg4[%multiple_of3A_62] : memref<160000xi32, #tpu.memory_space<hbm>> -> memref<16xi32, #tpu.memory_space<hbm>>
        tpu.enqueue_dma source(%dma_start3A_81 : memref<16xi32, #tpu.memory_space<hbm>>) target(%arg19 : memref<16xi32, #tpu.memory_space<vmem>>) target_semaphore(%run_scoped3A : memref<!tpu.dma_semaphore, #tpu.memory_space<semaphore_mem>>)
        %dma_wait3A_82 = tpu.memref_slice %arg4[%multiple_of3A_62] : memref<160000xi32, #tpu.memory_space<hbm>> -> memref<16xi32, #tpu.memory_space<hbm>>
        %dma_wait3A_83 = tpu.memref_slice %arg4[%multiple_of3A_62] : memref<160000xi32, #tpu.memory_space<hbm>> -> memref<16xi32, #tpu.memory_space<hbm>>
        tpu.wait_dma2 semaphore(%run_scoped3A : memref<!tpu.dma_semaphore, #tpu.memory_space<semaphore_mem>>) src(%dma_wait3A_83 : memref<16xi32, #tpu.memory_space<hbm>>) dst(%arg19 : memref<16xi32, #tpu.memory_space<vmem>>)
        tpu.yield
      }) : () -> ()
      "tpu.region"() ({
        %run_scoped3A = tpu.sem_alloc : memref<!tpu.dma_semaphore, #tpu.memory_space<semaphore_mem>>
        %dma_start3A_80 = tpu.memref_slice %arg5[%multiple_of3A_62] : memref<160000xi32, #tpu.memory_space<hbm>> -> memref<16xi32, #tpu.memory_space<hbm>>
        %dma_start3A_81 = tpu.memref_slice %arg5[%multiple_of3A_62] : memref<160000xi32, #tpu.memory_space<hbm>> -> memref<16xi32, #tpu.memory_space<hbm>>
        tpu.enqueue_dma source(%dma_start3A_81 : memref<16xi32, #tpu.memory_space<hbm>>) target(%arg20 : memref<16xi32, #tpu.memory_space<vmem>>) target_semaphore(%run_scoped3A : memref<!tpu.dma_semaphore, #tpu.memory_space<semaphore_mem>>)
        %dma_wait3A_82 = tpu.memref_slice %arg5[%multiple_of3A_62] : memref<160000xi32, #tpu.memory_space<hbm>> -> memref<16xi32, #tpu.memory_space<hbm>>
        %dma_wait3A_83 = tpu.memref_slice %arg5[%multiple_of3A_62] : memref<160000xi32, #tpu.memory_space<hbm>> -> memref<16xi32, #tpu.memory_space<hbm>>
        tpu.wait_dma2 semaphore(%run_scoped3A : memref<!tpu.dma_semaphore, #tpu.memory_space<semaphore_mem>>) src(%dma_wait3A_83 : memref<16xi32, #tpu.memory_space<hbm>>) dst(%arg20 : memref<16xi32, #tpu.memory_space<vmem>>)
        tpu.yield
      }) : () -> ()
      %dma_start3A_63 = arith.constant 0 : i32
      %dma_start3A_64 = arith.constant 0 : i32
      %dma_start3A_65 = tpu.memref_slice %arg3[%dma_start3A_63, %dma_start3A_64] : memref<10000x128xf32, #tpu.memory_space<hbm>> -> memref<10000x128xf32, #tpu.memory_space<hbm>>
      tpu.enqueue_indirect_dma source(%dma_start3A_65 : memref<10000x128xf32, #tpu.memory_space<hbm>>) target(%arg21 : memref<16x128xf32, #tpu.memory_space<vmem>>) offsets(%arg19 : memref<16xi32, #tpu.memory_space<vmem>>) semaphore(%arg22 : memref<!tpu.dma_semaphore, #tpu.memory_space<semaphore_mem>>)
      %dma_wait3A_66 = arith.constant 0 : i32
      %dma_wait3A_67 = arith.constant 0 : i32
      %dma_wait3A_68 = tpu.memref_slice %arg3[%dma_wait3A_66, %dma_wait3A_67] : memref<10000x128xf32, #tpu.memory_space<hbm>> -> memref<10000x128xf32, #tpu.memory_space<hbm>>
      tpu.wait_indirect_dma semaphore(%arg22 : memref<!tpu.dma_semaphore, #tpu.memory_space<semaphore_mem>>) src(%dma_wait3A_68 : memref<10000x128xf32, #tpu.memory_space<hbm>>) dst(%arg21 : memref<16x128xf32, #tpu.memory_space<vmem>>)
      "tpu.region"() ({
        %run_scoped3A = tpu.sem_alloc : memref<!tpu.dma_semaphore, #tpu.memory_space<semaphore_mem>>
        %dma_start3A_80 = arith.constant 0 : i32
        %dma_start3A_81 = arith.constant 0 : i32
        %dma_start3A_82 = tpu.memref_slice %arg8[%dma_start3A_80, %dma_start3A_81] : memref<10000x128xf32, #tpu.memory_space<vmem_shared>> -> memref<10000x128xf32, #tpu.memory_space<vmem_shared>>
        tpu.enqueue_indirect_dma source(%arg21 : memref<16x128xf32, #tpu.memory_space<vmem>>) target(%dma_start3A_82 : memref<10000x128xf32, #tpu.memory_space<vmem_shared>>) offsets(%arg20 : memref<16xi32, #tpu.memory_space<vmem>>) semaphore(%run_scoped3A : memref<!tpu.dma_semaphore, #tpu.memory_space<semaphore_mem>>) {add = true}
        %dma_wait3A_83 = arith.constant 0 : i32
        %dma_wait3A_84 = arith.constant 0 : i32
        %dma_wait3A_85 = tpu.memref_slice %arg8[%dma_wait3A_83, %dma_wait3A_84] : memref<10000x128xf32, #tpu.memory_space<vmem_shared>> -> memref<10000x128xf32, #tpu.memory_space<vmem_shared>>
        tpu.wait_indirect_dma semaphore(%run_scoped3A : memref<!tpu.dma_semaphore, #tpu.memory_space<semaphore_mem>>) src(%arg21 : memref<16x128xf32, #tpu.memory_space<vmem>>) dst(%dma_wait3A_85 : memref<10000x128xf32, #tpu.memory_space<vmem_shared>>)
        tpu.yield
      }) : () -> ()
      %barrier3A_69 = arith.constant 0 : index
      tpu.barrier barrier_id(%barrier3A_69)
      %lt3A_70 = arith.constant 15 : i32
      %lt3A_71 = arith.cmpi slt, %arg1, %lt3A_70 : i32
      %convert_element_type3A_72 = arith.extui %lt3A_71 : i1 to i32
      %cond3A_73 = arith.constant 0 : i32
      %cond3A_74 = arith.cmpi ne, %convert_element_type3A_72, %cond3A_73 : i32
      scf.if %cond3A_74 {
        %mul3A_80 = arith.constant 624 : i32
        %mul3A_81 = arith.muli %arg1, %mul3A_80 : i32
        %multiple_of3A_82 = tpu.assume_multiple %mul3A_81, 8 : i32
        "tpu.region"() ({
          %run_scoped3A = tpu.sem_alloc : memref<!tpu.dma_semaphore, #tpu.memory_space<semaphore_mem>>
          %dma_start3A_83 = arith.constant 0 : i32
          %dma_start3A_84 = tpu.memref_slice %arg7[%multiple_of3A_82, %dma_start3A_83] : memref<10000x128xf32, #tpu.memory_space<hbm>> -> memref<624x128xf32, #tpu.memory_space<hbm>>
          %dma_start3A_85 = arith.constant 0 : i32
          %dma_start3A_86 = tpu.memref_slice %arg8[%multiple_of3A_82, %dma_start3A_85] : memref<10000x128xf32, #tpu.memory_space<vmem_shared>> -> memref<624x128xf32, #tpu.memory_space<vmem_shared>>
          tpu.enqueue_dma source(%dma_start3A_86 : memref<624x128xf32, #tpu.memory_space<vmem_shared>>) target(%dma_start3A_84 : memref<624x128xf32, #tpu.memory_space<hbm>>) target_semaphore(%run_scoped3A : memref<!tpu.dma_semaphore, #tpu.memory_space<semaphore_mem>>)
          %dma_wait3A_87 = arith.constant 0 : i32
          %dma_wait3A_88 = tpu.memref_slice %arg7[%multiple_of3A_82, %dma_wait3A_87] : memref<10000x128xf32, #tpu.memory_space<hbm>> -> memref<624x128xf32, #tpu.memory_space<hbm>>
          %dma_wait3A_89 = arith.constant 0 : i32
          %dma_wait3A_90 = tpu.memref_slice %arg8[%multiple_of3A_82, %dma_wait3A_89] : memref<10000x128xf32, #tpu.memory_space<vmem_shared>> -> memref<624x128xf32, #tpu.memory_space<vmem_shared>>
          tpu.wait_dma2 semaphore(%run_scoped3A : memref<!tpu.dma_semaphore, #tpu.memory_space<semaphore_mem>>) src(%dma_wait3A_90 : memref<624x128xf32, #tpu.memory_space<vmem_shared>>) dst(%dma_wait3A_88 : memref<624x128xf32, #tpu.memory_space<hbm>>)
          tpu.yield
        }) : () -> ()
      } else {
      }
      %eq3A_75 = arith.constant 15 : i32
      %eq3A_76 = arith.cmpi eq, %arg1, %eq3A_75 : i32
      %convert_element_type3A_77 = arith.extui %eq3A_76 : i1 to i32
      %cond3A_78 = arith.constant 0 : i32
      %cond3A_79 = arith.cmpi ne, %convert_element_type3A_77, %cond3A_78 : i32
      scf.if %cond3A_79 {
        "tpu.region"() ({
          %run_scoped3A = tpu.sem_alloc : memref<!tpu.dma_semaphore, #tpu.memory_space<semaphore_mem>>
          %dma_start3A_80 = arith.constant 9360 : i32
          %dma_start3A_81 = arith.constant 0 : i32
          %dma_start3A_82 = tpu.memref_slice %arg7[%dma_start3A_80, %dma_start3A_81] : memref<10000x128xf32, #tpu.memory_space<hbm>> -> memref<640x128xf32, #tpu.memory_space<hbm>>
          %dma_start3A_83 = arith.constant 9360 : i32
          %dma_start3A_84 = arith.constant 0 : i32
          %dma_start3A_85 = tpu.memref_slice %arg8[%dma_start3A_83, %dma_start3A_84] : memref<10000x128xf32, #tpu.memory_space<vmem_shared>> -> memref<640x128xf32, #tpu.memory_space<vmem_shared>>
          tpu.enqueue_dma source(%dma_start3A_85 : memref<640x128xf32, #tpu.memory_space<vmem_shared>>) target(%dma_start3A_82 : memref<640x128xf32, #tpu.memory_space<hbm>>) target_semaphore(%run_scoped3A : memref<!tpu.dma_semaphore, #tpu.memory_space<semaphore_mem>>)
          %dma_wait3A_86 = arith.constant 9360 : i32
          %dma_wait3A_87 = arith.constant 0 : i32
          %dma_wait3A_88 = tpu.memref_slice %arg7[%dma_wait3A_86, %dma_wait3A_87] : memref<10000x128xf32, #tpu.memory_space<hbm>> -> memref<640x128xf32, #tpu.memory_space<hbm>>
          %dma_wait3A_89 = arith.constant 9360 : i32
          %dma_wait3A_90 = arith.constant 0 : i32
          %dma_wait3A_91 = tpu.memref_slice %arg8[%dma_wait3A_89, %dma_wait3A_90] : memref<10000x128xf32, #tpu.memory_space<vmem_shared>> -> memref<640x128xf32, #tpu.memory_space<vmem_shared>>
          tpu.wait_dma2 semaphore(%run_scoped3A : memref<!tpu.dma_semaphore, #tpu.memory_space<semaphore_mem>>) src(%dma_wait3A_91 : memref<640x128xf32, #tpu.memory_space<vmem_shared>>) dst(%dma_wait3A_88 : memref<640x128xf32, #tpu.memory_space<hbm>>)
          tpu.yield
        }) : () -> ()
      } else {
      }
    } else {
    }
    return
  }
}

module attributes {stable_mosaic.version = 14 : i64} {
  func.func @body(%arg0: i32, %arg1: memref<5000x256xf32, #tpu.memory_space<vmem>>, %arg2: memref<5000x128xf32, #tpu.memory_space<vmem>>, %arg3: memref<5000x128xf32, #tpu.memory_space<vmem>>, %arg4: memref<5000x128xf32, #tpu.memory_space<vmem>>, %arg5: memref<5000x128xf32, #tpu.memory_space<vmem>>) attributes {dimension_semantics = [#tpu.dimension_semantics<arbitrary>], iteration_bounds = array<i64: 2>, scalar_prefetch = 0 : i64, scratch_operands = 0 : i64, tpu.core_type = #tpu.core_type<tc>, window_params = [{transform_indices = @transform_0, window_bounds = array<i64: 5000, 256>}, {transform_indices = @transform_1, window_bounds = array<i64: 5000, 128>}, {transform_indices = @transform_2, window_bounds = array<i64: 5000, 128>}, {transform_indices = @transform_3, window_bounds = array<i64: 5000, 128>}, {transform_indices = @transform_4, window_bounds = array<i64: 5000, 128>}]} {
    %get3A = arith.constant 0 : index
    %get3A_0 = arith.constant 0 : index
    %get3A_1 = vector.load %arg2[%get3A, %get3A_0] : memref<5000x128xf32, #tpu.memory_space<vmem>>, vector<5000x1xf32>
    %get3A_2 = arith.constant 0 : index
    %get3A_3 = arith.constant 0 : index
    %get3A_4 = vector.load %arg3[%get3A_2, %get3A_3] : memref<5000x128xf32, #tpu.memory_space<vmem>>, vector<5000x1xf32>
    %add3A = arith.addf %get3A_1, %get3A_4 : vector<5000x1xf32>
    %add3A_5 = arith.constant 1.000000e+00 : f32
    %add3A_6 = vector.broadcast %add3A_5 : f32 to vector<5000x1xf32>
    %add3A_7 = arith.addf %add3A, %add3A_6 : vector<5000x1xf32>
    %rsqrt3A = math.rsqrt %add3A_7 : vector<5000x1xf32>
    %get3A_8 = arith.constant 0 : index
    %get3A_9 = arith.constant 0 : index
    %get3A_10 = vector.load %arg1[%get3A_8, %get3A_9] : memref<5000x256xf32, #tpu.memory_space<vmem>>, vector<5000x256xf32>
    %slice3A = vector.extract_strided_slice %get3A_10 {offsets = [0, 0], sizes = [5000, 128], strides = [1, 1]} : vector<5000x256xf32> to vector<5000x128xf32>
    %mul3A = vector.broadcast %rsqrt3A : vector<5000x1xf32> to vector<5000x128xf32>
    %mul3A_11 = arith.mulf %slice3A, %mul3A : vector<5000x128xf32>
    %swap3A = arith.constant 0 : index
    %swap3A_12 = arith.constant 0 : index
    %swap3A_13 = vector.load %arg4[%swap3A, %swap3A_12] : memref<5000x128xf32, #tpu.memory_space<vmem>>, vector<5000x128xf32>
    tpu.vector_store %arg4[%swap3A, %swap3A_12], %mul3A_11 {strides = array<i32>} : memref<5000x128xf32, #tpu.memory_space<vmem>>, vector<5000x128xf32>,
    %slice3A_14 = vector.extract_strided_slice %get3A_10 {offsets = [0, 128], sizes = [5000, 128], strides = [1, 1]} : vector<5000x256xf32> to vector<5000x128xf32>
    %mul3A_15 = vector.broadcast %rsqrt3A : vector<5000x1xf32> to vector<5000x128xf32>
    %mul3A_16 = arith.mulf %slice3A_14, %mul3A_15 : vector<5000x128xf32>
    %swap3A_17 = arith.constant 0 : index
    %swap3A_18 = arith.constant 0 : index
    %swap3A_19 = vector.load %arg5[%swap3A_17, %swap3A_18] : memref<5000x128xf32, #tpu.memory_space<vmem>>, vector<5000x128xf32>
    tpu.vector_store %arg5[%swap3A_17, %swap3A_18], %mul3A_16 {strides = array<i32>} : memref<5000x128xf32, #tpu.memory_space<vmem>>, vector<5000x128xf32>,
    return
  }
  func.func @transform_0(%arg0: i32) -> (i32, i32) {
    %c0_i32 = arith.constant 0 : i32
    %c0_i32_0 = arith.constant 0 : i32
    return %arg0, %c0_i32 : i32, i32
  }
  func.func @transform_1(%arg0: i32) -> (i32, i32) {
    %c0_i32 = arith.constant 0 : i32
    %c0_i32_0 = arith.constant 0 : i32
    return %arg0, %c0_i32 : i32, i32
  }
  func.func @transform_2(%arg0: i32) -> (i32, i32) {
    %c0_i32 = arith.constant 0 : i32
    %c0_i32_0 = arith.constant 0 : i32
    return %arg0, %c0_i32 : i32, i32
  }
  func.func @transform_3(%arg0: i32) -> (i32, i32) {
    %c0_i32 = arith.constant 0 : i32
    %c0_i32_0 = arith.constant 0 : i32
    return %arg0, %c0_i32 : i32, i32
  }
  func.func @transform_4(%arg0: i32) -> (i32, i32) {
    %c0_i32 = arith.constant 0 : i32
    %c0_i32_0 = arith.constant 0 : i32
    return %arg0, %c0_i32 : i32, i32
  }
}

module attributes {stable_mosaic.version = 14 : i64} {
  func.func @body(%arg0: i32, %arg1: memref<5000x128xf32, #tpu.memory_space<vmem>>, %arg2: memref<5000x128xf32, #tpu.memory_space<vmem>>, %arg3: memref<5000x128xf32, #tpu.memory_space<vmem>>, %arg4: memref<5000x128xf32, #tpu.memory_space<vmem>>, %arg5: memref<256x512xf32, #tpu.memory_space<vmem>>, %arg6: memref<1x512xf32, #tpu.memory_space<vmem>>, %arg7: memref<512x256xf32, #tpu.memory_space<vmem>>, %arg8: memref<5000x128xf32, #tpu.memory_space<vmem>>, %arg9: memref<5000x128xf32, #tpu.memory_space<vmem>>) attributes {dimension_semantics = [#tpu.dimension_semantics<arbitrary>], iteration_bounds = array<i64: 2>, scalar_prefetch = 0 : i64, scratch_operands = 0 : i64, tpu.core_type = #tpu.core_type<tc>, window_params = [{transform_indices = @transform_0, window_bounds = array<i64: 5000, 128>}, {transform_indices = @transform_1, window_bounds = array<i64: 5000, 128>}, {transform_indices = @transform_2, window_bounds = array<i64: 5000, 128>}, {transform_indices = @transform_3, window_bounds = array<i64: 5000, 128>}, {pipeline_mode = #tpu.pipeline_mode<synchronous>, transform_indices = @transform_4, window_bounds = array<i64: 256, 512>}, {pipeline_mode = #tpu.pipeline_mode<synchronous>, transform_indices = @transform_5, window_bounds = array<i64: 1, 512>}, {pipeline_mode = #tpu.pipeline_mode<synchronous>, transform_indices = @transform_6, window_bounds = array<i64: 512, 256>}, {transform_indices = @transform_7, window_bounds = array<i64: 5000, 128>}, {transform_indices = @transform_8, window_bounds = array<i64: 5000, 128>}]} {
    %get3A = arith.constant 0 : index
    %get3A_0 = arith.constant 0 : index
    %get3A_1 = vector.load %arg3[%get3A, %get3A_0] : memref<5000x128xf32, #tpu.memory_space<vmem>>, vector<5000x1xf32>
    %get3A_2 = arith.constant 0 : index
    %get3A_3 = arith.constant 0 : index
    %get3A_4 = vector.load %arg4[%get3A_2, %get3A_3] : memref<5000x128xf32, #tpu.memory_space<vmem>>, vector<5000x1xf32>
    %add3A = arith.addf %get3A_1, %get3A_4 : vector<5000x1xf32>
    %add3A_5 = arith.constant 1.000000e+00 : f32
    %add3A_6 = vector.broadcast %add3A_5 : f32 to vector<5000x1xf32>
    %add3A_7 = arith.addf %add3A, %add3A_6 : vector<5000x1xf32>
    %rsqrt3A = math.rsqrt %add3A_7 : vector<5000x1xf32>
    %get3A_8 = arith.constant 0 : index
    %get3A_9 = arith.constant 0 : index
    %get3A_10 = vector.load %arg1[%get3A_8, %get3A_9] : memref<5000x128xf32, #tpu.memory_space<vmem>>, vector<5000x128xf32>
    %get3A_11 = arith.constant 0 : index
    %get3A_12 = arith.constant 0 : index
    %get3A_13 = vector.load %arg2[%get3A_11, %get3A_12] : memref<5000x128xf32, #tpu.memory_space<vmem>>, vector<5000x128xf32>
    %concatenate3A = tpu.concatenate %get3A_10, %get3A_13 in 1 : vector<5000x128xf32>, vector<5000x128xf32> -> vector<5000x256xf32>
    %mul3A = vector.broadcast %rsqrt3A : vector<5000x1xf32> to vector<5000x256xf32>
    %mul3A_14 = arith.mulf %concatenate3A, %mul3A : vector<5000x256xf32>
    %get3A_15 = arith.constant 0 : index
    %get3A_16 = arith.constant 0 : index
    %get3A_17 = vector.load %arg5[%get3A_15, %get3A_16] : memref<256x512xf32, #tpu.memory_space<vmem>>, vector<256x512xf32>
    %convert_element_type3A = arith.truncf %mul3A_14 : vector<5000x256xf32> to vector<5000x256xbf16>
    %convert_element_type3A_18 = arith.truncf %get3A_17 : vector<256x512xf32> to vector<256x512xbf16>
    %dot_general3A = arith.constant dense<0.000000e+00> : vector<5000x512xf32>
    %dot_general3A_19 = tpu.matmul %convert_element_type3A, %convert_element_type3A_18, %dot_general3A {dimension_numbers = #tpu.dot_dimension_numbers<[1], [0], [0], [1], [0, 0, 1, 1], [], []>, transpose_lhs_hint = false} : vector<5000x256xbf16>, vector<256x512xbf16>, vector<5000x512xf32> -> vector<5000x512xf32>
    %get3A_20 = arith.constant 0 : index
    %get3A_21 = arith.constant 0 : index
    %get3A_22 = vector.load %arg6[%get3A_20, %get3A_21] : memref<1x512xf32, #tpu.memory_space<vmem>>, vector<1x512xf32>
    %add3A_23 = vector.broadcast %get3A_22 : vector<1x512xf32> to vector<5000x512xf32>
    %add3A_24 = arith.addf %dot_general3A_19, %add3A_23 : vector<5000x512xf32>
    %tanh3A = math.tanh %add3A_24 : vector<5000x512xf32>
    %get3A_25 = arith.constant 0 : index
    %get3A_26 = arith.constant 0 : index
    %get3A_27 = vector.load %arg7[%get3A_25, %get3A_26] : memref<512x256xf32, #tpu.memory_space<vmem>>, vector<512x256xf32>
    %convert_element_type3A_28 = arith.truncf %tanh3A : vector<5000x512xf32> to vector<5000x512xbf16>
    %convert_element_type3A_29 = arith.truncf %get3A_27 : vector<512x256xf32> to vector<512x256xbf16>
    %dot_general3A_30 = arith.constant dense<0.000000e+00> : vector<5000x256xf32>
    %dot_general3A_31 = tpu.matmul %convert_element_type3A_28, %convert_element_type3A_29, %dot_general3A_30 {dimension_numbers = #tpu.dot_dimension_numbers<[1], [0], [0], [1], [0, 0, 1, 1], [], []>, transpose_lhs_hint = false} : vector<5000x512xbf16>, vector<512x256xbf16>, vector<5000x256xf32> -> vector<5000x256xf32>
    %mul3A_32 = vector.broadcast %rsqrt3A : vector<5000x1xf32> to vector<5000x256xf32>
    %mul3A_33 = arith.mulf %dot_general3A_31, %mul3A_32 : vector<5000x256xf32>
    %slice3A = vector.extract_strided_slice %mul3A_33 {offsets = [0, 0], sizes = [5000, 128], strides = [1, 1]} : vector<5000x256xf32> to vector<5000x128xf32>
    %swap3A = arith.constant 0 : index
    %swap3A_34 = arith.constant 0 : index
    %swap3A_35 = vector.load %arg8[%swap3A, %swap3A_34] : memref<5000x128xf32, #tpu.memory_space<vmem>>, vector<5000x128xf32>
    tpu.vector_store %arg8[%swap3A, %swap3A_34], %slice3A {strides = array<i32>} : memref<5000x128xf32, #tpu.memory_space<vmem>>, vector<5000x128xf32>,
    %slice3A_36 = vector.extract_strided_slice %mul3A_33 {offsets = [0, 128], sizes = [5000, 128], strides = [1, 1]} : vector<5000x256xf32> to vector<5000x128xf32>
    %swap3A_37 = arith.constant 0 : index
    %swap3A_38 = arith.constant 0 : index
    %swap3A_39 = vector.load %arg9[%swap3A_37, %swap3A_38] : memref<5000x128xf32, #tpu.memory_space<vmem>>, vector<5000x128xf32>
    tpu.vector_store %arg9[%swap3A_37, %swap3A_38], %slice3A_36 {strides = array<i32>} : memref<5000x128xf32, #tpu.memory_space<vmem>>, vector<5000x128xf32>,
    return
  }
  func.func @transform_0(%arg0: i32) -> (i32, i32) {
    %c0_i32 = arith.constant 0 : i32
    %c0_i32_0 = arith.constant 0 : i32
    return %arg0, %c0_i32 : i32, i32
  }
  func.func @transform_1(%arg0: i32) -> (i32, i32) {
    %c0_i32 = arith.constant 0 : i32
    %c0_i32_0 = arith.constant 0 : i32
    return %arg0, %c0_i32 : i32, i32
  }
  func.func @transform_2(%arg0: i32) -> (i32, i32) {
    %c0_i32 = arith.constant 0 : i32
    %c0_i32_0 = arith.constant 0 : i32
    return %arg0, %c0_i32 : i32, i32
  }
  func.func @transform_3(%arg0: i32) -> (i32, i32) {
    %c0_i32 = arith.constant 0 : i32
    %c0_i32_0 = arith.constant 0 : i32
    return %arg0, %c0_i32 : i32, i32
  }
  func.func @transform_4(%arg0: i32) -> (i32, i32) {
    %c0_i32 = arith.constant 0 : i32
    %c0_i32_0 = arith.constant 0 : i32
    %c0_i32_1 = arith.constant 0 : i32
    return %c0_i32, %c0_i32_0 : i32, i32
  }
  func.func @transform_5(%arg0: i32) -> (i32, i32) {
    %c0_i32 = arith.constant 0 : i32
    %c0_i32_0 = arith.constant 0 : i32
    %c0_i32_1 = arith.constant 0 : i32
    return %c0_i32, %c0_i32_0 : i32, i32
  }
  func.func @transform_6(%arg0: i32) -> (i32, i32) {
    %c0_i32 = arith.constant 0 : i32
    %c0_i32_0 = arith.constant 0 : i32
    %c0_i32_1 = arith.constant 0 : i32
    return %c0_i32, %c0_i32_0 : i32, i32
  }
  func.func @transform_7(%arg0: i32) -> (i32, i32) {
    %c0_i32 = arith.constant 0 : i32
    %c0_i32_0 = arith.constant 0 : i32
    return %arg0, %c0_i32 : i32, i32
  }
  func.func @transform_8(%arg0: i32) -> (i32, i32) {
    %c0_i32 = arith.constant 0 : i32
    %c0_i32_0 = arith.constant 0 : i32
    return %arg0, %c0_i32 : i32, i32
  }
}

module attributes {stable_mosaic.version = 14 : i64} {
  func.func @body(%arg0: i32, %arg1: memref<2000x128xf32, #tpu.memory_space<vmem>>, %arg2: memref<2000x128xf32, #tpu.memory_space<vmem>>, %arg3: memref<2000x128xf32, #tpu.memory_space<vmem>>, %arg4: memref<2000x128xf32, #tpu.memory_space<vmem>>, %arg5: memref<1x256xf32, #tpu.memory_space<vmem>>, %arg6: memref<256x256xf32, #tpu.memory_space<vmem>>, %arg7: memref<1x256xf32, #tpu.memory_space<vmem>>, %arg8: memref<256x128xf32, #tpu.memory_space<vmem>>, %arg9: memref<1x128xf32, #tpu.memory_space<vmem>>, %arg10: memref<128x128xf32, #tpu.memory_space<vmem>>, %arg11: memref<1x128xf32, #tpu.memory_space<vmem>>, %arg12: memref<256x256xf32, #tpu.memory_space<vmem>>, %arg13: memref<1x256xf32, #tpu.memory_space<vmem>>, %arg14: memref<256x512xf32, #tpu.memory_space<vmem>>, %arg15: memref<1x512xf32, #tpu.memory_space<vmem>>, %arg16: memref<512x256xf32, #tpu.memory_space<vmem>>, %arg17: memref<1x256xf32, #tpu.memory_space<vmem>>, %arg18: memref<2000x16xf32, #tpu.memory_space<vmem>>, %arg19: memref<2000x256xf32, #tpu.memory_space<vmem>>, %arg20: memref<2000x256xf32, #tpu.memory_space<vmem>>) attributes {dimension_semantics = [#tpu.dimension_semantics<arbitrary>], iteration_bounds = array<i64: 5>, scalar_prefetch = 0 : i64, scratch_operands = 0 : i64, tpu.core_type = #tpu.core_type<tc>, window_params = [{transform_indices = @transform_0, window_bounds = array<i64: 2000, 128>}, {transform_indices = @transform_1, window_bounds = array<i64: 2000, 128>}, {transform_indices = @transform_2, window_bounds = array<i64: 2000, 128>}, {transform_indices = @transform_3, window_bounds = array<i64: 2000, 128>}, {pipeline_mode = #tpu.pipeline_mode<synchronous>, transform_indices = @transform_4, window_bounds = array<i64: 1, 256>}, {pipeline_mode = #tpu.pipeline_mode<synchronous>, transform_indices = @transform_5, window_bounds = array<i64: 256, 256>}, {pipeline_mode = #tpu.pipeline_mode<synchronous>, transform_indices = @transform_6, window_bounds = array<i64: 1, 256>}, {pipeline_mode = #tpu.pipeline_mode<synchronous>, transform_indices = @transform_7, window_bounds = array<i64: 256, 128>}, {pipeline_mode = #tpu.pipeline_mode<synchronous>, transform_indices = @transform_8, window_bounds = array<i64: 1, 128>}, {pipeline_mode = #tpu.pipeline_mode<synchronous>, transform_indices = @transform_9, window_bounds = array<i64: 128, 128>}, {pipeline_mode = #tpu.pipeline_mode<synchronous>, transform_indices = @transform_10, window_bounds = array<i64: 1, 128>}, {pipeline_mode = #tpu.pipeline_mode<synchronous>, transform_indices = @transform_11, window_bounds = array<i64: 256, 256>}, {pipeline_mode = #tpu.pipeline_mode<synchronous>, transform_indices = @transform_12, window_bounds = array<i64: 1, 256>}, {pipeline_mode = #tpu.pipeline_mode<synchronous>, transform_indices = @transform_13, window_bounds = array<i64: 256, 512>}, {pipeline_mode = #tpu.pipeline_mode<synchronous>, transform_indices = @transform_14, window_bounds = array<i64: 1, 512>}, {pipeline_mode = #tpu.pipeline_mode<synchronous>, transform_indices = @transform_15, window_bounds = array<i64: 512, 256>}, {pipeline_mode = #tpu.pipeline_mode<synchronous>, transform_indices = @transform_16, window_bounds = array<i64: 1, 256>}, {transform_indices = @transform_17, window_bounds = array<i64: 2000, 16>}, {transform_indices = @transform_18, window_bounds = array<i64: 2000, 256>}, {transform_indices = @transform_19, window_bounds = array<i64: 2000, 256>}]} {
    %get3A = arith.constant 0 : index
    %get3A_0 = arith.constant 0 : index
    %get3A_1 = vector.load %arg3[%get3A, %get3A_0] : memref<2000x128xf32, #tpu.memory_space<vmem>>, vector<2000x1xf32>
    %get3A_2 = arith.constant 0 : index
    %get3A_3 = arith.constant 0 : index
    %get3A_4 = vector.load %arg4[%get3A_2, %get3A_3] : memref<2000x128xf32, #tpu.memory_space<vmem>>, vector<2000x1xf32>
    %add3A = arith.addf %get3A_1, %get3A_4 : vector<2000x1xf32>
    %add3A_5 = arith.constant 1.000000e+00 : f32
    %add3A_6 = vector.broadcast %add3A_5 : f32 to vector<2000x1xf32>
    %add3A_7 = arith.addf %add3A, %add3A_6 : vector<2000x1xf32>
    %rsqrt3A = math.rsqrt %add3A_7 : vector<2000x1xf32>
    %get3A_8 = arith.constant 0 : index
    %get3A_9 = arith.constant 0 : index
    %get3A_10 = vector.load %arg1[%get3A_8, %get3A_9] : memref<2000x128xf32, #tpu.memory_space<vmem>>, vector<2000x128xf32>
    %get3A_11 = arith.constant 0 : index
    %get3A_12 = arith.constant 0 : index
    %get3A_13 = vector.load %arg2[%get3A_11, %get3A_12] : memref<2000x128xf32, #tpu.memory_space<vmem>>, vector<2000x128xf32>
    %concatenate3A = tpu.concatenate %get3A_10, %get3A_13 in 1 : vector<2000x128xf32>, vector<2000x128xf32> -> vector<2000x256xf32>
    %mul3A = vector.broadcast %rsqrt3A : vector<2000x1xf32> to vector<2000x256xf32>
    %mul3A_14 = arith.mulf %concatenate3A, %mul3A : vector<2000x256xf32>
    %get3A_15 = arith.constant 0 : index
    %get3A_16 = arith.constant 0 : index
    %get3A_17 = vector.load %arg5[%get3A_15, %get3A_16] : memref<1x256xf32, #tpu.memory_space<vmem>>, vector<1x256xf32>
    %add3A_18 = vector.broadcast %get3A_17 : vector<1x256xf32> to vector<2000x256xf32>
    %add3A_19 = arith.addf %mul3A_14, %add3A_18 : vector<2000x256xf32>
    %tanh3A = math.tanh %add3A_19 : vector<2000x256xf32>
    %swap3A = arith.constant 0 : index
    %swap3A_20 = arith.constant 0 : index
    %swap3A_21 = vector.load %arg20[%swap3A, %swap3A_20] : memref<2000x256xf32, #tpu.memory_space<vmem>>, vector<2000x256xf32>
    tpu.vector_store %arg20[%swap3A, %swap3A_20], %tanh3A {strides = array<i32>} : memref<2000x256xf32, #tpu.memory_space<vmem>>, vector<2000x256xf32>,
    %get3A_22 = arith.constant 0 : index
    %get3A_23 = arith.constant 0 : index
    %get3A_24 = vector.load %arg6[%get3A_22, %get3A_23] : memref<256x256xf32, #tpu.memory_space<vmem>>, vector<256x256xf32>
    %convert_element_type3A = arith.truncf %tanh3A : vector<2000x256xf32> to vector<2000x256xbf16>
    %convert_element_type3A_25 = arith.truncf %get3A_24 : vector<256x256xf32> to vector<256x256xbf16>
    %dot_general3A = arith.constant dense<0.000000e+00> : vector<2000x256xf32>
    %dot_general3A_26 = tpu.matmul %convert_element_type3A, %convert_element_type3A_25, %dot_general3A {dimension_numbers = #tpu.dot_dimension_numbers<[1], [0], [0], [1], [0, 0, 1, 1], [], []>, transpose_lhs_hint = false} : vector<2000x256xbf16>, vector<256x256xbf16>, vector<2000x256xf32> -> vector<2000x256xf32>
    %get3A_27 = arith.constant 0 : index
    %get3A_28 = arith.constant 0 : index
    %get3A_29 = vector.load %arg7[%get3A_27, %get3A_28] : memref<1x256xf32, #tpu.memory_space<vmem>>, vector<1x256xf32>
    %add3A_30 = vector.broadcast %get3A_29 : vector<1x256xf32> to vector<2000x256xf32>
    %add3A_31 = arith.addf %dot_general3A_26, %add3A_30 : vector<2000x256xf32>
    %max3A = arith.constant 0.000000e+00 : f32
    %max3A_32 = vector.broadcast %max3A : f32 to vector<2000x256xf32>
    %max3A_33 = arith.maximumf %add3A_31, %max3A_32 : vector<2000x256xf32>
    %get3A_34 = arith.constant 0 : index
    %get3A_35 = arith.constant 0 : index
    %get3A_36 = vector.load %arg8[%get3A_34, %get3A_35] : memref<256x128xf32, #tpu.memory_space<vmem>>, vector<256x128xf32>
    %convert_element_type3A_37 = arith.truncf %max3A_33 : vector<2000x256xf32> to vector<2000x256xbf16>
    %convert_element_type3A_38 = arith.truncf %get3A_36 : vector<256x128xf32> to vector<256x128xbf16>
    %dot_general3A_39 = arith.constant dense<0.000000e+00> : vector<2000x128xf32>
    %dot_general3A_40 = tpu.matmul %convert_element_type3A_37, %convert_element_type3A_38, %dot_general3A_39 {dimension_numbers = #tpu.dot_dimension_numbers<[1], [0], [0], [1], [0, 0, 1, 1], [], []>, transpose_lhs_hint = false} : vector<2000x256xbf16>, vector<256x128xbf16>, vector<2000x128xf32> -> vector<2000x128xf32>
    %get3A_41 = arith.constant 0 : index
    %get3A_42 = arith.constant 0 : index
    %get3A_43 = vector.load %arg9[%get3A_41, %get3A_42] : memref<1x128xf32, #tpu.memory_space<vmem>>, vector<1x128xf32>
    %add3A_44 = vector.broadcast %get3A_43 : vector<1x128xf32> to vector<2000x128xf32>
    %add3A_45 = arith.addf %dot_general3A_40, %add3A_44 : vector<2000x128xf32>
    %max3A_46 = arith.constant 0.000000e+00 : f32
    %max3A_47 = vector.broadcast %max3A_46 : f32 to vector<2000x128xf32>
    %max3A_48 = arith.maximumf %add3A_45, %max3A_47 : vector<2000x128xf32>
    %get3A_49 = arith.constant 0 : index
    %get3A_50 = arith.constant 0 : index
    %get3A_51 = vector.load %arg10[%get3A_49, %get3A_50] : memref<128x128xf32, #tpu.memory_space<vmem>>, vector<128x128xf32>
    %convert_element_type3A_52 = arith.truncf %max3A_48 : vector<2000x128xf32> to vector<2000x128xbf16>
    %convert_element_type3A_53 = arith.truncf %get3A_51 : vector<128x128xf32> to vector<128x128xbf16>
    %dot_general3A_54 = arith.constant dense<0.000000e+00> : vector<2000x128xf32>
    %dot_general3A_55 = tpu.matmul %convert_element_type3A_52, %convert_element_type3A_53, %dot_general3A_54 {dimension_numbers = #tpu.dot_dimension_numbers<[1], [0], [0], [1], [0, 0, 1, 1], [], []>, transpose_lhs_hint = false} : vector<2000x128xbf16>, vector<128x128xbf16>, vector<2000x128xf32> -> vector<2000x128xf32>
    %get3A_56 = arith.constant 0 : index
    %get3A_57 = arith.constant 0 : index
    %get3A_58 = vector.load %arg11[%get3A_56, %get3A_57] : memref<1x128xf32, #tpu.memory_space<vmem>>, vector<1x128xf32>
    %add3A_59 = vector.broadcast %get3A_58 : vector<1x128xf32> to vector<2000x128xf32>
    %add3A_60 = arith.addf %dot_general3A_55, %add3A_59 : vector<2000x128xf32>
    %reduce_max3A = arith.constant dense<0xFF800000> : vector<2000xf32>
    %reduce_max3A_61 = vector.multi_reduction <maximumf>, %add3A_60, %reduce_max3A [1] : vector<2000x128xf32> to vector<2000xf32>
    %broadcast_in_dim3A = vector.shape_cast %reduce_max3A_61 : vector<2000xf32> to vector<2000x1xf32>
    %sub3A = vector.broadcast %broadcast_in_dim3A : vector<2000x1xf32> to vector<2000x128xf32>
    %sub3A_62 = arith.subf %add3A_60, %sub3A : vector<2000x128xf32>
    %exp3A = math.exp %sub3A_62 : vector<2000x128xf32>
    %reduce_sum3A = arith.constant dense<0.000000e+00> : vector<2000xf32>
    %reduce_sum3A_63 = vector.multi_reduction <add>, %exp3A, %reduce_sum3A [1] : vector<2000x128xf32> to vector<2000xf32>
    %broadcast_in_dim3A_64 = vector.shape_cast %reduce_sum3A_63 : vector<2000xf32> to vector<2000x1xf32>
    %div3A = vector.broadcast %broadcast_in_dim3A_64 : vector<2000x1xf32> to vector<2000x128xf32>
    %div3A_65 = arith.divf %exp3A, %div3A : vector<2000x128xf32>
    %slice3A = vector.extract_strided_slice %div3A_65 {offsets = [0, 0], sizes = [2000, 16], strides = [1, 1]} : vector<2000x128xf32> to vector<2000x16xf32>
    %swap3A_66 = arith.constant 0 : index
    %swap3A_67 = arith.constant 0 : index
    %swap3A_68 = vector.load %arg18[%swap3A_66, %swap3A_67] : memref<2000x16xf32, #tpu.memory_space<vmem>>, vector<2000x16xf32>
    tpu.vector_store %arg18[%swap3A_66, %swap3A_67], %slice3A {strides = array<i32>} : memref<2000x16xf32, #tpu.memory_space<vmem>>, vector<2000x16xf32>,
    %get3A_69 = arith.constant 0 : index
    %get3A_70 = arith.constant 0 : index
    %get3A_71 = vector.load %arg12[%get3A_69, %get3A_70] : memref<256x256xf32, #tpu.memory_space<vmem>>, vector<256x256xf32>
    %convert_element_type3A_72 = arith.truncf %tanh3A : vector<2000x256xf32> to vector<2000x256xbf16>
    %convert_element_type3A_73 = arith.truncf %get3A_71 : vector<256x256xf32> to vector<256x256xbf16>
    %dot_general3A_74 = arith.constant dense<0.000000e+00> : vector<2000x256xf32>
    %dot_general3A_75 = tpu.matmul %convert_element_type3A_72, %convert_element_type3A_73, %dot_general3A_74 {dimension_numbers = #tpu.dot_dimension_numbers<[1], [0], [0], [1], [0, 0, 1, 1], [], []>, transpose_lhs_hint = false} : vector<2000x256xbf16>, vector<256x256xbf16>, vector<2000x256xf32> -> vector<2000x256xf32>
    %get3A_76 = arith.constant 0 : index
    %get3A_77 = arith.constant 0 : index
    %get3A_78 = vector.load %arg13[%get3A_76, %get3A_77] : memref<1x256xf32, #tpu.memory_space<vmem>>, vector<1x256xf32>
    %add3A_79 = vector.broadcast %get3A_78 : vector<1x256xf32> to vector<2000x256xf32>
    %add3A_80 = arith.addf %dot_general3A_75, %add3A_79 : vector<2000x256xf32>
    %max3A_81 = arith.constant 0.000000e+00 : f32
    %max3A_82 = vector.broadcast %max3A_81 : f32 to vector<2000x256xf32>
    %max3A_83 = arith.maximumf %add3A_80, %max3A_82 : vector<2000x256xf32>
    %get3A_84 = arith.constant 0 : index
    %get3A_85 = arith.constant 0 : index
    %get3A_86 = vector.load %arg14[%get3A_84, %get3A_85] : memref<256x512xf32, #tpu.memory_space<vmem>>, vector<256x512xf32>
    %convert_element_type3A_87 = arith.truncf %max3A_83 : vector<2000x256xf32> to vector<2000x256xbf16>
    %convert_element_type3A_88 = arith.truncf %get3A_86 : vector<256x512xf32> to vector<256x512xbf16>
    %dot_general3A_89 = arith.constant dense<0.000000e+00> : vector<2000x512xf32>
    %dot_general3A_90 = tpu.matmul %convert_element_type3A_87, %convert_element_type3A_88, %dot_general3A_89 {dimension_numbers = #tpu.dot_dimension_numbers<[1], [0], [0], [1], [0, 0, 1, 1], [], []>, transpose_lhs_hint = false} : vector<2000x256xbf16>, vector<256x512xbf16>, vector<2000x512xf32> -> vector<2000x512xf32>
    %get3A_91 = arith.constant 0 : index
    %get3A_92 = arith.constant 0 : index
    %get3A_93 = vector.load %arg15[%get3A_91, %get3A_92] : memref<1x512xf32, #tpu.memory_space<vmem>>, vector<1x512xf32>
    %add3A_94 = vector.broadcast %get3A_93 : vector<1x512xf32> to vector<2000x512xf32>
    %add3A_95 = arith.addf %dot_general3A_90, %add3A_94 : vector<2000x512xf32>
    %max3A_96 = arith.constant 0.000000e+00 : f32
    %max3A_97 = vector.broadcast %max3A_96 : f32 to vector<2000x512xf32>
    %max3A_98 = arith.maximumf %add3A_95, %max3A_97 : vector<2000x512xf32>
    %get3A_99 = arith.constant 0 : index
    %get3A_100 = arith.constant 0 : index
    %get3A_101 = vector.load %arg16[%get3A_99, %get3A_100] : memref<512x256xf32, #tpu.memory_space<vmem>>, vector<512x256xf32>
    %convert_element_type3A_102 = arith.truncf %max3A_98 : vector<2000x512xf32> to vector<2000x512xbf16>
    %convert_element_type3A_103 = arith.truncf %get3A_101 : vector<512x256xf32> to vector<512x256xbf16>
    %dot_general3A_104 = arith.constant dense<0.000000e+00> : vector<2000x256xf32>
    %dot_general3A_105 = tpu.matmul %convert_element_type3A_102, %convert_element_type3A_103, %dot_general3A_104 {dimension_numbers = #tpu.dot_dimension_numbers<[1], [0], [0], [1], [0, 0, 1, 1], [], []>, transpose_lhs_hint = false} : vector<2000x512xbf16>, vector<512x256xbf16>, vector<2000x256xf32> -> vector<2000x256xf32>
    %get3A_106 = arith.constant 0 : index
    %get3A_107 = arith.constant 0 : index
    %get3A_108 = vector.load %arg17[%get3A_106, %get3A_107] : memref<1x256xf32, #tpu.memory_space<vmem>>, vector<1x256xf32>
    %add3A_109 = vector.broadcast %get3A_108 : vector<1x256xf32> to vector<2000x256xf32>
    %add3A_110 = arith.addf %dot_general3A_105, %add3A_109 : vector<2000x256xf32>
    %swap3A_111 = arith.constant 0 : index
    %swap3A_112 = arith.constant 0 : index
    %swap3A_113 = vector.load %arg19[%swap3A_111, %swap3A_112] : memref<2000x256xf32, #tpu.memory_space<vmem>>, vector<2000x256xf32>
    tpu.vector_store %arg19[%swap3A_111, %swap3A_112], %add3A_110 {strides = array<i32>} : memref<2000x256xf32, #tpu.memory_space<vmem>>, vector<2000x256xf32>,
    return
  }
  func.func @transform_0(%arg0: i32) -> (i32, i32) {
    %c0_i32 = arith.constant 0 : i32
    %c0_i32_0 = arith.constant 0 : i32
    return %arg0, %c0_i32 : i32, i32
  }
  func.func @transform_1(%arg0: i32) -> (i32, i32) {
    %c0_i32 = arith.constant 0 : i32
    %c0_i32_0 = arith.constant 0 : i32
    return %arg0, %c0_i32 : i32, i32
  }
  func.func @transform_2(%arg0: i32) -> (i32, i32) {
    %c0_i32 = arith.constant 0 : i32
    %c0_i32_0 = arith.constant 0 : i32
    return %arg0, %c0_i32 : i32, i32
  }
  func.func @transform_3(%arg0: i32) -> (i32, i32) {
    %c0_i32 = arith.constant 0 : i32
    %c0_i32_0 = arith.constant 0 : i32
    return %arg0, %c0_i32 : i32, i32
  }
  func.func @transform_4(%arg0: i32) -> (i32, i32) {
    %c0_i32 = arith.constant 0 : i32
    %c0_i32_0 = arith.constant 0 : i32
    %c0_i32_1 = arith.constant 0 : i32
    return %c0_i32, %c0_i32_0 : i32, i32
  }
  func.func @transform_5(%arg0: i32) -> (i32, i32) {
    %c0_i32 = arith.constant 0 : i32
    %c0_i32_0 = arith.constant 0 : i32
    %c0_i32_1 = arith.constant 0 : i32
    return %c0_i32, %c0_i32_0 : i32, i32
  }
  func.func @transform_6(%arg0: i32) -> (i32, i32) {
    %c0_i32 = arith.constant 0 : i32
    %c0_i32_0 = arith.constant 0 : i32
    %c0_i32_1 = arith.constant 0 : i32
    return %c0_i32, %c0_i32_0 : i32, i32
  }
  func.func @transform_7(%arg0: i32) -> (i32, i32) {
    %c0_i32 = arith.constant 0 : i32
    %c0_i32_0 = arith.constant 0 : i32
    %c0_i32_1 = arith.constant 0 : i32
    return %c0_i32, %c0_i32_0 : i32, i32
  }
  func.func @transform_8(%arg0: i32) -> (i32, i32) {
    %c0_i32 = arith.constant 0 : i32
    %c0_i32_0 = arith.constant 0 : i32
    %c0_i32_1 = arith.constant 0 : i32
    return %c0_i32, %c0_i32_0 : i32, i32
  }
  func.func @transform_9(%arg0: i32) -> (i32, i32) {
    %c0_i32 = arith.constant 0 : i32
    %c0_i32_0 = arith.constant 0 : i32
    %c0_i32_1 = arith.constant 0 : i32
    return %c0_i32, %c0_i32_0 : i32, i32
  }
  func.func @transform_10(%arg0: i32) -> (i32, i32) {
    %c0_i32 = arith.constant 0 : i32
    %c0_i32_0 = arith.constant 0 : i32
    %c0_i32_1 = arith.constant 0 : i32
    return %c0_i32, %c0_i32_0 : i32, i32
  }
  func.func @transform_11(%arg0: i32) -> (i32, i32) {
    %c0_i32 = arith.constant 0 : i32
    %c0_i32_0 = arith.constant 0 : i32
    %c0_i32_1 = arith.constant 0 : i32
    return %c0_i32, %c0_i32_0 : i32, i32
  }
  func.func @transform_12(%arg0: i32) -> (i32, i32) {
    %c0_i32 = arith.constant 0 : i32
    %c0_i32_0 = arith.constant 0 : i32
    %c0_i32_1 = arith.constant 0 : i32
    return %c0_i32, %c0_i32_0 : i32, i32
  }
  func.func @transform_13(%arg0: i32) -> (i32, i32) {
    %c0_i32 = arith.constant 0 : i32
    %c0_i32_0 = arith.constant 0 : i32
    %c0_i32_1 = arith.constant 0 : i32
    return %c0_i32, %c0_i32_0 : i32, i32
  }
  func.func @transform_14(%arg0: i32) -> (i32, i32) {
    %c0_i32 = arith.constant 0 : i32
    %c0_i32_0 = arith.constant 0 : i32
    %c0_i32_1 = arith.constant 0 : i32
    return %c0_i32, %c0_i32_0 : i32, i32
  }
  func.func @transform_15(%arg0: i32) -> (i32, i32) {
    %c0_i32 = arith.constant 0 : i32
    %c0_i32_0 = arith.constant 0 : i32
    %c0_i32_1 = arith.constant 0 : i32
    return %c0_i32, %c0_i32_0 : i32, i32
  }
  func.func @transform_16(%arg0: i32) -> (i32, i32) {
    %c0_i32 = arith.constant 0 : i32
    %c0_i32_0 = arith.constant 0 : i32
    %c0_i32_1 = arith.constant 0 : i32
    return %c0_i32, %c0_i32_0 : i32, i32
  }
  func.func @transform_17(%arg0: i32) -> (i32, i32) {
    %c0_i32 = arith.constant 0 : i32
    %c0_i32_0 = arith.constant 0 : i32
    return %arg0, %c0_i32 : i32, i32
  }
  func.func @transform_18(%arg0: i32) -> (i32, i32) {
    %c0_i32 = arith.constant 0 : i32
    %c0_i32_0 = arith.constant 0 : i32
    return %arg0, %c0_i32 : i32, i32
  }
  func.func @transform_19(%arg0: i32) -> (i32, i32) {
    %c0_i32 = arith.constant 0 : i32
    %c0_i32_0 = arith.constant 0 : i32
    return %arg0, %c0_i32 : i32, i32
  }
}

</mosaic_0001>

<sc_bundles>
// kernel: kernel.11.cloned.1.call-start
scs
__scs_entry_jumppad:
0x0: {  	(pc) =	sbr.rel $0x88, $3  }
0x1: {  	(tag) =	ssettag $0x0;
	lr =	simm.s32 $0x1  }
0x2: {  	[smem:$0x3F8B] =	sst lr;
	_ =	strace $0xD0000000  }
0x3: {  	_ = 	snop  }
0x4: {  	_ = 	snop  }
0x5: {  	_ = 	snop  }
0x6: {  	_ = 	snop  }
0x7: {  	_ = 	snop  }
__scs_overlays_trampoline_lowered:
0x8: {  	[smem:$0x3F9A] =	sst s0  }
0x9: {  	[smem:$0x3F9B] =	sst s1  }
0xa: {  	[smem:$0x3F9C] =	sst s2  }
0xb: {  	[smem:$0x3F9D] =	sst s3  }
0xc: {  	[smem:$0x3F9E] =	sst s4  }
0xd: {  	[smem:$0x3F9F] =	sst s5  }
0xe: {  	[smem:$0x3FA0] =	sst s6  }
0xf: {  	[smem:$0x3FA1] =	sst s7  }
0x10: {  	[smem:$0x3FA2] =	sst s8  }
0x11: {  	[smem:$0x3FA3] =	sst s9;
	s0 =	simm.s32 @!p0 $0x0  }
0x12: {  	s1 =	sld [smem:$0x3F89];
	s0 =	simm.s32 @p0 $0x1  }
0x13: {  	[smem:$0x3FA4] =	sst s0;
	s0 =	simm.s32 @!p1 $0x0  }
0x14: {  	s2 =	sld [smem:$0x3F88];
	s0 =	simm.s32 @p1 $0x1  }
0x15: {  	[smem:$0x3FA5] =	sst s0;
	s0 =	simm.s32 @!p2 $0x0  }
0x16: {  	s3 =	sld [smem:$0x3FDB];
	s0 =	simm.s32 @p2 $0x1  }
0x17: {  	s4 =	simm.s32 $0x1BF5;
	[smem:$0x3FA7] =	sst s0  }
0x18: {  	s0 =	sld [smem:$0x3F8A];
	_ =	swait.ge [sflag:s4], $0x0  }
0x19: {  	s7 =	sld [smem:$0x3F8B]  }
0x1a: {  	s8 =	sadd.s32 $0xFFFFE003, lr  }
0x1b: {  	s9 =	sadd.s32 $0xFFFFFEF7, lr;
	s5 =	simm.s32 $0xFFFFFFFF;
	p2 =	slt.u32 s8, $0xFFFFF086  }
0x1c: {  	p1 =	slt.u32 s9, $0xF7A;
	s5 =	simm.s32 @!p2 $0x0  }
0x1d: {  	s5 =	simm.s32 @p1 $0x1;
	p0 =	seq.s32 s7, s2  }
0x1e: {  	s7 =	smul.u32 @!p0 $0xF7A, s2;
	p2 =	seq.s32 @!p0 s5, $0x0  }
0x1f: {  	s9 =	smul.u32 $0xF7A, s1;
	s8 =	simm.s32 @!p0 $0x1BF5;
	p2 =	por !p2, p0  }
0x20: {  	[sflag:s8] =	ssyncset.s32 @!p0 $0xFFFFF086;
	s6 =	sadd.s32 @!p0 s3, s7;
	s7 =	simm.s32 @!p0 $0x108  }
0x21: {  	s3 =	sadd.s32 s3, s9;
	s6 =	sadd.s32 @!p0 $0x88, s6;
	s7 =	simm.s32 @p2 $0x1082  }
0x22: {  	[simem:s7], [sflag:s8] =	dma.local @!p0 [hbm:s6], $0xF7A  }
0x23: {  	s9 =	sor.u32 $0xD0000000, s2;
	s6 =	simm.s32 $0x108;
	_ =	swait.ge @!p0 [sflag:s8], $0x0  }
0x24: {  	s3 =	sadd.s32 $0x88, s3;
	s6 =	simm.s32 @!p1 $0x1082;
	[sflag:s4] =	ssyncset.s32 $0xFFFFF086  }
0x25: {  	[simem:s6], [sflag:s4] =	dma.local [hbm:s3], $0xF7A  }
0x26: {  	[smem:$0x3F8B] =	sst s1;
	(tag) =	ssettag s2;
	_ =	strace s9  }
0x27: {  	s1 =	sld [smem:$0x3F9B]  }
0x28: {  	s2 =	sld [smem:$0x3F9C]  }
0x29: {  	s4 =	sld [smem:$0x3F9E]  }
0x2a: {  	p0 =	seq.s32 s5, $0x0;
	s5 =	sld [smem:$0x3F9F]  }
0x2b: {  	s6 =	sld [smem:$0x3FA0]  }
0x2c: {  	s7 =	sld [smem:$0x3FA1]  }
0x2d: {  	s3 =	simm.s32 $0x108;
	s8 =	sld [smem:$0x3FA2]  }
0x2e: {  	s3 =	simm.s32 @!p0 $0x1082;
	s9 =	sld [smem:$0x3FA3]  }
0x2f: {  	lr =	sadd.s32 s0, s3;
	s0 =	sld [smem:$0x3F9A]  }
0x30: {  	s3 =	sld [smem:$0x3F9D]  }
0x31: {  	[smem:$0x3FA6] =	sst s10  }
0x32: {  	s10 =	sld [smem:$0x3FA4];
	_ =	sdelay $0x3  }
0x33: {  	p0 =	seq.s32 s10, $0x1;
	s10 =	sld [smem:$0x3FA6];
	_ =	sdelay $0x3  }
0x34: {  	[smem:$0x3FA6] =	sst s10  }
0x35: {  	s10 =	sld [smem:$0x3FA5];
	_ =	sdelay $0x3  }
0x36: {  	p1 =	seq.s32 s10, $0x1;
	s10 =	sld [smem:$0x3FA6];
	_ =	sdelay $0x3  }
0x37: {  	[smem:$0x3FA6] =	sst s10  }
0x38: {  	s10 =	sld [smem:$0x3FA7]  }
0x39: {  	_ = 	snop;
	(pc) =	sbr.ind lr, $3  }
0x3a: {  	_ = 	snop  }
0x3b: {  	_ = 	snop  }
0x3c: {  	p2 =	seq.s32 s10, $0x1;
	s10 =	sld [smem:$0x3FA6]  }
0x3d: {  	_ =	shalt  }
0x3e: {  	_ =	shalt  }
0x3f: {  	_ =	shalt  }
0x40: {  	_ =	shalt  }
0x41: {  	_ =	shalt  }
0x42: {  	_ =	shalt  }
0x43: {  	_ =	shalt  }
0x44: {  	_ =	shalt  }
0x45: {  	_ =	shalt  }
0x46: {  	_ =	shalt  }
0x47: {  	_ =	shalt  }
0x48: {  	_ =	shalt  }
0x49: {  	_ =	shalt  }
0x4a: {  	_ =	shalt  }
0x4b: {  	_ =	shalt  }
0x4c: {  	_ =	shalt  }
0x4d: {  	_ =	shalt  }
0x4e: {  	_ =	shalt  }
0x4f: {  	_ =	shalt  }
0x50: {  	_ =	shalt  }
0x51: {  	_ =	shalt  }
0x52: {  	_ =	shalt  }
0x53: {  	_ =	shalt  }
0x54: {  	_ =	shalt  }
0x55: {  	_ =	shalt  }
0x56: {  	_ =	shalt  }
0x57: {  	_ =	shalt  }
0x58: {  	_ =	shalt  }
0x59: {  	_ =	shalt  }
0x5a: {  	_ =	shalt  }
0x5b: {  	_ =	shalt  }
0x5c: {  	_ =	shalt  }
0x5d: {  	_ =	shalt  }
0x5e: {  	_ =	shalt  }
0x5f: {  	_ =	shalt  }
0x60: {  	_ =	shalt  }
0x61: {  	_ =	shalt  }
0x62: {  	_ =	shalt  }
0x63: {  	_ =	shalt  }
0x64: {  	_ =	shalt  }
0x65: {  	_ =	shalt  }
0x66: {  	_ =	shalt  }
0x67: {  	_ =	shalt  }
0x68: {  	_ =	shalt  }
0x69: {  	_ =	shalt  }
0x6a: {  	_ =	shalt  }
0x6b: {  	_ =	shalt  }
0x6c: {  	_ =	shalt  }
0x6d: {  	_ =	shalt  }
0x6e: {  	_ =	shalt  }
0x6f: {  	_ =	shalt  }
0x70: {  	_ =	shalt  }
0x71: {  	_ =	shalt  }
0x72: {  	_ =	shalt  }
0x73: {  	_ =	shalt  }
0x74: {  	_ =	shalt  }
0x75: {  	_ =	shalt  }
0x76: {  	_ =	shalt  }
0x77: {  	_ =	shalt  }
0x78: {  	_ =	shalt  }
0x79: {  	_ =	shalt  }
0x7a: {  	_ =	shalt  }
0x7b: {  	_ =	shalt  }
0x7c: {  	_ =	shalt  }
0x7d: {  	_ =	shalt  }
0x7e: {  	_ =	shalt  }
0x7f: {  	_ =	shalt  }
0x80: {  	_ =	shalt  }
0x81: {  	_ =	shalt  }
0x82: {  	_ =	shalt  }
0x83: {  	_ =	shalt  }
0x84: {  	_ =	shalt  }
0x85: {  	_ =	shalt  }
0x86: {  	_ =	shalt  }
0x87: {  	_ =	shalt  }
.Lfunc_end0:
.L_simem_size_0:
called_computation.1_lowered:
.L_overlay_start_0:
0x88: {  	s2 =	sld [smem:$0x3FD9]  }
0x89: {  	s3 =	sld [smem:$0x3FFE];
	_ =	sdelay $0x1  }
0x8a: {  	s1 =	srdreg.scid  }
0x8b: {  	s0 =	sand.u32 $0x1, s1  }
0x8c: {  	s14 =	sshll.u32 s0, $0xA;
	s2 =	sadd.s32 s3, s2  }
0x8d: {  	s2 =	sadd.s32 s2, s14  }
0x8e: {  	[smem:$0x3FB2] =	sst s2  }
0x8f: {  	_ = 	snop  }
0x90: {  	s2 =	sld [smem:$0x3FD0];
	_ =	sdelay $0x2  }
0x91: {  	s15 =	simm.s32 $0xA;
	s4 =	simm.s32 $0x10  }
0x92: {  	[smem:s4], [sflag:s15] =	dma.local [hbm:s2], $0x1  }
0x93: {  	_ =	swait.eq [sflag:s15], $0x1  }
0x94: {  	s16 =	sld [smem:$0x10];
	[sflag:s15] =	ssyncset.done $0x0  }
0x95: {  	s17 =	sld [smem:$0x11];
	[sflag:s15] =	ssyncadd.s32 $0xFFFFFFFF  }
0x96: {  	s18 =	sld [smem:$0x12];
	(tm) =	ssettm $0x1  }
0x97: {  	s5 =	sld [smem:$0x3FFB];
	_ =	sdelay $0x3  }
0x98: {  	_ =	strace s5  }
0x99: {  	s5 =	sld [smem:$0x3FFC];
	_ =	sdelay $0x3  }
0x9a: {  	_ =	strace s5  }
0x9b: {  	s5 =	sld [smem:$0x3FFD];
	_ =	sdelay $0x3  }
0x9c: {  	_ =	strace s5  }
0x9d: {  	_ =	strace $0x8FFFFFFF  }
0x9e: {  	s19 =	sld [smem:$0x3FDB];
	_ =	sdelay $0x1  }
0x9f: {  	s6 =	simm.s32 $_scs_section_size  }
0xa0: {  	s7 =	simm.s32 $_size__tile_overlayer_lowered;
	s8 =	simm.s32 $_tile_overlayer_lowered  }
0xa1: {  	s22 =	simm.s32 $0x1BFF;
	s21 =	sshll.u32 s8, $0x1;
	s5 =	sadd.s32 s6, s19  }
0xa2: {  	s9 =	simm.s32 $0x0;
	s20 =	sshll.u32 s7, $0x1;
	s7 =	sadd.s32 s21, s5  }
0xa3: {  	[timem:s9], [sflag:s22] =	dma.local [hbm:s7], s20  }
0xa4: {  	_ =	swait.ge [sflag:s22], s20  }
0xa5: {  	s6 =	ssub.s32 $0x0, s20;
	[sflag:s22] =	ssyncset.done $0x0  }
0xa6: {  	[sflag:s22] =	ssyncadd.s32 s6;
	_ =	sdelay $0x1  }
0xa7: {  	s23 =	simm.s32 $0x1B8B  }
0xa8: {  	_ =	swait.ge [sflag:s23], $0x1  }
0xa9: {  	[sflag:s23] =	ssyncset.done $0x0  }
0xaa: {  	s25 =	simm.s32 $0x1B8E;
	s24 =	sld [smem:$0x3FFE];
	[sflag:s23] =	ssyncadd.s32 $0xFFFFFFFF  }
0xab: {  	s26 =	simm.s32 $execute0_lowered;
	[smem:$0x3FD2] =	sst s25  }
0xac: {  	s7 =	sshll.u32 s26, $0x1;
	_ =	strace $0x80000049;
	[dreg:$0x1] =	wrdreg $0xFFFFFFFF  }
0xad: {  	s28 =	simm.s32 $_size_execute0_lowered;
	s5 =	sadd.s32 s5, s7;
	[dreg:$0x0] =	wrdreg $0x0  }
0xae: {  	s7 =	sshll.u32 s28, $0x1;
	[dreg:$0x2] =	wrdreg s5  }
0xaf: {  	[dreg:$0x3] =	wrdreg s7  }
0xb0: {  	[dreg:$0x4] =	wrdreg $0xC0  }
0xb1: {  	_ =	task [dreg:s9], $0x5FFFF  }
0xb2: {  	[dreg:$0x1] =	wrdreg $0xFFFFFFFF  }
0xb3: {  	[dreg:$0x0] =	wrdreg $0x60  }
0xb4: {  	[dreg:$0x2] =	wrdreg s18  }
0xb5: {  	[dreg:$0x3] =	wrdreg s17  }
0xb6: {  	[dreg:$0x4] =	wrdreg s16  }
0xb7: {  	[dreg:$0x5] =	wrdreg s24  }
0xb8: {  	[dreg:$0x6] =	wrdreg $0x0  }
0xb9: {  	[dreg:$0x7] =	wrdreg $0x9  }
0xba: {  	_ =	task.clear_ibuf [dreg:s9], $0x8FFFF;
	_ =	strace $0x90000049  }
0xbb: {  	s29 =	simm.s32 $0x9;
	_ =	strace $0x8000004B  }
0xbc: {  	_ =	swait.ge [sflag:s29], $0x1  }
0xbd: {  	[sflag:s29] =	ssyncadd.s32 $0xFFFFFFFF  }
0xbe: {  	_ =	strace $0x9000004B  }
0xbf: {  	_ =	sfence  }
0xc0: {  	s30 =	sld [smem:$0x0];
	_ =	sdelay $0x2  }
0xc1: {  	s31 =	sshll.u32 s1, $0xD;
	s1 =	sshrl.u32 s1, $0x2  }
0xc2: {  	s3 =	sand.u32 $0x4000, s31;
	s1 =	sadd.s32 s1, s30  }
0xc3: {  	s0 =	sor.u32 s3, s0;
	s1 =	sshll.u32 s1, $0x11  }
0xc4: {  	s0 =	sor.u32 s1, s0  }
0xc5: {  	s0 =	sadd.s32 $0x8F2B, s0  }
0xc6: {  	[sflag:s0] =	ssyncadd.remote.s32 $0x1  }
0xc7: {  	_ =	sfence.sel $0xFFFF  }
0xc8: {  	[dreg:$0x0] =	wrdreg $0xFFFFFFFF;
	(pc) =	sbr.abs _section_cstart, $3  }
0xc9: {  	[dreg:$0x1] =	wrdreg $0xFFFFFFFF  }
0xca: {  	_ =	task.clear_ibuf [dreg:s9], $0x2FFFF;
	_ =	strace $0x9FFFFFFF  }
0xcb: {  	(tm) =	ssettm $0x7FFFFFFF  }
tec
execute0_lowered:
.L_overlay_start_1:
0x0: {  	(tag) =	ssettag $0x1  }
0x1: {  	s1 =	rddreg [dreg:$0x0]  }
0x2: {  	s2 =	rddreg [dreg:$0x1]  }
0x3: {  	s0 =	rddreg [dreg:$0x2]  }
0x4: {  	s3 =	rddreg [dreg:$0x3]  }
0x5: {  	s4 =	rddreg [dreg:$0x4];
	s5 =	simm.s32 $0x0;
	s13 =	stileid.u32  }
0x6: {  	s6 =	srdreg.scid;
	s28 =	simm.s32 $0x13900;
	s29 =	simm.s32 $0x13B00  }
0x7: {  	s30 =	simm.s32 $0x3;
	s31 =	simm.s32 $0x80;
	s7 =	smul.u32 $0x2700, s13  }
0x8: {  	[smem:$0x7FF] =	sst s5;
	s6 =	sand.u32 $0x1, s6;
	s9 =	smul.u32 $0x2710, s13  }
0x9: {  	s10 =	sadd.s32 $0x5E00, s3;
	s23 =	smul.u32 $0x4E000, s13;
	s16 =	sadd.s32 $0x124800, s4  }
0xa: {  	s17 =	sadd.s32 $0x24900, s1;
	s20 =	sadd.s32 $0x7DB00, s3;
	s22 =	smul.u32 $0x4E2, s13  }
0xb: {  	p1 =	seq.s32 s13, $0xF;
	_ =	strace $0x8000004A;
	[dreg:$0xc] =	wrdreg s16  }
0xc: {  	s13 =	simm.s32 $0x17C80;
	s8 =	ssub.s32 $0x2, s6;
	[dreg:$0xd] =	wrdreg s17  }
0xd: {  	p0 =	seq.s32 s6, $0x1;
	[dreg:$0x11] =	wrdreg s20;
	s16 =	simm.s32 $0x1  }
0xe: {  	s17 =	simm.s32 $0x13980;
	s20 =	simm.s32 $0x5;
	s11 =	sadd.s32 s7, s3  }
0xf: {  	s12 =	sshrl.u32 s8, $0x1;
	s9 =	sshrl.u32 s9, $0x3;
	s15 =	sadd.s32 s1, s7  }
0x10: {  	s21 =	sadd.s32 s2, s7;
	s3 =	sadd.s32 $0xA4D00, s3;
	[dreg:$0xb] =	wrdreg s15  }
0x11: {  	s7 =	simm.s32 $0x6;
	s8 =	ssub.s32 s8, s12;
	[dreg:$0x12] =	wrdreg s21  }
0x12: {  	s24 =	sadd.s32 s0, s9;
	s25 =	sadd.s32 $0x10, s9;
	[dreg:$0x15] =	wrdreg s3  }
0x13: {  	s14 =	sadd.s32 s10, s9;
	s12 =	sshrl.u32 s23, $0x2;
	[dreg:$0x6] =	wrdreg s24  }
0x14: {  	s18 =	sadd.s32 $0x4E0, s9;
	s19 =	sadd.s32 $0x59200, s11;
	[dreg:$0x7] =	wrdreg s14  }
0x15: {  	s23 =	sadd.s32 s22, s10;
	s26 =	sadd.s32 s0, s25;
	[dreg:$0x10] =	wrdreg s19  }
0x16: {  	s21 =	simm.s32 $0x2;
	s6 =	sadd.s32 s10, s25;
	[dreg:$0x8] =	wrdreg s26  }
0x17: {  	s3 =	simm.s32 $0x13A00;
	s14 =	sadd.s32 s12, s4;
	[dreg:$0x9] =	wrdreg s6  }
0x18: {  	s9 =	sadd.s32 s0, s18;
	s24 =	sadd.s32 $0x24900, s2;
	[dreg:$0xa] =	wrdreg s14  }
0x19: {  	s25 =	sadd.s32 $0x80400, s11;
	s11 =	simm.s32 $0x4;
	[dreg:$0xe] =	wrdreg s9  }
.Ltmp0:
0x1a: {  	s19 =	simm.s32 $0x7;
	[dreg:$0x13] =	wrdreg s24;
	(pc) =	sbr.rel .LBB2_1-.Ltmp0, $4  }
0x1b: {  	s6 =	sadd.s32 s10, s18;
	[dreg:$0x14] =	wrdreg s25;
	s26 =	smax.u32 s8, $0x1  }
0x1c: {  	s24 =	sadd.s32 s22, s0;
	s25 =	simm.s32 $0x13880;
	s0 =	simm.s32 $0x13C80  }
0x1d: {  	s18 =	simm.s32 $0x13B80;
	s14 =	simm.s32 $0x0;
	[dreg:$0xf] =	wrdreg s6  }
0x1e: {  	[dreg:$0x16] =	wrdreg s26;
	s26 =	simm.s32 $0x13A80;
	s6 =	simm.s32 $0x13C00  }
.LBB2_7:
0x1f: {  	[tilespmem:s29], [sflag:$0x4] =	stream.linear.gather [hbm4b:s10+s5], $0x80, $0x38;
	[tilespmem:$0x1C580] =	vst v63  }
0x20: {  	_ =	swait.ge [sflag:s11], $0x80  }
0x21: {  	[sflag:s11] =	ssyncset.done $0x0  }
0x22: {  	[sflag:s11] =	ssyncadd.s32 $0xFFFFFF80  }
0x23: {  	_ =	swait.ge [sflag:s11], $0x80  }
0x24: {  	[sflag:s11] =	ssyncset.done $0x0  }
0x25: {  	[sflag:s11] =	ssyncadd.s32 $0xFFFFFF80  }
0x26: {  	[tilespmem:s13], [sflag:$0x2] =	stream.indirect.gather [hbm4b:s2+s31], $0x80, s28, s31, $0xb8;
	[tilespmem:$0x1C580] =	vst v63  }
0x27: {  	_ =	swait.ge [sflag:s16], $0x4000  }
0x28: {  	[sflag:s16] =	ssyncset.done $0x0  }
0x29: {  	[sflag:s16] =	ssyncadd.s32 $0xFFFFC000  }
0x2a: {  	[spmem:s4] =	stream.indirect.scatter.add.f32 [tilespmem:s0], [sflag:$0x7], $0x80, s26, s31, $0xb8;
	[tilespmem:$0x1C580] =	vst v63  }
0x2b: {  	_ =	swait.ge [sflag:s19], $0x4000  }
0x2c: {  	[sflag:s19] =	ssyncset.done $0x0  }
0x2d: {  	[sflag:s19] =	ssyncadd.s32 $0xFFFFC000  }
0x2e: {  	_ =	swait.ge [sflag:s21], $0x4000  }
0x2f: {  	[sflag:s21] =	ssyncset.done $0x0  }
0x30: {  	[sflag:s21] =	ssyncadd.s32 $0xFFFFC000  }
0x31: {  	[spmem:s4] =	stream.indirect.scatter.add.f32 [tilespmem:s13], [sflag:$0x7], $0x80, s29, s31, $0xb8;
	[tilespmem:$0x1C580] =	vst v63  }
0x32: {  	_ =	swait.ge [sflag:s19], $0x4000  }
0x33: {  	[sflag:s19] =	ssyncset.done $0x0  }
0x34: {  	s10 =	simm.s32 $0x1BC80;
	s9 =	rddreg [dreg:$0xe];
	[sflag:s19] =	ssyncadd.s32 $0xFFFFC000  }
0x35: {  	[tilespmem:s10], [sflag:$0x7] =	stream.linear.gather [hbm4b:s9+s5], $0x10, $0x38;
	[tilespmem:$0x1C580] =	vst v63  }
0x36: {  	_ =	swait.ge [sflag:s19], $0x10  }
0x37: {  	[sflag:s19] =	ssyncset.done $0x0  }
0x38: {  	s12 =	simm.s32 $0x1BD00;
	s15 =	rddreg [dreg:$0xf];
	[sflag:s19] =	ssyncadd.s32 $0xFFFFFFF0  }
0x39: {  	[tilespmem:s12], [sflag:$0x7] =	stream.linear.gather [hbm4b:s15+s5], $0x10, $0x38;
	[tilespmem:$0x1C580] =	vst v63  }
0x3a: {  	_ =	swait.ge [sflag:s19], $0x10  }
0x3b: {  	[sflag:s19] =	ssyncset.done $0x0  }
0x3c: {  	s9 =	simm.s32 $0x10;
	s15 =	simm.s32 $0x1BD80;
	[sflag:s19] =	ssyncadd.s32 $0xFFFFFFF0  }
0x3d: {  	[tilespmem:s15], [sflag:$0x1] =	stream.indirect.gather [hbm4b:s2+s9], $0x80, s10, s9, $0xb8;
	[tilespmem:$0x1C580] =	vst v63  }
0x3e: {  	_ =	swait.ge [sflag:s16], $0x800  }
0x3f: {  	[sflag:s16] =	ssyncset.done $0x0  }
0x40: {  	[sflag:s16] =	ssyncadd.s32 $0xFFFFF800  }
0x41: {  	[spmem:s4] =	stream.indirect.scatter.add.f32 [tilespmem:s15], [sflag:$0x7], $0x80, s12, s9, $0xb8;
	[tilespmem:$0x1C580] =	vst v63  }
0x42: {  	_ =	swait.ge [sflag:s19], $0x800  }
0x43: {  	[sflag:s19] =	ssyncset.done $0x0  }
0x44: {  	[sflag:s19] =	ssyncadd.s32 $0xFFFFF800  }
0x45: {  	[bflag:$0x0] =	sbarrier.arrive $0xFFFF  }
0x46: {  	s9 =	simm.s32 @p1 $0x1FC7;
	s10 =	rddreg [dreg:$0x15]  }
0x47: {  	[hbm:s10], [sflag:s9] =	dma.local @p1 [spmem:s8], $0x2800  }
0x48: {  	s8 =	simm.s32 @p1 $0x7  }
0x49: {  	_ =	swait.ge @p1 [sflag:s8], $0x2800  }
0x4a: {  	[sflag:s8] =	ssyncset.done @p1 $0x0;
	s9 =	rddreg [dreg:$0x17]  }
0x4b: {  	[sflag:s8] =	ssyncadd.s32 @p1 $0xFFFFD800;
	s8 =	rddreg [dreg:$0x14]  }
0x4c: {  	[hbm:s8], [sflag:s22] =	dma.local @!p1 [spmem:s9], $0x2700  }
0x4d: {  	s8 =	simm.s32 @!p1 $0x7  }
0x4e: {  	_ =	swait.ge @!p1 [sflag:s8], $0x2700  }
0x4f: {  	[sflag:s8] =	ssyncset.done @!p1 $0x0  }
0x50: {  	[sflag:s8] =	ssyncadd.s32 @!p1 $0xFFFFD900  }
.LBB2_8:
0x51: {  	s14 =	sadd.s32 $0x1, s14;
	s8 =	rddreg [dreg:$0x16]  }
0x52: {  	p2 =	sne.s32 s14, s8  }
.Ltmp1:
0x53: {  	_ = 	snop;
	(pc) =	sbr.rel @!p2 .LBB2_9-.Ltmp1, $1  }
0x54: {  	_ =	sdelay $0x3  }
.LBB2_1:
0x55: {  	s8 =	rddreg [dreg:$0x6]  }
0x56: {  	s12 =	rddreg [dreg:$0x7]  }
0x57: {  	s15 =	rddreg [dreg:$0x8]  }
0x58: {  	s22 =	rddreg [dreg:$0x9]  }
0x59: {  	[tilespmem:s25], [sflag:$0x3] =	stream.linear.gather [hbm4b:s8+s5], $0x80, $0x38;
	[tilespmem:$0x1C580] =	vst v63  }
0x5a: {  	s10 =	rddreg [dreg:$0xa]  }
0x5b: {  	[tilespmem:s26], [sflag:$0x3] =	stream.linear.gather [hbm4b:s12+s5], $0x80, $0x38;
	[tilespmem:$0x1C580] =	vst v63  }
.Ltmp2:
0x5c: {  	s8 =	stileid.u32;
	(pc) =	sbr.rel @!p0 .LBB2_2-.Ltmp2, $4  }
0x5d: {  	[tilespmem:s28], [sflag:$0x4] =	stream.linear.gather [hbm4b:s15+s5], $0x80, $0x38;
	[tilespmem:$0x1C580] =	vst v63  }
0x5e: {  	s9 =	sshll.u32 @!p1 s8, $0x6;
	s8 =	rddreg [dreg:$0xc];
	s12 =	sshrl.u32 @!p1 s10, $0x3  }
0x5f: {  	[tilespmem:s29], [sflag:$0x4] =	stream.linear.gather [hbm4b:s22+s5], $0x80, $0x38;
	[tilespmem:$0x1C580] =	vst v63  }
0x60: {  	s8 =	sshrl.u32 @p1 s8, $0x3;
	[dreg:$0x17] =	wrdreg s12;
	s22 =	sor.u32 @!p1 $0x1C07, s9  }
0x61: {  	s9 =	simm.s32 @p1 $0x1FC7;
	s10 =	rddreg [dreg:$0x13]  }
0x62: {  	[spmem:s8], [sflag:s9] =	dma.local @p1 [hbm:s10], $0x2800  }
0x63: {  	s9 =	simm.s32 @p1 $0x7  }
0x64: {  	_ =	swait.ge @p1 [sflag:s9], $0x2800  }
0x65: {  	[sflag:s9] =	ssyncset.done @p1 $0x0  }
0x66: {  	[sflag:s9] =	ssyncadd.s32 @p1 $0xFFFFD800;
	s9 =	rddreg [dreg:$0x12]  }
0x67: {  	[spmem:s12], [sflag:s22] =	dma.local @!p1 [hbm:s9], $0x2700  }
0x68: {  	s9 =	simm.s32 @!p1 $0x7  }
0x69: {  	_ =	swait.ge @!p1 [sflag:s9], $0x2700  }
0x6a: {  	[sflag:s9] =	ssyncset.done @!p1 $0x0  }
0x6b: {  	[sflag:s9] =	ssyncadd.s32 @!p1 $0xFFFFD900  }
0x6c: {  	[bflag:$0x0] =	sbarrier.arrive $0xFFFF  }
0x6d: {  	_ =	swait.ge [sflag:s30], $0x80  }
0x6e: {  	[sflag:s30] =	ssyncset.done $0x0  }
0x6f: {  	[sflag:s30] =	ssyncadd.s32 $0xFFFFFF80  }
0x70: {  	_ =	swait.ge [sflag:s30], $0x80  }
0x71: {  	[sflag:s30] =	ssyncset.done $0x0  }
0x72: {  	[sflag:s30] =	ssyncadd.s32 $0xFFFFFF80  }
0x73: {  	[tilespmem:s0], [sflag:$0x1] =	stream.indirect.gather [hbm4b:s2+s31], $0x80, s25, s31, $0xb8;
	[tilespmem:$0x1C580] =	vst v63  }
0x74: {  	_ =	swait.ge [sflag:s11], $0x80  }
0x75: {  	[sflag:s11] =	ssyncset.done $0x0  }
0x76: {  	[sflag:s11] =	ssyncadd.s32 $0xFFFFFF80  }
0x77: {  	_ =	swait.ge [sflag:s11], $0x80  }
0x78: {  	[sflag:s11] =	ssyncset.done $0x0  }
0x79: {  	[sflag:s11] =	ssyncadd.s32 $0xFFFFFF80  }
0x7a: {  	[tilespmem:s13], [sflag:$0x2] =	stream.indirect.gather [hbm4b:s2+s31], $0x80, s28, s31, $0xb8;
	[tilespmem:$0x1C580] =	vst v63  }
0x7b: {  	_ =	swait.ge [sflag:s16], $0x4000  }
0x7c: {  	s9 =	sadd.s32 $0x0, s24;
	[sflag:s16] =	ssyncset.done $0x0  }
0x7d: {  	s12 =	sadd.s32 $0x0, s23;
	s15 =	sadd.s32 $0x20, s9;
	[sflag:s16] =	ssyncadd.s32 $0xFFFFC000  }
0x7e: {  	[tilespmem:s17], [sflag:$0x5] =	stream.linear.gather [hbm4b:s15+s5], $0x80, $0x38;
	[tilespmem:$0x1C580] =	vst v63  }
0x7f: {  	s15 =	sadd.s32 $0x20, s12  }
0x80: {  	[tilespmem:s18], [sflag:$0x5] =	stream.linear.gather [hbm4b:s15+s5], $0x80, $0x38;
	[tilespmem:$0x1C580] =	vst v63  }
0x81: {  	_ = 	snop  }
0x82: {  	[spmem:s4] =	stream.indirect.scatter.add.f32 [tilespmem:s0], [sflag:$0x7], $0x80, s26, s31, $0xb8;
	[tilespmem:$0x1C580] =	vst v63  }
0x83: {  	_ =	swait.ge [sflag:s19], $0x4000  }
0x84: {  	[sflag:s19] =	ssyncset.done $0x0  }
0x85: {  	[sflag:s19] =	ssyncadd.s32 $0xFFFFC000  }
0x86: {  	_ =	swait.ge [sflag:s20], $0x80  }
0x87: {  	[sflag:s20] =	ssyncset.done $0x0  }
0x88: {  	[sflag:s20] =	ssyncadd.s32 $0xFFFFFF80  }
0x89: {  	_ =	swait.ge [sflag:s20], $0x80  }
0x8a: {  	[sflag:s20] =	ssyncset.done $0x0  }
0x8b: {  	[sflag:s20] =	ssyncadd.s32 $0xFFFFFF80  }
0x8c: {  	[tilespmem:s0], [sflag:$0x1] =	stream.indirect.gather [hbm4b:s2+s31], $0x80, s17, s31, $0xb8;
	[tilespmem:$0x1C580] =	vst v63  }
0x8d: {  	_ =	swait.ge [sflag:s21], $0x4000  }
0x8e: {  	[sflag:s21] =	ssyncset.done $0x0  }
0x8f: {  	[sflag:s21] =	ssyncadd.s32 $0xFFFFC000  }
0x90: {  	[spmem:s4] =	stream.indirect.scatter.add.f32 [tilespmem:s13], [sflag:$0x7], $0x80, s29, s31, $0xb8;
	[tilespmem:$0x1C580] =	vst v63  }
0x91: {  	_ =	swait.ge [sflag:s19], $0x4000  }
0x92: {  	[sflag:s19] =	ssyncset.done $0x0  }
0x93: {  	s15 =	sadd.s32 $0x30, s9;
	[sflag:s19] =	ssyncadd.s32 $0xFFFFC000  }
0x94: {  	[tilespmem:s3], [sflag:$0x6] =	stream.linear.gather [hbm4b:s15+s5], $0x80, $0x38;
	[tilespmem:$0x1C580] =	vst v63  }
0x95: {  	s15 =	sadd.s32 $0x30, s12  }
0x96: {  	[tilespmem:s6], [sflag:$0x6] =	stream.linear.gather [hbm4b:s15+s5], $0x80, $0x38;
	[tilespmem:$0x1C580] =	vst v63  }
0x97: {  	_ =	swait.ge [sflag:s7], $0x80  }
0x98: {  	[sflag:s7] =	ssyncset.done $0x0  }
0x99: {  	[sflag:s7] =	ssyncadd.s32 $0xFFFFFF80  }
0x9a: {  	_ =	swait.ge [sflag:s7], $0x80  }
0x9b: {  	[sflag:s7] =	ssyncset.done $0x0  }
0x9c: {  	[sflag:s7] =	ssyncadd.s32 $0xFFFFFF80  }
0x9d: {  	[tilespmem:s13], [sflag:$0x2] =	stream.indirect.gather [hbm4b:s2+s31], $0x80, s3, s31, $0xb8;
	[tilespmem:$0x1C580] =	vst v63  }
0x9e: {  	_ =	swait.ge [sflag:s16], $0x4000  }
0x9f: {  	[sflag:s16] =	ssyncset.done $0x0  }
0xa0: {  	s15 =	sadd.s32 $0x40, s9;
	[sflag:s16] =	ssyncadd.s32 $0xFFFFC000  }
0xa1: {  	[tilespmem:s25], [sflag:$0x3] =	stream.linear.gather [hbm4b:s15+s5], $0x80, $0x38;
	[tilespmem:$0x1C580] =	vst v63  }
0xa2: {  	s15 =	sadd.s32 $0x40, s12  }
0xa3: {  	[tilespmem:s26], [sflag:$0x3] =	stream.linear.gather [hbm4b:s15+s5], $0x80, $0x38;
	[tilespmem:$0x1C580] =	vst v63  }
0xa4: {  	_ = 	snop  }
0xa5: {  	[spmem:s4] =	stream.indirect.scatter.add.f32 [tilespmem:s0], [sflag:$0x7], $0x80, s18, s31, $0xb8;
	[tilespmem:$0x1C580] =	vst v63  }
0xa6: {  	_ =	swait.ge [sflag:s19], $0x4000  }
0xa7: {  	[sflag:s19] =	ssyncset.done $0x0  }
0xa8: {  	[sflag:s19] =	ssyncadd.s32 $0xFFFFC000  }
0xa9: {  	_ =	swait.ge [sflag:s30], $0x80  }
0xaa: {  	[sflag:s30] =	ssyncset.done $0x0  }
0xab: {  	[sflag:s30] =	ssyncadd.s32 $0xFFFFFF80  }
0xac: {  	_ =	swait.ge [sflag:s30], $0x80  }
0xad: {  	[sflag:s30] =	ssyncset.done $0x0  }
0xae: {  	[sflag:s30] =	ssyncadd.s32 $0xFFFFFF80  }
0xaf: {  	[tilespmem:s0], [sflag:$0x1] =	stream.indirect.gather [hbm4b:s2+s31], $0x80, s25, s31, $0xb8;
	[tilespmem:$0x1C580] =	vst v63  }
0xb0: {  	_ =	swait.ge [sflag:s21], $0x4000  }
0xb1: {  	[sflag:s21] =	ssyncset.done $0x0  }
0xb2: {  	[sflag:s21] =	ssyncadd.s32 $0xFFFFC000  }
0xb3: {  	[spmem:s4] =	stream.indirect.scatter.add.f32 [tilespmem:s13], [sflag:$0x7], $0x80, s6, s31, $0xb8;
	[tilespmem:$0x1C580] =	vst v63  }
0xb4: {  	_ =	swait.ge [sflag:s19], $0x4000  }
0xb5: {  	[sflag:s19] =	ssyncset.done $0x0  }
0xb6: {  	s9 =	sadd.s32 $0x50, s9;
	[sflag:s19] =	ssyncadd.s32 $0xFFFFC000  }
0xb7: {  	[tilespmem:s28], [sflag:$0x4] =	stream.linear.gather [hbm4b:s9+s5], $0x80, $0x38;
	[tilespmem:$0x1C580] =	vst v63  }
0xb8: {  	s10 =	sadd.s32 $0x50, s12;
	s9 =	simm.s32 $0x40  }
.LBB2_6:
0xb9: {  	[tilespmem:s29], [sflag:$0x4] =	stream.linear.gather [hbm4b:s10+s5], $0x80, $0x38;
	[tilespmem:$0x1C580] =	vst v63  }
0xba: {  	s12 =	smov.u32 s9  }
0xbb: {  	p2 =	sne.s32 s9, $0x480;
	s9 =	sadd.s32 $0x40, s9;
	_ =	swait.ge [sflag:s11], $0x80  }
0xbc: {  	[sflag:s11] =	ssyncset.done $0x0  }
0xbd: {  	[sflag:s11] =	ssyncadd.s32 $0xFFFFFF80  }
0xbe: {  	_ =	swait.ge [sflag:s11], $0x80  }
0xbf: {  	[sflag:s11] =	ssyncset.done $0x0  }
0xc0: {  	[sflag:s11] =	ssyncadd.s32 $0xFFFFFF80  }
0xc1: {  	[tilespmem:s13], [sflag:$0x2] =	stream.indirect.gather [hbm4b:s2+s31], $0x80, s28, s31, $0xb8;
	[tilespmem:$0x1C580] =	vst v63  }
0xc2: {  	_ =	swait.ge [sflag:s16], $0x4000  }
0xc3: {  	s10 =	sadd.s32 s12, s24;
	[sflag:s16] =	ssyncset.done $0x0  }
0xc4: {  	s12 =	sadd.s32 s12, s23;
	s15 =	sadd.s32 $0x20, s10;
	[sflag:s16] =	ssyncadd.s32 $0xFFFFC000  }
0xc5: {  	[tilespmem:s17], [sflag:$0x5] =	stream.linear.gather [hbm4b:s15+s5], $0x80, $0x38;
	[tilespmem:$0x1C580] =	vst v63  }
0xc6: {  	s15 =	sadd.s32 $0x20, s12  }
0xc7: {  	[tilespmem:s18], [sflag:$0x5] =	stream.linear.gather [hbm4b:s15+s5], $0x80, $0x38;
	[tilespmem:$0x1C580] =	vst v63  }
0xc8: {  	_ = 	snop  }
0xc9: {  	[spmem:s4] =	stream.indirect.scatter.add.f32 [tilespmem:s0], [sflag:$0x7], $0x80, s26, s31, $0xb8;
	[tilespmem:$0x1C580] =	vst v63  }
0xca: {  	_ =	swait.ge [sflag:s19], $0x4000  }
0xcb: {  	[sflag:s19] =	ssyncset.done $0x0  }
0xcc: {  	[sflag:s19] =	ssyncadd.s32 $0xFFFFC000  }
0xcd: {  	_ =	swait.ge [sflag:s20], $0x80  }
0xce: {  	[sflag:s20] =	ssyncset.done $0x0  }
0xcf: {  	[sflag:s20] =	ssyncadd.s32 $0xFFFFFF80  }
0xd0: {  	_ =	swait.ge [sflag:s20], $0x80  }
0xd1: {  	[sflag:s20] =	ssyncset.done $0x0  }
0xd2: {  	[sflag:s20] =	ssyncadd.s32 $0xFFFFFF80  }
0xd3: {  	[tilespmem:s0], [sflag:$0x1] =	stream.indirect.gather [hbm4b:s2+s31], $0x80, s17, s31, $0xb8;
	[tilespmem:$0x1C580] =	vst v63  }
0xd4: {  	_ =	swait.ge [sflag:s21], $0x4000  }
0xd5: {  	[sflag:s21] =	ssyncset.done $0x0  }
0xd6: {  	[sflag:s21] =	ssyncadd.s32 $0xFFFFC000  }
0xd7: {  	[spmem:s4] =	stream.indirect.scatter.add.f32 [tilespmem:s13], [sflag:$0x7], $0x80, s29, s31, $0xb8;
	[tilespmem:$0x1C580] =	vst v63  }
0xd8: {  	_ =	swait.ge [sflag:s19], $0x4000  }
0xd9: {  	[sflag:s19] =	ssyncset.done $0x0  }
0xda: {  	s15 =	sadd.s32 $0x30, s10;
	[sflag:s19] =	ssyncadd.s32 $0xFFFFC000  }
0xdb: {  	[tilespmem:s3], [sflag:$0x6] =	stream.linear.gather [hbm4b:s15+s5], $0x80, $0x38;
	[tilespmem:$0x1C580] =	vst v63  }
0xdc: {  	s15 =	sadd.s32 $0x30, s12  }
0xdd: {  	[tilespmem:s6], [sflag:$0x6] =	stream.linear.gather [hbm4b:s15+s5], $0x80, $0x38;
	[tilespmem:$0x1C580] =	vst v63  }
0xde: {  	_ =	swait.ge [sflag:s7], $0x80  }
0xdf: {  	[sflag:s7] =	ssyncset.done $0x0  }
0xe0: {  	[sflag:s7] =	ssyncadd.s32 $0xFFFFFF80  }
0xe1: {  	_ =	swait.ge [sflag:s7], $0x80  }
0xe2: {  	[sflag:s7] =	ssyncset.done $0x0  }
0xe3: {  	[sflag:s7] =	ssyncadd.s32 $0xFFFFFF80  }
0xe4: {  	[tilespmem:s13], [sflag:$0x2] =	stream.indirect.gather [hbm4b:s2+s31], $0x80, s3, s31, $0xb8;
	[tilespmem:$0x1C580] =	vst v63  }
0xe5: {  	_ =	swait.ge [sflag:s16], $0x4000  }
0xe6: {  	[sflag:s16] =	ssyncset.done $0x0  }
0xe7: {  	s15 =	sadd.s32 $0x40, s10;
	[sflag:s16] =	ssyncadd.s32 $0xFFFFC000  }
0xe8: {  	[tilespmem:s25], [sflag:$0x3] =	stream.linear.gather [hbm4b:s15+s5], $0x80, $0x38;
	[tilespmem:$0x1C580] =	vst v63  }
0xe9: {  	s15 =	sadd.s32 $0x40, s12  }
0xea: {  	[tilespmem:s26], [sflag:$0x3] =	stream.linear.gather [hbm4b:s15+s5], $0x80, $0x38;
	[tilespmem:$0x1C580] =	vst v63  }
0xeb: {  	_ = 	snop  }
0xec: {  	[spmem:s4] =	stream.indirect.scatter.add.f32 [tilespmem:s0], [sflag:$0x7], $0x80, s18, s31, $0xb8;
	[tilespmem:$0x1C580] =	vst v63  }
0xed: {  	_ =	swait.ge [sflag:s19], $0x4000  }
0xee: {  	[sflag:s19] =	ssyncset.done $0x0  }
0xef: {  	[sflag:s19] =	ssyncadd.s32 $0xFFFFC000  }
0xf0: {  	_ =	swait.ge [sflag:s30], $0x80  }
0xf1: {  	[sflag:s30] =	ssyncset.done $0x0  }
0xf2: {  	[sflag:s30] =	ssyncadd.s32 $0xFFFFFF80  }
0xf3: {  	_ =	swait.ge [sflag:s30], $0x80  }
0xf4: {  	[sflag:s30] =	ssyncset.done $0x0  }
0xf5: {  	[sflag:s30] =	ssyncadd.s32 $0xFFFFFF80  }
0xf6: {  	[tilespmem:s0], [sflag:$0x1] =	stream.indirect.gather [hbm4b:s2+s31], $0x80, s25, s31, $0xb8;
	[tilespmem:$0x1C580] =	vst v63  }
0xf7: {  	_ =	swait.ge [sflag:s21], $0x4000  }
0xf8: {  	[sflag:s21] =	ssyncset.done $0x0  }
0xf9: {  	[sflag:s21] =	ssyncadd.s32 $0xFFFFC000  }
0xfa: {  	[spmem:s4] =	stream.indirect.scatter.add.f32 [tilespmem:s13], [sflag:$0x7], $0x80, s6, s31, $0xb8;
	[tilespmem:$0x1C580] =	vst v63  }
.Ltmp3:
0xfb: {  	_ =	swait.ge [sflag:s19], $0x4000;
	(pc) =	sbr.rel @p2 .LBB2_6-.Ltmp3, $4  }
0xfc: {  	[sflag:s19] =	ssyncset.done $0x0  }
0xfd: {  	s10 =	sadd.s32 $0x50, s10;
	[sflag:s19] =	ssyncadd.s32 $0xFFFFC000  }
0xfe: {  	[tilespmem:s28], [sflag:$0x4] =	stream.linear.gather [hbm4b:s10+s5], $0x80, $0x38;
	[tilespmem:$0x1C580] =	vst v63  }
0xff: {  	s10 =	sadd.s32 $0x50, s12  }
.Ltmp4:
0x100: {  	_ = 	snop;
	(pc) =	sbr.rel .LBB2_7-.Ltmp4, $1  }
0x101: {  	_ =	sdelay $0x3  }
.LBB2_2:
0x102: {  	s9 =	simm.s32 @p1 $0x1FC7;
	s10 =	rddreg [dreg:$0xd]  }
0x103: {  	[spmem:s8], [sflag:s9] =	dma.local @p1 [hbm:s10], $0x2800  }
0x104: {  	s9 =	simm.s32 @p1 $0x7  }
0x105: {  	_ =	swait.ge @p1 [sflag:s9], $0x2800  }
0x106: {  	[sflag:s9] =	ssyncset.done @p1 $0x0  }
0x107: {  	[sflag:s9] =	ssyncadd.s32 @p1 $0xFFFFD800;
	s9 =	rddreg [dreg:$0xb]  }
0x108: {  	[spmem:s12], [sflag:s22] =	dma.local @!p1 [hbm:s9], $0x2700  }
0x109: {  	s9 =	simm.s32 @!p1 $0x7  }
0x10a: {  	_ =	swait.ge @!p1 [sflag:s9], $0x2700  }
0x10b: {  	[sflag:s9] =	ssyncset.done @!p1 $0x0  }
0x10c: {  	[sflag:s9] =	ssyncadd.s32 @!p1 $0xFFFFD900  }
0x10d: {  	[bflag:$0x0] =	sbarrier.arrive $0xFFFF  }
0x10e: {  	_ =	swait.ge [sflag:s30], $0x80  }
0x10f: {  	[sflag:s30] =	ssyncset.done $0x0  }
0x110: {  	[sflag:s30] =	ssyncadd.s32 $0xFFFFFF80  }
0x111: {  	_ =	swait.ge [sflag:s30], $0x80  }
0x112: {  	[sflag:s30] =	ssyncset.done $0x0  }
0x113: {  	[sflag:s30] =	ssyncadd.s32 $0xFFFFFF80  }
0x114: {  	[tilespmem:s0], [sflag:$0x1] =	stream.indirect.gather [hbm4b:s1+s31], $0x80, s25, s31, $0xb8;
	[tilespmem:$0x1C580] =	vst v63  }
0x115: {  	_ =	swait.ge [sflag:s11], $0x80  }
0x116: {  	[sflag:s11] =	ssyncset.done $0x0  }
0x117: {  	[sflag:s11] =	ssyncadd.s32 $0xFFFFFF80  }
0x118: {  	_ =	swait.ge [sflag:s11], $0x80  }
0x119: {  	[sflag:s11] =	ssyncset.done $0x0  }
0x11a: {  	[sflag:s11] =	ssyncadd.s32 $0xFFFFFF80  }
0x11b: {  	[tilespmem:s13], [sflag:$0x2] =	stream.indirect.gather [hbm4b:s1+s31], $0x80, s28, s31, $0xb8;
	[tilespmem:$0x1C580] =	vst v63  }
0x11c: {  	_ =	swait.ge [sflag:s16], $0x4000  }
0x11d: {  	s9 =	sadd.s32 $0x0, s24;
	[sflag:s16] =	ssyncset.done $0x0  }
0x11e: {  	s12 =	sadd.s32 $0x0, s23;
	s15 =	sadd.s32 $0x20, s9;
	[sflag:s16] =	ssyncadd.s32 $0xFFFFC000  }
0x11f: {  	[tilespmem:s17], [sflag:$0x5] =	stream.linear.gather [hbm4b:s15+s5], $0x80, $0x38;
	[tilespmem:$0x1C580] =	vst v63  }
0x120: {  	s15 =	sadd.s32 $0x20, s12  }
0x121: {  	[tilespmem:s18], [sflag:$0x5] =	stream.linear.gather [hbm4b:s15+s5], $0x80, $0x38;
	[tilespmem:$0x1C580] =	vst v63  }
0x122: {  	_ = 	snop  }
0x123: {  	[spmem:s4] =	stream.indirect.scatter.add.f32 [tilespmem:s0], [sflag:$0x7], $0x80, s26, s31, $0xb8;
	[tilespmem:$0x1C580] =	vst v63  }
0x124: {  	_ =	swait.ge [sflag:s19], $0x4000  }
0x125: {  	[sflag:s19] =	ssyncset.done $0x0  }
0x126: {  	[sflag:s19] =	ssyncadd.s32 $0xFFFFC000  }
0x127: {  	_ =	swait.ge [sflag:s20], $0x80  }
0x128: {  	[sflag:s20] =	ssyncset.done $0x0  }
0x129: {  	[sflag:s20] =	ssyncadd.s32 $0xFFFFFF80  }
0x12a: {  	_ =	swait.ge [sflag:s20], $0x80  }
0x12b: {  	[sflag:s20] =	ssyncset.done $0x0  }
0x12c: {  	[sflag:s20] =	ssyncadd.s32 $0xFFFFFF80  }
0x12d: {  	[tilespmem:s0], [sflag:$0x1] =	stream.indirect.gather [hbm4b:s1+s31], $0x80, s17, s31, $0xb8;
	[tilespmem:$0x1C580] =	vst v63  }
0x12e: {  	_ =	swait.ge [sflag:s21], $0x4000  }
0x12f: {  	[sflag:s21] =	ssyncset.done $0x0  }
0x130: {  	[sflag:s21] =	ssyncadd.s32 $0xFFFFC000  }
0x131: {  	[spmem:s4] =	stream.indirect.scatter.add.f32 [tilespmem:s13], [sflag:$0x7], $0x80, s29, s31, $0xb8;
	[tilespmem:$0x1C580] =	vst v63  }
0x132: {  	_ =	swait.ge [sflag:s19], $0x4000  }
0x133: {  	[sflag:s19] =	ssyncset.done $0x0  }
0x134: {  	s15 =	sadd.s32 $0x30, s9;
	[sflag:s19] =	ssyncadd.s32 $0xFFFFC000  }
0x135: {  	[tilespmem:s3], [sflag:$0x6] =	stream.linear.gather [hbm4b:s15+s5], $0x80, $0x38;
	[tilespmem:$0x1C580] =	vst v63  }
0x136: {  	s15 =	sadd.s32 $0x30, s12  }
0x137: {  	[tilespmem:s6], [sflag:$0x6] =	stream.linear.gather [hbm4b:s15+s5], $0x80, $0x38;
	[tilespmem:$0x1C580] =	vst v63  }
0x138: {  	_ =	swait.ge [sflag:s7], $0x80  }
0x139: {  	[sflag:s7] =	ssyncset.done $0x0  }
0x13a: {  	[sflag:s7] =	ssyncadd.s32 $0xFFFFFF80  }
0x13b: {  	_ =	swait.ge [sflag:s7], $0x80  }
0x13c: {  	[sflag:s7] =	ssyncset.done $0x0  }
0x13d: {  	[sflag:s7] =	ssyncadd.s32 $0xFFFFFF80  }
0x13e: {  	[tilespmem:s13], [sflag:$0x2] =	stream.indirect.gather [hbm4b:s1+s31], $0x80, s3, s31, $0xb8;
	[tilespmem:$0x1C580] =	vst v63  }
0x13f: {  	_ =	swait.ge [sflag:s16], $0x4000  }
0x140: {  	[sflag:s16] =	ssyncset.done $0x0  }
0x141: {  	s15 =	sadd.s32 $0x40, s9;
	[sflag:s16] =	ssyncadd.s32 $0xFFFFC000  }
0x142: {  	[tilespmem:s25], [sflag:$0x3] =	stream.linear.gather [hbm4b:s15+s5], $0x80, $0x38;
	[tilespmem:$0x1C580] =	vst v63  }
0x143: {  	s15 =	sadd.s32 $0x40, s12  }
0x144: {  	[tilespmem:s26], [sflag:$0x3] =	stream.linear.gather [hbm4b:s15+s5], $0x80, $0x38;
	[tilespmem:$0x1C580] =	vst v63  }
0x145: {  	_ = 	snop  }
0x146: {  	[spmem:s4] =	stream.indirect.scatter.add.f32 [tilespmem:s0], [sflag:$0x7], $0x80, s18, s31, $0xb8;
	[tilespmem:$0x1C580] =	vst v63  }
0x147: {  	_ =	swait.ge [sflag:s19], $0x4000  }
0x148: {  	[sflag:s19] =	ssyncset.done $0x0  }
0x149: {  	[sflag:s19] =	ssyncadd.s32 $0xFFFFC000  }
0x14a: {  	_ =	swait.ge [sflag:s30], $0x80  }
0x14b: {  	[sflag:s30] =	ssyncset.done $0x0  }
0x14c: {  	[sflag:s30] =	ssyncadd.s32 $0xFFFFFF80  }
0x14d: {  	_ =	swait.ge [sflag:s30], $0x80  }
0x14e: {  	[sflag:s30] =	ssyncset.done $0x0  }
0x14f: {  	[sflag:s30] =	ssyncadd.s32 $0xFFFFFF80  }
0x150: {  	[tilespmem:s0], [sflag:$0x1] =	stream.indirect.gather [hbm4b:s1+s31], $0x80, s25, s31, $0xb8;
	[tilespmem:$0x1C580] =	vst v63  }
0x151: {  	_ =	swait.ge [sflag:s21], $0x4000  }
0x152: {  	[sflag:s21] =	ssyncset.done $0x0  }
0x153: {  	[sflag:s21] =	ssyncadd.s32 $0xFFFFC000  }
0x154: {  	[spmem:s4] =	stream.indirect.scatter.add.f32 [tilespmem:s13], [sflag:$0x7], $0x80, s6, s31, $0xb8;
	[tilespmem:$0x1C580] =	vst v63  }
0x155: {  	_ =	swait.ge [sflag:s19], $0x4000  }
0x156: {  	[sflag:s19] =	ssyncset.done $0x0  }
0x157: {  	s9 =	sadd.s32 $0x50, s9;
	[sflag:s19] =	ssyncadd.s32 $0xFFFFC000  }
0x158: {  	[tilespmem:s28], [sflag:$0x4] =	stream.linear.gather [hbm4b:s9+s5], $0x80, $0x38;
	[tilespmem:$0x1C580] =	vst v63  }
0x159: {  	s10 =	sadd.s32 $0x50, s12;
	s9 =	simm.s32 $0x40  }
.LBB2_3:
0x15a: {  	[tilespmem:s29], [sflag:$0x4] =	stream.linear.gather [hbm4b:s10+s5], $0x80, $0x38;
	[tilespmem:$0x1C580] =	vst v63  }
0x15b: {  	s12 =	smov.u32 s9  }
0x15c: {  	p2 =	sne.s32 s9, $0x480;
	s9 =	sadd.s32 $0x40, s9;
	_ =	swait.ge [sflag:s11], $0x80  }
0x15d: {  	[sflag:s11] =	ssyncset.done $0x0  }
0x15e: {  	[sflag:s11] =	ssyncadd.s32 $0xFFFFFF80  }
0x15f: {  	_ =	swait.ge [sflag:s11], $0x80  }
0x160: {  	[sflag:s11] =	ssyncset.done $0x0  }
0x161: {  	[sflag:s11] =	ssyncadd.s32 $0xFFFFFF80  }
0x162: {  	[tilespmem:s13], [sflag:$0x2] =	stream.indirect.gather [hbm4b:s1+s31], $0x80, s28, s31, $0xb8;
	[tilespmem:$0x1C580] =	vst v63  }
0x163: {  	_ =	swait.ge [sflag:s16], $0x4000  }
0x164: {  	s10 =	sadd.s32 s12, s24;
	[sflag:s16] =	ssyncset.done $0x0  }
0x165: {  	s12 =	sadd.s32 s12, s23;
	s15 =	sadd.s32 $0x20, s10;
	[sflag:s16] =	ssyncadd.s32 $0xFFFFC000  }
0x166: {  	[tilespmem:s17], [sflag:$0x5] =	stream.linear.gather [hbm4b:s15+s5], $0x80, $0x38;
	[tilespmem:$0x1C580] =	vst v63  }
0x167: {  	s15 =	sadd.s32 $0x20, s12  }
0x168: {  	[tilespmem:s18], [sflag:$0x5] =	stream.linear.gather [hbm4b:s15+s5], $0x80, $0x38;
	[tilespmem:$0x1C580] =	vst v63  }
0x169: {  	_ = 	snop  }
0x16a: {  	[spmem:s4] =	stream.indirect.scatter.add.f32 [tilespmem:s0], [sflag:$0x7], $0x80, s26, s31, $0xb8;
	[tilespmem:$0x1C580] =	vst v63  }
0x16b: {  	_ =	swait.ge [sflag:s19], $0x4000  }
0x16c: {  	[sflag:s19] =	ssyncset.done $0x0  }
0x16d: {  	[sflag:s19] =	ssyncadd.s32 $0xFFFFC000  }
0x16e: {  	_ =	swait.ge [sflag:s20], $0x80  }
0x16f: {  	[sflag:s20] =	ssyncset.done $0x0  }
0x170: {  	[sflag:s20] =	ssyncadd.s32 $0xFFFFFF80  }
0x171: {  	_ =	swait.ge [sflag:s20], $0x80  }
0x172: {  	[sflag:s20] =	ssyncset.done $0x0  }
0x173: {  	[sflag:s20] =	ssyncadd.s32 $0xFFFFFF80  }
0x174: {  	[tilespmem:s0], [sflag:$0x1] =	stream.indirect.gather [hbm4b:s1+s31], $0x80, s17, s31, $0xb8;
	[tilespmem:$0x1C580] =	vst v63  }
0x175: {  	_ =	swait.ge [sflag:s21], $0x4000  }
0x176: {  	[sflag:s21] =	ssyncset.done $0x0  }
0x177: {  	[sflag:s21] =	ssyncadd.s32 $0xFFFFC000  }
0x178: {  	[spmem:s4] =	stream.indirect.scatter.add.f32 [tilespmem:s13], [sflag:$0x7], $0x80, s29, s31, $0xb8;
	[tilespmem:$0x1C580] =	vst v63  }
0x179: {  	_ =	swait.ge [sflag:s19], $0x4000  }
0x17a: {  	[sflag:s19] =	ssyncset.done $0x0  }
0x17b: {  	s15 =	sadd.s32 $0x30, s10;
	[sflag:s19] =	ssyncadd.s32 $0xFFFFC000  }
0x17c: {  	[tilespmem:s3], [sflag:$0x6] =	stream.linear.gather [hbm4b:s15+s5], $0x80, $0x38;
	[tilespmem:$0x1C580] =	vst v63  }
0x17d: {  	s15 =	sadd.s32 $0x30, s12  }
0x17e: {  	[tilespmem:s6], [sflag:$0x6] =	stream.linear.gather [hbm4b:s15+s5], $0x80, $0x38;
	[tilespmem:$0x1C580] =	vst v63  }
0x17f: {  	_ =	swait.ge [sflag:s7], $0x80  }
0x180: {  	[sflag:s7] =	ssyncset.done $0x0  }
0x181: {  	[sflag:s7] =	ssyncadd.s32 $0xFFFFFF80  }
0x182: {  	_ =	swait.ge [sflag:s7], $0x80  }
0x183: {  	[sflag:s7] =	ssyncset.done $0x0  }
0x184: {  	[sflag:s7] =	ssyncadd.s32 $0xFFFFFF80  }
0x185: {  	[tilespmem:s13], [sflag:$0x2] =	stream.indirect.gather [hbm4b:s1+s31], $0x80, s3, s31, $0xb8;
	[tilespmem:$0x1C580] =	vst v63  }
0x186: {  	_ =	swait.ge [sflag:s16], $0x4000  }
0x187: {  	[sflag:s16] =	ssyncset.done $0x0  }
0x188: {  	s15 =	sadd.s32 $0x40, s10;
	[sflag:s16] =	ssyncadd.s32 $0xFFFFC000  }
0x189: {  	[tilespmem:s25], [sflag:$0x3] =	stream.linear.gather [hbm4b:s15+s5], $0x80, $0x38;
	[tilespmem:$0x1C580] =	vst v63  }
0x18a: {  	s15 =	sadd.s32 $0x40, s12  }
0x18b: {  	[tilespmem:s26], [sflag:$0x3] =	stream.linear.gather [hbm4b:s15+s5], $0x80, $0x38;
	[tilespmem:$0x1C580] =	vst v63  }
0x18c: {  	_ = 	snop  }
0x18d: {  	[spmem:s4] =	stream.indirect.scatter.add.f32 [tilespmem:s0], [sflag:$0x7], $0x80, s18, s31, $0xb8;
	[tilespmem:$0x1C580] =	vst v63  }
0x18e: {  	_ =	swait.ge [sflag:s19], $0x4000  }
0x18f: {  	[sflag:s19] =	ssyncset.done $0x0  }
0x190: {  	[sflag:s19] =	ssyncadd.s32 $0xFFFFC000  }
0x191: {  	_ =	swait.ge [sflag:s30], $0x80  }
0x192: {  	[sflag:s30] =	ssyncset.done $0x0  }
0x193: {  	[sflag:s30] =	ssyncadd.s32 $0xFFFFFF80  }
0x194: {  	_ =	swait.ge [sflag:s30], $0x80  }
0x195: {  	[sflag:s30] =	ssyncset.done $0x0  }
0x196: {  	[sflag:s30] =	ssyncadd.s32 $0xFFFFFF80  }
0x197: {  	[tilespmem:s0], [sflag:$0x1] =	stream.indirect.gather [hbm4b:s1+s31], $0x80, s25, s31, $0xb8;
	[tilespmem:$0x1C580] =	vst v63  }
0x198: {  	_ =	swait.ge [sflag:s21], $0x4000  }
0x199: {  	[sflag:s21] =	ssyncset.done $0x0  }
0x19a: {  	[sflag:s21] =	ssyncadd.s32 $0xFFFFC000  }
0x19b: {  	[spmem:s4] =	stream.indirect.scatter.add.f32 [tilespmem:s13], [sflag:$0x7], $0x80, s6, s31, $0xb8;
	[tilespmem:$0x1C580] =	vst v63  }
.Ltmp5:
0x19c: {  	_ =	swait.ge [sflag:s19], $0x4000;
	(pc) =	sbr.rel @p2 .LBB2_3-.Ltmp5, $4  }
0x19d: {  	[sflag:s19] =	ssyncset.done $0x0  }
0x19e: {  	s10 =	sadd.s32 $0x50, s10;
	[sflag:s19] =	ssyncadd.s32 $0xFFFFC000  }
0x19f: {  	[tilespmem:s28], [sflag:$0x4] =	stream.linear.gather [hbm4b:s10+s5], $0x80, $0x38;
	[tilespmem:$0x1C580] =	vst v63  }
0x1a0: {  	s10 =	sadd.s32 $0x50, s12  }
0x1a1: {  	[tilespmem:s29], [sflag:$0x4] =	stream.linear.gather [hbm4b:s10+s5], $0x80, $0x38;
	[tilespmem:$0x1C580] =	vst v63  }
0x1a2: {  	_ =	swait.ge [sflag:s11], $0x80  }
0x1a3: {  	[sflag:s11] =	ssyncset.done $0x0  }
0x1a4: {  	[sflag:s11] =	ssyncadd.s32 $0xFFFFFF80  }
0x1a5: {  	_ =	swait.ge [sflag:s11], $0x80  }
0x1a6: {  	[sflag:s11] =	ssyncset.done $0x0  }
0x1a7: {  	[sflag:s11] =	ssyncadd.s32 $0xFFFFFF80  }
0x1a8: {  	[tilespmem:s13], [sflag:$0x2] =	stream.indirect.gather [hbm4b:s1+s31], $0x80, s28, s31, $0xb8;
	[tilespmem:$0x1C580] =	vst v63  }
0x1a9: {  	_ =	swait.ge [sflag:s16], $0x4000  }
0x1aa: {  	[sflag:s16] =	ssyncset.done $0x0  }
0x1ab: {  	[sflag:s16] =	ssyncadd.s32 $0xFFFFC000  }
0x1ac: {  	[spmem:s4] =	stream.indirect.scatter.add.f32 [tilespmem:s0], [sflag:$0x7], $0x80, s26, s31, $0xb8;
	[tilespmem:$0x1C580] =	vst v63  }
0x1ad: {  	_ =	swait.ge [sflag:s19], $0x4000  }
0x1ae: {  	[sflag:s19] =	ssyncset.done $0x0  }
0x1af: {  	[sflag:s19] =	ssyncadd.s32 $0xFFFFC000  }
0x1b0: {  	_ =	swait.ge [sflag:s21], $0x4000  }
0x1b1: {  	[sflag:s21] =	ssyncset.done $0x0  }
0x1b2: {  	[sflag:s21] =	ssyncadd.s32 $0xFFFFC000  }
0x1b3: {  	[spmem:s4] =	stream.indirect.scatter.add.f32 [tilespmem:s13], [sflag:$0x7], $0x80, s29, s31, $0xb8;
	[tilespmem:$0x1C580] =	vst v63  }
0x1b4: {  	_ =	swait.ge [sflag:s19], $0x4000  }
0x1b5: {  	[sflag:s19] =	ssyncset.done $0x0  }
0x1b6: {  	s10 =	simm.s32 $0x1BC80;
	s9 =	rddreg [dreg:$0xe];
	[sflag:s19] =	ssyncadd.s32 $0xFFFFC000  }
0x1b7: {  	[tilespmem:s10], [sflag:$0x7] =	stream.linear.gather [hbm4b:s9+s5], $0x10, $0x38;
	[tilespmem:$0x1C580] =	vst v63  }
0x1b8: {  	_ =	swait.ge [sflag:s19], $0x10  }
0x1b9: {  	[sflag:s19] =	ssyncset.done $0x0  }
0x1ba: {  	s12 =	simm.s32 $0x1BD00;
	s15 =	rddreg [dreg:$0xf];
	[sflag:s19] =	ssyncadd.s32 $0xFFFFFFF0  }
0x1bb: {  	[tilespmem:s12], [sflag:$0x7] =	stream.linear.gather [hbm4b:s15+s5], $0x10, $0x38;
	[tilespmem:$0x1C580] =	vst v63  }
0x1bc: {  	_ =	swait.ge [sflag:s19], $0x10  }
0x1bd: {  	[sflag:s19] =	ssyncset.done $0x0  }
0x1be: {  	s9 =	simm.s32 $0x10;
	s15 =	simm.s32 $0x1BD80;
	[sflag:s19] =	ssyncadd.s32 $0xFFFFFFF0  }
0x1bf: {  	[tilespmem:s15], [sflag:$0x1] =	stream.indirect.gather [hbm4b:s1+s9], $0x80, s10, s9, $0xb8;
	[tilespmem:$0x1C580] =	vst v63  }
0x1c0: {  	_ =	swait.ge [sflag:s16], $0x800  }
0x1c1: {  	[sflag:s16] =	ssyncset.done $0x0  }
0x1c2: {  	[sflag:s16] =	ssyncadd.s32 $0xFFFFF800  }
0x1c3: {  	[spmem:s4] =	stream.indirect.scatter.add.f32 [tilespmem:s15], [sflag:$0x7], $0x80, s12, s9, $0xb8;
	[tilespmem:$0x1C580] =	vst v63  }
0x1c4: {  	_ =	swait.ge [sflag:s19], $0x800  }
0x1c5: {  	[sflag:s19] =	ssyncset.done $0x0  }
0x1c6: {  	[sflag:s19] =	ssyncadd.s32 $0xFFFFF800  }
0x1c7: {  	[bflag:$0x0] =	sbarrier.arrive $0xFFFF  }
0x1c8: {  	s9 =	simm.s32 @p1 $0x1FC7;
	s10 =	rddreg [dreg:$0x11]  }
0x1c9: {  	[hbm:s10], [sflag:s9] =	dma.local @p1 [spmem:s8], $0x2800  }
0x1ca: {  	s8 =	simm.s32 @p1 $0x7  }
0x1cb: {  	_ =	swait.ge @p1 [sflag:s8], $0x2800  }
0x1cc: {  	[sflag:s8] =	ssyncset.done @p1 $0x0;
	s9 =	rddreg [dreg:$0x17]  }
0x1cd: {  	[sflag:s8] =	ssyncadd.s32 @p1 $0xFFFFD800;
	s8 =	rddreg [dreg:$0x10]  }
0x1ce: {  	[hbm:s8], [sflag:s22] =	dma.local @!p1 [spmem:s9], $0x2700  }
.Ltmp6:
0x1cf: {  	_ = 	snop;
	(pc) =	sbr.rel .LBB2_8-.Ltmp6, $4  }
0x1d0: {  	s8 =	simm.s32 @!p1 $0x7  }
0x1d1: {  	_ =	swait.ge @!p1 [sflag:s8], $0x2700  }
0x1d2: {  	[sflag:s8] =	ssyncset.done @!p1 $0x0  }
0x1d3: {  	[sflag:s8] =	ssyncadd.s32 @!p1 $0xFFFFD900  }
.LBB2_9:
0x1d4: {  	_ =	sfence.sel $0x180000  }
0x1d5: {  	[bflag:$0x0] =	sbarrier.arrive $0xFFFF  }
0x1d6: {  	_ =	strace $0x9000004A  }
0x1d7: {  	s0 =	stileid.u32;
	[bflag:$0x2] =	sbarrier.arrive $0xFFFF  }
0x1d8: {  	p0 =	sne.s32 s0, $0x0;
	s0 =	rddreg [dreg:$0x5]  }
0x1d9: {  	s0 =	sadd.s32 @!p0 $0x100000, s0  }
0x1da: {  	[sflag:s0] =	ssyncadd.tile.s32 @!p0 $0x1;
	_ =	shalt  }
.Lfunc_end2:
_tile_overlayer_lowered:
.L_overlay_start_2:
0x1db: {  	(tag) =	ssettag $0x2  }
0x1dc: {  	s0 =	rddreg [dreg:$0x0];
	s2 =	stileid.u32  }
0x1dd: {  	s1 =	rddreg [dreg:$0x1];
	p0 =	sne.s32 s2, $0x0  }
0x1de: {  	s3 =	rddreg [dreg:$0x2];
	[bflag:$0x3] =	sbarrier.arrive $0xFFFF;
	s2 =	simm.s32 @!p0 $0x1C07  }
0x1df: {  	[timem:s3], [sflag:s2] =	dma.local @!p0 [hbm:s0], s1  }
0x1e0: {  	s0 =	simm.s32 @!p0 $0x7  }
0x1e1: {  	_ =	swait.ge @!p0 [sflag:s0], s1  }
0x1e2: {  	s1 =	ssub.s32 @!p0 $0x0, s1;
	[sflag:s0] =	ssyncset.done @!p0 $0x0  }
0x1e3: {  	[sflag:s0] =	ssyncadd.s32 @!p0 s1  }
0x1e4: {  	[bflag:$0x3] =	sbarrier.arrive $0xFFFF  }
0x1e5: {  	_ =	shalt  }

// kernel: kernel.14.cloned.1.call-start
scs
__scs_entry_jumppad:
0x0: {  	(pc) =	sbr.rel $0x88, $3  }
0x1: {  	(tag) =	ssettag $0x0;
	lr =	simm.s32 $0x1  }
0x2: {  	[smem:$0x3F8B] =	sst lr;
	_ =	strace $0xD0000000  }
0x3: {  	_ = 	snop  }
0x4: {  	_ = 	snop  }
0x5: {  	_ = 	snop  }
0x6: {  	_ = 	snop  }
0x7: {  	_ = 	snop  }
__scs_overlays_trampoline_lowered:
0x8: {  	[smem:$0x3F9A] =	sst s0  }
0x9: {  	[smem:$0x3F9B] =	sst s1  }
0xa: {  	[smem:$0x3F9C] =	sst s2  }
0xb: {  	[smem:$0x3F9D] =	sst s3  }
0xc: {  	[smem:$0x3F9E] =	sst s4  }
0xd: {  	[smem:$0x3F9F] =	sst s5  }
0xe: {  	[smem:$0x3FA0] =	sst s6  }
0xf: {  	[smem:$0x3FA1] =	sst s7  }
0x10: {  	[smem:$0x3FA2] =	sst s8  }
0x11: {  	[smem:$0x3FA3] =	sst s9;
	s0 =	simm.s32 @!p0 $0x0  }
0x12: {  	s1 =	sld [smem:$0x3F89];
	s0 =	simm.s32 @p0 $0x1  }
0x13: {  	[smem:$0x3FA4] =	sst s0;
	s0 =	simm.s32 @!p1 $0x0  }
0x14: {  	s2 =	sld [smem:$0x3F88];
	s0 =	simm.s32 @p1 $0x1  }
0x15: {  	[smem:$0x3FA5] =	sst s0;
	s0 =	simm.s32 @!p2 $0x0  }
0x16: {  	s3 =	sld [smem:$0x3FDB];
	s0 =	simm.s32 @p2 $0x1  }
0x17: {  	s4 =	simm.s32 $0x1BF5;
	[smem:$0x3FA7] =	sst s0  }
0x18: {  	s0 =	sld [smem:$0x3F8A];
	_ =	swait.ge [sflag:s4], $0x0  }
0x19: {  	s7 =	sld [smem:$0x3F8B]  }
0x1a: {  	s8 =	sadd.s32 $0xFFFFE003, lr  }
0x1b: {  	s9 =	sadd.s32 $0xFFFFFEF7, lr;
	s5 =	simm.s32 $0xFFFFFFFF;
	p2 =	slt.u32 s8, $0xFFFFF086  }
0x1c: {  	p1 =	slt.u32 s9, $0xF7A;
	s5 =	simm.s32 @!p2 $0x0  }
0x1d: {  	s5 =	simm.s32 @p1 $0x1;
	p0 =	seq.s32 s7, s2  }
0x1e: {  	s7 =	smul.u32 @!p0 $0xF7A, s2;
	p2 =	seq.s32 @!p0 s5, $0x0  }
0x1f: {  	s9 =	smul.u32 $0xF7A, s1;
	s8 =	simm.s32 @!p0 $0x1BF5;
	p2 =	por !p2, p0  }
0x20: {  	[sflag:s8] =	ssyncset.s32 @!p0 $0xFFFFF086;
	s6 =	sadd.s32 @!p0 s3, s7;
	s7 =	simm.s32 @!p0 $0x108  }
0x21: {  	s3 =	sadd.s32 s3, s9;
	s6 =	sadd.s32 @!p0 $0x88, s6;
	s7 =	simm.s32 @p2 $0x1082  }
0x22: {  	[simem:s7], [sflag:s8] =	dma.local @!p0 [hbm:s6], $0xF7A  }
0x23: {  	s9 =	sor.u32 $0xD0000000, s2;
	s6 =	simm.s32 $0x108;
	_ =	swait.ge @!p0 [sflag:s8], $0x0  }
0x24: {  	s3 =	sadd.s32 $0x88, s3;
	s6 =	simm.s32 @!p1 $0x1082;
	[sflag:s4] =	ssyncset.s32 $0xFFFFF086  }
0x25: {  	[simem:s6], [sflag:s4] =	dma.local [hbm:s3], $0xF7A  }
0x26: {  	[smem:$0x3F8B] =	sst s1;
	(tag) =	ssettag s2;
	_ =	strace s9  }
0x27: {  	s1 =	sld [smem:$0x3F9B]  }
0x28: {  	s2 =	sld [smem:$0x3F9C]  }
0x29: {  	s4 =	sld [smem:$0x3F9E]  }
0x2a: {  	p0 =	seq.s32 s5, $0x0;
	s5 =	sld [smem:$0x3F9F]  }
0x2b: {  	s6 =	sld [smem:$0x3FA0]  }
0x2c: {  	s7 =	sld [smem:$0x3FA1]  }
0x2d: {  	s3 =	simm.s32 $0x108;
	s8 =	sld [smem:$0x3FA2]  }
0x2e: {  	s3 =	simm.s32 @!p0 $0x1082;
	s9 =	sld [smem:$0x3FA3]  }
0x2f: {  	lr =	sadd.s32 s0, s3;
	s0 =	sld [smem:$0x3F9A]  }
0x30: {  	s3 =	sld [smem:$0x3F9D]  }
0x31: {  	[smem:$0x3FA6] =	sst s10  }
0x32: {  	s10 =	sld [smem:$0x3FA4];
	_ =	sdelay $0x3  }
0x33: {  	p0 =	seq.s32 s10, $0x1;
	s10 =	sld [smem:$0x3FA6];
	_ =	sdelay $0x3  }
0x34: {  	[smem:$0x3FA6] =	sst s10  }
0x35: {  	s10 =	sld [smem:$0x3FA5];
	_ =	sdelay $0x3  }
0x36: {  	p1 =	seq.s32 s10, $0x1;
	s10 =	sld [smem:$0x3FA6];
	_ =	sdelay $0x3  }
0x37: {  	[smem:$0x3FA6] =	sst s10  }
0x38: {  	s10 =	sld [smem:$0x3FA7]  }
0x39: {  	_ = 	snop;
	(pc) =	sbr.ind lr, $3  }
0x3a: {  	_ = 	snop  }
0x3b: {  	_ = 	snop  }
0x3c: {  	p2 =	seq.s32 s10, $0x1;
	s10 =	sld [smem:$0x3FA6]  }
0x3d: {  	_ =	shalt  }
0x3e: {  	_ =	shalt  }
0x3f: {  	_ =	shalt  }
0x40: {  	_ =	shalt  }
0x41: {  	_ =	shalt  }
0x42: {  	_ =	shalt  }
0x43: {  	_ =	shalt  }
0x44: {  	_ =	shalt  }
0x45: {  	_ =	shalt  }
0x46: {  	_ =	shalt  }
0x47: {  	_ =	shalt  }
0x48: {  	_ =	shalt  }
0x49: {  	_ =	shalt  }
0x4a: {  	_ =	shalt  }
0x4b: {  	_ =	shalt  }
0x4c: {  	_ =	shalt  }
0x4d: {  	_ =	shalt  }
0x4e: {  	_ =	shalt  }
0x4f: {  	_ =	shalt  }
0x50: {  	_ =	shalt  }
0x51: {  	_ =	shalt  }
0x52: {  	_ =	shalt  }
0x53: {  	_ =	shalt  }
0x54: {  	_ =	shalt  }
0x55: {  	_ =	shalt  }
0x56: {  	_ =	shalt  }
0x57: {  	_ =	shalt  }
0x58: {  	_ =	shalt  }
0x59: {  	_ =	shalt  }
0x5a: {  	_ =	shalt  }
0x5b: {  	_ =	shalt  }
0x5c: {  	_ =	shalt  }
0x5d: {  	_ =	shalt  }
0x5e: {  	_ =	shalt  }
0x5f: {  	_ =	shalt  }
0x60: {  	_ =	shalt  }
0x61: {  	_ =	shalt  }
0x62: {  	_ =	shalt  }
0x63: {  	_ =	shalt  }
0x64: {  	_ =	shalt  }
0x65: {  	_ =	shalt  }
0x66: {  	_ =	shalt  }
0x67: {  	_ =	shalt  }
0x68: {  	_ =	shalt  }
0x69: {  	_ =	shalt  }
0x6a: {  	_ =	shalt  }
0x6b: {  	_ =	shalt  }
0x6c: {  	_ =	shalt  }
0x6d: {  	_ =	shalt  }
0x6e: {  	_ =	shalt  }
0x6f: {  	_ =	shalt  }
0x70: {  	_ =	shalt  }
0x71: {  	_ =	shalt  }
0x72: {  	_ =	shalt  }
0x73: {  	_ =	shalt  }
0x74: {  	_ =	shalt  }
0x75: {  	_ =	shalt  }
0x76: {  	_ =	shalt  }
0x77: {  	_ =	shalt  }
0x78: {  	_ =	shalt  }
0x79: {  	_ =	shalt  }
0x7a: {  	_ =	shalt  }
0x7b: {  	_ =	shalt  }
0x7c: {  	_ =	shalt  }
0x7d: {  	_ =	shalt  }
0x7e: {  	_ =	shalt  }
0x7f: {  	_ =	shalt  }
0x80: {  	_ =	shalt  }
0x81: {  	_ =	shalt  }
0x82: {  	_ =	shalt  }
0x83: {  	_ =	shalt  }
0x84: {  	_ =	shalt  }
0x85: {  	_ =	shalt  }
0x86: {  	_ =	shalt  }
0x87: {  	_ =	shalt  }
.Lfunc_end0:
.L_simem_size_0:
called_computation.2_lowered:
.L_overlay_start_0:
0x88: {  	s2 =	sld [smem:$0x3FD9]  }
0x89: {  	s3 =	sld [smem:$0x3FFE];
	_ =	sdelay $0x1  }
0x8a: {  	s1 =	srdreg.scid  }
0x8b: {  	s0 =	sand.u32 $0x1, s1  }
0x8c: {  	s14 =	sshll.u32 s0, $0xA;
	s2 =	sadd.s32 s3, s2  }
0x8d: {  	s2 =	sadd.s32 s2, s14  }
0x8e: {  	[smem:$0x3FB2] =	sst s2  }
0x8f: {  	_ = 	snop  }
0x90: {  	s2 =	sld [smem:$0x3FD0];
	_ =	sdelay $0x2  }
0x91: {  	s15 =	simm.s32 $0xA;
	s4 =	simm.s32 $0x10  }
0x92: {  	[smem:s4], [sflag:s15] =	dma.local [hbm:s2], $0x1  }
0x93: {  	_ =	swait.eq [sflag:s15], $0x1  }
0x94: {  	s16 =	sld [smem:$0x10];
	[sflag:s15] =	ssyncset.done $0x0  }
0x95: {  	s17 =	sld [smem:$0x11];
	[sflag:s15] =	ssyncadd.s32 $0xFFFFFFFF  }
0x96: {  	s18 =	sld [smem:$0x12];
	(tm) =	ssettm $0x1  }
0x97: {  	s5 =	sld [smem:$0x3FFB];
	_ =	sdelay $0x3  }
0x98: {  	_ =	strace s5  }
0x99: {  	s5 =	sld [smem:$0x3FFC];
	_ =	sdelay $0x3  }
0x9a: {  	_ =	strace s5  }
0x9b: {  	s5 =	sld [smem:$0x3FFD];
	_ =	sdelay $0x3  }
0x9c: {  	_ =	strace s5  }
0x9d: {  	_ =	strace $0x8FFFFFFF  }
0x9e: {  	s19 =	sld [smem:$0x3FDB];
	_ =	sdelay $0x1  }
0x9f: {  	s6 =	simm.s32 $_scs_section_size  }
0xa0: {  	s7 =	simm.s32 $_size__tile_overlayer_lowered;
	s8 =	simm.s32 $_tile_overlayer_lowered  }
0xa1: {  	s22 =	simm.s32 $0x1BFF;
	s21 =	sshll.u32 s8, $0x1;
	s5 =	sadd.s32 s6, s19  }
0xa2: {  	s9 =	simm.s32 $0x0;
	s20 =	sshll.u32 s7, $0x1;
	s7 =	sadd.s32 s21, s5  }
0xa3: {  	[timem:s9], [sflag:s22] =	dma.local [hbm:s7], s20  }
0xa4: {  	_ =	swait.ge [sflag:s22], s20  }
0xa5: {  	s6 =	ssub.s32 $0x0, s20;
	[sflag:s22] =	ssyncset.done $0x0  }
0xa6: {  	[sflag:s22] =	ssyncadd.s32 s6;
	_ =	sdelay $0x1  }
0xa7: {  	s23 =	simm.s32 $0x1B8B  }
0xa8: {  	_ =	swait.ge [sflag:s23], $0x1  }
0xa9: {  	[sflag:s23] =	ssyncset.done $0x0  }
0xaa: {  	s25 =	simm.s32 $0x1B8E;
	s24 =	sld [smem:$0x3FFE];
	[sflag:s23] =	ssyncadd.s32 $0xFFFFFFFF  }
0xab: {  	s26 =	simm.s32 $execute0_lowered;
	[smem:$0x3FD2] =	sst s25  }
0xac: {  	s7 =	sshll.u32 s26, $0x1;
	_ =	strace $0x8000004C;
	[dreg:$0x1] =	wrdreg $0xFFFFFFFF  }
0xad: {  	s28 =	simm.s32 $_size_execute0_lowered;
	s5 =	sadd.s32 s5, s7;
	[dreg:$0x0] =	wrdreg $0x0  }
0xae: {  	s7 =	sshll.u32 s28, $0x1;
	[dreg:$0x2] =	wrdreg s5  }
0xaf: {  	[dreg:$0x3] =	wrdreg s7  }
0xb0: {  	[dreg:$0x4] =	wrdreg $0xC0  }
0xb1: {  	_ =	task [dreg:s9], $0x5FFFF  }
0xb2: {  	[dreg:$0x1] =	wrdreg $0xFFFFFFFF  }
0xb3: {  	[dreg:$0x0] =	wrdreg $0x60  }
0xb4: {  	[dreg:$0x2] =	wrdreg s18  }
0xb5: {  	[dreg:$0x3] =	wrdreg s17  }
0xb6: {  	[dreg:$0x4] =	wrdreg s16  }
0xb7: {  	[dreg:$0x5] =	wrdreg s24  }
0xb8: {  	[dreg:$0x6] =	wrdreg $0x0  }
0xb9: {  	[dreg:$0x7] =	wrdreg $0x9  }
0xba: {  	_ =	task.clear_ibuf [dreg:s9], $0x8FFFF;
	_ =	strace $0x9000004C  }
0xbb: {  	s29 =	simm.s32 $0x9;
	_ =	strace $0x8000004E  }
0xbc: {  	_ =	swait.ge [sflag:s29], $0x1  }
0xbd: {  	[sflag:s29] =	ssyncadd.s32 $0xFFFFFFFF  }
0xbe: {  	_ =	strace $0x9000004E  }
0xbf: {  	_ =	sfence  }
0xc0: {  	s30 =	sld [smem:$0x0];
	_ =	sdelay $0x2  }
0xc1: {  	s31 =	sshll.u32 s1, $0xD;
	s1 =	sshrl.u32 s1, $0x2  }
0xc2: {  	s3 =	sand.u32 $0x4000, s31;
	s1 =	sadd.s32 s1, s30  }
0xc3: {  	s0 =	sor.u32 s3, s0;
	s1 =	sshll.u32 s1, $0x11  }
0xc4: {  	s0 =	sor.u32 s1, s0  }
0xc5: {  	s0 =	sadd.s32 $0x8F2B, s0  }
0xc6: {  	[sflag:s0] =	ssyncadd.remote.s32 $0x1  }
0xc7: {  	_ =	sfence.sel $0xFFFF  }
0xc8: {  	[dreg:$0x0] =	wrdreg $0xFFFFFFFF;
	(pc) =	sbr.abs _section_cstart, $3  }
0xc9: {  	[dreg:$0x1] =	wrdreg $0xFFFFFFFF  }
0xca: {  	_ =	task.clear_ibuf [dreg:s9], $0x2FFFF;
	_ =	strace $0x9FFFFFFF  }
0xcb: {  	(tm) =	ssettm $0x7FFFFFFF  }
tec
execute0_lowered:
.L_overlay_start_1:
0x0: {  	(tag) =	ssettag $0x1  }
0x1: {  	s1 =	rddreg [dreg:$0x0]  }
0x2: {  	s2 =	rddreg [dreg:$0x1]  }
0x3: {  	s0 =	rddreg [dreg:$0x2]  }
0x4: {  	s3 =	rddreg [dreg:$0x3]  }
0x5: {  	s4 =	rddreg [dreg:$0x4];
	s5 =	simm.s32 $0x0;
	s13 =	stileid.u32  }
0x6: {  	s6 =	srdreg.scid;
	s28 =	simm.s32 $0x13900;
	s29 =	simm.s32 $0x13B00  }
0x7: {  	s30 =	simm.s32 $0x3;
	s31 =	simm.s32 $0x80;
	s7 =	smul.u32 $0x2700, s13  }
0x8: {  	[smem:$0x7FF] =	sst s5;
	s6 =	sand.u32 $0x1, s6;
	s9 =	smul.u32 $0x2710, s13  }
0x9: {  	s10 =	sadd.s32 $0x5E00, s3;
	s23 =	smul.u32 $0x4E000, s13;
	s16 =	sadd.s32 $0x124800, s4  }
0xa: {  	s17 =	sadd.s32 $0x24900, s1;
	s20 =	sadd.s32 $0x7DB00, s3;
	s22 =	smul.u32 $0x4E2, s13  }
0xb: {  	p1 =	seq.s32 s13, $0xF;
	_ =	strace $0x8000004D;
	[dreg:$0xc] =	wrdreg s16  }
0xc: {  	s13 =	simm.s32 $0x17C80;
	s8 =	ssub.s32 $0x2, s6;
	[dreg:$0xd] =	wrdreg s17  }
0xd: {  	p0 =	seq.s32 s6, $0x1;
	[dreg:$0x11] =	wrdreg s20;
	s16 =	simm.s32 $0x1  }
0xe: {  	s17 =	simm.s32 $0x13980;
	s20 =	simm.s32 $0x5;
	s11 =	sadd.s32 s7, s3  }
0xf: {  	s12 =	sshrl.u32 s8, $0x1;
	s9 =	sshrl.u32 s9, $0x3;
	s15 =	sadd.s32 s1, s7  }
0x10: {  	s21 =	sadd.s32 s2, s7;
	s3 =	sadd.s32 $0xA4D00, s3;
	[dreg:$0xb] =	wrdreg s15  }
0x11: {  	s7 =	simm.s32 $0x6;
	s8 =	ssub.s32 s8, s12;
	[dreg:$0x12] =	wrdreg s21  }
0x12: {  	s24 =	sadd.s32 s0, s9;
	s25 =	sadd.s32 $0x10, s9;
	[dreg:$0x15] =	wrdreg s3  }
0x13: {  	s14 =	sadd.s32 s10, s9;
	s12 =	sshrl.u32 s23, $0x2;
	[dreg:$0x6] =	wrdreg s24  }
0x14: {  	s18 =	sadd.s32 $0x4E0, s9;
	s19 =	sadd.s32 $0x59200, s11;
	[dreg:$0x7] =	wrdreg s14  }
0x15: {  	s23 =	sadd.s32 s22, s10;
	s26 =	sadd.s32 s0, s25;
	[dreg:$0x10] =	wrdreg s19  }
0x16: {  	s21 =	simm.s32 $0x2;
	s6 =	sadd.s32 s10, s25;
	[dreg:$0x8] =	wrdreg s26  }
0x17: {  	s3 =	simm.s32 $0x13A00;
	s14 =	sadd.s32 s12, s4;
	[dreg:$0x9] =	wrdreg s6  }
0x18: {  	s9 =	sadd.s32 s0, s18;
	s24 =	sadd.s32 $0x24900, s2;
	[dreg:$0xa] =	wrdreg s14  }
0x19: {  	s25 =	sadd.s32 $0x80400, s11;
	s11 =	simm.s32 $0x4;
	[dreg:$0xe] =	wrdreg s9  }
.Ltmp0:
0x1a: {  	s19 =	simm.s32 $0x7;
	[dreg:$0x13] =	wrdreg s24;
	(pc) =	sbr.rel .LBB2_1-.Ltmp0, $4  }
0x1b: {  	s6 =	sadd.s32 s10, s18;
	[dreg:$0x14] =	wrdreg s25;
	s26 =	smax.u32 s8, $0x1  }
0x1c: {  	s24 =	sadd.s32 s22, s0;
	s25 =	simm.s32 $0x13880;
	s0 =	simm.s32 $0x13C80  }
0x1d: {  	s18 =	simm.s32 $0x13B80;
	s14 =	simm.s32 $0x0;
	[dreg:$0xf] =	wrdreg s6  }
0x1e: {  	[dreg:$0x16] =	wrdreg s26;
	s26 =	simm.s32 $0x13A80;
	s6 =	simm.s32 $0x13C00  }
.LBB2_7:
0x1f: {  	[tilespmem:s29], [sflag:$0x4] =	stream.linear.gather [hbm4b:s10+s5], $0x80, $0x38;
	[tilespmem:$0x1C580] =	vst v63  }
0x20: {  	_ =	swait.ge [sflag:s11], $0x80  }
0x21: {  	[sflag:s11] =	ssyncset.done $0x0  }
0x22: {  	[sflag:s11] =	ssyncadd.s32 $0xFFFFFF80  }
0x23: {  	_ =	swait.ge [sflag:s11], $0x80  }
0x24: {  	[sflag:s11] =	ssyncset.done $0x0  }
0x25: {  	[sflag:s11] =	ssyncadd.s32 $0xFFFFFF80  }
0x26: {  	[tilespmem:s13], [sflag:$0x2] =	stream.indirect.gather [hbm4b:s2+s31], $0x80, s28, s31, $0xb8;
	[tilespmem:$0x1C580] =	vst v63  }
0x27: {  	_ =	swait.ge [sflag:s16], $0x4000  }
0x28: {  	[sflag:s16] =	ssyncset.done $0x0  }
0x29: {  	[sflag:s16] =	ssyncadd.s32 $0xFFFFC000  }
0x2a: {  	[spmem:s4] =	stream.indirect.scatter.add.f32 [tilespmem:s0], [sflag:$0x7], $0x80, s26, s31, $0xb8;
	[tilespmem:$0x1C580] =	vst v63  }
0x2b: {  	_ =	swait.ge [sflag:s19], $0x4000  }
0x2c: {  	[sflag:s19] =	ssyncset.done $0x0  }
0x2d: {  	[sflag:s19] =	ssyncadd.s32 $0xFFFFC000  }
0x2e: {  	_ =	swait.ge [sflag:s21], $0x4000  }
0x2f: {  	[sflag:s21] =	ssyncset.done $0x0  }
0x30: {  	[sflag:s21] =	ssyncadd.s32 $0xFFFFC000  }
0x31: {  	[spmem:s4] =	stream.indirect.scatter.add.f32 [tilespmem:s13], [sflag:$0x7], $0x80, s29, s31, $0xb8;
	[tilespmem:$0x1C580] =	vst v63  }
0x32: {  	_ =	swait.ge [sflag:s19], $0x4000  }
0x33: {  	[sflag:s19] =	ssyncset.done $0x0  }
0x34: {  	s10 =	simm.s32 $0x1BC80;
	s9 =	rddreg [dreg:$0xe];
	[sflag:s19] =	ssyncadd.s32 $0xFFFFC000  }
0x35: {  	[tilespmem:s10], [sflag:$0x7] =	stream.linear.gather [hbm4b:s9+s5], $0x10, $0x38;
	[tilespmem:$0x1C580] =	vst v63  }
0x36: {  	_ =	swait.ge [sflag:s19], $0x10  }
0x37: {  	[sflag:s19] =	ssyncset.done $0x0  }
0x38: {  	s12 =	simm.s32 $0x1BD00;
	s15 =	rddreg [dreg:$0xf];
	[sflag:s19] =	ssyncadd.s32 $0xFFFFFFF0  }
0x39: {  	[tilespmem:s12], [sflag:$0x7] =	stream.linear.gather [hbm4b:s15+s5], $0x10, $0x38;
	[tilespmem:$0x1C580] =	vst v63  }
0x3a: {  	_ =	swait.ge [sflag:s19], $0x10  }
0x3b: {  	[sflag:s19] =	ssyncset.done $0x0  }
0x3c: {  	s9 =	simm.s32 $0x10;
	s15 =	simm.s32 $0x1BD80;
	[sflag:s19] =	ssyncadd.s32 $0xFFFFFFF0  }
0x3d: {  	[tilespmem:s15], [sflag:$0x1] =	stream.indirect.gather [hbm4b:s2+s9], $0x80, s10, s9, $0xb8;
	[tilespmem:$0x1C580] =	vst v63  }
0x3e: {  	_ =	swait.ge [sflag:s16], $0x800  }
0x3f: {  	[sflag:s16] =	ssyncset.done $0x0  }
0x40: {  	[sflag:s16] =	ssyncadd.s32 $0xFFFFF800  }
0x41: {  	[spmem:s4] =	stream.indirect.scatter.add.f32 [tilespmem:s15], [sflag:$0x7], $0x80, s12, s9, $0xb8;
	[tilespmem:$0x1C580] =	vst v63  }
0x42: {  	_ =	swait.ge [sflag:s19], $0x800  }
0x43: {  	[sflag:s19] =	ssyncset.done $0x0  }
0x44: {  	[sflag:s19] =	ssyncadd.s32 $0xFFFFF800  }
0x45: {  	[bflag:$0x0] =	sbarrier.arrive $0xFFFF  }
0x46: {  	s9 =	simm.s32 @p1 $0x1FC7;
	s10 =	rddreg [dreg:$0x15]  }
0x47: {  	[hbm:s10], [sflag:s9] =	dma.local @p1 [spmem:s8], $0x2800  }
0x48: {  	s8 =	simm.s32 @p1 $0x7  }
0x49: {  	_ =	swait.ge @p1 [sflag:s8], $0x2800  }
0x4a: {  	[sflag:s8] =	ssyncset.done @p1 $0x0;
	s9 =	rddreg [dreg:$0x17]  }
0x4b: {  	[sflag:s8] =	ssyncadd.s32 @p1 $0xFFFFD800;
	s8 =	rddreg [dreg:$0x14]  }
0x4c: {  	[hbm:s8], [sflag:s22] =	dma.local @!p1 [spmem:s9], $0x2700  }
0x4d: {  	s8 =	simm.s32 @!p1 $0x7  }
0x4e: {  	_ =	swait.ge @!p1 [sflag:s8], $0x2700  }
0x4f: {  	[sflag:s8] =	ssyncset.done @!p1 $0x0  }
0x50: {  	[sflag:s8] =	ssyncadd.s32 @!p1 $0xFFFFD900  }
.LBB2_8:
0x51: {  	s14 =	sadd.s32 $0x1, s14;
	s8 =	rddreg [dreg:$0x16]  }
0x52: {  	p2 =	sne.s32 s14, s8  }
.Ltmp1:
0x53: {  	_ = 	snop;
	(pc) =	sbr.rel @!p2 .LBB2_9-.Ltmp1, $1  }
0x54: {  	_ =	sdelay $0x3  }
.LBB2_1:
0x55: {  	s8 =	rddreg [dreg:$0x6]  }
0x56: {  	s12 =	rddreg [dreg:$0x7]  }
0x57: {  	s15 =	rddreg [dreg:$0x8]  }
0x58: {  	s22 =	rddreg [dreg:$0x9]  }
0x59: {  	[tilespmem:s25], [sflag:$0x3] =	stream.linear.gather [hbm4b:s8+s5], $0x80, $0x38;
	[tilespmem:$0x1C580] =	vst v63  }
0x5a: {  	s10 =	rddreg [dreg:$0xa]  }
0x5b: {  	[tilespmem:s26], [sflag:$0x3] =	stream.linear.gather [hbm4b:s12+s5], $0x80, $0x38;
	[tilespmem:$0x1C580] =	vst v63  }
.Ltmp2:
0x5c: {  	s8 =	stileid.u32;
	(pc) =	sbr.rel @!p0 .LBB2_2-.Ltmp2, $4  }
0x5d: {  	[tilespmem:s28], [sflag:$0x4] =	stream.linear.gather [hbm4b:s15+s5], $0x80, $0x38;
	[tilespmem:$0x1C580] =	vst v63  }
0x5e: {  	s9 =	sshll.u32 @!p1 s8, $0x6;
	s8 =	rddreg [dreg:$0xc];
	s12 =	sshrl.u32 @!p1 s10, $0x3  }
0x5f: {  	[tilespmem:s29], [sflag:$0x4] =	stream.linear.gather [hbm4b:s22+s5], $0x80, $0x38;
	[tilespmem:$0x1C580] =	vst v63  }
0x60: {  	s8 =	sshrl.u32 @p1 s8, $0x3;
	[dreg:$0x17] =	wrdreg s12;
	s22 =	sor.u32 @!p1 $0x1C07, s9  }
0x61: {  	s9 =	simm.s32 @p1 $0x1FC7;
	s10 =	rddreg [dreg:$0x13]  }
0x62: {  	[spmem:s8], [sflag:s9] =	dma.local @p1 [hbm:s10], $0x2800  }
0x63: {  	s9 =	simm.s32 @p1 $0x7  }
0x64: {  	_ =	swait.ge @p1 [sflag:s9], $0x2800  }
0x65: {  	[sflag:s9] =	ssyncset.done @p1 $0x0  }
0x66: {  	[sflag:s9] =	ssyncadd.s32 @p1 $0xFFFFD800;
	s9 =	rddreg [dreg:$0x12]  }
0x67: {  	[spmem:s12], [sflag:s22] =	dma.local @!p1 [hbm:s9], $0x2700  }
0x68: {  	s9 =	simm.s32 @!p1 $0x7  }
0x69: {  	_ =	swait.ge @!p1 [sflag:s9], $0x2700  }
0x6a: {  	[sflag:s9] =	ssyncset.done @!p1 $0x0  }
0x6b: {  	[sflag:s9] =	ssyncadd.s32 @!p1 $0xFFFFD900  }
0x6c: {  	[bflag:$0x0] =	sbarrier.arrive $0xFFFF  }
0x6d: {  	_ =	swait.ge [sflag:s30], $0x80  }
0x6e: {  	[sflag:s30] =	ssyncset.done $0x0  }
0x6f: {  	[sflag:s30] =	ssyncadd.s32 $0xFFFFFF80  }
0x70: {  	_ =	swait.ge [sflag:s30], $0x80  }
0x71: {  	[sflag:s30] =	ssyncset.done $0x0  }
0x72: {  	[sflag:s30] =	ssyncadd.s32 $0xFFFFFF80  }
0x73: {  	[tilespmem:s0], [sflag:$0x1] =	stream.indirect.gather [hbm4b:s2+s31], $0x80, s25, s31, $0xb8;
	[tilespmem:$0x1C580] =	vst v63  }
0x74: {  	_ =	swait.ge [sflag:s11], $0x80  }
0x75: {  	[sflag:s11] =	ssyncset.done $0x0  }
0x76: {  	[sflag:s11] =	ssyncadd.s32 $0xFFFFFF80  }
0x77: {  	_ =	swait.ge [sflag:s11], $0x80  }
0x78: {  	[sflag:s11] =	ssyncset.done $0x0  }
0x79: {  	[sflag:s11] =	ssyncadd.s32 $0xFFFFFF80  }
0x7a: {  	[tilespmem:s13], [sflag:$0x2] =	stream.indirect.gather [hbm4b:s2+s31], $0x80, s28, s31, $0xb8;
	[tilespmem:$0x1C580] =	vst v63  }
0x7b: {  	_ =	swait.ge [sflag:s16], $0x4000  }
0x7c: {  	s9 =	sadd.s32 $0x0, s24;
	[sflag:s16] =	ssyncset.done $0x0  }
0x7d: {  	s12 =	sadd.s32 $0x0, s23;
	s15 =	sadd.s32 $0x20, s9;
	[sflag:s16] =	ssyncadd.s32 $0xFFFFC000  }
0x7e: {  	[tilespmem:s17], [sflag:$0x5] =	stream.linear.gather [hbm4b:s15+s5], $0x80, $0x38;
	[tilespmem:$0x1C580] =	vst v63  }
0x7f: {  	s15 =	sadd.s32 $0x20, s12  }
0x80: {  	[tilespmem:s18], [sflag:$0x5] =	stream.linear.gather [hbm4b:s15+s5], $0x80, $0x38;
	[tilespmem:$0x1C580] =	vst v63  }
0x81: {  	_ = 	snop  }
0x82: {  	[spmem:s4] =	stream.indirect.scatter.add.f32 [tilespmem:s0], [sflag:$0x7], $0x80, s26, s31, $0xb8;
	[tilespmem:$0x1C580] =	vst v63  }
0x83: {  	_ =	swait.ge [sflag:s19], $0x4000  }
0x84: {  	[sflag:s19] =	ssyncset.done $0x0  }
0x85: {  	[sflag:s19] =	ssyncadd.s32 $0xFFFFC000  }
0x86: {  	_ =	swait.ge [sflag:s20], $0x80  }
0x87: {  	[sflag:s20] =	ssyncset.done $0x0  }
0x88: {  	[sflag:s20] =	ssyncadd.s32 $0xFFFFFF80  }
0x89: {  	_ =	swait.ge [sflag:s20], $0x80  }
0x8a: {  	[sflag:s20] =	ssyncset.done $0x0  }
0x8b: {  	[sflag:s20] =	ssyncadd.s32 $0xFFFFFF80  }
0x8c: {  	[tilespmem:s0], [sflag:$0x1] =	stream.indirect.gather [hbm4b:s2+s31], $0x80, s17, s31, $0xb8;
	[tilespmem:$0x1C580] =	vst v63  }
0x8d: {  	_ =	swait.ge [sflag:s21], $0x4000  }
0x8e: {  	[sflag:s21] =	ssyncset.done $0x0  }
0x8f: {  	[sflag:s21] =	ssyncadd.s32 $0xFFFFC000  }
0x90: {  	[spmem:s4] =	stream.indirect.scatter.add.f32 [tilespmem:s13], [sflag:$0x7], $0x80, s29, s31, $0xb8;
	[tilespmem:$0x1C580] =	vst v63  }
0x91: {  	_ =	swait.ge [sflag:s19], $0x4000  }
0x92: {  	[sflag:s19] =	ssyncset.done $0x0  }
0x93: {  	s15 =	sadd.s32 $0x30, s9;
	[sflag:s19] =	ssyncadd.s32 $0xFFFFC000  }
0x94: {  	[tilespmem:s3], [sflag:$0x6] =	stream.linear.gather [hbm4b:s15+s5], $0x80, $0x38;
	[tilespmem:$0x1C580] =	vst v63  }
0x95: {  	s15 =	sadd.s32 $0x30, s12  }
0x96: {  	[tilespmem:s6], [sflag:$0x6] =	stream.linear.gather [hbm4b:s15+s5], $0x80, $0x38;
	[tilespmem:$0x1C580] =	vst v63  }
0x97: {  	_ =	swait.ge [sflag:s7], $0x80  }
0x98: {  	[sflag:s7] =	ssyncset.done $0x0  }
0x99: {  	[sflag:s7] =	ssyncadd.s32 $0xFFFFFF80  }
0x9a: {  	_ =	swait.ge [sflag:s7], $0x80  }
0x9b: {  	[sflag:s7] =	ssyncset.done $0x0  }
0x9c: {  	[sflag:s7] =	ssyncadd.s32 $0xFFFFFF80  }
0x9d: {  	[tilespmem:s13], [sflag:$0x2] =	stream.indirect.gather [hbm4b:s2+s31], $0x80, s3, s31, $0xb8;
	[tilespmem:$0x1C580] =	vst v63  }
0x9e: {  	_ =	swait.ge [sflag:s16], $0x4000  }
0x9f: {  	[sflag:s16] =	ssyncset.done $0x0  }
0xa0: {  	s15 =	sadd.s32 $0x40, s9;
	[sflag:s16] =	ssyncadd.s32 $0xFFFFC000  }
0xa1: {  	[tilespmem:s25], [sflag:$0x3] =	stream.linear.gather [hbm4b:s15+s5], $0x80, $0x38;
	[tilespmem:$0x1C580] =	vst v63  }
0xa2: {  	s15 =	sadd.s32 $0x40, s12  }
0xa3: {  	[tilespmem:s26], [sflag:$0x3] =	stream.linear.gather [hbm4b:s15+s5], $0x80, $0x38;
	[tilespmem:$0x1C580] =	vst v63  }
0xa4: {  	_ = 	snop  }
0xa5: {  	[spmem:s4] =	stream.indirect.scatter.add.f32 [tilespmem:s0], [sflag:$0x7], $0x80, s18, s31, $0xb8;
	[tilespmem:$0x1C580] =	vst v63  }
0xa6: {  	_ =	swait.ge [sflag:s19], $0x4000  }
0xa7: {  	[sflag:s19] =	ssyncset.done $0x0  }
0xa8: {  	[sflag:s19] =	ssyncadd.s32 $0xFFFFC000  }
0xa9: {  	_ =	swait.ge [sflag:s30], $0x80  }
0xaa: {  	[sflag:s30] =	ssyncset.done $0x0  }
0xab: {  	[sflag:s30] =	ssyncadd.s32 $0xFFFFFF80  }
0xac: {  	_ =	swait.ge [sflag:s30], $0x80  }
0xad: {  	[sflag:s30] =	ssyncset.done $0x0  }
0xae: {  	[sflag:s30] =	ssyncadd.s32 $0xFFFFFF80  }
0xaf: {  	[tilespmem:s0], [sflag:$0x1] =	stream.indirect.gather [hbm4b:s2+s31], $0x80, s25, s31, $0xb8;
	[tilespmem:$0x1C580] =	vst v63  }
0xb0: {  	_ =	swait.ge [sflag:s21], $0x4000  }
0xb1: {  	[sflag:s21] =	ssyncset.done $0x0  }
0xb2: {  	[sflag:s21] =	ssyncadd.s32 $0xFFFFC000  }
0xb3: {  	[spmem:s4] =	stream.indirect.scatter.add.f32 [tilespmem:s13], [sflag:$0x7], $0x80, s6, s31, $0xb8;
	[tilespmem:$0x1C580] =	vst v63  }
0xb4: {  	_ =	swait.ge [sflag:s19], $0x4000  }
0xb5: {  	[sflag:s19] =	ssyncset.done $0x0  }
0xb6: {  	s9 =	sadd.s32 $0x50, s9;
	[sflag:s19] =	ssyncadd.s32 $0xFFFFC000  }
0xb7: {  	[tilespmem:s28], [sflag:$0x4] =	stream.linear.gather [hbm4b:s9+s5], $0x80, $0x38;
	[tilespmem:$0x1C580] =	vst v63  }
0xb8: {  	s10 =	sadd.s32 $0x50, s12;
	s9 =	simm.s32 $0x40  }
.LBB2_6:
0xb9: {  	[tilespmem:s29], [sflag:$0x4] =	stream.linear.gather [hbm4b:s10+s5], $0x80, $0x38;
	[tilespmem:$0x1C580] =	vst v63  }
0xba: {  	s12 =	smov.u32 s9  }
0xbb: {  	p2 =	sne.s32 s9, $0x480;
	s9 =	sadd.s32 $0x40, s9;
	_ =	swait.ge [sflag:s11], $0x80  }
0xbc: {  	[sflag:s11] =	ssyncset.done $0x0  }
0xbd: {  	[sflag:s11] =	ssyncadd.s32 $0xFFFFFF80  }
0xbe: {  	_ =	swait.ge [sflag:s11], $0x80  }
0xbf: {  	[sflag:s11] =	ssyncset.done $0x0  }
0xc0: {  	[sflag:s11] =	ssyncadd.s32 $0xFFFFFF80  }
0xc1: {  	[tilespmem:s13], [sflag:$0x2] =	stream.indirect.gather [hbm4b:s2+s31], $0x80, s28, s31, $0xb8;
	[tilespmem:$0x1C580] =	vst v63  }
0xc2: {  	_ =	swait.ge [sflag:s16], $0x4000  }
0xc3: {  	s10 =	sadd.s32 s12, s24;
	[sflag:s16] =	ssyncset.done $0x0  }
0xc4: {  	s12 =	sadd.s32 s12, s23;
	s15 =	sadd.s32 $0x20, s10;
	[sflag:s16] =	ssyncadd.s32 $0xFFFFC000  }
0xc5: {  	[tilespmem:s17], [sflag:$0x5] =	stream.linear.gather [hbm4b:s15+s5], $0x80, $0x38;
	[tilespmem:$0x1C580] =	vst v63  }
0xc6: {  	s15 =	sadd.s32 $0x20, s12  }
0xc7: {  	[tilespmem:s18], [sflag:$0x5] =	stream.linear.gather [hbm4b:s15+s5], $0x80, $0x38;
	[tilespmem:$0x1C580] =	vst v63  }
0xc8: {  	_ = 	snop  }
0xc9: {  	[spmem:s4] =	stream.indirect.scatter.add.f32 [tilespmem:s0], [sflag:$0x7], $0x80, s26, s31, $0xb8;
	[tilespmem:$0x1C580] =	vst v63  }
0xca: {  	_ =	swait.ge [sflag:s19], $0x4000  }
0xcb: {  	[sflag:s19] =	ssyncset.done $0x0  }
0xcc: {  	[sflag:s19] =	ssyncadd.s32 $0xFFFFC000  }
0xcd: {  	_ =	swait.ge [sflag:s20], $0x80  }
0xce: {  	[sflag:s20] =	ssyncset.done $0x0  }
0xcf: {  	[sflag:s20] =	ssyncadd.s32 $0xFFFFFF80  }
0xd0: {  	_ =	swait.ge [sflag:s20], $0x80  }
0xd1: {  	[sflag:s20] =	ssyncset.done $0x0  }
0xd2: {  	[sflag:s20] =	ssyncadd.s32 $0xFFFFFF80  }
0xd3: {  	[tilespmem:s0], [sflag:$0x1] =	stream.indirect.gather [hbm4b:s2+s31], $0x80, s17, s31, $0xb8;
	[tilespmem:$0x1C580] =	vst v63  }
0xd4: {  	_ =	swait.ge [sflag:s21], $0x4000  }
0xd5: {  	[sflag:s21] =	ssyncset.done $0x0  }
0xd6: {  	[sflag:s21] =	ssyncadd.s32 $0xFFFFC000  }
0xd7: {  	[spmem:s4] =	stream.indirect.scatter.add.f32 [tilespmem:s13], [sflag:$0x7], $0x80, s29, s31, $0xb8;
	[tilespmem:$0x1C580] =	vst v63  }
0xd8: {  	_ =	swait.ge [sflag:s19], $0x4000  }
0xd9: {  	[sflag:s19] =	ssyncset.done $0x0  }
0xda: {  	s15 =	sadd.s32 $0x30, s10;
	[sflag:s19] =	ssyncadd.s32 $0xFFFFC000  }
0xdb: {  	[tilespmem:s3], [sflag:$0x6] =	stream.linear.gather [hbm4b:s15+s5], $0x80, $0x38;
	[tilespmem:$0x1C580] =	vst v63  }
0xdc: {  	s15 =	sadd.s32 $0x30, s12  }
0xdd: {  	[tilespmem:s6], [sflag:$0x6] =	stream.linear.gather [hbm4b:s15+s5], $0x80, $0x38;
	[tilespmem:$0x1C580] =	vst v63  }
0xde: {  	_ =	swait.ge [sflag:s7], $0x80  }
0xdf: {  	[sflag:s7] =	ssyncset.done $0x0  }
0xe0: {  	[sflag:s7] =	ssyncadd.s32 $0xFFFFFF80  }
0xe1: {  	_ =	swait.ge [sflag:s7], $0x80  }
0xe2: {  	[sflag:s7] =	ssyncset.done $0x0  }
0xe3: {  	[sflag:s7] =	ssyncadd.s32 $0xFFFFFF80  }
0xe4: {  	[tilespmem:s13], [sflag:$0x2] =	stream.indirect.gather [hbm4b:s2+s31], $0x80, s3, s31, $0xb8;
	[tilespmem:$0x1C580] =	vst v63  }
0xe5: {  	_ =	swait.ge [sflag:s16], $0x4000  }
0xe6: {  	[sflag:s16] =	ssyncset.done $0x0  }
0xe7: {  	s15 =	sadd.s32 $0x40, s10;
	[sflag:s16] =	ssyncadd.s32 $0xFFFFC000  }
0xe8: {  	[tilespmem:s25], [sflag:$0x3] =	stream.linear.gather [hbm4b:s15+s5], $0x80, $0x38;
	[tilespmem:$0x1C580] =	vst v63  }
0xe9: {  	s15 =	sadd.s32 $0x40, s12  }
0xea: {  	[tilespmem:s26], [sflag:$0x3] =	stream.linear.gather [hbm4b:s15+s5], $0x80, $0x38;
	[tilespmem:$0x1C580] =	vst v63  }
0xeb: {  	_ = 	snop  }
0xec: {  	[spmem:s4] =	stream.indirect.scatter.add.f32 [tilespmem:s0], [sflag:$0x7], $0x80, s18, s31, $0xb8;
	[tilespmem:$0x1C580] =	vst v63  }
0xed: {  	_ =	swait.ge [sflag:s19], $0x4000  }
0xee: {  	[sflag:s19] =	ssyncset.done $0x0  }
0xef: {  	[sflag:s19] =	ssyncadd.s32 $0xFFFFC000  }
0xf0: {  	_ =	swait.ge [sflag:s30], $0x80  }
0xf1: {  	[sflag:s30] =	ssyncset.done $0x0  }
0xf2: {  	[sflag:s30] =	ssyncadd.s32 $0xFFFFFF80  }
0xf3: {  	_ =	swait.ge [sflag:s30], $0x80  }
0xf4: {  	[sflag:s30] =	ssyncset.done $0x0  }
0xf5: {  	[sflag:s30] =	ssyncadd.s32 $0xFFFFFF80  }
0xf6: {  	[tilespmem:s0], [sflag:$0x1] =	stream.indirect.gather [hbm4b:s2+s31], $0x80, s25, s31, $0xb8;
	[tilespmem:$0x1C580] =	vst v63  }
0xf7: {  	_ =	swait.ge [sflag:s21], $0x4000  }
0xf8: {  	[sflag:s21] =	ssyncset.done $0x0  }
0xf9: {  	[sflag:s21] =	ssyncadd.s32 $0xFFFFC000  }
0xfa: {  	[spmem:s4] =	stream.indirect.scatter.add.f32 [tilespmem:s13], [sflag:$0x7], $0x80, s6, s31, $0xb8;
	[tilespmem:$0x1C580] =	vst v63  }
.Ltmp3:
0xfb: {  	_ =	swait.ge [sflag:s19], $0x4000;
	(pc) =	sbr.rel @p2 .LBB2_6-.Ltmp3, $4  }
0xfc: {  	[sflag:s19] =	ssyncset.done $0x0  }
0xfd: {  	s10 =	sadd.s32 $0x50, s10;
	[sflag:s19] =	ssyncadd.s32 $0xFFFFC000  }
0xfe: {  	[tilespmem:s28], [sflag:$0x4] =	stream.linear.gather [hbm4b:s10+s5], $0x80, $0x38;
	[tilespmem:$0x1C580] =	vst v63  }
0xff: {  	s10 =	sadd.s32 $0x50, s12  }
.Ltmp4:
0x100: {  	_ = 	snop;
	(pc) =	sbr.rel .LBB2_7-.Ltmp4, $1  }
0x101: {  	_ =	sdelay $0x3  }
.LBB2_2:
0x102: {  	s9 =	simm.s32 @p1 $0x1FC7;
	s10 =	rddreg [dreg:$0xd]  }
0x103: {  	[spmem:s8], [sflag:s9] =	dma.local @p1 [hbm:s10], $0x2800  }
0x104: {  	s9 =	simm.s32 @p1 $0x7  }
0x105: {  	_ =	swait.ge @p1 [sflag:s9], $0x2800  }
0x106: {  	[sflag:s9] =	ssyncset.done @p1 $0x0  }
0x107: {  	[sflag:s9] =	ssyncadd.s32 @p1 $0xFFFFD800;
	s9 =	rddreg [dreg:$0xb]  }
0x108: {  	[spmem:s12], [sflag:s22] =	dma.local @!p1 [hbm:s9], $0x2700  }
0x109: {  	s9 =	simm.s32 @!p1 $0x7  }
0x10a: {  	_ =	swait.ge @!p1 [sflag:s9], $0x2700  }
0x10b: {  	[sflag:s9] =	ssyncset.done @!p1 $0x0  }
0x10c: {  	[sflag:s9] =	ssyncadd.s32 @!p1 $0xFFFFD900  }
0x10d: {  	[bflag:$0x0] =	sbarrier.arrive $0xFFFF  }
0x10e: {  	_ =	swait.ge [sflag:s30], $0x80  }
0x10f: {  	[sflag:s30] =	ssyncset.done $0x0  }
0x110: {  	[sflag:s30] =	ssyncadd.s32 $0xFFFFFF80  }
0x111: {  	_ =	swait.ge [sflag:s30], $0x80  }
0x112: {  	[sflag:s30] =	ssyncset.done $0x0  }
0x113: {  	[sflag:s30] =	ssyncadd.s32 $0xFFFFFF80  }
0x114: {  	[tilespmem:s0], [sflag:$0x1] =	stream.indirect.gather [hbm4b:s1+s31], $0x80, s25, s31, $0xb8;
	[tilespmem:$0x1C580] =	vst v63  }
0x115: {  	_ =	swait.ge [sflag:s11], $0x80  }
0x116: {  	[sflag:s11] =	ssyncset.done $0x0  }
0x117: {  	[sflag:s11] =	ssyncadd.s32 $0xFFFFFF80  }
0x118: {  	_ =	swait.ge [sflag:s11], $0x80  }
0x119: {  	[sflag:s11] =	ssyncset.done $0x0  }
0x11a: {  	[sflag:s11] =	ssyncadd.s32 $0xFFFFFF80  }
0x11b: {  	[tilespmem:s13], [sflag:$0x2] =	stream.indirect.gather [hbm4b:s1+s31], $0x80, s28, s31, $0xb8;
	[tilespmem:$0x1C580] =	vst v63  }
0x11c: {  	_ =	swait.ge [sflag:s16], $0x4000  }
0x11d: {  	s9 =	sadd.s32 $0x0, s24;
	[sflag:s16] =	ssyncset.done $0x0  }
0x11e: {  	s12 =	sadd.s32 $0x0, s23;
	s15 =	sadd.s32 $0x20, s9;
	[sflag:s16] =	ssyncadd.s32 $0xFFFFC000  }
0x11f: {  	[tilespmem:s17], [sflag:$0x5] =	stream.linear.gather [hbm4b:s15+s5], $0x80, $0x38;
	[tilespmem:$0x1C580] =	vst v63  }
0x120: {  	s15 =	sadd.s32 $0x20, s12  }
0x121: {  	[tilespmem:s18], [sflag:$0x5] =	stream.linear.gather [hbm4b:s15+s5], $0x80, $0x38;
	[tilespmem:$0x1C580] =	vst v63  }
0x122: {  	_ = 	snop  }
0x123: {  	[spmem:s4] =	stream.indirect.scatter.add.f32 [tilespmem:s0], [sflag:$0x7], $0x80, s26, s31, $0xb8;
	[tilespmem:$0x1C580] =	vst v63  }
0x124: {  	_ =	swait.ge [sflag:s19], $0x4000  }
0x125: {  	[sflag:s19] =	ssyncset.done $0x0  }
0x126: {  	[sflag:s19] =	ssyncadd.s32 $0xFFFFC000  }
0x127: {  	_ =	swait.ge [sflag:s20], $0x80  }
0x128: {  	[sflag:s20] =	ssyncset.done $0x0  }
0x129: {  	[sflag:s20] =	ssyncadd.s32 $0xFFFFFF80  }
0x12a: {  	_ =	swait.ge [sflag:s20], $0x80  }
0x12b: {  	[sflag:s20] =	ssyncset.done $0x0  }
0x12c: {  	[sflag:s20] =	ssyncadd.s32 $0xFFFFFF80  }
0x12d: {  	[tilespmem:s0], [sflag:$0x1] =	stream.indirect.gather [hbm4b:s1+s31], $0x80, s17, s31, $0xb8;
	[tilespmem:$0x1C580] =	vst v63  }
0x12e: {  	_ =	swait.ge [sflag:s21], $0x4000  }
0x12f: {  	[sflag:s21] =	ssyncset.done $0x0  }
0x130: {  	[sflag:s21] =	ssyncadd.s32 $0xFFFFC000  }
0x131: {  	[spmem:s4] =	stream.indirect.scatter.add.f32 [tilespmem:s13], [sflag:$0x7], $0x80, s29, s31, $0xb8;
	[tilespmem:$0x1C580] =	vst v63  }
0x132: {  	_ =	swait.ge [sflag:s19], $0x4000  }
0x133: {  	[sflag:s19] =	ssyncset.done $0x0  }
0x134: {  	s15 =	sadd.s32 $0x30, s9;
	[sflag:s19] =	ssyncadd.s32 $0xFFFFC000  }
0x135: {  	[tilespmem:s3], [sflag:$0x6] =	stream.linear.gather [hbm4b:s15+s5], $0x80, $0x38;
	[tilespmem:$0x1C580] =	vst v63  }
0x136: {  	s15 =	sadd.s32 $0x30, s12  }
0x137: {  	[tilespmem:s6], [sflag:$0x6] =	stream.linear.gather [hbm4b:s15+s5], $0x80, $0x38;
	[tilespmem:$0x1C580] =	vst v63  }
0x138: {  	_ =	swait.ge [sflag:s7], $0x80  }
0x139: {  	[sflag:s7] =	ssyncset.done $0x0  }
0x13a: {  	[sflag:s7] =	ssyncadd.s32 $0xFFFFFF80  }
0x13b: {  	_ =	swait.ge [sflag:s7], $0x80  }
0x13c: {  	[sflag:s7] =	ssyncset.done $0x0  }
0x13d: {  	[sflag:s7] =	ssyncadd.s32 $0xFFFFFF80  }
0x13e: {  	[tilespmem:s13], [sflag:$0x2] =	stream.indirect.gather [hbm4b:s1+s31], $0x80, s3, s31, $0xb8;
	[tilespmem:$0x1C580] =	vst v63  }
0x13f: {  	_ =	swait.ge [sflag:s16], $0x4000  }
0x140: {  	[sflag:s16] =	ssyncset.done $0x0  }
0x141: {  	s15 =	sadd.s32 $0x40, s9;
	[sflag:s16] =	ssyncadd.s32 $0xFFFFC000  }
0x142: {  	[tilespmem:s25], [sflag:$0x3] =	stream.linear.gather [hbm4b:s15+s5], $0x80, $0x38;
	[tilespmem:$0x1C580] =	vst v63  }
0x143: {  	s15 =	sadd.s32 $0x40, s12  }
0x144: {  	[tilespmem:s26], [sflag:$0x3] =	stream.linear.gather [hbm4b:s15+s5], $0x80, $0x38;
	[tilespmem:$0x1C580] =	vst v63  }
0x145: {  	_ = 	snop  }
0x146: {  	[spmem:s4] =	stream.indirect.scatter.add.f32 [tilespmem:s0], [sflag:$0x7], $0x80, s18, s31, $0xb8;
	[tilespmem:$0x1C580] =	vst v63  }
0x147: {  	_ =	swait.ge [sflag:s19], $0x4000  }
0x148: {  	[sflag:s19] =	ssyncset.done $0x0  }
0x149: {  	[sflag:s19] =	ssyncadd.s32 $0xFFFFC000  }
0x14a: {  	_ =	swait.ge [sflag:s30], $0x80  }
0x14b: {  	[sflag:s30] =	ssyncset.done $0x0  }
0x14c: {  	[sflag:s30] =	ssyncadd.s32 $0xFFFFFF80  }
0x14d: {  	_ =	swait.ge [sflag:s30], $0x80  }
0x14e: {  	[sflag:s30] =	ssyncset.done $0x0  }
0x14f: {  	[sflag:s30] =	ssyncadd.s32 $0xFFFFFF80  }
0x150: {  	[tilespmem:s0], [sflag:$0x1] =	stream.indirect.gather [hbm4b:s1+s31], $0x80, s25, s31, $0xb8;
	[tilespmem:$0x1C580] =	vst v63  }
0x151: {  	_ =	swait.ge [sflag:s21], $0x4000  }
0x152: {  	[sflag:s21] =	ssyncset.done $0x0  }
0x153: {  	[sflag:s21] =	ssyncadd.s32 $0xFFFFC000  }
0x154: {  	[spmem:s4] =	stream.indirect.scatter.add.f32 [tilespmem:s13], [sflag:$0x7], $0x80, s6, s31, $0xb8;
	[tilespmem:$0x1C580] =	vst v63  }
0x155: {  	_ =	swait.ge [sflag:s19], $0x4000  }
0x156: {  	[sflag:s19] =	ssyncset.done $0x0  }
0x157: {  	s9 =	sadd.s32 $0x50, s9;
	[sflag:s19] =	ssyncadd.s32 $0xFFFFC000  }
0x158: {  	[tilespmem:s28], [sflag:$0x4] =	stream.linear.gather [hbm4b:s9+s5], $0x80, $0x38;
	[tilespmem:$0x1C580] =	vst v63  }
0x159: {  	s10 =	sadd.s32 $0x50, s12;
	s9 =	simm.s32 $0x40  }
.LBB2_3:
0x15a: {  	[tilespmem:s29], [sflag:$0x4] =	stream.linear.gather [hbm4b:s10+s5], $0x80, $0x38;
	[tilespmem:$0x1C580] =	vst v63  }
0x15b: {  	s12 =	smov.u32 s9  }
0x15c: {  	p2 =	sne.s32 s9, $0x480;
	s9 =	sadd.s32 $0x40, s9;
	_ =	swait.ge [sflag:s11], $0x80  }
0x15d: {  	[sflag:s11] =	ssyncset.done $0x0  }
0x15e: {  	[sflag:s11] =	ssyncadd.s32 $0xFFFFFF80  }
0x15f: {  	_ =	swait.ge [sflag:s11], $0x80  }
0x160: {  	[sflag:s11] =	ssyncset.done $0x0  }
0x161: {  	[sflag:s11] =	ssyncadd.s32 $0xFFFFFF80  }
0x162: {  	[tilespmem:s13], [sflag:$0x2] =	stream.indirect.gather [hbm4b:s1+s31], $0x80, s28, s31, $0xb8;
	[tilespmem:$0x1C580] =	vst v63  }
0x163: {  	_ =	swait.ge [sflag:s16], $0x4000  }
0x164: {  	s10 =	sadd.s32 s12, s24;
	[sflag:s16] =	ssyncset.done $0x0  }
0x165: {  	s12 =	sadd.s32 s12, s23;
	s15 =	sadd.s32 $0x20, s10;
	[sflag:s16] =	ssyncadd.s32 $0xFFFFC000  }
0x166: {  	[tilespmem:s17], [sflag:$0x5] =	stream.linear.gather [hbm4b:s15+s5], $0x80, $0x38;
	[tilespmem:$0x1C580] =	vst v63  }
0x167: {  	s15 =	sadd.s32 $0x20, s12  }
0x168: {  	[tilespmem:s18], [sflag:$0x5] =	stream.linear.gather [hbm4b:s15+s5], $0x80, $0x38;
	[tilespmem:$0x1C580] =	vst v63  }
0x169: {  	_ = 	snop  }
0x16a: {  	[spmem:s4] =	stream.indirect.scatter.add.f32 [tilespmem:s0], [sflag:$0x7], $0x80, s26, s31, $0xb8;
	[tilespmem:$0x1C580] =	vst v63  }
0x16b: {  	_ =	swait.ge [sflag:s19], $0x4000  }
0x16c: {  	[sflag:s19] =	ssyncset.done $0x0  }
0x16d: {  	[sflag:s19] =	ssyncadd.s32 $0xFFFFC000  }
0x16e: {  	_ =	swait.ge [sflag:s20], $0x80  }
0x16f: {  	[sflag:s20] =	ssyncset.done $0x0  }
0x170: {  	[sflag:s20] =	ssyncadd.s32 $0xFFFFFF80  }
0x171: {  	_ =	swait.ge [sflag:s20], $0x80  }
0x172: {  	[sflag:s20] =	ssyncset.done $0x0  }
0x173: {  	[sflag:s20] =	ssyncadd.s32 $0xFFFFFF80  }
0x174: {  	[tilespmem:s0], [sflag:$0x1] =	stream.indirect.gather [hbm4b:s1+s31], $0x80, s17, s31, $0xb8;
	[tilespmem:$0x1C580] =	vst v63  }
0x175: {  	_ =	swait.ge [sflag:s21], $0x4000  }
0x176: {  	[sflag:s21] =	ssyncset.done $0x0  }
0x177: {  	[sflag:s21] =	ssyncadd.s32 $0xFFFFC000  }
0x178: {  	[spmem:s4] =	stream.indirect.scatter.add.f32 [tilespmem:s13], [sflag:$0x7], $0x80, s29, s31, $0xb8;
	[tilespmem:$0x1C580] =	vst v63  }
0x179: {  	_ =	swait.ge [sflag:s19], $0x4000  }
0x17a: {  	[sflag:s19] =	ssyncset.done $0x0  }
0x17b: {  	s15 =	sadd.s32 $0x30, s10;
	[sflag:s19] =	ssyncadd.s32 $0xFFFFC000  }
0x17c: {  	[tilespmem:s3], [sflag:$0x6] =	stream.linear.gather [hbm4b:s15+s5], $0x80, $0x38;
	[tilespmem:$0x1C580] =	vst v63  }
0x17d: {  	s15 =	sadd.s32 $0x30, s12  }
0x17e: {  	[tilespmem:s6], [sflag:$0x6] =	stream.linear.gather [hbm4b:s15+s5], $0x80, $0x38;
	[tilespmem:$0x1C580] =	vst v63  }
0x17f: {  	_ =	swait.ge [sflag:s7], $0x80  }
0x180: {  	[sflag:s7] =	ssyncset.done $0x0  }
0x181: {  	[sflag:s7] =	ssyncadd.s32 $0xFFFFFF80  }
0x182: {  	_ =	swait.ge [sflag:s7], $0x80  }
0x183: {  	[sflag:s7] =	ssyncset.done $0x0  }
0x184: {  	[sflag:s7] =	ssyncadd.s32 $0xFFFFFF80  }
0x185: {  	[tilespmem:s13], [sflag:$0x2] =	stream.indirect.gather [hbm4b:s1+s31], $0x80, s3, s31, $0xb8;
	[tilespmem:$0x1C580] =	vst v63  }
0x186: {  	_ =	swait.ge [sflag:s16], $0x4000  }
0x187: {  	[sflag:s16] =	ssyncset.done $0x0  }
0x188: {  	s15 =	sadd.s32 $0x40, s10;
	[sflag:s16] =	ssyncadd.s32 $0xFFFFC000  }
0x189: {  	[tilespmem:s25], [sflag:$0x3] =	stream.linear.gather [hbm4b:s15+s5], $0x80, $0x38;
	[tilespmem:$0x1C580] =	vst v63  }
0x18a: {  	s15 =	sadd.s32 $0x40, s12  }
0x18b: {  	[tilespmem:s26], [sflag:$0x3] =	stream.linear.gather [hbm4b:s15+s5], $0x80, $0x38;
	[tilespmem:$0x1C580] =	vst v63  }
0x18c: {  	_ = 	snop  }
0x18d: {  	[spmem:s4] =	stream.indirect.scatter.add.f32 [tilespmem:s0], [sflag:$0x7], $0x80, s18, s31, $0xb8;
	[tilespmem:$0x1C580] =	vst v63  }
0x18e: {  	_ =	swait.ge [sflag:s19], $0x4000  }
0x18f: {  	[sflag:s19] =	ssyncset.done $0x0  }
0x190: {  	[sflag:s19] =	ssyncadd.s32 $0xFFFFC000  }
0x191: {  	_ =	swait.ge [sflag:s30], $0x80  }
0x192: {  	[sflag:s30] =	ssyncset.done $0x0  }
0x193: {  	[sflag:s30] =	ssyncadd.s32 $0xFFFFFF80  }
0x194: {  	_ =	swait.ge [sflag:s30], $0x80  }
0x195: {  	[sflag:s30] =	ssyncset.done $0x0  }
0x196: {  	[sflag:s30] =	ssyncadd.s32 $0xFFFFFF80  }
0x197: {  	[tilespmem:s0], [sflag:$0x1] =	stream.indirect.gather [hbm4b:s1+s31], $0x80, s25, s31, $0xb8;
	[tilespmem:$0x1C580] =	vst v63  }
0x198: {  	_ =	swait.ge [sflag:s21], $0x4000  }
0x199: {  	[sflag:s21] =	ssyncset.done $0x0  }
0x19a: {  	[sflag:s21] =	ssyncadd.s32 $0xFFFFC000  }
0x19b: {  	[spmem:s4] =	stream.indirect.scatter.add.f32 [tilespmem:s13], [sflag:$0x7], $0x80, s6, s31, $0xb8;
	[tilespmem:$0x1C580] =	vst v63  }
.Ltmp5:
0x19c: {  	_ =	swait.ge [sflag:s19], $0x4000;
	(pc) =	sbr.rel @p2 .LBB2_3-.Ltmp5, $4  }
0x19d: {  	[sflag:s19] =	ssyncset.done $0x0  }
0x19e: {  	s10 =	sadd.s32 $0x50, s10;
	[sflag:s19] =	ssyncadd.s32 $0xFFFFC000  }
0x19f: {  	[tilespmem:s28], [sflag:$0x4] =	stream.linear.gather [hbm4b:s10+s5], $0x80, $0x38;
	[tilespmem:$0x1C580] =	vst v63  }
0x1a0: {  	s10 =	sadd.s32 $0x50, s12  }
0x1a1: {  	[tilespmem:s29], [sflag:$0x4] =	stream.linear.gather [hbm4b:s10+s5], $0x80, $0x38;
	[tilespmem:$0x1C580] =	vst v63  }
0x1a2: {  	_ =	swait.ge [sflag:s11], $0x80  }
0x1a3: {  	[sflag:s11] =	ssyncset.done $0x0  }
0x1a4: {  	[sflag:s11] =	ssyncadd.s32 $0xFFFFFF80  }
0x1a5: {  	_ =	swait.ge [sflag:s11], $0x80  }
0x1a6: {  	[sflag:s11] =	ssyncset.done $0x0  }
0x1a7: {  	[sflag:s11] =	ssyncadd.s32 $0xFFFFFF80  }
0x1a8: {  	[tilespmem:s13], [sflag:$0x2] =	stream.indirect.gather [hbm4b:s1+s31], $0x80, s28, s31, $0xb8;
	[tilespmem:$0x1C580] =	vst v63  }
0x1a9: {  	_ =	swait.ge [sflag:s16], $0x4000  }
0x1aa: {  	[sflag:s16] =	ssyncset.done $0x0  }
0x1ab: {  	[sflag:s16] =	ssyncadd.s32 $0xFFFFC000  }
0x1ac: {  	[spmem:s4] =	stream.indirect.scatter.add.f32 [tilespmem:s0], [sflag:$0x7], $0x80, s26, s31, $0xb8;
	[tilespmem:$0x1C580] =	vst v63  }
0x1ad: {  	_ =	swait.ge [sflag:s19], $0x4000  }
0x1ae: {  	[sflag:s19] =	ssyncset.done $0x0  }
0x1af: {  	[sflag:s19] =	ssyncadd.s32 $0xFFFFC000  }
0x1b0: {  	_ =	swait.ge [sflag:s21], $0x4000  }
0x1b1: {  	[sflag:s21] =	ssyncset.done $0x0  }
0x1b2: {  	[sflag:s21] =	ssyncadd.s32 $0xFFFFC000  }
0x1b3: {  	[spmem:s4] =	stream.indirect.scatter.add.f32 [tilespmem:s13], [sflag:$0x7], $0x80, s29, s31, $0xb8;
	[tilespmem:$0x1C580] =	vst v63  }
0x1b4: {  	_ =	swait.ge [sflag:s19], $0x4000  }
0x1b5: {  	[sflag:s19] =	ssyncset.done $0x0  }
0x1b6: {  	s10 =	simm.s32 $0x1BC80;
	s9 =	rddreg [dreg:$0xe];
	[sflag:s19] =	ssyncadd.s32 $0xFFFFC000  }
0x1b7: {  	[tilespmem:s10], [sflag:$0x7] =	stream.linear.gather [hbm4b:s9+s5], $0x10, $0x38;
	[tilespmem:$0x1C580] =	vst v63  }
0x1b8: {  	_ =	swait.ge [sflag:s19], $0x10  }
0x1b9: {  	[sflag:s19] =	ssyncset.done $0x0  }
0x1ba: {  	s12 =	simm.s32 $0x1BD00;
	s15 =	rddreg [dreg:$0xf];
	[sflag:s19] =	ssyncadd.s32 $0xFFFFFFF0  }
0x1bb: {  	[tilespmem:s12], [sflag:$0x7] =	stream.linear.gather [hbm4b:s15+s5], $0x10, $0x38;
	[tilespmem:$0x1C580] =	vst v63  }
0x1bc: {  	_ =	swait.ge [sflag:s19], $0x10  }
0x1bd: {  	[sflag:s19] =	ssyncset.done $0x0  }
0x1be: {  	s9 =	simm.s32 $0x10;
	s15 =	simm.s32 $0x1BD80;
	[sflag:s19] =	ssyncadd.s32 $0xFFFFFFF0  }
0x1bf: {  	[tilespmem:s15], [sflag:$0x1] =	stream.indirect.gather [hbm4b:s1+s9], $0x80, s10, s9, $0xb8;
	[tilespmem:$0x1C580] =	vst v63  }
0x1c0: {  	_ =	swait.ge [sflag:s16], $0x800  }
0x1c1: {  	[sflag:s16] =	ssyncset.done $0x0  }
0x1c2: {  	[sflag:s16] =	ssyncadd.s32 $0xFFFFF800  }
0x1c3: {  	[spmem:s4] =	stream.indirect.scatter.add.f32 [tilespmem:s15], [sflag:$0x7], $0x80, s12, s9, $0xb8;
	[tilespmem:$0x1C580] =	vst v63  }
0x1c4: {  	_ =	swait.ge [sflag:s19], $0x800  }
0x1c5: {  	[sflag:s19] =	ssyncset.done $0x0  }
0x1c6: {  	[sflag:s19] =	ssyncadd.s32 $0xFFFFF800  }
0x1c7: {  	[bflag:$0x0] =	sbarrier.arrive $0xFFFF  }
0x1c8: {  	s9 =	simm.s32 @p1 $0x1FC7;
	s10 =	rddreg [dreg:$0x11]  }
0x1c9: {  	[hbm:s10], [sflag:s9] =	dma.local @p1 [spmem:s8], $0x2800  }
0x1ca: {  	s8 =	simm.s32 @p1 $0x7  }
0x1cb: {  	_ =	swait.ge @p1 [sflag:s8], $0x2800  }
0x1cc: {  	[sflag:s8] =	ssyncset.done @p1 $0x0;
	s9 =	rddreg [dreg:$0x17]  }
0x1cd: {  	[sflag:s8] =	ssyncadd.s32 @p1 $0xFFFFD800;
	s8 =	rddreg [dreg:$0x10]  }
0x1ce: {  	[hbm:s8], [sflag:s22] =	dma.local @!p1 [spmem:s9], $0x2700  }
.Ltmp6:
0x1cf: {  	_ = 	snop;
	(pc) =	sbr.rel .LBB2_8-.Ltmp6, $4  }
0x1d0: {  	s8 =	simm.s32 @!p1 $0x7  }
0x1d1: {  	_ =	swait.ge @!p1 [sflag:s8], $0x2700  }
0x1d2: {  	[sflag:s8] =	ssyncset.done @!p1 $0x0  }
0x1d3: {  	[sflag:s8] =	ssyncadd.s32 @!p1 $0xFFFFD900  }
.LBB2_9:
0x1d4: {  	_ =	sfence.sel $0x180000  }
0x1d5: {  	[bflag:$0x0] =	sbarrier.arrive $0xFFFF  }
0x1d6: {  	_ =	strace $0x9000004D  }
0x1d7: {  	s0 =	stileid.u32;
	[bflag:$0x2] =	sbarrier.arrive $0xFFFF  }
0x1d8: {  	p0 =	sne.s32 s0, $0x0;
	s0 =	rddreg [dreg:$0x5]  }
0x1d9: {  	s0 =	sadd.s32 @!p0 $0x100000, s0  }
0x1da: {  	[sflag:s0] =	ssyncadd.tile.s32 @!p0 $0x1;
	_ =	shalt  }
.Lfunc_end2:
_tile_overlayer_lowered:
.L_overlay_start_2:
0x1db: {  	(tag) =	ssettag $0x2  }
0x1dc: {  	s0 =	rddreg [dreg:$0x0];
	s2 =	stileid.u32  }
0x1dd: {  	s1 =	rddreg [dreg:$0x1];
	p0 =	sne.s32 s2, $0x0  }
0x1de: {  	s3 =	rddreg [dreg:$0x2];
	[bflag:$0x3] =	sbarrier.arrive $0xFFFF;
	s2 =	simm.s32 @!p0 $0x1C07  }
0x1df: {  	[timem:s3], [sflag:s2] =	dma.local @!p0 [hbm:s0], s1  }
0x1e0: {  	s0 =	simm.s32 @!p0 $0x7  }
0x1e1: {  	_ =	swait.ge @!p0 [sflag:s0], s1  }
0x1e2: {  	s1 =	ssub.s32 @!p0 $0x0, s1;
	[sflag:s0] =	ssyncset.done @!p0 $0x0  }
0x1e3: {  	[sflag:s0] =	ssyncadd.s32 @!p0 s1  }
0x1e4: {  	[bflag:$0x3] =	sbarrier.arrive $0xFFFF  }
0x1e5: {  	_ =	shalt  }

// kernel: kernel.8.cloned.1.call-start
scs
__scs_entry_jumppad:
0x0: {  	(pc) =	sbr.rel $0x88, $3  }
0x1: {  	(tag) =	ssettag $0x0;
	lr =	simm.s32 $0x1  }
0x2: {  	[smem:$0x3F8B] =	sst lr;
	_ =	strace $0xD0000000  }
0x3: {  	_ = 	snop  }
0x4: {  	_ = 	snop  }
0x5: {  	_ = 	snop  }
0x6: {  	_ = 	snop  }
0x7: {  	_ = 	snop  }
__scs_overlays_trampoline_lowered:
0x8: {  	[smem:$0x3F9A] =	sst s0  }
0x9: {  	[smem:$0x3F9B] =	sst s1  }
0xa: {  	[smem:$0x3F9C] =	sst s2  }
0xb: {  	[smem:$0x3F9D] =	sst s3  }
0xc: {  	[smem:$0x3F9E] =	sst s4  }
0xd: {  	[smem:$0x3F9F] =	sst s5  }
0xe: {  	[smem:$0x3FA0] =	sst s6  }
0xf: {  	[smem:$0x3FA1] =	sst s7  }
0x10: {  	[smem:$0x3FA2] =	sst s8  }
0x11: {  	[smem:$0x3FA3] =	sst s9;
	s0 =	simm.s32 @!p0 $0x0  }
0x12: {  	s1 =	sld [smem:$0x3F89];
	s0 =	simm.s32 @p0 $0x1  }
0x13: {  	[smem:$0x3FA4] =	sst s0;
	s0 =	simm.s32 @!p1 $0x0  }
0x14: {  	s2 =	sld [smem:$0x3F88];
	s0 =	simm.s32 @p1 $0x1  }
0x15: {  	[smem:$0x3FA5] =	sst s0;
	s0 =	simm.s32 @!p2 $0x0  }
0x16: {  	s3 =	sld [smem:$0x3FDB];
	s0 =	simm.s32 @p2 $0x1  }
0x17: {  	s4 =	simm.s32 $0x1BF5;
	[smem:$0x3FA7] =	sst s0  }
0x18: {  	s0 =	sld [smem:$0x3F8A];
	_ =	swait.ge [sflag:s4], $0x0  }
0x19: {  	s7 =	sld [smem:$0x3F8B]  }
0x1a: {  	s8 =	sadd.s32 $0xFFFFE003, lr  }
0x1b: {  	s9 =	sadd.s32 $0xFFFFFEF7, lr;
	s5 =	simm.s32 $0xFFFFFFFF;
	p2 =	slt.u32 s8, $0xFFFFF086  }
0x1c: {  	p1 =	slt.u32 s9, $0xF7A;
	s5 =	simm.s32 @!p2 $0x0  }
0x1d: {  	s5 =	simm.s32 @p1 $0x1;
	p0 =	seq.s32 s7, s2  }
0x1e: {  	s7 =	smul.u32 @!p0 $0xF7A, s2;
	p2 =	seq.s32 @!p0 s5, $0x0  }
0x1f: {  	s9 =	smul.u32 $0xF7A, s1;
	s8 =	simm.s32 @!p0 $0x1BF5;
	p2 =	por !p2, p0  }
0x20: {  	[sflag:s8] =	ssyncset.s32 @!p0 $0xFFFFF086;
	s6 =	sadd.s32 @!p0 s3, s7;
	s7 =	simm.s32 @!p0 $0x108  }
0x21: {  	s3 =	sadd.s32 s3, s9;
	s6 =	sadd.s32 @!p0 $0x88, s6;
	s7 =	simm.s32 @p2 $0x1082  }
0x22: {  	[simem:s7], [sflag:s8] =	dma.local @!p0 [hbm:s6], $0xF7A  }
0x23: {  	s9 =	sor.u32 $0xD0000000, s2;
	s6 =	simm.s32 $0x108;
	_ =	swait.ge @!p0 [sflag:s8], $0x0  }
0x24: {  	s3 =	sadd.s32 $0x88, s3;
	s6 =	simm.s32 @!p1 $0x1082;
	[sflag:s4] =	ssyncset.s32 $0xFFFFF086  }
0x25: {  	[simem:s6], [sflag:s4] =	dma.local [hbm:s3], $0xF7A  }
0x26: {  	[smem:$0x3F8B] =	sst s1;
	(tag) =	ssettag s2;
	_ =	strace s9  }
0x27: {  	s1 =	sld [smem:$0x3F9B]  }
0x28: {  	s2 =	sld [smem:$0x3F9C]  }
0x29: {  	s4 =	sld [smem:$0x3F9E]  }
0x2a: {  	p0 =	seq.s32 s5, $0x0;
	s5 =	sld [smem:$0x3F9F]  }
0x2b: {  	s6 =	sld [smem:$0x3FA0]  }
0x2c: {  	s7 =	sld [smem:$0x3FA1]  }
0x2d: {  	s3 =	simm.s32 $0x108;
	s8 =	sld [smem:$0x3FA2]  }
0x2e: {  	s3 =	simm.s32 @!p0 $0x1082;
	s9 =	sld [smem:$0x3FA3]  }
0x2f: {  	lr =	sadd.s32 s0, s3;
	s0 =	sld [smem:$0x3F9A]  }
0x30: {  	s3 =	sld [smem:$0x3F9D]  }
0x31: {  	[smem:$0x3FA6] =	sst s10  }
0x32: {  	s10 =	sld [smem:$0x3FA4];
	_ =	sdelay $0x3  }
0x33: {  	p0 =	seq.s32 s10, $0x1;
	s10 =	sld [smem:$0x3FA6];
	_ =	sdelay $0x3  }
0x34: {  	[smem:$0x3FA6] =	sst s10  }
0x35: {  	s10 =	sld [smem:$0x3FA5];
	_ =	sdelay $0x3  }
0x36: {  	p1 =	seq.s32 s10, $0x1;
	s10 =	sld [smem:$0x3FA6];
	_ =	sdelay $0x3  }
0x37: {  	[smem:$0x3FA6] =	sst s10  }
0x38: {  	s10 =	sld [smem:$0x3FA7]  }
0x39: {  	_ = 	snop;
	(pc) =	sbr.ind lr, $3  }
0x3a: {  	_ = 	snop  }
0x3b: {  	_ = 	snop  }
0x3c: {  	p2 =	seq.s32 s10, $0x1;
	s10 =	sld [smem:$0x3FA6]  }
0x3d: {  	_ =	shalt  }
0x3e: {  	_ =	shalt  }
0x3f: {  	_ =	shalt  }
0x40: {  	_ =	shalt  }
0x41: {  	_ =	shalt  }
0x42: {  	_ =	shalt  }
0x43: {  	_ =	shalt  }
0x44: {  	_ =	shalt  }
0x45: {  	_ =	shalt  }
0x46: {  	_ =	shalt  }
0x47: {  	_ =	shalt  }
0x48: {  	_ =	shalt  }
0x49: {  	_ =	shalt  }
0x4a: {  	_ =	shalt  }
0x4b: {  	_ =	shalt  }
0x4c: {  	_ =	shalt  }
0x4d: {  	_ =	shalt  }
0x4e: {  	_ =	shalt  }
0x4f: {  	_ =	shalt  }
0x50: {  	_ =	shalt  }
0x51: {  	_ =	shalt  }
0x52: {  	_ =	shalt  }
0x53: {  	_ =	shalt  }
0x54: {  	_ =	shalt  }
0x55: {  	_ =	shalt  }
0x56: {  	_ =	shalt  }
0x57: {  	_ =	shalt  }
0x58: {  	_ =	shalt  }
0x59: {  	_ =	shalt  }
0x5a: {  	_ =	shalt  }
0x5b: {  	_ =	shalt  }
0x5c: {  	_ =	shalt  }
0x5d: {  	_ =	shalt  }
0x5e: {  	_ =	shalt  }
0x5f: {  	_ =	shalt  }
0x60: {  	_ =	shalt  }
0x61: {  	_ =	shalt  }
0x62: {  	_ =	shalt  }
0x63: {  	_ =	shalt  }
0x64: {  	_ =	shalt  }
0x65: {  	_ =	shalt  }
0x66: {  	_ =	shalt  }
0x67: {  	_ =	shalt  }
0x68: {  	_ =	shalt  }
0x69: {  	_ =	shalt  }
0x6a: {  	_ =	shalt  }
0x6b: {  	_ =	shalt  }
0x6c: {  	_ =	shalt  }
0x6d: {  	_ =	shalt  }
0x6e: {  	_ =	shalt  }
0x6f: {  	_ =	shalt  }
0x70: {  	_ =	shalt  }
0x71: {  	_ =	shalt  }
0x72: {  	_ =	shalt  }
0x73: {  	_ =	shalt  }
0x74: {  	_ =	shalt  }
0x75: {  	_ =	shalt  }
0x76: {  	_ =	shalt  }
0x77: {  	_ =	shalt  }
0x78: {  	_ =	shalt  }
0x79: {  	_ =	shalt  }
0x7a: {  	_ =	shalt  }
0x7b: {  	_ =	shalt  }
0x7c: {  	_ =	shalt  }
0x7d: {  	_ =	shalt  }
0x7e: {  	_ =	shalt  }
0x7f: {  	_ =	shalt  }
0x80: {  	_ =	shalt  }
0x81: {  	_ =	shalt  }
0x82: {  	_ =	shalt  }
0x83: {  	_ =	shalt  }
0x84: {  	_ =	shalt  }
0x85: {  	_ =	shalt  }
0x86: {  	_ =	shalt  }
0x87: {  	_ =	shalt  }
.Lfunc_end0:
.L_simem_size_0:
called_computation_lowered:
.L_overlay_start_0:
0x88: {  	s2 =	sld [smem:$0x3FD9]  }
0x89: {  	s3 =	sld [smem:$0x3FFE];
	_ =	sdelay $0x1  }
0x8a: {  	s1 =	srdreg.scid  }
0x8b: {  	s0 =	sand.u32 $0x1, s1  }
0x8c: {  	s14 =	sshll.u32 s0, $0xA;
	s2 =	sadd.s32 s3, s2  }
0x8d: {  	s2 =	sadd.s32 s2, s14  }
0x8e: {  	[smem:$0x3FB2] =	sst s2  }
0x8f: {  	_ = 	snop  }
0x90: {  	s2 =	sld [smem:$0x3FD0];
	_ =	sdelay $0x2  }
0x91: {  	s15 =	simm.s32 $0xA;
	s4 =	simm.s32 $0x10  }
0x92: {  	[smem:s4], [sflag:s15] =	dma.local [hbm:s2], $0x1  }
0x93: {  	_ =	swait.eq [sflag:s15], $0x1  }
0x94: {  	[sflag:s15] =	ssyncset.done $0x0  }
0x95: {  	s16 =	sld [smem:$0x11];
	[sflag:s15] =	ssyncadd.s32 $0xFFFFFFFF  }
0x96: {  	s17 =	sld [smem:$0x12];
	(tm) =	ssettm $0x1  }
0x97: {  	s18 =	sld [smem:$0x3FFB];
	_ =	sdelay $0x3  }
0x98: {  	_ =	strace s18  }
0x99: {  	s4 =	sld [smem:$0x3FFC];
	_ =	sdelay $0x3  }
0x9a: {  	_ =	strace s4  }
0x9b: {  	s4 =	sld [smem:$0x3FFD];
	_ =	sdelay $0x3  }
0x9c: {  	_ =	strace s4  }
0x9d: {  	_ =	strace $0x8FFFFFFF  }
0x9e: {  	s19 =	sld [smem:$0x3FDB];
	_ =	sdelay $0x1  }
0x9f: {  	s5 =	simm.s32 $_scs_section_size  }
0xa0: {  	s6 =	simm.s32 $_size__tile_overlayer_lowered;
	s7 =	simm.s32 $_tile_overlayer_lowered  }
0xa1: {  	s22 =	simm.s32 $0x1BFF;
	s21 =	sshll.u32 s7, $0x1;
	s4 =	sadd.s32 s5, s19  }
0xa2: {  	s8 =	simm.s32 $0x0;
	s20 =	sshll.u32 s6, $0x1;
	s6 =	sadd.s32 s21, s4  }
0xa3: {  	[timem:s8], [sflag:s22] =	dma.local [hbm:s6], s20  }
0xa4: {  	_ =	swait.ge [sflag:s22], s20  }
0xa5: {  	s5 =	ssub.s32 $0x0, s20;
	[sflag:s22] =	ssyncset.done $0x0  }
0xa6: {  	[sflag:s22] =	ssyncadd.s32 s5;
	_ =	sdelay $0x1  }
0xa7: {  	s23 =	simm.s32 $0x1B8B  }
0xa8: {  	_ =	swait.ge [sflag:s23], $0x1  }
0xa9: {  	[sflag:s23] =	ssyncset.done $0x0  }
0xaa: {  	s25 =	simm.s32 $0x1B8E;
	s24 =	sld [smem:$0x3FFE];
	[sflag:s23] =	ssyncadd.s32 $0xFFFFFFFF  }
0xab: {  	s26 =	simm.s32 $execute0_lowered;
	[smem:$0x3FD2] =	sst s25  }
0xac: {  	s6 =	sshll.u32 s26, $0x1;
	_ =	strace $0x80000046;
	[dreg:$0x1] =	wrdreg $0xFFFFFFFF  }
0xad: {  	s28 =	simm.s32 $_size_execute0_lowered;
	s4 =	sadd.s32 s4, s6;
	[dreg:$0x0] =	wrdreg $0x0  }
0xae: {  	s6 =	sshll.u32 s28, $0x1;
	[dreg:$0x2] =	wrdreg s4  }
0xaf: {  	[dreg:$0x3] =	wrdreg s6  }
0xb0: {  	[dreg:$0x4] =	wrdreg $0xC0  }
0xb1: {  	_ =	task [dreg:s8], $0x5FFFF  }
0xb2: {  	[dreg:$0x1] =	wrdreg $0xFFFFFFFF  }
0xb3: {  	[dreg:$0x0] =	wrdreg $0x60  }
0xb4: {  	[dreg:$0x2] =	wrdreg s24  }
0xb5: {  	[dreg:$0x3] =	wrdreg s17  }
0xb6: {  	[dreg:$0x4] =	wrdreg s16  }
0xb7: {  	[dreg:$0x5] =	wrdreg $0x0  }
0xb8: {  	[dreg:$0x6] =	wrdreg $0x9  }
0xb9: {  	_ =	task.clear_ibuf [dreg:s8], $0x7FFFF;
	_ =	strace $0x90000046  }
0xba: {  	s29 =	simm.s32 $0x9;
	_ =	strace $0x80000048  }
0xbb: {  	_ =	swait.ge [sflag:s29], $0x1  }
0xbc: {  	[sflag:s29] =	ssyncadd.s32 $0xFFFFFFFF  }
0xbd: {  	_ =	strace $0x90000048  }
0xbe: {  	_ =	sfence  }
0xbf: {  	s30 =	sld [smem:$0x0];
	_ =	sdelay $0x2  }
0xc0: {  	s31 =	sshll.u32 s1, $0xD;
	s1 =	sshrl.u32 s1, $0x2  }
0xc1: {  	s3 =	sand.u32 $0x4000, s31;
	s1 =	sadd.s32 s1, s30  }
0xc2: {  	s0 =	sor.u32 s3, s0;
	s1 =	sshll.u32 s1, $0x11  }
0xc3: {  	s0 =	sor.u32 s1, s0  }
0xc4: {  	s0 =	sadd.s32 $0x8F2B, s0  }
0xc5: {  	[sflag:s0] =	ssyncadd.remote.s32 $0x1  }
0xc6: {  	_ =	sfence.sel $0xFFFF  }
0xc7: {  	[dreg:$0x0] =	wrdreg $0xFFFFFFFF;
	(pc) =	sbr.abs _section_cstart, $3  }
0xc8: {  	[dreg:$0x1] =	wrdreg $0xFFFFFFFF  }
0xc9: {  	_ =	task.clear_ibuf [dreg:s8], $0x2FFFF;
	_ =	strace $0x9FFFFFFF  }
0xca: {  	(tm) =	ssettm $0x7FFFFFFF  }
0xcb: {  	_ =	shalt  }
tec
execute0_lowered:
.L_overlay_start_1:
0x0: {  	(tag) =	ssettag $0x1  }
0x1: {  	s0 =	rddreg [dreg:$0x0]  }
0x2: {  	s1 =	rddreg [dreg:$0x1]  }
0x3: {  	s2 =	rddreg [dreg:$0x3];
	s3 =	srdreg.scid;
	s4 =	simm.s32 $0x0  }
0x4: {  	s28 =	simm.s32 $0x13980;
	s29 =	simm.s32 $0x1;
	s7 =	sand.u32 $0x1, s3  }
0x5: {  	s30 =	simm.s32 $0x80;
	s3 =	stileid.u32;
	s6 =	smul.u32 $0x13880, s7  }
0x6: {  	s31 =	simm.s32 $0x13A00;
	[smem:$0x7FF] =	sst s4;
	s8 =	smul.u32 $0x1388, s3  }
0x7: {  	s5 =	sadd.s32 $0x5E00, s0;
	s22 =	sadd.s32 $0x2F700, s0;
	s9 =	smul.u32 $0x2700, s3  }
0x8: {  	_ =	strace $0x80000047;
	s17 =	smul.u32 $0x4E000, s3;
	s10 =	ssub.s32 $0x2, s7  }
0x9: {  	p4 =	seq.s32 s7, $0x1;
	[dreg:$0xb] =	wrdreg s22;
	p0 =	seq.s32 s3, $0xF  }
0xa: {  	s13 =	sshrl.u32 s10, $0x1;
	p2 =	seq.s32 @p4 s3, $0xF;
	p5 =	seq.s32 @!p4 s3, $0xF  }
0xb: {  	s11 =	sadd.s32 s8, s6;
	s12 =	sadd.s32 s9, s0;
	s8 =	sshrl.u32 s17, $0x2  }
0xc: {  	s13 =	ssub.s32 s10, s13;
	s9 =	sadd.s32 s1, s9;
	s10 =	sadd.s32 $0x124800, s2  }
0xd: {  	s1 =	sadd.s32 $0x24900, s1;
	s0 =	sadd.s32 $0x56900, s0;
	p1 =	por !p2, !p4  }
0xe: {  	p2 =	por p2, !p4;
	p3 =	por !p5, p4;
	p4 =	por p5, p4  }
0xf: {  	s6 =	sshrl.u32 s11, $0x3;
	s8 =	sadd.s32 s8, s2;
	[dreg:$0x6] =	wrdreg s9  }
0x10: {  	[dreg:$0x7] =	wrdreg s1;
	s21 =	sadd.s32 $0xAE00, s12;
	s23 =	sadd.s32 $0x32000, s12  }
0x11: {  	[dreg:$0xd] =	wrdreg s0;
	s24 =	sadd.s32 $0x280, s11;
	s25 =	sadd.s32 $0x100, s11  }
0x12: {  	s26 =	sadd.s32 $0x180, s11;
	s9 =	simm.s32 $0x17A80;
	[dreg:$0xa] =	wrdreg s21  }
0x13: {  	s6 =	sadd.s32 s5, s6;
	[dreg:$0xc] =	wrdreg s23;
	s0 =	sshrl.u32 s24, $0x3  }
0x14: {  	s1 =	sshrl.u32 s25, $0x3;
	s7 =	sshrl.u32 s26, $0x3;
	s23 =	simm.s32 $0x13880  }
0x15: {  	s24 =	simm.s32 $0x13900;
	s25 =	simm.s32 $0x13A80;
	s26 =	simm.s32 $0x5  }
0x16: {  	s18 =	sadd.s32 $0x10, s6;
	s19 =	sadd.s32 $0x260, s6;
	s20 =	sadd.s32 $0x270, s6  }
0x17: {  	s21 =	sadd.s32 s1, s5;
	s22 =	sadd.s32 s7, s5;
	[dreg:$0x5] =	wrdreg s18  }
0x18: {  	s1 =	simm.s32 $0x3;
	s7 =	simm.s32 $0x4;
	[dreg:$0x8] =	wrdreg s19  }
0x19: {  	[dreg:$0x9] =	wrdreg s20;
	s18 =	smax.u32 s13, $0x1;
	s19 =	sadd.s32 $0x200, s11  }
0x1a: {  	s20 =	sadd.s32 s0, s5;
	s0 =	simm.s32 $0x2;
	s11 =	simm.s32 $0x0  }
.LBB2_1:
0x1b: {  	[tilespmem:s23], [sflag:$0x1] =	stream.linear.gather [hbm4b:s6+s4], $0x80, $0x38;
	[tilespmem:$0x17B00] =	vst v63  }
0x1c: {  	s12 =	rddreg [dreg:$0x5]  }
0x1d: {  	[tilespmem:s24], [sflag:$0x2] =	stream.linear.gather [hbm4b:s12+s4], $0x80, $0x38;
	[tilespmem:$0x17B00] =	vst v63  }
0x1e: {  	s13 =	simm.s32 @p0 $0x1FC5;
	s14 =	rddreg [dreg:$0x7];
	s12 =	sshrl.u32 @p0 s10, $0x3  }
0x1f: {  	[spmem:s12], [sflag:s13] =	dma.local @p0 [hbm:s14], $0x2800  }
0x20: {  	s12 =	simm.s32 @p0 $0x5  }
0x21: {  	_ =	swait.ge @p0 [sflag:s12], $0x2800  }
0x22: {  	s13 =	sshll.u32 @!p0 s3, $0x6;
	[sflag:s12] =	ssyncset.done @p0 $0x0;
	s14 =	rddreg [dreg:$0x6]  }
0x23: {  	[sflag:s12] =	ssyncadd.s32 @p0 $0xFFFFD800;
	s12 =	sor.u32 @!p0 $0x1C05, s13;
	s13 =	sshrl.u32 @!p0 s8, $0x3  }
0x24: {  	[spmem:s13], [sflag:s12] =	dma.local @!p0 [hbm:s14], $0x2700  }
0x25: {  	s12 =	simm.s32 @!p0 $0x5  }
0x26: {  	_ =	swait.ge @!p0 [sflag:s12], $0x2700  }
0x27: {  	[sflag:s12] =	ssyncset.done @!p0 $0x0  }
0x28: {  	[sflag:s12] =	ssyncadd.s32 @!p0 $0xFFFFD900  }
0x29: {  	s12 =	rddreg [dreg:$0x2]  }
0x2a: {  	[tilespmem:s25], [sflag:$0x5] =	stream.linear.gather [hbm4b:s12+s4], $0x4000, $0x38;
	[tilespmem:$0x17B00] =	vst v63  }
0x2b: {  	_ =	swait.ge [sflag:s26], $0x4000  }
0x2c: {  	[sflag:s26] =	ssyncset.done $0x0  }
0x2d: {  	[sflag:s26] =	ssyncadd.s32 $0xFFFFC000  }
0x2e: {  	s14 =	sadd.s32 $0x0, s21;
	[bflag:$0x0] =	sbarrier.arrive $0xFFFF  }
0x2f: {  	[tilespmem:s28], [sflag:$0x3] =	stream.linear.gather [hbm4b:s14+s4], $0x80, $0x38;
	[tilespmem:$0x17B00] =	vst v63  }
0x30: {  	_ =	swait.ge [sflag:s29], $0x80  }
0x31: {  	[sflag:s29] =	ssyncset.done $0x0  }
0x32: {  	[sflag:s29] =	ssyncadd.s32 $0xFFFFFF80  }
0x33: {  	[spmem:s2] =	stream.indirect.scatter.add.f32 [tilespmem:s25], [sflag:$0x5], $0x80, s23, s30, $0xb8;
	[tilespmem:$0x17B00] =	vst v63  }
0x34: {  	_ =	swait.ge [sflag:s26], $0x4000  }
0x35: {  	[sflag:s26] =	ssyncset.done $0x0  }
0x36: {  	s15 =	sadd.s32 $0x0, s22;
	[sflag:s26] =	ssyncadd.s32 $0xFFFFC000  }
0x37: {  	[tilespmem:s31], [sflag:$0x4] =	stream.linear.gather [hbm4b:s15+s4], $0x80, $0x38;
	[tilespmem:$0x17B00] =	vst v63  }
0x38: {  	_ =	swait.ge [sflag:s0], $0x80  }
0x39: {  	[sflag:s0] =	ssyncset.done $0x0  }
0x3a: {  	[sflag:s0] =	ssyncadd.s32 $0xFFFFFF80  }
0x3b: {  	[spmem:s2] =	stream.indirect.scatter.add.f32 [tilespmem:s25], [sflag:$0x5], $0x80, s24, s30, $0xb8;
	[tilespmem:$0x17B00] =	vst v63  }
0x3c: {  	_ =	swait.ge [sflag:s26], $0x4000  }
0x3d: {  	s16 =	sshrl.u32 s19, $0x3;
	[sflag:s26] =	ssyncset.done $0x0  }
0x3e: {  	s12 =	sadd.s32 s5, s16;
	[sflag:s26] =	ssyncadd.s32 $0xFFFFC000  }
0x3f: {  	[tilespmem:s23], [sflag:$0x1] =	stream.linear.gather [hbm4b:s12+s4], $0x80, $0x38;
	[tilespmem:$0x17B00] =	vst v63  }
0x40: {  	_ =	swait.ge [sflag:s1], $0x80  }
0x41: {  	[sflag:s1] =	ssyncset.done $0x0  }
0x42: {  	[sflag:s1] =	ssyncadd.s32 $0xFFFFFF80  }
0x43: {  	[spmem:s2] =	stream.indirect.scatter.add.f32 [tilespmem:s25], [sflag:$0x5], $0x80, s28, s30, $0xb8;
	[tilespmem:$0x17B00] =	vst v63  }
0x44: {  	_ =	swait.ge [sflag:s26], $0x4000  }
0x45: {  	[sflag:s26] =	ssyncset.done $0x0  }
0x46: {  	s17 =	sadd.s32 $0x0, s20;
	[sflag:s26] =	ssyncadd.s32 $0xFFFFC000  }
0x47: {  	[tilespmem:s24], [sflag:$0x2] =	stream.linear.gather [hbm4b:s17+s4], $0x80, $0x38;
	[tilespmem:$0x17B00] =	vst v63  }
0x48: {  	_ =	swait.ge [sflag:s7], $0x80  }
0x49: {  	[sflag:s7] =	ssyncset.done $0x0  }
0x4a: {  	[sflag:s7] =	ssyncadd.s32 $0xFFFFFF80  }
0x4b: {  	[spmem:s2] =	stream.indirect.scatter.add.f32 [tilespmem:s25], [sflag:$0x5], $0x80, s31, s30, $0xb8;
	[tilespmem:$0x17B00] =	vst v63  }
0x4c: {  	s13 =	sadd.s32 $0x200, s19;
	_ =	swait.ge [sflag:s26], $0x4000  }
0x4d: {  	s14 =	simm.s32 $0x80;
	s12 =	simm.s32 $0x40;
	[sflag:s26] =	ssyncset.done $0x0  }
.LBB2_2:
0x4e: {  	s16 =	sadd.s32 s12, s21  }
0x4f: {  	[sflag:s26] =	ssyncadd.s32 $0xFFFFC000;
	s17 =	smov.u32 s14;
	s15 =	sadd.s32 $0x40, s14  }
0x50: {  	[tilespmem:s28], [sflag:$0x3] =	stream.linear.gather [hbm4b:s16+s4], $0x80, $0x38;
	[tilespmem:$0x17B00] =	vst v63  }
0x51: {  	p5 =	sne.s32 s14, $0x200;
	_ =	swait.ge [sflag:s29], $0x80  }
0x52: {  	[sflag:s29] =	ssyncset.done $0x0  }
0x53: {  	[sflag:s29] =	ssyncadd.s32 $0xFFFFFF80  }
0x54: {  	[spmem:s2] =	stream.indirect.scatter.add.f32 [tilespmem:s25], [sflag:$0x5], $0x80, s23, s30, $0xb8;
	[tilespmem:$0x17B00] =	vst v63  }
0x55: {  	_ =	swait.ge [sflag:s26], $0x4000  }
0x56: {  	[sflag:s26] =	ssyncset.done $0x0  }
0x57: {  	s14 =	sadd.s32 s12, s22;
	[sflag:s26] =	ssyncadd.s32 $0xFFFFC000  }
0x58: {  	[tilespmem:s31], [sflag:$0x4] =	stream.linear.gather [hbm4b:s14+s4], $0x80, $0x38;
	[tilespmem:$0x17B00] =	vst v63  }
0x59: {  	_ =	swait.ge [sflag:s0], $0x80  }
0x5a: {  	[sflag:s0] =	ssyncset.done $0x0  }
0x5b: {  	[sflag:s0] =	ssyncadd.s32 $0xFFFFFF80  }
0x5c: {  	[spmem:s2] =	stream.indirect.scatter.add.f32 [tilespmem:s25], [sflag:$0x5], $0x80, s24, s30, $0xb8;
	[tilespmem:$0x17B00] =	vst v63  }
0x5d: {  	_ =	swait.ge [sflag:s26], $0x4000  }
0x5e: {  	s14 =	sshrl.u32 s13, $0x3;
	[sflag:s26] =	ssyncset.done $0x0  }
0x5f: {  	s14 =	sadd.s32 s5, s14;
	[sflag:s26] =	ssyncadd.s32 $0xFFFFC000  }
0x60: {  	[tilespmem:s23], [sflag:$0x1] =	stream.linear.gather [hbm4b:s14+s4], $0x80, $0x38;
	[tilespmem:$0x17B00] =	vst v63  }
0x61: {  	_ =	swait.ge [sflag:s1], $0x80  }
0x62: {  	[sflag:s1] =	ssyncset.done $0x0  }
0x63: {  	[sflag:s1] =	ssyncadd.s32 $0xFFFFFF80  }
0x64: {  	[spmem:s2] =	stream.indirect.scatter.add.f32 [tilespmem:s25], [sflag:$0x5], $0x80, s28, s30, $0xb8;
	[tilespmem:$0x17B00] =	vst v63  }
0x65: {  	_ =	swait.ge [sflag:s26], $0x4000  }
0x66: {  	[sflag:s26] =	ssyncset.done $0x0  }
0x67: {  	s14 =	sadd.s32 s12, s20;
	s12 =	smov.u32 s17;
	[sflag:s26] =	ssyncadd.s32 $0xFFFFC000  }
0x68: {  	[tilespmem:s24], [sflag:$0x2] =	stream.linear.gather [hbm4b:s14+s4], $0x80, $0x38;
	[tilespmem:$0x17B00] =	vst v63  }
0x69: {  	_ =	swait.ge [sflag:s7], $0x80  }
.Ltmp0:
0x6a: {  	[sflag:s7] =	ssyncset.done $0x0;
	(pc) =	sbr.rel @p5 .LBB2_2-.Ltmp0, $4  }
0x6b: {  	[sflag:s7] =	ssyncadd.s32 $0xFFFFFF80  }
0x6c: {  	[spmem:s2] =	stream.indirect.scatter.add.f32 [tilespmem:s25], [sflag:$0x5], $0x80, s31, s30, $0xb8;
	[tilespmem:$0x17B00] =	vst v63  }
0x6d: {  	_ =	swait.ge [sflag:s26], $0x4000  }
0x6e: {  	s13 =	sadd.s32 $0x200, s13;
	s14 =	smov.u32 s15;
	[sflag:s26] =	ssyncset.done $0x0  }
0x6f: {  	s14 =	sadd.s32 s12, s21;
	[sflag:s26] =	ssyncadd.s32 $0xFFFFC000  }
0x70: {  	[tilespmem:s28], [sflag:$0x3] =	stream.linear.gather [hbm4b:s14+s4], $0x80, $0x38;
	[tilespmem:$0x17B00] =	vst v63  }
0x71: {  	_ =	swait.ge [sflag:s29], $0x80  }
0x72: {  	[sflag:s29] =	ssyncset.done $0x0  }
0x73: {  	[sflag:s29] =	ssyncadd.s32 $0xFFFFFF80  }
0x74: {  	[spmem:s2] =	stream.indirect.scatter.add.f32 [tilespmem:s25], [sflag:$0x5], $0x80, s23, s30, $0xb8;
	[tilespmem:$0x17B00] =	vst v63  }
0x75: {  	_ =	swait.ge [sflag:s26], $0x4000  }
0x76: {  	[sflag:s26] =	ssyncset.done $0x0  }
0x77: {  	s17 =	sadd.s32 s12, s22;
	[sflag:s26] =	ssyncadd.s32 $0xFFFFC000  }
0x78: {  	[tilespmem:s31], [sflag:$0x4] =	stream.linear.gather [hbm4b:s17+s4], $0x80, $0x38;
	[tilespmem:$0x17B00] =	vst v63  }
0x79: {  	_ =	swait.ge [sflag:s0], $0x80  }
0x7a: {  	[sflag:s0] =	ssyncset.done $0x0  }
0x7b: {  	[sflag:s0] =	ssyncadd.s32 $0xFFFFFF80  }
0x7c: {  	[spmem:s2] =	stream.indirect.scatter.add.f32 [tilespmem:s25], [sflag:$0x5], $0x80, s24, s30, $0xb8;
	[tilespmem:$0x17B00] =	vst v63  }
0x7d: {  	_ =	swait.ge [sflag:s26], $0x4000  }
0x7e: {  	s13 =	sshrl.u32 s13, $0x3;
	[sflag:s26] =	ssyncset.done $0x0  }
0x7f: {  	s13 =	sadd.s32 s5, s13;
	[sflag:s26] =	ssyncadd.s32 $0xFFFFC000  }
0x80: {  	[tilespmem:s23], [sflag:$0x1] =	stream.linear.gather [hbm4b:s13+s4], $0x80, $0x38;
	[tilespmem:$0x17B00] =	vst v63  }
0x81: {  	_ =	swait.ge [sflag:s1], $0x80  }
0x82: {  	[sflag:s1] =	ssyncset.done $0x0  }
0x83: {  	[sflag:s1] =	ssyncadd.s32 $0xFFFFFF80  }
0x84: {  	[spmem:s2] =	stream.indirect.scatter.add.f32 [tilespmem:s25], [sflag:$0x5], $0x80, s28, s30, $0xb8;
	[tilespmem:$0x17B00] =	vst v63  }
0x85: {  	_ =	swait.ge [sflag:s26], $0x4000  }
0x86: {  	[sflag:s26] =	ssyncset.done $0x0  }
0x87: {  	s14 =	sadd.s32 s12, s20;
	[sflag:s26] =	ssyncadd.s32 $0xFFFFC000  }
0x88: {  	[tilespmem:s24], [sflag:$0x2] =	stream.linear.gather [hbm4b:s14+s4], $0x80, $0x38;
	[tilespmem:$0x17B00] =	vst v63  }
0x89: {  	_ =	swait.ge [sflag:s7], $0x80  }
0x8a: {  	[sflag:s7] =	ssyncset.done $0x0  }
0x8b: {  	[sflag:s7] =	ssyncadd.s32 $0xFFFFFF80  }
0x8c: {  	[spmem:s2] =	stream.indirect.scatter.add.f32 [tilespmem:s25], [sflag:$0x5], $0x80, s31, s30, $0xb8;
	[tilespmem:$0x17B00] =	vst v63  }
0x8d: {  	_ =	swait.ge [sflag:s26], $0x4000  }
0x8e: {  	[sflag:s26] =	ssyncset.done $0x0  }
0x8f: {  	s15 =	rddreg [dreg:$0x8];
	[sflag:s26] =	ssyncadd.s32 $0xFFFFC000  }
0x90: {  	[tilespmem:s28], [sflag:$0x3] =	stream.linear.gather [hbm4b:s15+s4], $0x80, $0x38;
	[tilespmem:$0x17B00] =	vst v63  }
0x91: {  	_ =	swait.ge [sflag:s29], $0x80  }
0x92: {  	[sflag:s29] =	ssyncset.done $0x0  }
0x93: {  	[sflag:s29] =	ssyncadd.s32 $0xFFFFFF80  }
0x94: {  	[spmem:s2] =	stream.indirect.scatter.add.f32 [tilespmem:s25], [sflag:$0x5], $0x80, s23, s30, $0xb8;
	[tilespmem:$0x17B00] =	vst v63  }
0x95: {  	_ =	swait.ge [sflag:s26], $0x4000  }
0x96: {  	[sflag:s26] =	ssyncset.done $0x0  }
0x97: {  	[sflag:s26] =	ssyncadd.s32 $0xFFFFC000  }
0x98: {  	_ =	swait.ge [sflag:s0], $0x80  }
0x99: {  	[sflag:s0] =	ssyncset.done $0x0  }
0x9a: {  	[sflag:s0] =	ssyncadd.s32 $0xFFFFFF80  }
0x9b: {  	[spmem:s2] =	stream.indirect.scatter.add.f32 [tilespmem:s25], [sflag:$0x5], $0x80, s24, s30, $0xb8;
	[tilespmem:$0x17B00] =	vst v63  }
0x9c: {  	_ =	swait.ge [sflag:s26], $0x4000  }
0x9d: {  	[sflag:s26] =	ssyncset.done $0x0  }
0x9e: {  	[sflag:s26] =	ssyncadd.s32 $0xFFFFC000  }
0x9f: {  	_ =	swait.ge [sflag:s1], $0x80  }
0xa0: {  	[sflag:s1] =	ssyncset.done $0x0  }
0xa1: {  	[sflag:s1] =	ssyncadd.s32 $0xFFFFFF80  }
0xa2: {  	[spmem:s2] =	stream.indirect.scatter.add.f32 [tilespmem:s25], [sflag:$0x5], $0x80, s28, s30, $0xb8;
	[tilespmem:$0x17B00] =	vst v63  }
0xa3: {  	_ =	swait.ge [sflag:s26], $0x4000  }
0xa4: {  	[sflag:s26] =	ssyncset.done $0x0  }
0xa5: {  	s16 =	rddreg [dreg:$0x9];
	[sflag:s26] =	ssyncadd.s32 $0xFFFFC000  }
0xa6: {  	[tilespmem:s9], [sflag:$0x5] =	stream.linear.gather [hbm4b:s16+s4], $0x8, $0x38;
	[tilespmem:$0x17B00] =	vst v63  }
0xa7: {  	_ =	swait.ge [sflag:s26], $0x8  }
0xa8: {  	[sflag:s26] =	ssyncset.done $0x0  }
0xa9: {  	s17 =	simm.s32 $0x8;
	[sflag:s26] =	ssyncadd.s32 $0xFFFFFFF8  }
0xaa: {  	[spmem:s2] =	stream.indirect.scatter.add.f32 [tilespmem:s25], [sflag:$0x5], $0x80, s9, s17, $0xb8;
	[tilespmem:$0x17B00] =	vst v63  }
0xab: {  	_ =	swait.ge [sflag:s26], $0x400  }
0xac: {  	[sflag:s26] =	ssyncset.done $0x0  }
0xad: {  	[sflag:s26] =	ssyncadd.s32 $0xFFFFFC00  }
0xae: {  	[bflag:$0x0] =	sbarrier.arrive $0xFFFF  }
0xaf: {  	s12 =	sshrl.u32 @!p1 s10, $0x3;
	s13 =	simm.s32 @!p1 $0x1FC5;
	s14 =	rddreg [dreg:$0xd]  }
0xb0: {  	[hbm:s14], [sflag:s13] =	dma.local @!p1 [spmem:s12], $0x2800  }
0xb1: {  	s12 =	simm.s32 @!p1 $0x5  }
0xb2: {  	_ =	swait.ge @!p1 [sflag:s12], $0x2800  }
0xb3: {  	s13 =	sshll.u32 @!p2 s3, $0x6;
	[sflag:s12] =	ssyncset.done @!p1 $0x0;
	s14 =	rddreg [dreg:$0xc]  }
0xb4: {  	[sflag:s12] =	ssyncadd.s32 @!p1 $0xFFFFD800;
	s12 =	sor.u32 @!p2 $0x1C05, s13;
	s13 =	sshrl.u32 @!p2 s8, $0x3  }
0xb5: {  	[hbm:s14], [sflag:s12] =	dma.local @!p2 [spmem:s13], $0x2700  }
0xb6: {  	s12 =	simm.s32 @!p2 $0x5  }
0xb7: {  	_ =	swait.ge @!p2 [sflag:s12], $0x2700  }
0xb8: {  	s13 =	simm.s32 @!p3 $0x1FC5;
	[sflag:s12] =	ssyncset.done @!p2 $0x0  }
0xb9: {  	s14 =	rddreg [dreg:$0xb];
	[sflag:s12] =	ssyncadd.s32 @!p2 $0xFFFFD900;
	s12 =	sshrl.u32 @!p3 s10, $0x3  }
0xba: {  	[hbm:s14], [sflag:s13] =	dma.local @!p3 [spmem:s12], $0x2800  }
0xbb: {  	s11 =	sadd.s32 $0x1, s11;
	s12 =	simm.s32 @!p3 $0x5  }
0xbc: {  	p5 =	sne.s32 s11, s18;
	_ =	swait.ge @!p3 [sflag:s12], $0x2800  }
0xbd: {  	s13 =	sshll.u32 @!p4 s3, $0x6;
	[sflag:s12] =	ssyncset.done @!p3 $0x0;
	s14 =	rddreg [dreg:$0xa]  }
0xbe: {  	[sflag:s12] =	ssyncadd.s32 @!p3 $0xFFFFD800;
	s12 =	sor.u32 @!p4 $0x1C05, s13;
	s13 =	sshrl.u32 @!p4 s8, $0x3  }
0xbf: {  	[hbm:s14], [sflag:s12] =	dma.local @!p4 [spmem:s13], $0x2700  }
.Ltmp1:
0xc0: {  	_ = 	snop;
	(pc) =	sbr.rel @p5 .LBB2_1-.Ltmp1, $4  }
0xc1: {  	s12 =	simm.s32 @!p4 $0x5  }
0xc2: {  	_ =	swait.ge @!p4 [sflag:s12], $0x2700  }
0xc3: {  	[sflag:s12] =	ssyncset.done @!p4 $0x0  }
0xc4: {  	[sflag:s12] =	ssyncadd.s32 @!p4 $0xFFFFD900  }
0xc5: {  	_ =	sfence.sel $0x180000  }
0xc6: {  	[bflag:$0x0] =	sbarrier.arrive $0xFFFF  }
0xc7: {  	_ =	strace $0x90000047  }
0xc8: {  	[bflag:$0x2] =	sbarrier.arrive $0xFFFF  }
0xc9: {  	p0 =	sne.s32 s3, $0x0;
	s0 =	rddreg [dreg:$0x4]  }
0xca: {  	s0 =	sadd.s32 @!p0 $0x100000, s0  }
0xcb: {  	[sflag:s0] =	ssyncadd.tile.s32 @!p0 $0x1;
	_ =	shalt  }
.Lfunc_end2:
_tile_overlayer_lowered:
.L_overlay_start_2:
0xcc: {  	(tag) =	ssettag $0x2  }
0xcd: {  	s0 =	rddreg [dreg:$0x0];
	s2 =	stileid.u32  }
0xce: {  	s1 =	rddreg [dreg:$0x1];
	p0 =	sne.s32 s2, $0x0  }
0xcf: {  	s3 =	rddreg [dreg:$0x2];
	[bflag:$0x3] =	sbarrier.arrive $0xFFFF;
	s2 =	simm.s32 @!p0 $0x1C05  }
0xd0: {  	[timem:s3], [sflag:s2] =	dma.local @!p0 [hbm:s0], s1  }
0xd1: {  	s0 =	simm.s32 @!p0 $0x5  }
0xd2: {  	_ =	swait.ge @!p0 [sflag:s0], s1  }
0xd3: {  	s1 =	ssub.s32 @!p0 $0x0, s1;
	[sflag:s0] =	ssyncset.done @!p0 $0x0  }
0xd4: {  	[sflag:s0] =	ssyncadd.s32 @!p0 s1  }
0xd5: {  	[bflag:$0x3] =	sbarrier.arrive $0xFFFF  }
0xd6: {  	_ =	shalt  }

</sc_bundles>
